<compile_context>
chip_gen: v7x
topology: tpu7x:2x2x1
jax: 0.10.2.dev20260603
libtpu: 0.0.44.dev20260713+nightly
codegen_flags: <defaults>
</compile_context>

<pallas_src>
import jax
import jax.numpy as jnp
from jax import lax
from jax.experimental import pallas as pl
from jax.experimental.pallas import tpu as pltpu
from jax.experimental.pallas import tpu_sc as plsc

_B = 16384
_D = 64
_C = 1000
_CP = 1024
_L = 16
_NC = 2
_NS = 16
_NW = _NC * _NS
_BW = _B // _NW
_BH = _B // _NS


def _body(featt_hbm, labels_hbm, centt_hbm, out_hbm,
          cent_pk_v, stage_v, feat_v,
          lab_hist_v, lab_my_v, hist_v, slab_v, inv_v,
          hist_stage_s, inv_s, cent_pk_s, sem0, sem1, sem2):
    cid = lax.axis_index("c")
    sid = lax.axis_index("s")
    wid = cid * _NS + sid

    cp_feat = pltpu.async_copy(
        featt_hbm.at[:, pl.ds(wid * _BW, _BW)], feat_v, sem0)

    with jax.named_scope("ph1_repack"):
        cp_lab = pltpu.async_copy(
            labels_hbm.at[pl.ds(wid * _BW, _BW)], lab_my_v, sem2)

        @pl.when(sid < 8)
        def _():
            sbase = jnp.minimum(sid, 7) * 8
            pltpu.sync_copy(centt_hbm.at[pl.ds(sbase, 8)], stage_v)
            offs = list(range(0, _C - _L + 1, _L)) + [_C - _L]

            @plsc.parallel_loop(0, 8)
            def _(r):
                for off in offs:
                    cent_pk_v[pl.ds((sbase + r) * _CP + off, _L)] = (
                        stage_v[r, pl.ds(off, _L)])
            pltpu.sync_copy(cent_pk_v.at[pl.ds(sbase * _CP, 8 * _CP)],
                            cent_pk_s.at[pl.ds(sbase * _CP, 8 * _CP)])
        plsc.subcore_barrier()
        cp_cent = pltpu.async_copy(cent_pk_s, cent_pk_v, sem1)

    with jax.named_scope("ph1_hist"):
        pltpu.sync_copy(labels_hbm.at[pl.ds(sid * _BH, _BH)], lab_hist_v)
        zero = jnp.zeros((_L,), jnp.float32)
        for r in range(8):
            for c in range(8):
                hist_v[r, pl.ds(c * _L, _L)] = zero

        ones = jnp.ones((_L,), jnp.float32)

        def hist_step(i, _):
            idx = lab_hist_v[pl.ds(i * _L, _L)]
            plsc.addupdate_scatter(
                hist_v, [lax.shift_right_logical(idx, 7), idx & 127], ones)
            return 0
        lax.fori_loop(0, _BH // _L, hist_step, 0)

    with jax.named_scope("ph1_allreduce"):
        pltpu.sync_copy(hist_v, hist_stage_s.at[sid])
        plsc.subcore_barrier()

        @pl.when(sid < 8)
        def _():
            pltpu.sync_copy(hist_stage_s.at[:, sid], slab_v)
            for k in range(8):
                sl = pl.ds(k * _L, _L)
                def add_row(r, a):
                    return a + slab_v[r, sl]
                n = lax.fori_loop(1, _NS, add_row, slab_v[0, sl])
                inv_v[0, sl] = jnp.where(n > 0.0, 1.0 / n, 0.0)
            pltpu.sync_copy(inv_v.at[0], inv_s.at[sid])

    with jax.named_scope("ph2_wait"):
        plsc.subcore_barrier()
        pltpu.sync_copy(inv_s, inv_v)
        cp_lab.wait()
        cp_cent.wait()
        cp_feat.wait()

    with jax.named_scope("ph3_main"):
        zero = jnp.zeros((_L,), jnp.float32)

        @plsc.parallel_loop(0, _BW // _L, carry=(zero, zero, zero, zero))
        def acc_loop(i, carry):
            a = list(carry)
            idx = lab_my_v[pl.ds(i * _L, _L)]
            inv16 = plsc.load_gather(
                inv_v, [lax.shift_right_logical(idx, 7), idx & 127])
            ps = [zero, zero, zero, zero]
            for k in range(_D):
                f = feat_v[k, pl.ds(i * _L, _L)]
                cv = plsc.load_gather(cent_pk_v, [idx + (k * _CP)])
                dlt = f - cv
                ps[k % 4] = ps[k % 4] + dlt * dlt
            return (a[0] + (ps[0] + ps[1]) * inv16,
                    a[1] + (ps[2] + ps[3]) * inv16,
                    a[2], a[3])
        a0, a1, a2, a3 = acc_loop
        acc = (a0 + a1) + (a2 + a3)

    hist_v[0, pl.ds(0, _L)] = acc
    pltpu.sync_copy(hist_v, hist_stage_s.at[sid])
    plsc.subcore_barrier()

    @pl.when(sid == 0)
    def _():
        pltpu.sync_copy(hist_stage_s.at[:, 0], slab_v)
        def add_part(r, a):
            return a + slab_v[r, pl.ds(0, _L)]
        tot = lax.fori_loop(1, _NS, add_part, slab_v[0, pl.ds(0, _L)])
        hist_v[0, pl.ds(0, _L)] = tot * (1.0 / (_D * _B))
        pltpu.sync_copy(hist_v, out_hbm.at[cid])


@jax.jit
def _center_loss_sc(features, labels, centers):
    mesh = plsc.VectorSubcoreMesh(core_axis_name="c", subcore_axis_name="s")
    out = pl.kernel(
        _body,
        out_type=jax.ShapeDtypeStruct((_NC, 8, 128), jnp.float32),
        mesh=mesh,
        compiler_params=pltpu.CompilerParams(
            needs_layout_passes=False, use_tc_tiling_on_sc=True,
            skip_device_barrier=True),
        scratch_types=[
            pltpu.VMEM((_D * _CP,), jnp.float32),
            pltpu.VMEM((8, _C), jnp.float32),
            pltpu.VMEM((_D, _BW), jnp.float32),
            pltpu.VMEM((_BH,), jnp.int32),
            pltpu.VMEM((_BW,), jnp.int32),
            pltpu.VMEM((8, 128), jnp.float32),
            pltpu.VMEM((_NS, 128), jnp.float32),
            pltpu.VMEM((8, 128), jnp.float32),
            pltpu.VMEM_SHARED((_NS, 8, 128), jnp.float32),
            pltpu.VMEM_SHARED((8, 128), jnp.float32),
            pltpu.VMEM_SHARED((_D * _CP,), jnp.float32),
            pltpu.SemaphoreType.DMA,
            pltpu.SemaphoreType.DMA,
            pltpu.SemaphoreType.DMA,
        ],
    )(features, labels, centers)
    return jnp.sum(out[:, 0, :_L])


def kernel(features, labels, centers):
    labels = labels.reshape(-1).astype(jnp.int32)
    return _center_loss_sc(features.T, labels, centers.T)

# --- scband reference (transcript-rebuilt; emitter-appended) ---
"""Pipeline reference for scband-center-loss-25305947308120 (READ-ONLY COPY).

The authoritative reference and input builder live on the scoring server;
editing this copy changes nothing except your own understanding.
"""

import jax, jax.numpy as jnp
import numpy as np

NUM_CLASSES = 1000
FEAT_DIM = 64
BATCH = 16384


def setup_inputs(seed: int = 0) -> dict:
    key = jax.random.key(seed)
    k1, k2 = jax.random.split(key)
    features = jax.random.normal(k1, (BATCH, FEAT_DIM), dtype=jnp.float32)
    labels = jax.random.randint(k2, (BATCH,), 0, NUM_CLASSES, dtype=jnp.int64 if jax.config.jax_enable_x64 else jnp.int32)
    labels = labels.astype(jnp.int32)
    # buffer: centers initialized to zeros, as in the torch module's __init__
    centers = jnp.zeros((NUM_CLASSES, FEAT_DIM), dtype=jnp.float32)
    return {"features": features, "labels": labels, "centers": centers}


def reference(features, labels, centers):
    # Faithful translation of the per-class loop:
    #   loss += F.mse_loss(z_j, center_j)  for every class j with at least one sample
    #   return loss / batch_size
    # F.mse_loss(z_j, c_j) = sum_{i in class j} ||f_i - c_j||^2 / (count_j * feat_dim)
    labels = labels.reshape(-1).astype(jnp.int32)
    batch_size = features.shape[0]
    feat_dim = features.shape[1]
    num_classes = centers.shape[0]
    centers = jax.lax.stop_gradient(centers)  # center_j.detach()
    gathered = jnp.take(centers, labels, axis=0)           # [B, d] gather
    sq = (features - gathered) ** 2                         # [B, d]
    per_sample = jnp.sum(sq, axis=1)                        # [B]
    class_sum = jax.ops.segment_sum(per_sample, labels, num_segments=num_classes)  # scatter-add
    counts = jnp.bincount(labels, length=num_classes)
    present = counts > 0
    denom = jnp.maximum(counts, 1).astype(jnp.float32) * feat_dim
    per_class_mse = jnp.where(present, class_sum / denom, 0.0)
    loss = jnp.sum(per_class_mse) / batch_size
    return loss


if False:  # reference __main__ guard neutralized (emitter)
    inp = setup_inputs()
    out = reference(**inp)
    print(out)

if __name__ == "__main__":
    import jax
    _d = setup_inputs()
    print(jax.jit(kernel)(*tuple(_d.values())))

</pallas_src>

<mosaic_0001>
#map = affine_map<(d0, d1) -> (0, 0)>
#map1 = affine_map<(d0, d1) -> (0)>
#map2 = affine_map<(d0, d1) -> (0, 0, 0)>
module attributes {stable_mosaic.version = 14 : i64} {
  func.func @_body(%arg0: i32, %arg1: i32, %arg2: memref<64x16384xf32, #tpu.memory_space<hbm>>, %arg3: memref<16384xi32, #tpu.memory_space<hbm>>, %arg4: memref<64x1000xf32, #tpu.memory_space<hbm>>, %arg5: memref<2x8x128xf32, #tpu.memory_space<hbm>>, %arg6: memref<65536xf32, #tpu.memory_space<vmem>>, %arg7: memref<8x1000xf32, #tpu.memory_space<vmem>>, %arg8: memref<64x512xf32, #tpu.memory_space<vmem>>, %arg9: memref<1024xi32, #tpu.memory_space<vmem>>, %arg10: memref<512xi32, #tpu.memory_space<vmem>>, %arg11: memref<8x128xf32, #tpu.memory_space<vmem>>, %arg12: memref<16x128xf32, #tpu.memory_space<vmem>>, %arg13: memref<8x128xf32, #tpu.memory_space<vmem>>, %arg14: memref<16x8x128xf32, #tpu.memory_space<vmem_shared>>, %arg15: memref<8x128xf32, #tpu.memory_space<vmem_shared>>, %arg16: memref<65536xf32, #tpu.memory_space<vmem_shared>>, %arg17: memref<!tpu.dma_semaphore, #tpu.memory_space<semaphore_mem>>, %arg18: memref<!tpu.dma_semaphore, #tpu.memory_space<semaphore_mem>>, %arg19: memref<!tpu.dma_semaphore, #tpu.memory_space<semaphore_mem>>) attributes {dimension_semantics = [#tpu.dimension_semantics<core_parallel>, #tpu.dimension_semantics<subcore_parallel>], iteration_bounds = array<i64: 2, 16>, scalar_prefetch = 0 : i64, scratch_operands = 14 : i64, tpu.core_type = #tpu.core_type<sc_vector_subcore>, window_params = [{transform_indices = #map}, {transform_indices = #map1}, {transform_indices = #map}, {transform_indices = #map2}]} {
    %mul3A = arith.constant 16 : i32
    %mul3A_0 = arith.muli %arg0, %mul3A : i32
    %add3A = arith.addi %mul3A_0, %arg1 : i32
    %mul3A_1 = arith.constant 512 : i32
    %mul3A_2 = arith.muli %add3A, %mul3A_1 : i32
    %dma_start3A = arith.constant 0 : i32
    %dma_start3A_3 = tpu.memref_slice %arg2[%dma_start3A, %mul3A_2] : memref<64x16384xf32, #tpu.memory_space<hbm>> -> memref<64x512xf32, #tpu.memory_space<hbm>>
    %dma_start3A_4 = arith.constant 0 : i32
    %dma_start3A_5 = tpu.memref_slice %arg2[%dma_start3A_4, %mul3A_2] : memref<64x16384xf32, #tpu.memory_space<hbm>> -> memref<64x512xf32, #tpu.memory_space<hbm>>
    tpu.enqueue_dma source(%dma_start3A_5 : memref<64x512xf32, #tpu.memory_space<hbm>>) target(%arg8 : memref<64x512xf32, #tpu.memory_space<vmem>>) target_semaphore(%arg17 : memref<!tpu.dma_semaphore, #tpu.memory_space<semaphore_mem>>)
    "tpu.trace_start"() <{level = 10 : i32, message = "ph1_repack"}> : () -> ()
    %mul3A_6 = arith.constant 512 : i32
    %mul3A_7 = arith.muli %add3A, %mul3A_6 : i32
    %dma_start3A_8 = tpu.memref_slice %arg3[%mul3A_7] : memref<16384xi32, #tpu.memory_space<hbm>> -> memref<512xi32, #tpu.memory_space<hbm>>
    %dma_start3A_9 = tpu.memref_slice %arg3[%mul3A_7] : memref<16384xi32, #tpu.memory_space<hbm>> -> memref<512xi32, #tpu.memory_space<hbm>>
    tpu.enqueue_dma source(%dma_start3A_9 : memref<512xi32, #tpu.memory_space<hbm>>) target(%arg10 : memref<512xi32, #tpu.memory_space<vmem>>) target_semaphore(%arg19 : memref<!tpu.dma_semaphore, #tpu.memory_space<semaphore_mem>>)
    %lt3A = arith.constant 8 : i32
    %lt3A_10 = arith.cmpi slt, %arg1, %lt3A : i32
    %convert_element_type3A = arith.extui %lt3A_10 : i1 to i32
    %cond3A = arith.constant 0 : i32
    %cond3A_11 = arith.cmpi ne, %convert_element_type3A, %cond3A : i32
    scf.if %cond3A_11 {
      %min3A = arith.constant 7 : i32
      %min3A_307 = arith.minsi %arg1, %min3A : i32
      %mul3A_308 = arith.constant 8 : i32
      %mul3A_309 = arith.muli %min3A_307, %mul3A_308 : i32
      "tpu.region"() ({
        %run_scoped3A = tpu.sem_alloc : memref<!tpu.dma_semaphore, #tpu.memory_space<semaphore_mem>>
        %dma_start3A_317 = arith.constant 0 : i32
        %dma_start3A_318 = tpu.memref_slice %arg4[%mul3A_309, %dma_start3A_317] : memref<64x1000xf32, #tpu.memory_space<hbm>> -> memref<8x1000xf32, #tpu.memory_space<hbm>>
        %dma_start3A_319 = arith.constant 0 : i32
        %dma_start3A_320 = tpu.memref_slice %arg4[%mul3A_309, %dma_start3A_319] : memref<64x1000xf32, #tpu.memory_space<hbm>> -> memref<8x1000xf32, #tpu.memory_space<hbm>>
        tpu.enqueue_dma source(%dma_start3A_320 : memref<8x1000xf32, #tpu.memory_space<hbm>>) target(%arg7 : memref<8x1000xf32, #tpu.memory_space<vmem>>) target_semaphore(%run_scoped3A : memref<!tpu.dma_semaphore, #tpu.memory_space<semaphore_mem>>)
        %dma_wait3A_321 = arith.constant 0 : i32
        %dma_wait3A_322 = tpu.memref_slice %arg4[%mul3A_309, %dma_wait3A_321] : memref<64x1000xf32, #tpu.memory_space<hbm>> -> memref<8x1000xf32, #tpu.memory_space<hbm>>
        %dma_wait3A_323 = arith.constant 0 : i32
        %dma_wait3A_324 = tpu.memref_slice %arg4[%mul3A_309, %dma_wait3A_323] : memref<64x1000xf32, #tpu.memory_space<hbm>> -> memref<8x1000xf32, #tpu.memory_space<hbm>>
        tpu.wait_dma2 semaphore(%run_scoped3A : memref<!tpu.dma_semaphore, #tpu.memory_space<semaphore_mem>>) src(%dma_wait3A_324 : memref<8x1000xf32, #tpu.memory_space<hbm>>) dst(%arg7 : memref<8x1000xf32, #tpu.memory_space<vmem>>)
        tpu.yield
      }) : () -> ()
      %parallel_loop3A_310 = arith.constant 0 : i32
      %parallel_loop3A_311 = arith.constant 8 : i32
      %parallel_loop3A_312 = arith.constant 1 : i32
      scf.for %parallel_loop3A_317 = %parallel_loop3A_310 to %parallel_loop3A_311 step %parallel_loop3A_312  : i32 {
        %parallel_loop3A_318 = arith.index_cast %parallel_loop3A_317 : i32 to index
        %parallel_loop3A_319 = arith.constant 0 : index
        %parallel_loop3A_320 = tpu.vector_load %arg7[%parallel_loop3A_318, %parallel_loop3A_319] {strides = array<i32>} : memref<8x1000xf32, #tpu.memory_space<vmem>>, vector<16xf32>,
        %parallel_loop3A_321 = arith.addi %mul3A_309, %parallel_loop3A_317 : i32
        %parallel_loop3A_322 = arith.constant 1024 : i32
        %parallel_loop3A_323 = arith.muli %parallel_loop3A_321, %parallel_loop3A_322 : i32
        %parallel_loop3A_324 = arith.constant 0 : i32
        %parallel_loop3A_325 = arith.addi %parallel_loop3A_323, %parallel_loop3A_324 : i32
        %parallel_loop3A_326 = arith.index_cast %parallel_loop3A_325 : i32 to index
        %parallel_loop3A_327 = tpu.vector_load %arg6[%parallel_loop3A_326] {strides = array<i32>} : memref<65536xf32, #tpu.memory_space<vmem>>, vector<16xf32>,
        tpu.vector_store %arg6[%parallel_loop3A_326], %parallel_loop3A_320 {strides = array<i32>} : memref<65536xf32, #tpu.memory_space<vmem>>, vector<16xf32>,
        %parallel_loop3A_328 = arith.index_cast %parallel_loop3A_317 : i32 to index
        %parallel_loop3A_329 = arith.constant 16 : index
        %parallel_loop3A_330 = tpu.vector_load %arg7[%parallel_loop3A_328, %parallel_loop3A_329] {strides = array<i32>} : memref<8x1000xf32, #tpu.memory_space<vmem>>, vector<16xf32>,
        %parallel_loop3A_331 = arith.addi %mul3A_309, %parallel_loop3A_317 : i32
        %parallel_loop3A_332 = arith.constant 1024 : i32
        %parallel_loop3A_333 = arith.muli %parallel_loop3A_331, %parallel_loop3A_332 : i32
        %parallel_loop3A_334 = arith.constant 16 : i32
        %parallel_loop3A_335 = arith.addi %parallel_loop3A_333, %parallel_loop3A_334 : i32
        %parallel_loop3A_336 = arith.index_cast %parallel_loop3A_335 : i32 to index
        %parallel_loop3A_337 = tpu.vector_load %arg6[%parallel_loop3A_336] {strides = array<i32>} : memref<65536xf32, #tpu.memory_space<vmem>>, vector<16xf32>,
        tpu.vector_store %arg6[%parallel_loop3A_336], %parallel_loop3A_330 {strides = array<i32>} : memref<65536xf32, #tpu.memory_space<vmem>>, vector<16xf32>,
        %parallel_loop3A_338 = arith.index_cast %parallel_loop3A_317 : i32 to index
        %parallel_loop3A_339 = arith.constant 32 : index
        %parallel_loop3A_340 = tpu.vector_load %arg7[%parallel_loop3A_338, %parallel_loop3A_339] {strides = array<i32>} : memref<8x1000xf32, #tpu.memory_space<vmem>>, vector<16xf32>,
        %parallel_loop3A_341 = arith.addi %mul3A_309, %parallel_loop3A_317 : i32
        %parallel_loop3A_342 = arith.constant 1024 : i32
        %parallel_loop3A_343 = arith.muli %parallel_loop3A_341, %parallel_loop3A_342 : i32
        %parallel_loop3A_344 = arith.constant 32 : i32
        %parallel_loop3A_345 = arith.addi %parallel_loop3A_343, %parallel_loop3A_344 : i32
        %parallel_loop3A_346 = arith.index_cast %parallel_loop3A_345 : i32 to index
        %parallel_loop3A_347 = tpu.vector_load %arg6[%parallel_loop3A_346] {strides = array<i32>} : memref<65536xf32, #tpu.memory_space<vmem>>, vector<16xf32>,
        tpu.vector_store %arg6[%parallel_loop3A_346], %parallel_loop3A_340 {strides = array<i32>} : memref<65536xf32, #tpu.memory_space<vmem>>, vector<16xf32>,
        %parallel_loop3A_348 = arith.index_cast %parallel_loop3A_317 : i32 to index
        %parallel_loop3A_349 = arith.constant 48 : index
        %parallel_loop3A_350 = tpu.vector_load %arg7[%parallel_loop3A_348, %parallel_loop3A_349] {strides = array<i32>} : memref<8x1000xf32, #tpu.memory_space<vmem>>, vector<16xf32>,
        %parallel_loop3A_351 = arith.addi %mul3A_309, %parallel_loop3A_317 : i32
        %parallel_loop3A_352 = arith.constant 1024 : i32
        %parallel_loop3A_353 = arith.muli %parallel_loop3A_351, %parallel_loop3A_352 : i32
        %parallel_loop3A_354 = arith.constant 48 : i32
        %parallel_loop3A_355 = arith.addi %parallel_loop3A_353, %parallel_loop3A_354 : i32
        %parallel_loop3A_356 = arith.index_cast %parallel_loop3A_355 : i32 to index
        %parallel_loop3A_357 = tpu.vector_load %arg6[%parallel_loop3A_356] {strides = array<i32>} : memref<65536xf32, #tpu.memory_space<vmem>>, vector<16xf32>,
        tpu.vector_store %arg6[%parallel_loop3A_356], %parallel_loop3A_350 {strides = array<i32>} : memref<65536xf32, #tpu.memory_space<vmem>>, vector<16xf32>,
        %parallel_loop3A_358 = arith.index_cast %parallel_loop3A_317 : i32 to index
        %parallel_loop3A_359 = arith.constant 64 : index
        %parallel_loop3A_360 = tpu.vector_load %arg7[%parallel_loop3A_358, %parallel_loop3A_359] {strides = array<i32>} : memref<8x1000xf32, #tpu.memory_space<vmem>>, vector<16xf32>,
        %parallel_loop3A_361 = arith.addi %mul3A_309, %parallel_loop3A_317 : i32
        %parallel_loop3A_362 = arith.constant 1024 : i32
        %parallel_loop3A_363 = arith.muli %parallel_loop3A_361, %parallel_loop3A_362 : i32
        %parallel_loop3A_364 = arith.constant 64 : i32
        %parallel_loop3A_365 = arith.addi %parallel_loop3A_363, %parallel_loop3A_364 : i32
        %parallel_loop3A_366 = arith.index_cast %parallel_loop3A_365 : i32 to index
        %parallel_loop3A_367 = tpu.vector_load %arg6[%parallel_loop3A_366] {strides = array<i32>} : memref<65536xf32, #tpu.memory_space<vmem>>, vector<16xf32>,
        tpu.vector_store %arg6[%parallel_loop3A_366], %parallel_loop3A_360 {strides = array<i32>} : memref<65536xf32, #tpu.memory_space<vmem>>, vector<16xf32>,
        %parallel_loop3A_368 = arith.index_cast %parallel_loop3A_317 : i32 to index
        %parallel_loop3A_369 = arith.constant 80 : index
        %parallel_loop3A_370 = tpu.vector_load %arg7[%parallel_loop3A_368, %parallel_loop3A_369] {strides = array<i32>} : memref<8x1000xf32, #tpu.memory_space<vmem>>, vector<16xf32>,
        %parallel_loop3A_371 = arith.addi %mul3A_309, %parallel_loop3A_317 : i32
        %parallel_loop3A_372 = arith.constant 1024 : i32
        %parallel_loop3A_373 = arith.muli %parallel_loop3A_371, %parallel_loop3A_372 : i32
        %parallel_loop3A_374 = arith.constant 80 : i32
        %parallel_loop3A_375 = arith.addi %parallel_loop3A_373, %parallel_loop3A_374 : i32
        %parallel_loop3A_376 = arith.index_cast %parallel_loop3A_375 : i32 to index
        %parallel_loop3A_377 = tpu.vector_load %arg6[%parallel_loop3A_376] {strides = array<i32>} : memref<65536xf32, #tpu.memory_space<vmem>>, vector<16xf32>,
        tpu.vector_store %arg6[%parallel_loop3A_376], %parallel_loop3A_370 {strides = array<i32>} : memref<65536xf32, #tpu.memory_space<vmem>>, vector<16xf32>,
        %parallel_loop3A_378 = arith.index_cast %parallel_loop3A_317 : i32 to index
        %parallel_loop3A_379 = arith.constant 96 : index
        %parallel_loop3A_380 = tpu.vector_load %arg7[%parallel_loop3A_378, %parallel_loop3A_379] {strides = array<i32>} : memref<8x1000xf32, #tpu.memory_space<vmem>>, vector<16xf32>,
        %parallel_loop3A_381 = arith.addi %mul3A_309, %parallel_loop3A_317 : i32
        %parallel_loop3A_382 = arith.constant 1024 : i32
        %parallel_loop3A_383 = arith.muli %parallel_loop3A_381, %parallel_loop3A_382 : i32
        %parallel_loop3A_384 = arith.constant 96 : i32
        %parallel_loop3A_385 = arith.addi %parallel_loop3A_383, %parallel_loop3A_384 : i32
        %parallel_loop3A_386 = arith.index_cast %parallel_loop3A_385 : i32 to index
        %parallel_loop3A_387 = tpu.vector_load %arg6[%parallel_loop3A_386] {strides = array<i32>} : memref<65536xf32, #tpu.memory_space<vmem>>, vector<16xf32>,
        tpu.vector_store %arg6[%parallel_loop3A_386], %parallel_loop3A_380 {strides = array<i32>} : memref<65536xf32, #tpu.memory_space<vmem>>, vector<16xf32>,
        %parallel_loop3A_388 = arith.index_cast %parallel_loop3A_317 : i32 to index
        %parallel_loop3A_389 = arith.constant 112 : index
        %parallel_loop3A_390 = tpu.vector_load %arg7[%parallel_loop3A_388, %parallel_loop3A_389] {strides = array<i32>} : memref<8x1000xf32, #tpu.memory_space<vmem>>, vector<16xf32>,
        %parallel_loop3A_391 = arith.addi %mul3A_309, %parallel_loop3A_317 : i32
        %parallel_loop3A_392 = arith.constant 1024 : i32
        %parallel_loop3A_393 = arith.muli %parallel_loop3A_391, %parallel_loop3A_392 : i32
        %parallel_loop3A_394 = arith.constant 112 : i32
        %parallel_loop3A_395 = arith.addi %parallel_loop3A_393, %parallel_loop3A_394 : i32
        %parallel_loop3A_396 = arith.index_cast %parallel_loop3A_395 : i32 to index
        %parallel_loop3A_397 = tpu.vector_load %arg6[%parallel_loop3A_396] {strides = array<i32>} : memref<65536xf32, #tpu.memory_space<vmem>>, vector<16xf32>,
        tpu.vector_store %arg6[%parallel_loop3A_396], %parallel_loop3A_390 {strides = array<i32>} : memref<65536xf32, #tpu.memory_space<vmem>>, vector<16xf32>,
        %parallel_loop3A_398 = arith.index_cast %parallel_loop3A_317 : i32 to index
        %parallel_loop3A_399 = arith.constant 128 : index
        %parallel_loop3A_400 = tpu.vector_load %arg7[%parallel_loop3A_398, %parallel_loop3A_399] {strides = array<i32>} : memref<8x1000xf32, #tpu.memory_space<vmem>>, vector<16xf32>,
        %parallel_loop3A_401 = arith.addi %mul3A_309, %parallel_loop3A_317 : i32
        %parallel_loop3A_402 = arith.constant 1024 : i32
        %parallel_loop3A_403 = arith.muli %parallel_loop3A_401, %parallel_loop3A_402 : i32
        %parallel_loop3A_404 = arith.constant 128 : i32
        %parallel_loop3A_405 = arith.addi %parallel_loop3A_403, %parallel_loop3A_404 : i32
        %parallel_loop3A_406 = arith.index_cast %parallel_loop3A_405 : i32 to index
        %parallel_loop3A_407 = tpu.vector_load %arg6[%parallel_loop3A_406] {strides = array<i32>} : memref<65536xf32, #tpu.memory_space<vmem>>, vector<16xf32>,
        tpu.vector_store %arg6[%parallel_loop3A_406], %parallel_loop3A_400 {strides = array<i32>} : memref<65536xf32, #tpu.memory_space<vmem>>, vector<16xf32>,
        %parallel_loop3A_408 = arith.index_cast %parallel_loop3A_317 : i32 to index
        %parallel_loop3A_409 = arith.constant 144 : index
        %parallel_loop3A_410 = tpu.vector_load %arg7[%parallel_loop3A_408, %parallel_loop3A_409] {strides = array<i32>} : memref<8x1000xf32, #tpu.memory_space<vmem>>, vector<16xf32>,
        %parallel_loop3A_411 = arith.addi %mul3A_309, %parallel_loop3A_317 : i32
        %parallel_loop3A_412 = arith.constant 1024 : i32
        %parallel_loop3A_413 = arith.muli %parallel_loop3A_411, %parallel_loop3A_412 : i32
        %parallel_loop3A_414 = arith.constant 144 : i32
        %parallel_loop3A_415 = arith.addi %parallel_loop3A_413, %parallel_loop3A_414 : i32
        %parallel_loop3A_416 = arith.index_cast %parallel_loop3A_415 : i32 to index
        %parallel_loop3A_417 = tpu.vector_load %arg6[%parallel_loop3A_416] {strides = array<i32>} : memref<65536xf32, #tpu.memory_space<vmem>>, vector<16xf32>,
        tpu.vector_store %arg6[%parallel_loop3A_416], %parallel_loop3A_410 {strides = array<i32>} : memref<65536xf32, #tpu.memory_space<vmem>>, vector<16xf32>,
        %parallel_loop3A_418 = arith.index_cast %parallel_loop3A_317 : i32 to index
        %parallel_loop3A_419 = arith.constant 160 : index
        %parallel_loop3A_420 = tpu.vector_load %arg7[%parallel_loop3A_418, %parallel_loop3A_419] {strides = array<i32>} : memref<8x1000xf32, #tpu.memory_space<vmem>>, vector<16xf32>,
        %parallel_loop3A_421 = arith.addi %mul3A_309, %parallel_loop3A_317 : i32
        %parallel_loop3A_422 = arith.constant 1024 : i32
        %parallel_loop3A_423 = arith.muli %parallel_loop3A_421, %parallel_loop3A_422 : i32
        %parallel_loop3A_424 = arith.constant 160 : i32
        %parallel_loop3A_425 = arith.addi %parallel_loop3A_423, %parallel_loop3A_424 : i32
        %parallel_loop3A_426 = arith.index_cast %parallel_loop3A_425 : i32 to index
        %parallel_loop3A_427 = tpu.vector_load %arg6[%parallel_loop3A_426] {strides = array<i32>} : memref<65536xf32, #tpu.memory_space<vmem>>, vector<16xf32>,
        tpu.vector_store %arg6[%parallel_loop3A_426], %parallel_loop3A_420 {strides = array<i32>} : memref<65536xf32, #tpu.memory_space<vmem>>, vector<16xf32>,
        %parallel_loop3A_428 = arith.index_cast %parallel_loop3A_317 : i32 to index
        %parallel_loop3A_429 = arith.constant 176 : index
        %parallel_loop3A_430 = tpu.vector_load %arg7[%parallel_loop3A_428, %parallel_loop3A_429] {strides = array<i32>} : memref<8x1000xf32, #tpu.memory_space<vmem>>, vector<16xf32>,
        %parallel_loop3A_431 = arith.addi %mul3A_309, %parallel_loop3A_317 : i32
        %parallel_loop3A_432 = arith.constant 1024 : i32
        %parallel_loop3A_433 = arith.muli %parallel_loop3A_431, %parallel_loop3A_432 : i32
        %parallel_loop3A_434 = arith.constant 176 : i32
        %parallel_loop3A_435 = arith.addi %parallel_loop3A_433, %parallel_loop3A_434 : i32
        %parallel_loop3A_436 = arith.index_cast %parallel_loop3A_435 : i32 to index
        %parallel_loop3A_437 = tpu.vector_load %arg6[%parallel_loop3A_436] {strides = array<i32>} : memref<65536xf32, #tpu.memory_space<vmem>>, vector<16xf32>,
        tpu.vector_store %arg6[%parallel_loop3A_436], %parallel_loop3A_430 {strides = array<i32>} : memref<65536xf32, #tpu.memory_space<vmem>>, vector<16xf32>,
        %parallel_loop3A_438 = arith.index_cast %parallel_loop3A_317 : i32 to index
        %parallel_loop3A_439 = arith.constant 192 : index
        %parallel_loop3A_440 = tpu.vector_load %arg7[%parallel_loop3A_438, %parallel_loop3A_439] {strides = array<i32>} : memref<8x1000xf32, #tpu.memory_space<vmem>>, vector<16xf32>,
        %parallel_loop3A_441 = arith.addi %mul3A_309, %parallel_loop3A_317 : i32
        %parallel_loop3A_442 = arith.constant 1024 : i32
        %parallel_loop3A_443 = arith.muli %parallel_loop3A_441, %parallel_loop3A_442 : i32
        %parallel_loop3A_444 = arith.constant 192 : i32
        %parallel_loop3A_445 = arith.addi %parallel_loop3A_443, %parallel_loop3A_444 : i32
        %parallel_loop3A_446 = arith.index_cast %parallel_loop3A_445 : i32 to index
        %parallel_loop3A_447 = tpu.vector_load %arg6[%parallel_loop3A_446] {strides = array<i32>} : memref<65536xf32, #tpu.memory_space<vmem>>, vector<16xf32>,
        tpu.vector_store %arg6[%parallel_loop3A_446], %parallel_loop3A_440 {strides = array<i32>} : memref<65536xf32, #tpu.memory_space<vmem>>, vector<16xf32>,
        %parallel_loop3A_448 = arith.index_cast %parallel_loop3A_317 : i32 to index
        %parallel_loop3A_449 = arith.constant 208 : index
        %parallel_loop3A_450 = tpu.vector_load %arg7[%parallel_loop3A_448, %parallel_loop3A_449] {strides = array<i32>} : memref<8x1000xf32, #tpu.memory_space<vmem>>, vector<16xf32>,
        %parallel_loop3A_451 = arith.addi %mul3A_309, %parallel_loop3A_317 : i32
        %parallel_loop3A_452 = arith.constant 1024 : i32
        %parallel_loop3A_453 = arith.muli %parallel_loop3A_451, %parallel_loop3A_452 : i32
        %parallel_loop3A_454 = arith.constant 208 : i32
        %parallel_loop3A_455 = arith.addi %parallel_loop3A_453, %parallel_loop3A_454 : i32
        %parallel_loop3A_456 = arith.index_cast %parallel_loop3A_455 : i32 to index
        %parallel_loop3A_457 = tpu.vector_load %arg6[%parallel_loop3A_456] {strides = array<i32>} : memref<65536xf32, #tpu.memory_space<vmem>>, vector<16xf32>,
        tpu.vector_store %arg6[%parallel_loop3A_456], %parallel_loop3A_450 {strides = array<i32>} : memref<65536xf32, #tpu.memory_space<vmem>>, vector<16xf32>,
        %parallel_loop3A_458 = arith.index_cast %parallel_loop3A_317 : i32 to index
        %parallel_loop3A_459 = arith.constant 224 : index
        %parallel_loop3A_460 = tpu.vector_load %arg7[%parallel_loop3A_458, %parallel_loop3A_459] {strides = array<i32>} : memref<8x1000xf32, #tpu.memory_space<vmem>>, vector<16xf32>,
        %parallel_loop3A_461 = arith.addi %mul3A_309, %parallel_loop3A_317 : i32
        %parallel_loop3A_462 = arith.constant 1024 : i32
        %parallel_loop3A_463 = arith.muli %parallel_loop3A_461, %parallel_loop3A_462 : i32
        %parallel_loop3A_464 = arith.constant 224 : i32
        %parallel_loop3A_465 = arith.addi %parallel_loop3A_463, %parallel_loop3A_464 : i32
        %parallel_loop3A_466 = arith.index_cast %parallel_loop3A_465 : i32 to index
        %parallel_loop3A_467 = tpu.vector_load %arg6[%parallel_loop3A_466] {strides = array<i32>} : memref<65536xf32, #tpu.memory_space<vmem>>, vector<16xf32>,
        tpu.vector_store %arg6[%parallel_loop3A_466], %parallel_loop3A_460 {strides = array<i32>} : memref<65536xf32, #tpu.memory_space<vmem>>, vector<16xf32>,
        %parallel_loop3A_468 = arith.index_cast %parallel_loop3A_317 : i32 to index
        %parallel_loop3A_469 = arith.constant 240 : index
        %parallel_loop3A_470 = tpu.vector_load %arg7[%parallel_loop3A_468, %parallel_loop3A_469] {strides = array<i32>} : memref<8x1000xf32, #tpu.memory_space<vmem>>, vector<16xf32>,
        %parallel_loop3A_471 = arith.addi %mul3A_309, %parallel_loop3A_317 : i32
        %parallel_loop3A_472 = arith.constant 1024 : i32
        %parallel_loop3A_473 = arith.muli %parallel_loop3A_471, %parallel_loop3A_472 : i32
        %parallel_loop3A_474 = arith.constant 240 : i32
        %parallel_loop3A_475 = arith.addi %parallel_loop3A_473, %parallel_loop3A_474 : i32
        %parallel_loop3A_476 = arith.index_cast %parallel_loop3A_475 : i32 to index
        %parallel_loop3A_477 = tpu.vector_load %arg6[%parallel_loop3A_476] {strides = array<i32>} : memref<65536xf32, #tpu.memory_space<vmem>>, vector<16xf32>,
        tpu.vector_store %arg6[%parallel_loop3A_476], %parallel_loop3A_470 {strides = array<i32>} : memref<65536xf32, #tpu.memory_space<vmem>>, vector<16xf32>,
        %parallel_loop3A_478 = arith.index_cast %parallel_loop3A_317 : i32 to index
        %parallel_loop3A_479 = arith.constant 256 : index
        %parallel_loop3A_480 = tpu.vector_load %arg7[%parallel_loop3A_478, %parallel_loop3A_479] {strides = array<i32>} : memref<8x1000xf32, #tpu.memory_space<vmem>>, vector<16xf32>,
        %parallel_loop3A_481 = arith.addi %mul3A_309, %parallel_loop3A_317 : i32
        %parallel_loop3A_482 = arith.constant 1024 : i32
        %parallel_loop3A_483 = arith.muli %parallel_loop3A_481, %parallel_loop3A_482 : i32
        %parallel_loop3A_484 = arith.constant 256 : i32
        %parallel_loop3A_485 = arith.addi %parallel_loop3A_483, %parallel_loop3A_484 : i32
        %parallel_loop3A_486 = arith.index_cast %parallel_loop3A_485 : i32 to index
        %parallel_loop3A_487 = tpu.vector_load %arg6[%parallel_loop3A_486] {strides = array<i32>} : memref<65536xf32, #tpu.memory_space<vmem>>, vector<16xf32>,
        tpu.vector_store %arg6[%parallel_loop3A_486], %parallel_loop3A_480 {strides = array<i32>} : memref<65536xf32, #tpu.memory_space<vmem>>, vector<16xf32>,
        %parallel_loop3A_488 = arith.index_cast %parallel_loop3A_317 : i32 to index
        %parallel_loop3A_489 = arith.constant 272 : index
        %parallel_loop3A_490 = tpu.vector_load %arg7[%parallel_loop3A_488, %parallel_loop3A_489] {strides = array<i32>} : memref<8x1000xf32, #tpu.memory_space<vmem>>, vector<16xf32>,
        %parallel_loop3A_491 = arith.addi %mul3A_309, %parallel_loop3A_317 : i32
        %parallel_loop3A_492 = arith.constant 1024 : i32
        %parallel_loop3A_493 = arith.muli %parallel_loop3A_491, %parallel_loop3A_492 : i32
        %parallel_loop3A_494 = arith.constant 272 : i32
        %parallel_loop3A_495 = arith.addi %parallel_loop3A_493, %parallel_loop3A_494 : i32
        %parallel_loop3A_496 = arith.index_cast %parallel_loop3A_495 : i32 to index
        %parallel_loop3A_497 = tpu.vector_load %arg6[%parallel_loop3A_496] {strides = array<i32>} : memref<65536xf32, #tpu.memory_space<vmem>>, vector<16xf32>,
        tpu.vector_store %arg6[%parallel_loop3A_496], %parallel_loop3A_490 {strides = array<i32>} : memref<65536xf32, #tpu.memory_space<vmem>>, vector<16xf32>,
        %parallel_loop3A_498 = arith.index_cast %parallel_loop3A_317 : i32 to index
        %parallel_loop3A_499 = arith.constant 288 : index
        %parallel_loop3A_500 = tpu.vector_load %arg7[%parallel_loop3A_498, %parallel_loop3A_499] {strides = array<i32>} : memref<8x1000xf32, #tpu.memory_space<vmem>>, vector<16xf32>,
        %parallel_loop3A_501 = arith.addi %mul3A_309, %parallel_loop3A_317 : i32
        %parallel_loop3A_502 = arith.constant 1024 : i32
        %parallel_loop3A_503 = arith.muli %parallel_loop3A_501, %parallel_loop3A_502 : i32
        %parallel_loop3A_504 = arith.constant 288 : i32
        %parallel_loop3A_505 = arith.addi %parallel_loop3A_503, %parallel_loop3A_504 : i32
        %parallel_loop3A_506 = arith.index_cast %parallel_loop3A_505 : i32 to index
        %parallel_loop3A_507 = tpu.vector_load %arg6[%parallel_loop3A_506] {strides = array<i32>} : memref<65536xf32, #tpu.memory_space<vmem>>, vector<16xf32>,
        tpu.vector_store %arg6[%parallel_loop3A_506], %parallel_loop3A_500 {strides = array<i32>} : memref<65536xf32, #tpu.memory_space<vmem>>, vector<16xf32>,
        %parallel_loop3A_508 = arith.index_cast %parallel_loop3A_317 : i32 to index
        %parallel_loop3A_509 = arith.constant 304 : index
        %parallel_loop3A_510 = tpu.vector_load %arg7[%parallel_loop3A_508, %parallel_loop3A_509] {strides = array<i32>} : memref<8x1000xf32, #tpu.memory_space<vmem>>, vector<16xf32>,
        %parallel_loop3A_511 = arith.addi %mul3A_309, %parallel_loop3A_317 : i32
        %parallel_loop3A_512 = arith.constant 1024 : i32
        %parallel_loop3A_513 = arith.muli %parallel_loop3A_511, %parallel_loop3A_512 : i32
        %parallel_loop3A_514 = arith.constant 304 : i32
        %parallel_loop3A_515 = arith.addi %parallel_loop3A_513, %parallel_loop3A_514 : i32
        %parallel_loop3A_516 = arith.index_cast %parallel_loop3A_515 : i32 to index
        %parallel_loop3A_517 = tpu.vector_load %arg6[%parallel_loop3A_516] {strides = array<i32>} : memref<65536xf32, #tpu.memory_space<vmem>>, vector<16xf32>,
        tpu.vector_store %arg6[%parallel_loop3A_516], %parallel_loop3A_510 {strides = array<i32>} : memref<65536xf32, #tpu.memory_space<vmem>>, vector<16xf32>,
        %parallel_loop3A_518 = arith.index_cast %parallel_loop3A_317 : i32 to index
        %parallel_loop3A_519 = arith.constant 320 : index
        %parallel_loop3A_520 = tpu.vector_load %arg7[%parallel_loop3A_518, %parallel_loop3A_519] {strides = array<i32>} : memref<8x1000xf32, #tpu.memory_space<vmem>>, vector<16xf32>,
        %parallel_loop3A_521 = arith.addi %mul3A_309, %parallel_loop3A_317 : i32
        %parallel_loop3A_522 = arith.constant 1024 : i32
        %parallel_loop3A_523 = arith.muli %parallel_loop3A_521, %parallel_loop3A_522 : i32
        %parallel_loop3A_524 = arith.constant 320 : i32
        %parallel_loop3A_525 = arith.addi %parallel_loop3A_523, %parallel_loop3A_524 : i32
        %parallel_loop3A_526 = arith.index_cast %parallel_loop3A_525 : i32 to index
        %parallel_loop3A_527 = tpu.vector_load %arg6[%parallel_loop3A_526] {strides = array<i32>} : memref<65536xf32, #tpu.memory_space<vmem>>, vector<16xf32>,
        tpu.vector_store %arg6[%parallel_loop3A_526], %parallel_loop3A_520 {strides = array<i32>} : memref<65536xf32, #tpu.memory_space<vmem>>, vector<16xf32>,
        %parallel_loop3A_528 = arith.index_cast %parallel_loop3A_317 : i32 to index
        %parallel_loop3A_529 = arith.constant 336 : index
        %parallel_loop3A_530 = tpu.vector_load %arg7[%parallel_loop3A_528, %parallel_loop3A_529] {strides = array<i32>} : memref<8x1000xf32, #tpu.memory_space<vmem>>, vector<16xf32>,
        %parallel_loop3A_531 = arith.addi %mul3A_309, %parallel_loop3A_317 : i32
        %parallel_loop3A_532 = arith.constant 1024 : i32
        %parallel_loop3A_533 = arith.muli %parallel_loop3A_531, %parallel_loop3A_532 : i32
        %parallel_loop3A_534 = arith.constant 336 : i32
        %parallel_loop3A_535 = arith.addi %parallel_loop3A_533, %parallel_loop3A_534 : i32
        %parallel_loop3A_536 = arith.index_cast %parallel_loop3A_535 : i32 to index
        %parallel_loop3A_537 = tpu.vector_load %arg6[%parallel_loop3A_536] {strides = array<i32>} : memref<65536xf32, #tpu.memory_space<vmem>>, vector<16xf32>,
        tpu.vector_store %arg6[%parallel_loop3A_536], %parallel_loop3A_530 {strides = array<i32>} : memref<65536xf32, #tpu.memory_space<vmem>>, vector<16xf32>,
        %parallel_loop3A_538 = arith.index_cast %parallel_loop3A_317 : i32 to index
        %parallel_loop3A_539 = arith.constant 352 : index
        %parallel_loop3A_540 = tpu.vector_load %arg7[%parallel_loop3A_538, %parallel_loop3A_539] {strides = array<i32>} : memref<8x1000xf32, #tpu.memory_space<vmem>>, vector<16xf32>,
        %parallel_loop3A_541 = arith.addi %mul3A_309, %parallel_loop3A_317 : i32
        %parallel_loop3A_542 = arith.constant 1024 : i32
        %parallel_loop3A_543 = arith.muli %parallel_loop3A_541, %parallel_loop3A_542 : i32
        %parallel_loop3A_544 = arith.constant 352 : i32
        %parallel_loop3A_545 = arith.addi %parallel_loop3A_543, %parallel_loop3A_544 : i32
        %parallel_loop3A_546 = arith.index_cast %parallel_loop3A_545 : i32 to index
        %parallel_loop3A_547 = tpu.vector_load %arg6[%parallel_loop3A_546] {strides = array<i32>} : memref<65536xf32, #tpu.memory_space<vmem>>, vector<16xf32>,
        tpu.vector_store %arg6[%parallel_loop3A_546], %parallel_loop3A_540 {strides = array<i32>} : memref<65536xf32, #tpu.memory_space<vmem>>, vector<16xf32>,
        %parallel_loop3A_548 = arith.index_cast %parallel_loop3A_317 : i32 to index
        %parallel_loop3A_549 = arith.constant 368 : index
        %parallel_loop3A_550 = tpu.vector_load %arg7[%parallel_loop3A_548, %parallel_loop3A_549] {strides = array<i32>} : memref<8x1000xf32, #tpu.memory_space<vmem>>, vector<16xf32>,
        %parallel_loop3A_551 = arith.addi %mul3A_309, %parallel_loop3A_317 : i32
        %parallel_loop3A_552 = arith.constant 1024 : i32
        %parallel_loop3A_553 = arith.muli %parallel_loop3A_551, %parallel_loop3A_552 : i32
        %parallel_loop3A_554 = arith.constant 368 : i32
        %parallel_loop3A_555 = arith.addi %parallel_loop3A_553, %parallel_loop3A_554 : i32
        %parallel_loop3A_556 = arith.index_cast %parallel_loop3A_555 : i32 to index
        %parallel_loop3A_557 = tpu.vector_load %arg6[%parallel_loop3A_556] {strides = array<i32>} : memref<65536xf32, #tpu.memory_space<vmem>>, vector<16xf32>,
        tpu.vector_store %arg6[%parallel_loop3A_556], %parallel_loop3A_550 {strides = array<i32>} : memref<65536xf32, #tpu.memory_space<vmem>>, vector<16xf32>,
        %parallel_loop3A_558 = arith.index_cast %parallel_loop3A_317 : i32 to index
        %parallel_loop3A_559 = arith.constant 384 : index
        %parallel_loop3A_560 = tpu.vector_load %arg7[%parallel_loop3A_558, %parallel_loop3A_559] {strides = array<i32>} : memref<8x1000xf32, #tpu.memory_space<vmem>>, vector<16xf32>,
        %parallel_loop3A_561 = arith.addi %mul3A_309, %parallel_loop3A_317 : i32
        %parallel_loop3A_562 = arith.constant 1024 : i32
        %parallel_loop3A_563 = arith.muli %parallel_loop3A_561, %parallel_loop3A_562 : i32
        %parallel_loop3A_564 = arith.constant 384 : i32
        %parallel_loop3A_565 = arith.addi %parallel_loop3A_563, %parallel_loop3A_564 : i32
        %parallel_loop3A_566 = arith.index_cast %parallel_loop3A_565 : i32 to index
        %parallel_loop3A_567 = tpu.vector_load %arg6[%parallel_loop3A_566] {strides = array<i32>} : memref<65536xf32, #tpu.memory_space<vmem>>, vector<16xf32>,
        tpu.vector_store %arg6[%parallel_loop3A_566], %parallel_loop3A_560 {strides = array<i32>} : memref<65536xf32, #tpu.memory_space<vmem>>, vector<16xf32>,
        %parallel_loop3A_568 = arith.index_cast %parallel_loop3A_317 : i32 to index
        %parallel_loop3A_569 = arith.constant 400 : index
        %parallel_loop3A_570 = tpu.vector_load %arg7[%parallel_loop3A_568, %parallel_loop3A_569] {strides = array<i32>} : memref<8x1000xf32, #tpu.memory_space<vmem>>, vector<16xf32>,
        %parallel_loop3A_571 = arith.addi %mul3A_309, %parallel_loop3A_317 : i32
        %parallel_loop3A_572 = arith.constant 1024 : i32
        %parallel_loop3A_573 = arith.muli %parallel_loop3A_571, %parallel_loop3A_572 : i32
        %parallel_loop3A_574 = arith.constant 400 : i32
        %parallel_loop3A_575 = arith.addi %parallel_loop3A_573, %parallel_loop3A_574 : i32
        %parallel_loop3A_576 = arith.index_cast %parallel_loop3A_575 : i32 to index
        %parallel_loop3A_577 = tpu.vector_load %arg6[%parallel_loop3A_576] {strides = array<i32>} : memref<65536xf32, #tpu.memory_space<vmem>>, vector<16xf32>,
        tpu.vector_store %arg6[%parallel_loop3A_576], %parallel_loop3A_570 {strides = array<i32>} : memref<65536xf32, #tpu.memory_space<vmem>>, vector<16xf32>,
        %parallel_loop3A_578 = arith.index_cast %parallel_loop3A_317 : i32 to index
        %parallel_loop3A_579 = arith.constant 416 : index
        %parallel_loop3A_580 = tpu.vector_load %arg7[%parallel_loop3A_578, %parallel_loop3A_579] {strides = array<i32>} : memref<8x1000xf32, #tpu.memory_space<vmem>>, vector<16xf32>,
        %parallel_loop3A_581 = arith.addi %mul3A_309, %parallel_loop3A_317 : i32
        %parallel_loop3A_582 = arith.constant 1024 : i32
        %parallel_loop3A_583 = arith.muli %parallel_loop3A_581, %parallel_loop3A_582 : i32
        %parallel_loop3A_584 = arith.constant 416 : i32
        %parallel_loop3A_585 = arith.addi %parallel_loop3A_583, %parallel_loop3A_584 : i32
        %parallel_loop3A_586 = arith.index_cast %parallel_loop3A_585 : i32 to index
        %parallel_loop3A_587 = tpu.vector_load %arg6[%parallel_loop3A_586] {strides = array<i32>} : memref<65536xf32, #tpu.memory_space<vmem>>, vector<16xf32>,
        tpu.vector_store %arg6[%parallel_loop3A_586], %parallel_loop3A_580 {strides = array<i32>} : memref<65536xf32, #tpu.memory_space<vmem>>, vector<16xf32>,
        %parallel_loop3A_588 = arith.index_cast %parallel_loop3A_317 : i32 to index
        %parallel_loop3A_589 = arith.constant 432 : index
        %parallel_loop3A_590 = tpu.vector_load %arg7[%parallel_loop3A_588, %parallel_loop3A_589] {strides = array<i32>} : memref<8x1000xf32, #tpu.memory_space<vmem>>, vector<16xf32>,
        %parallel_loop3A_591 = arith.addi %mul3A_309, %parallel_loop3A_317 : i32
        %parallel_loop3A_592 = arith.constant 1024 : i32
        %parallel_loop3A_593 = arith.muli %parallel_loop3A_591, %parallel_loop3A_592 : i32
        %parallel_loop3A_594 = arith.constant 432 : i32
        %parallel_loop3A_595 = arith.addi %parallel_loop3A_593, %parallel_loop3A_594 : i32
        %parallel_loop3A_596 = arith.index_cast %parallel_loop3A_595 : i32 to index
        %parallel_loop3A_597 = tpu.vector_load %arg6[%parallel_loop3A_596] {strides = array<i32>} : memref<65536xf32, #tpu.memory_space<vmem>>, vector<16xf32>,
        tpu.vector_store %arg6[%parallel_loop3A_596], %parallel_loop3A_590 {strides = array<i32>} : memref<65536xf32, #tpu.memory_space<vmem>>, vector<16xf32>,
        %parallel_loop3A_598 = arith.index_cast %parallel_loop3A_317 : i32 to index
        %parallel_loop3A_599 = arith.constant 448 : index
        %parallel_loop3A_600 = tpu.vector_load %arg7[%parallel_loop3A_598, %parallel_loop3A_599] {strides = array<i32>} : memref<8x1000xf32, #tpu.memory_space<vmem>>, vector<16xf32>,
        %parallel_loop3A_601 = arith.addi %mul3A_309, %parallel_loop3A_317 : i32
        %parallel_loop3A_602 = arith.constant 1024 : i32
        %parallel_loop3A_603 = arith.muli %parallel_loop3A_601, %parallel_loop3A_602 : i32
        %parallel_loop3A_604 = arith.constant 448 : i32
        %parallel_loop3A_605 = arith.addi %parallel_loop3A_603, %parallel_loop3A_604 : i32
        %parallel_loop3A_606 = arith.index_cast %parallel_loop3A_605 : i32 to index
        %parallel_loop3A_607 = tpu.vector_load %arg6[%parallel_loop3A_606] {strides = array<i32>} : memref<65536xf32, #tpu.memory_space<vmem>>, vector<16xf32>,
        tpu.vector_store %arg6[%parallel_loop3A_606], %parallel_loop3A_600 {strides = array<i32>} : memref<65536xf32, #tpu.memory_space<vmem>>, vector<16xf32>,
        %parallel_loop3A_608 = arith.index_cast %parallel_loop3A_317 : i32 to index
        %parallel_loop3A_609 = arith.constant 464 : index
        %parallel_loop3A_610 = tpu.vector_load %arg7[%parallel_loop3A_608, %parallel_loop3A_609] {strides = array<i32>} : memref<8x1000xf32, #tpu.memory_space<vmem>>, vector<16xf32>,
        %parallel_loop3A_611 = arith.addi %mul3A_309, %parallel_loop3A_317 : i32
        %parallel_loop3A_612 = arith.constant 1024 : i32
        %parallel_loop3A_613 = arith.muli %parallel_loop3A_611, %parallel_loop3A_612 : i32
        %parallel_loop3A_614 = arith.constant 464 : i32
        %parallel_loop3A_615 = arith.addi %parallel_loop3A_613, %parallel_loop3A_614 : i32
        %parallel_loop3A_616 = arith.index_cast %parallel_loop3A_615 : i32 to index
        %parallel_loop3A_617 = tpu.vector_load %arg6[%parallel_loop3A_616] {strides = array<i32>} : memref<65536xf32, #tpu.memory_space<vmem>>, vector<16xf32>,
        tpu.vector_store %arg6[%parallel_loop3A_616], %parallel_loop3A_610 {strides = array<i32>} : memref<65536xf32, #tpu.memory_space<vmem>>, vector<16xf32>,
        %parallel_loop3A_618 = arith.index_cast %parallel_loop3A_317 : i32 to index
        %parallel_loop3A_619 = arith.constant 480 : index
        %parallel_loop3A_620 = tpu.vector_load %arg7[%parallel_loop3A_618, %parallel_loop3A_619] {strides = array<i32>} : memref<8x1000xf32, #tpu.memory_space<vmem>>, vector<16xf32>,
        %parallel_loop3A_621 = arith.addi %mul3A_309, %parallel_loop3A_317 : i32
        %parallel_loop3A_622 = arith.constant 1024 : i32
        %parallel_loop3A_623 = arith.muli %parallel_loop3A_621, %parallel_loop3A_622 : i32
        %parallel_loop3A_624 = arith.constant 480 : i32
        %parallel_loop3A_625 = arith.addi %parallel_loop3A_623, %parallel_loop3A_624 : i32
        %parallel_loop3A_626 = arith.index_cast %parallel_loop3A_625 : i32 to index
        %parallel_loop3A_627 = tpu.vector_load %arg6[%parallel_loop3A_626] {strides = array<i32>} : memref<65536xf32, #tpu.memory_space<vmem>>, vector<16xf32>,
        tpu.vector_store %arg6[%parallel_loop3A_626], %parallel_loop3A_620 {strides = array<i32>} : memref<65536xf32, #tpu.memory_space<vmem>>, vector<16xf32>,
        %parallel_loop3A_628 = arith.index_cast %parallel_loop3A_317 : i32 to index
        %parallel_loop3A_629 = arith.constant 496 : index
        %parallel_loop3A_630 = tpu.vector_load %arg7[%parallel_loop3A_628, %parallel_loop3A_629] {strides = array<i32>} : memref<8x1000xf32, #tpu.memory_space<vmem>>, vector<16xf32>,
        %parallel_loop3A_631 = arith.addi %mul3A_309, %parallel_loop3A_317 : i32
        %parallel_loop3A_632 = arith.constant 1024 : i32
        %parallel_loop3A_633 = arith.muli %parallel_loop3A_631, %parallel_loop3A_632 : i32
        %parallel_loop3A_634 = arith.constant 496 : i32
        %parallel_loop3A_635 = arith.addi %parallel_loop3A_633, %parallel_loop3A_634 : i32
        %parallel_loop3A_636 = arith.index_cast %parallel_loop3A_635 : i32 to index
        %parallel_loop3A_637 = tpu.vector_load %arg6[%parallel_loop3A_636] {strides = array<i32>} : memref<65536xf32, #tpu.memory_space<vmem>>, vector<16xf32>,
        tpu.vector_store %arg6[%parallel_loop3A_636], %parallel_loop3A_630 {strides = array<i32>} : memref<65536xf32, #tpu.memory_space<vmem>>, vector<16xf32>,
        %parallel_loop3A_638 = arith.index_cast %parallel_loop3A_317 : i32 to index
        %parallel_loop3A_639 = arith.constant 512 : index
        %parallel_loop3A_640 = tpu.vector_load %arg7[%parallel_loop3A_638, %parallel_loop3A_639] {strides = array<i32>} : memref<8x1000xf32, #tpu.memory_space<vmem>>, vector<16xf32>,
        %parallel_loop3A_641 = arith.addi %mul3A_309, %parallel_loop3A_317 : i32
        %parallel_loop3A_642 = arith.constant 1024 : i32
        %parallel_loop3A_643 = arith.muli %parallel_loop3A_641, %parallel_loop3A_642 : i32
        %parallel_loop3A_644 = arith.constant 512 : i32
        %parallel_loop3A_645 = arith.addi %parallel_loop3A_643, %parallel_loop3A_644 : i32
        %parallel_loop3A_646 = arith.index_cast %parallel_loop3A_645 : i32 to index
        %parallel_loop3A_647 = tpu.vector_load %arg6[%parallel_loop3A_646] {strides = array<i32>} : memref<65536xf32, #tpu.memory_space<vmem>>, vector<16xf32>,
        tpu.vector_store %arg6[%parallel_loop3A_646], %parallel_loop3A_640 {strides = array<i32>} : memref<65536xf32, #tpu.memory_space<vmem>>, vector<16xf32>,
        %parallel_loop3A_648 = arith.index_cast %parallel_loop3A_317 : i32 to index
        %parallel_loop3A_649 = arith.constant 528 : index
        %parallel_loop3A_650 = tpu.vector_load %arg7[%parallel_loop3A_648, %parallel_loop3A_649] {strides = array<i32>} : memref<8x1000xf32, #tpu.memory_space<vmem>>, vector<16xf32>,
        %parallel_loop3A_651 = arith.addi %mul3A_309, %parallel_loop3A_317 : i32
        %parallel_loop3A_652 = arith.constant 1024 : i32
        %parallel_loop3A_653 = arith.muli %parallel_loop3A_651, %parallel_loop3A_652 : i32
        %parallel_loop3A_654 = arith.constant 528 : i32
        %parallel_loop3A_655 = arith.addi %parallel_loop3A_653, %parallel_loop3A_654 : i32
        %parallel_loop3A_656 = arith.index_cast %parallel_loop3A_655 : i32 to index
        %parallel_loop3A_657 = tpu.vector_load %arg6[%parallel_loop3A_656] {strides = array<i32>} : memref<65536xf32, #tpu.memory_space<vmem>>, vector<16xf32>,
        tpu.vector_store %arg6[%parallel_loop3A_656], %parallel_loop3A_650 {strides = array<i32>} : memref<65536xf32, #tpu.memory_space<vmem>>, vector<16xf32>,
        %parallel_loop3A_658 = arith.index_cast %parallel_loop3A_317 : i32 to index
        %parallel_loop3A_659 = arith.constant 544 : index
        %parallel_loop3A_660 = tpu.vector_load %arg7[%parallel_loop3A_658, %parallel_loop3A_659] {strides = array<i32>} : memref<8x1000xf32, #tpu.memory_space<vmem>>, vector<16xf32>,
        %parallel_loop3A_661 = arith.addi %mul3A_309, %parallel_loop3A_317 : i32
        %parallel_loop3A_662 = arith.constant 1024 : i32
        %parallel_loop3A_663 = arith.muli %parallel_loop3A_661, %parallel_loop3A_662 : i32
        %parallel_loop3A_664 = arith.constant 544 : i32
        %parallel_loop3A_665 = arith.addi %parallel_loop3A_663, %parallel_loop3A_664 : i32
        %parallel_loop3A_666 = arith.index_cast %parallel_loop3A_665 : i32 to index
        %parallel_loop3A_667 = tpu.vector_load %arg6[%parallel_loop3A_666] {strides = array<i32>} : memref<65536xf32, #tpu.memory_space<vmem>>, vector<16xf32>,
        tpu.vector_store %arg6[%parallel_loop3A_666], %parallel_loop3A_660 {strides = array<i32>} : memref<65536xf32, #tpu.memory_space<vmem>>, vector<16xf32>,
        %parallel_loop3A_668 = arith.index_cast %parallel_loop3A_317 : i32 to index
        %parallel_loop3A_669 = arith.constant 560 : index
        %parallel_loop3A_670 = tpu.vector_load %arg7[%parallel_loop3A_668, %parallel_loop3A_669] {strides = array<i32>} : memref<8x1000xf32, #tpu.memory_space<vmem>>, vector<16xf32>,
        %parallel_loop3A_671 = arith.addi %mul3A_309, %parallel_loop3A_317 : i32
        %parallel_loop3A_672 = arith.constant 1024 : i32
        %parallel_loop3A_673 = arith.muli %parallel_loop3A_671, %parallel_loop3A_672 : i32
        %parallel_loop3A_674 = arith.constant 560 : i32
        %parallel_loop3A_675 = arith.addi %parallel_loop3A_673, %parallel_loop3A_674 : i32
        %parallel_loop3A_676 = arith.index_cast %parallel_loop3A_675 : i32 to index
        %parallel_loop3A_677 = tpu.vector_load %arg6[%parallel_loop3A_676] {strides = array<i32>} : memref<65536xf32, #tpu.memory_space<vmem>>, vector<16xf32>,
        tpu.vector_store %arg6[%parallel_loop3A_676], %parallel_loop3A_670 {strides = array<i32>} : memref<65536xf32, #tpu.memory_space<vmem>>, vector<16xf32>,
        %parallel_loop3A_678 = arith.index_cast %parallel_loop3A_317 : i32 to index
        %parallel_loop3A_679 = arith.constant 576 : index
        %parallel_loop3A_680 = tpu.vector_load %arg7[%parallel_loop3A_678, %parallel_loop3A_679] {strides = array<i32>} : memref<8x1000xf32, #tpu.memory_space<vmem>>, vector<16xf32>,
        %parallel_loop3A_681 = arith.addi %mul3A_309, %parallel_loop3A_317 : i32
        %parallel_loop3A_682 = arith.constant 1024 : i32
        %parallel_loop3A_683 = arith.muli %parallel_loop3A_681, %parallel_loop3A_682 : i32
        %parallel_loop3A_684 = arith.constant 576 : i32
        %parallel_loop3A_685 = arith.addi %parallel_loop3A_683, %parallel_loop3A_684 : i32
        %parallel_loop3A_686 = arith.index_cast %parallel_loop3A_685 : i32 to index
        %parallel_loop3A_687 = tpu.vector_load %arg6[%parallel_loop3A_686] {strides = array<i32>} : memref<65536xf32, #tpu.memory_space<vmem>>, vector<16xf32>,
        tpu.vector_store %arg6[%parallel_loop3A_686], %parallel_loop3A_680 {strides = array<i32>} : memref<65536xf32, #tpu.memory_space<vmem>>, vector<16xf32>,
        %parallel_loop3A_688 = arith.index_cast %parallel_loop3A_317 : i32 to index
        %parallel_loop3A_689 = arith.constant 592 : index
        %parallel_loop3A_690 = tpu.vector_load %arg7[%parallel_loop3A_688, %parallel_loop3A_689] {strides = array<i32>} : memref<8x1000xf32, #tpu.memory_space<vmem>>, vector<16xf32>,
        %parallel_loop3A_691 = arith.addi %mul3A_309, %parallel_loop3A_317 : i32
        %parallel_loop3A_692 = arith.constant 1024 : i32
        %parallel_loop3A_693 = arith.muli %parallel_loop3A_691, %parallel_loop3A_692 : i32
        %parallel_loop3A_694 = arith.constant 592 : i32
        %parallel_loop3A_695 = arith.addi %parallel_loop3A_693, %parallel_loop3A_694 : i32
        %parallel_loop3A_696 = arith.index_cast %parallel_loop3A_695 : i32 to index
        %parallel_loop3A_697 = tpu.vector_load %arg6[%parallel_loop3A_696] {strides = array<i32>} : memref<65536xf32, #tpu.memory_space<vmem>>, vector<16xf32>,
        tpu.vector_store %arg6[%parallel_loop3A_696], %parallel_loop3A_690 {strides = array<i32>} : memref<65536xf32, #tpu.memory_space<vmem>>, vector<16xf32>,
        %parallel_loop3A_698 = arith.index_cast %parallel_loop3A_317 : i32 to index
        %parallel_loop3A_699 = arith.constant 608 : index
        %parallel_loop3A_700 = tpu.vector_load %arg7[%parallel_loop3A_698, %parallel_loop3A_699] {strides = array<i32>} : memref<8x1000xf32, #tpu.memory_space<vmem>>, vector<16xf32>,
        %parallel_loop3A_701 = arith.addi %mul3A_309, %parallel_loop3A_317 : i32
        %parallel_loop3A_702 = arith.constant 1024 : i32
        %parallel_loop3A_703 = arith.muli %parallel_loop3A_701, %parallel_loop3A_702 : i32
        %parallel_loop3A_704 = arith.constant 608 : i32
        %parallel_loop3A_705 = arith.addi %parallel_loop3A_703, %parallel_loop3A_704 : i32
        %parallel_loop3A_706 = arith.index_cast %parallel_loop3A_705 : i32 to index
        %parallel_loop3A_707 = tpu.vector_load %arg6[%parallel_loop3A_706] {strides = array<i32>} : memref<65536xf32, #tpu.memory_space<vmem>>, vector<16xf32>,
        tpu.vector_store %arg6[%parallel_loop3A_706], %parallel_loop3A_700 {strides = array<i32>} : memref<65536xf32, #tpu.memory_space<vmem>>, vector<16xf32>,
        %parallel_loop3A_708 = arith.index_cast %parallel_loop3A_317 : i32 to index
        %parallel_loop3A_709 = arith.constant 624 : index
        %parallel_loop3A_710 = tpu.vector_load %arg7[%parallel_loop3A_708, %parallel_loop3A_709] {strides = array<i32>} : memref<8x1000xf32, #tpu.memory_space<vmem>>, vector<16xf32>,
        %parallel_loop3A_711 = arith.addi %mul3A_309, %parallel_loop3A_317 : i32
        %parallel_loop3A_712 = arith.constant 1024 : i32
        %parallel_loop3A_713 = arith.muli %parallel_loop3A_711, %parallel_loop3A_712 : i32
        %parallel_loop3A_714 = arith.constant 624 : i32
        %parallel_loop3A_715 = arith.addi %parallel_loop3A_713, %parallel_loop3A_714 : i32
        %parallel_loop3A_716 = arith.index_cast %parallel_loop3A_715 : i32 to index
        %parallel_loop3A_717 = tpu.vector_load %arg6[%parallel_loop3A_716] {strides = array<i32>} : memref<65536xf32, #tpu.memory_space<vmem>>, vector<16xf32>,
        tpu.vector_store %arg6[%parallel_loop3A_716], %parallel_loop3A_710 {strides = array<i32>} : memref<65536xf32, #tpu.memory_space<vmem>>, vector<16xf32>,
        %parallel_loop3A_718 = arith.index_cast %parallel_loop3A_317 : i32 to index
        %parallel_loop3A_719 = arith.constant 640 : index
        %parallel_loop3A_720 = tpu.vector_load %arg7[%parallel_loop3A_718, %parallel_loop3A_719] {strides = array<i32>} : memref<8x1000xf32, #tpu.memory_space<vmem>>, vector<16xf32>,
        %parallel_loop3A_721 = arith.addi %mul3A_309, %parallel_loop3A_317 : i32
        %parallel_loop3A_722 = arith.constant 1024 : i32
        %parallel_loop3A_723 = arith.muli %parallel_loop3A_721, %parallel_loop3A_722 : i32
        %parallel_loop3A_724 = arith.constant 640 : i32
        %parallel_loop3A_725 = arith.addi %parallel_loop3A_723, %parallel_loop3A_724 : i32
        %parallel_loop3A_726 = arith.index_cast %parallel_loop3A_725 : i32 to index
        %parallel_loop3A_727 = tpu.vector_load %arg6[%parallel_loop3A_726] {strides = array<i32>} : memref<65536xf32, #tpu.memory_space<vmem>>, vector<16xf32>,
        tpu.vector_store %arg6[%parallel_loop3A_726], %parallel_loop3A_720 {strides = array<i32>} : memref<65536xf32, #tpu.memory_space<vmem>>, vector<16xf32>,
        %parallel_loop3A_728 = arith.index_cast %parallel_loop3A_317 : i32 to index
        %parallel_loop3A_729 = arith.constant 656 : index
        %parallel_loop3A_730 = tpu.vector_load %arg7[%parallel_loop3A_728, %parallel_loop3A_729] {strides = array<i32>} : memref<8x1000xf32, #tpu.memory_space<vmem>>, vector<16xf32>,
        %parallel_loop3A_731 = arith.addi %mul3A_309, %parallel_loop3A_317 : i32
        %parallel_loop3A_732 = arith.constant 1024 : i32
        %parallel_loop3A_733 = arith.muli %parallel_loop3A_731, %parallel_loop3A_732 : i32
        %parallel_loop3A_734 = arith.constant 656 : i32
        %parallel_loop3A_735 = arith.addi %parallel_loop3A_733, %parallel_loop3A_734 : i32
        %parallel_loop3A_736 = arith.index_cast %parallel_loop3A_735 : i32 to index
        %parallel_loop3A_737 = tpu.vector_load %arg6[%parallel_loop3A_736] {strides = array<i32>} : memref<65536xf32, #tpu.memory_space<vmem>>, vector<16xf32>,
        tpu.vector_store %arg6[%parallel_loop3A_736], %parallel_loop3A_730 {strides = array<i32>} : memref<65536xf32, #tpu.memory_space<vmem>>, vector<16xf32>,
        %parallel_loop3A_738 = arith.index_cast %parallel_loop3A_317 : i32 to index
        %parallel_loop3A_739 = arith.constant 672 : index
        %parallel_loop3A_740 = tpu.vector_load %arg7[%parallel_loop3A_738, %parallel_loop3A_739] {strides = array<i32>} : memref<8x1000xf32, #tpu.memory_space<vmem>>, vector<16xf32>,
        %parallel_loop3A_741 = arith.addi %mul3A_309, %parallel_loop3A_317 : i32
        %parallel_loop3A_742 = arith.constant 1024 : i32
        %parallel_loop3A_743 = arith.muli %parallel_loop3A_741, %parallel_loop3A_742 : i32
        %parallel_loop3A_744 = arith.constant 672 : i32
        %parallel_loop3A_745 = arith.addi %parallel_loop3A_743, %parallel_loop3A_744 : i32
        %parallel_loop3A_746 = arith.index_cast %parallel_loop3A_745 : i32 to index
        %parallel_loop3A_747 = tpu.vector_load %arg6[%parallel_loop3A_746] {strides = array<i32>} : memref<65536xf32, #tpu.memory_space<vmem>>, vector<16xf32>,
        tpu.vector_store %arg6[%parallel_loop3A_746], %parallel_loop3A_740 {strides = array<i32>} : memref<65536xf32, #tpu.memory_space<vmem>>, vector<16xf32>,
        %parallel_loop3A_748 = arith.index_cast %parallel_loop3A_317 : i32 to index
        %parallel_loop3A_749 = arith.constant 688 : index
        %parallel_loop3A_750 = tpu.vector_load %arg7[%parallel_loop3A_748, %parallel_loop3A_749] {strides = array<i32>} : memref<8x1000xf32, #tpu.memory_space<vmem>>, vector<16xf32>,
        %parallel_loop3A_751 = arith.addi %mul3A_309, %parallel_loop3A_317 : i32
        %parallel_loop3A_752 = arith.constant 1024 : i32
        %parallel_loop3A_753 = arith.muli %parallel_loop3A_751, %parallel_loop3A_752 : i32
        %parallel_loop3A_754 = arith.constant 688 : i32
        %parallel_loop3A_755 = arith.addi %parallel_loop3A_753, %parallel_loop3A_754 : i32
        %parallel_loop3A_756 = arith.index_cast %parallel_loop3A_755 : i32 to index
        %parallel_loop3A_757 = tpu.vector_load %arg6[%parallel_loop3A_756] {strides = array<i32>} : memref<65536xf32, #tpu.memory_space<vmem>>, vector<16xf32>,
        tpu.vector_store %arg6[%parallel_loop3A_756], %parallel_loop3A_750 {strides = array<i32>} : memref<65536xf32, #tpu.memory_space<vmem>>, vector<16xf32>,
        %parallel_loop3A_758 = arith.index_cast %parallel_loop3A_317 : i32 to index
        %parallel_loop3A_759 = arith.constant 704 : index
        %parallel_loop3A_760 = tpu.vector_load %arg7[%parallel_loop3A_758, %parallel_loop3A_759] {strides = array<i32>} : memref<8x1000xf32, #tpu.memory_space<vmem>>, vector<16xf32>,
        %parallel_loop3A_761 = arith.addi %mul3A_309, %parallel_loop3A_317 : i32
        %parallel_loop3A_762 = arith.constant 1024 : i32
        %parallel_loop3A_763 = arith.muli %parallel_loop3A_761, %parallel_loop3A_762 : i32
        %parallel_loop3A_764 = arith.constant 704 : i32
        %parallel_loop3A_765 = arith.addi %parallel_loop3A_763, %parallel_loop3A_764 : i32
        %parallel_loop3A_766 = arith.index_cast %parallel_loop3A_765 : i32 to index
        %parallel_loop3A_767 = tpu.vector_load %arg6[%parallel_loop3A_766] {strides = array<i32>} : memref<65536xf32, #tpu.memory_space<vmem>>, vector<16xf32>,
        tpu.vector_store %arg6[%parallel_loop3A_766], %parallel_loop3A_760 {strides = array<i32>} : memref<65536xf32, #tpu.memory_space<vmem>>, vector<16xf32>,
        %parallel_loop3A_768 = arith.index_cast %parallel_loop3A_317 : i32 to index
        %parallel_loop3A_769 = arith.constant 720 : index
        %parallel_loop3A_770 = tpu.vector_load %arg7[%parallel_loop3A_768, %parallel_loop3A_769] {strides = array<i32>} : memref<8x1000xf32, #tpu.memory_space<vmem>>, vector<16xf32>,
        %parallel_loop3A_771 = arith.addi %mul3A_309, %parallel_loop3A_317 : i32
        %parallel_loop3A_772 = arith.constant 1024 : i32
        %parallel_loop3A_773 = arith.muli %parallel_loop3A_771, %parallel_loop3A_772 : i32
        %parallel_loop3A_774 = arith.constant 720 : i32
        %parallel_loop3A_775 = arith.addi %parallel_loop3A_773, %parallel_loop3A_774 : i32
        %parallel_loop3A_776 = arith.index_cast %parallel_loop3A_775 : i32 to index
        %parallel_loop3A_777 = tpu.vector_load %arg6[%parallel_loop3A_776] {strides = array<i32>} : memref<65536xf32, #tpu.memory_space<vmem>>, vector<16xf32>,
        tpu.vector_store %arg6[%parallel_loop3A_776], %parallel_loop3A_770 {strides = array<i32>} : memref<65536xf32, #tpu.memory_space<vmem>>, vector<16xf32>,
        %parallel_loop3A_778 = arith.index_cast %parallel_loop3A_317 : i32 to index
        %parallel_loop3A_779 = arith.constant 736 : index
        %parallel_loop3A_780 = tpu.vector_load %arg7[%parallel_loop3A_778, %parallel_loop3A_779] {strides = array<i32>} : memref<8x1000xf32, #tpu.memory_space<vmem>>, vector<16xf32>,
        %parallel_loop3A_781 = arith.addi %mul3A_309, %parallel_loop3A_317 : i32
        %parallel_loop3A_782 = arith.constant 1024 : i32
        %parallel_loop3A_783 = arith.muli %parallel_loop3A_781, %parallel_loop3A_782 : i32
        %parallel_loop3A_784 = arith.constant 736 : i32
        %parallel_loop3A_785 = arith.addi %parallel_loop3A_783, %parallel_loop3A_784 : i32
        %parallel_loop3A_786 = arith.index_cast %parallel_loop3A_785 : i32 to index
        %parallel_loop3A_787 = tpu.vector_load %arg6[%parallel_loop3A_786] {strides = array<i32>} : memref<65536xf32, #tpu.memory_space<vmem>>, vector<16xf32>,
        tpu.vector_store %arg6[%parallel_loop3A_786], %parallel_loop3A_780 {strides = array<i32>} : memref<65536xf32, #tpu.memory_space<vmem>>, vector<16xf32>,
        %parallel_loop3A_788 = arith.index_cast %parallel_loop3A_317 : i32 to index
        %parallel_loop3A_789 = arith.constant 752 : index
        %parallel_loop3A_790 = tpu.vector_load %arg7[%parallel_loop3A_788, %parallel_loop3A_789] {strides = array<i32>} : memref<8x1000xf32, #tpu.memory_space<vmem>>, vector<16xf32>,
        %parallel_loop3A_791 = arith.addi %mul3A_309, %parallel_loop3A_317 : i32
        %parallel_loop3A_792 = arith.constant 1024 : i32
        %parallel_loop3A_793 = arith.muli %parallel_loop3A_791, %parallel_loop3A_792 : i32
        %parallel_loop3A_794 = arith.constant 752 : i32
        %parallel_loop3A_795 = arith.addi %parallel_loop3A_793, %parallel_loop3A_794 : i32
        %parallel_loop3A_796 = arith.index_cast %parallel_loop3A_795 : i32 to index
        %parallel_loop3A_797 = tpu.vector_load %arg6[%parallel_loop3A_796] {strides = array<i32>} : memref<65536xf32, #tpu.memory_space<vmem>>, vector<16xf32>,
        tpu.vector_store %arg6[%parallel_loop3A_796], %parallel_loop3A_790 {strides = array<i32>} : memref<65536xf32, #tpu.memory_space<vmem>>, vector<16xf32>,
        %parallel_loop3A_798 = arith.index_cast %parallel_loop3A_317 : i32 to index
        %parallel_loop3A_799 = arith.constant 768 : index
        %parallel_loop3A_800 = tpu.vector_load %arg7[%parallel_loop3A_798, %parallel_loop3A_799] {strides = array<i32>} : memref<8x1000xf32, #tpu.memory_space<vmem>>, vector<16xf32>,
        %parallel_loop3A_801 = arith.addi %mul3A_309, %parallel_loop3A_317 : i32
        %parallel_loop3A_802 = arith.constant 1024 : i32
        %parallel_loop3A_803 = arith.muli %parallel_loop3A_801, %parallel_loop3A_802 : i32
        %parallel_loop3A_804 = arith.constant 768 : i32
        %parallel_loop3A_805 = arith.addi %parallel_loop3A_803, %parallel_loop3A_804 : i32
        %parallel_loop3A_806 = arith.index_cast %parallel_loop3A_805 : i32 to index
        %parallel_loop3A_807 = tpu.vector_load %arg6[%parallel_loop3A_806] {strides = array<i32>} : memref<65536xf32, #tpu.memory_space<vmem>>, vector<16xf32>,
        tpu.vector_store %arg6[%parallel_loop3A_806], %parallel_loop3A_800 {strides = array<i32>} : memref<65536xf32, #tpu.memory_space<vmem>>, vector<16xf32>,
        %parallel_loop3A_808 = arith.index_cast %parallel_loop3A_317 : i32 to index
        %parallel_loop3A_809 = arith.constant 784 : index
        %parallel_loop3A_810 = tpu.vector_load %arg7[%parallel_loop3A_808, %parallel_loop3A_809] {strides = array<i32>} : memref<8x1000xf32, #tpu.memory_space<vmem>>, vector<16xf32>,
        %parallel_loop3A_811 = arith.addi %mul3A_309, %parallel_loop3A_317 : i32
        %parallel_loop3A_812 = arith.constant 1024 : i32
        %parallel_loop3A_813 = arith.muli %parallel_loop3A_811, %parallel_loop3A_812 : i32
        %parallel_loop3A_814 = arith.constant 784 : i32
        %parallel_loop3A_815 = arith.addi %parallel_loop3A_813, %parallel_loop3A_814 : i32
        %parallel_loop3A_816 = arith.index_cast %parallel_loop3A_815 : i32 to index
        %parallel_loop3A_817 = tpu.vector_load %arg6[%parallel_loop3A_816] {strides = array<i32>} : memref<65536xf32, #tpu.memory_space<vmem>>, vector<16xf32>,
        tpu.vector_store %arg6[%parallel_loop3A_816], %parallel_loop3A_810 {strides = array<i32>} : memref<65536xf32, #tpu.memory_space<vmem>>, vector<16xf32>,
        %parallel_loop3A_818 = arith.index_cast %parallel_loop3A_317 : i32 to index
        %parallel_loop3A_819 = arith.constant 800 : index
        %parallel_loop3A_820 = tpu.vector_load %arg7[%parallel_loop3A_818, %parallel_loop3A_819] {strides = array<i32>} : memref<8x1000xf32, #tpu.memory_space<vmem>>, vector<16xf32>,
        %parallel_loop3A_821 = arith.addi %mul3A_309, %parallel_loop3A_317 : i32
        %parallel_loop3A_822 = arith.constant 1024 : i32
        %parallel_loop3A_823 = arith.muli %parallel_loop3A_821, %parallel_loop3A_822 : i32
        %parallel_loop3A_824 = arith.constant 800 : i32
        %parallel_loop3A_825 = arith.addi %parallel_loop3A_823, %parallel_loop3A_824 : i32
        %parallel_loop3A_826 = arith.index_cast %parallel_loop3A_825 : i32 to index
        %parallel_loop3A_827 = tpu.vector_load %arg6[%parallel_loop3A_826] {strides = array<i32>} : memref<65536xf32, #tpu.memory_space<vmem>>, vector<16xf32>,
        tpu.vector_store %arg6[%parallel_loop3A_826], %parallel_loop3A_820 {strides = array<i32>} : memref<65536xf32, #tpu.memory_space<vmem>>, vector<16xf32>,
        %parallel_loop3A_828 = arith.index_cast %parallel_loop3A_317 : i32 to index
        %parallel_loop3A_829 = arith.constant 816 : index
        %parallel_loop3A_830 = tpu.vector_load %arg7[%parallel_loop3A_828, %parallel_loop3A_829] {strides = array<i32>} : memref<8x1000xf32, #tpu.memory_space<vmem>>, vector<16xf32>,
        %parallel_loop3A_831 = arith.addi %mul3A_309, %parallel_loop3A_317 : i32
        %parallel_loop3A_832 = arith.constant 1024 : i32
        %parallel_loop3A_833 = arith.muli %parallel_loop3A_831, %parallel_loop3A_832 : i32
        %parallel_loop3A_834 = arith.constant 816 : i32
        %parallel_loop3A_835 = arith.addi %parallel_loop3A_833, %parallel_loop3A_834 : i32
        %parallel_loop3A_836 = arith.index_cast %parallel_loop3A_835 : i32 to index
        %parallel_loop3A_837 = tpu.vector_load %arg6[%parallel_loop3A_836] {strides = array<i32>} : memref<65536xf32, #tpu.memory_space<vmem>>, vector<16xf32>,
        tpu.vector_store %arg6[%parallel_loop3A_836], %parallel_loop3A_830 {strides = array<i32>} : memref<65536xf32, #tpu.memory_space<vmem>>, vector<16xf32>,
        %parallel_loop3A_838 = arith.index_cast %parallel_loop3A_317 : i32 to index
        %parallel_loop3A_839 = arith.constant 832 : index
        %parallel_loop3A_840 = tpu.vector_load %arg7[%parallel_loop3A_838, %parallel_loop3A_839] {strides = array<i32>} : memref<8x1000xf32, #tpu.memory_space<vmem>>, vector<16xf32>,
        %parallel_loop3A_841 = arith.addi %mul3A_309, %parallel_loop3A_317 : i32
        %parallel_loop3A_842 = arith.constant 1024 : i32
        %parallel_loop3A_843 = arith.muli %parallel_loop3A_841, %parallel_loop3A_842 : i32
        %parallel_loop3A_844 = arith.constant 832 : i32
        %parallel_loop3A_845 = arith.addi %parallel_loop3A_843, %parallel_loop3A_844 : i32
        %parallel_loop3A_846 = arith.index_cast %parallel_loop3A_845 : i32 to index
        %parallel_loop3A_847 = tpu.vector_load %arg6[%parallel_loop3A_846] {strides = array<i32>} : memref<65536xf32, #tpu.memory_space<vmem>>, vector<16xf32>,
        tpu.vector_store %arg6[%parallel_loop3A_846], %parallel_loop3A_840 {strides = array<i32>} : memref<65536xf32, #tpu.memory_space<vmem>>, vector<16xf32>,
        %parallel_loop3A_848 = arith.index_cast %parallel_loop3A_317 : i32 to index
        %parallel_loop3A_849 = arith.constant 848 : index
        %parallel_loop3A_850 = tpu.vector_load %arg7[%parallel_loop3A_848, %parallel_loop3A_849] {strides = array<i32>} : memref<8x1000xf32, #tpu.memory_space<vmem>>, vector<16xf32>,
        %parallel_loop3A_851 = arith.addi %mul3A_309, %parallel_loop3A_317 : i32
        %parallel_loop3A_852 = arith.constant 1024 : i32
        %parallel_loop3A_853 = arith.muli %parallel_loop3A_851, %parallel_loop3A_852 : i32
        %parallel_loop3A_854 = arith.constant 848 : i32
        %parallel_loop3A_855 = arith.addi %parallel_loop3A_853, %parallel_loop3A_854 : i32
        %parallel_loop3A_856 = arith.index_cast %parallel_loop3A_855 : i32 to index
        %parallel_loop3A_857 = tpu.vector_load %arg6[%parallel_loop3A_856] {strides = array<i32>} : memref<65536xf32, #tpu.memory_space<vmem>>, vector<16xf32>,
        tpu.vector_store %arg6[%parallel_loop3A_856], %parallel_loop3A_850 {strides = array<i32>} : memref<65536xf32, #tpu.memory_space<vmem>>, vector<16xf32>,
        %parallel_loop3A_858 = arith.index_cast %parallel_loop3A_317 : i32 to index
        %parallel_loop3A_859 = arith.constant 864 : index
        %parallel_loop3A_860 = tpu.vector_load %arg7[%parallel_loop3A_858, %parallel_loop3A_859] {strides = array<i32>} : memref<8x1000xf32, #tpu.memory_space<vmem>>, vector<16xf32>,
        %parallel_loop3A_861 = arith.addi %mul3A_309, %parallel_loop3A_317 : i32
        %parallel_loop3A_862 = arith.constant 1024 : i32
        %parallel_loop3A_863 = arith.muli %parallel_loop3A_861, %parallel_loop3A_862 : i32
        %parallel_loop3A_864 = arith.constant 864 : i32
        %parallel_loop3A_865 = arith.addi %parallel_loop3A_863, %parallel_loop3A_864 : i32
        %parallel_loop3A_866 = arith.index_cast %parallel_loop3A_865 : i32 to index
        %parallel_loop3A_867 = tpu.vector_load %arg6[%parallel_loop3A_866] {strides = array<i32>} : memref<65536xf32, #tpu.memory_space<vmem>>, vector<16xf32>,
        tpu.vector_store %arg6[%parallel_loop3A_866], %parallel_loop3A_860 {strides = array<i32>} : memref<65536xf32, #tpu.memory_space<vmem>>, vector<16xf32>,
        %parallel_loop3A_868 = arith.index_cast %parallel_loop3A_317 : i32 to index
        %parallel_loop3A_869 = arith.constant 880 : index
        %parallel_loop3A_870 = tpu.vector_load %arg7[%parallel_loop3A_868, %parallel_loop3A_869] {strides = array<i32>} : memref<8x1000xf32, #tpu.memory_space<vmem>>, vector<16xf32>,
        %parallel_loop3A_871 = arith.addi %mul3A_309, %parallel_loop3A_317 : i32
        %parallel_loop3A_872 = arith.constant 1024 : i32
        %parallel_loop3A_873 = arith.muli %parallel_loop3A_871, %parallel_loop3A_872 : i32
        %parallel_loop3A_874 = arith.constant 880 : i32
        %parallel_loop3A_875 = arith.addi %parallel_loop3A_873, %parallel_loop3A_874 : i32
        %parallel_loop3A_876 = arith.index_cast %parallel_loop3A_875 : i32 to index
        %parallel_loop3A_877 = tpu.vector_load %arg6[%parallel_loop3A_876] {strides = array<i32>} : memref<65536xf32, #tpu.memory_space<vmem>>, vector<16xf32>,
        tpu.vector_store %arg6[%parallel_loop3A_876], %parallel_loop3A_870 {strides = array<i32>} : memref<65536xf32, #tpu.memory_space<vmem>>, vector<16xf32>,
        %parallel_loop3A_878 = arith.index_cast %parallel_loop3A_317 : i32 to index
        %parallel_loop3A_879 = arith.constant 896 : index
        %parallel_loop3A_880 = tpu.vector_load %arg7[%parallel_loop3A_878, %parallel_loop3A_879] {strides = array<i32>} : memref<8x1000xf32, #tpu.memory_space<vmem>>, vector<16xf32>,
        %parallel_loop3A_881 = arith.addi %mul3A_309, %parallel_loop3A_317 : i32
        %parallel_loop3A_882 = arith.constant 1024 : i32
        %parallel_loop3A_883 = arith.muli %parallel_loop3A_881, %parallel_loop3A_882 : i32
        %parallel_loop3A_884 = arith.constant 896 : i32
        %parallel_loop3A_885 = arith.addi %parallel_loop3A_883, %parallel_loop3A_884 : i32
        %parallel_loop3A_886 = arith.index_cast %parallel_loop3A_885 : i32 to index
        %parallel_loop3A_887 = tpu.vector_load %arg6[%parallel_loop3A_886] {strides = array<i32>} : memref<65536xf32, #tpu.memory_space<vmem>>, vector<16xf32>,
        tpu.vector_store %arg6[%parallel_loop3A_886], %parallel_loop3A_880 {strides = array<i32>} : memref<65536xf32, #tpu.memory_space<vmem>>, vector<16xf32>,
        %parallel_loop3A_888 = arith.index_cast %parallel_loop3A_317 : i32 to index
        %parallel_loop3A_889 = arith.constant 912 : index
        %parallel_loop3A_890 = tpu.vector_load %arg7[%parallel_loop3A_888, %parallel_loop3A_889] {strides = array<i32>} : memref<8x1000xf32, #tpu.memory_space<vmem>>, vector<16xf32>,
        %parallel_loop3A_891 = arith.addi %mul3A_309, %parallel_loop3A_317 : i32
        %parallel_loop3A_892 = arith.constant 1024 : i32
        %parallel_loop3A_893 = arith.muli %parallel_loop3A_891, %parallel_loop3A_892 : i32
        %parallel_loop3A_894 = arith.constant 912 : i32
        %parallel_loop3A_895 = arith.addi %parallel_loop3A_893, %parallel_loop3A_894 : i32
        %parallel_loop3A_896 = arith.index_cast %parallel_loop3A_895 : i32 to index
        %parallel_loop3A_897 = tpu.vector_load %arg6[%parallel_loop3A_896] {strides = array<i32>} : memref<65536xf32, #tpu.memory_space<vmem>>, vector<16xf32>,
        tpu.vector_store %arg6[%parallel_loop3A_896], %parallel_loop3A_890 {strides = array<i32>} : memref<65536xf32, #tpu.memory_space<vmem>>, vector<16xf32>,
        %parallel_loop3A_898 = arith.index_cast %parallel_loop3A_317 : i32 to index
        %parallel_loop3A_899 = arith.constant 928 : index
        %parallel_loop3A_900 = tpu.vector_load %arg7[%parallel_loop3A_898, %parallel_loop3A_899] {strides = array<i32>} : memref<8x1000xf32, #tpu.memory_space<vmem>>, vector<16xf32>,
        %parallel_loop3A_901 = arith.addi %mul3A_309, %parallel_loop3A_317 : i32
        %parallel_loop3A_902 = arith.constant 1024 : i32
        %parallel_loop3A_903 = arith.muli %parallel_loop3A_901, %parallel_loop3A_902 : i32
        %parallel_loop3A_904 = arith.constant 928 : i32
        %parallel_loop3A_905 = arith.addi %parallel_loop3A_903, %parallel_loop3A_904 : i32
        %parallel_loop3A_906 = arith.index_cast %parallel_loop3A_905 : i32 to index
        %parallel_loop3A_907 = tpu.vector_load %arg6[%parallel_loop3A_906] {strides = array<i32>} : memref<65536xf32, #tpu.memory_space<vmem>>, vector<16xf32>,
        tpu.vector_store %arg6[%parallel_loop3A_906], %parallel_loop3A_900 {strides = array<i32>} : memref<65536xf32, #tpu.memory_space<vmem>>, vector<16xf32>,
        %parallel_loop3A_908 = arith.index_cast %parallel_loop3A_317 : i32 to index
        %parallel_loop3A_909 = arith.constant 944 : index
        %parallel_loop3A_910 = tpu.vector_load %arg7[%parallel_loop3A_908, %parallel_loop3A_909] {strides = array<i32>} : memref<8x1000xf32, #tpu.memory_space<vmem>>, vector<16xf32>,
        %parallel_loop3A_911 = arith.addi %mul3A_309, %parallel_loop3A_317 : i32
        %parallel_loop3A_912 = arith.constant 1024 : i32
        %parallel_loop3A_913 = arith.muli %parallel_loop3A_911, %parallel_loop3A_912 : i32
        %parallel_loop3A_914 = arith.constant 944 : i32
        %parallel_loop3A_915 = arith.addi %parallel_loop3A_913, %parallel_loop3A_914 : i32
        %parallel_loop3A_916 = arith.index_cast %parallel_loop3A_915 : i32 to index
        %parallel_loop3A_917 = tpu.vector_load %arg6[%parallel_loop3A_916] {strides = array<i32>} : memref<65536xf32, #tpu.memory_space<vmem>>, vector<16xf32>,
        tpu.vector_store %arg6[%parallel_loop3A_916], %parallel_loop3A_910 {strides = array<i32>} : memref<65536xf32, #tpu.memory_space<vmem>>, vector<16xf32>,
        %parallel_loop3A_918 = arith.index_cast %parallel_loop3A_317 : i32 to index
        %parallel_loop3A_919 = arith.constant 960 : index
        %parallel_loop3A_920 = tpu.vector_load %arg7[%parallel_loop3A_918, %parallel_loop3A_919] {strides = array<i32>} : memref<8x1000xf32, #tpu.memory_space<vmem>>, vector<16xf32>,
        %parallel_loop3A_921 = arith.addi %mul3A_309, %parallel_loop3A_317 : i32
        %parallel_loop3A_922 = arith.constant 1024 : i32
        %parallel_loop3A_923 = arith.muli %parallel_loop3A_921, %parallel_loop3A_922 : i32
        %parallel_loop3A_924 = arith.constant 960 : i32
        %parallel_loop3A_925 = arith.addi %parallel_loop3A_923, %parallel_loop3A_924 : i32
        %parallel_loop3A_926 = arith.index_cast %parallel_loop3A_925 : i32 to index
        %parallel_loop3A_927 = tpu.vector_load %arg6[%parallel_loop3A_926] {strides = array<i32>} : memref<65536xf32, #tpu.memory_space<vmem>>, vector<16xf32>,
        tpu.vector_store %arg6[%parallel_loop3A_926], %parallel_loop3A_920 {strides = array<i32>} : memref<65536xf32, #tpu.memory_space<vmem>>, vector<16xf32>,
        %parallel_loop3A_928 = arith.index_cast %parallel_loop3A_317 : i32 to index
        %parallel_loop3A_929 = arith.constant 976 : index
        %parallel_loop3A_930 = tpu.vector_load %arg7[%parallel_loop3A_928, %parallel_loop3A_929] {strides = array<i32>} : memref<8x1000xf32, #tpu.memory_space<vmem>>, vector<16xf32>,
        %parallel_loop3A_931 = arith.addi %mul3A_309, %parallel_loop3A_317 : i32
        %parallel_loop3A_932 = arith.constant 1024 : i32
        %parallel_loop3A_933 = arith.muli %parallel_loop3A_931, %parallel_loop3A_932 : i32
        %parallel_loop3A_934 = arith.constant 976 : i32
        %parallel_loop3A_935 = arith.addi %parallel_loop3A_933, %parallel_loop3A_934 : i32
        %parallel_loop3A_936 = arith.index_cast %parallel_loop3A_935 : i32 to index
        %parallel_loop3A_937 = tpu.vector_load %arg6[%parallel_loop3A_936] {strides = array<i32>} : memref<65536xf32, #tpu.memory_space<vmem>>, vector<16xf32>,
        tpu.vector_store %arg6[%parallel_loop3A_936], %parallel_loop3A_930 {strides = array<i32>} : memref<65536xf32, #tpu.memory_space<vmem>>, vector<16xf32>,
        %parallel_loop3A_938 = arith.index_cast %parallel_loop3A_317 : i32 to index
        %parallel_loop3A_939 = arith.constant 984 : index
        %parallel_loop3A_940 = tpu.vector_load %arg7[%parallel_loop3A_938, %parallel_loop3A_939] {strides = array<i32>} : memref<8x1000xf32, #tpu.memory_space<vmem>>, vector<16xf32>,
        %parallel_loop3A_941 = arith.addi %mul3A_309, %parallel_loop3A_317 : i32
        %parallel_loop3A_942 = arith.constant 1024 : i32
        %parallel_loop3A_943 = arith.muli %parallel_loop3A_941, %parallel_loop3A_942 : i32
        %parallel_loop3A_944 = arith.constant 984 : i32
        %parallel_loop3A_945 = arith.addi %parallel_loop3A_943, %parallel_loop3A_944 : i32
        %parallel_loop3A_946 = arith.index_cast %parallel_loop3A_945 : i32 to index
        %parallel_loop3A_947 = tpu.vector_load %arg6[%parallel_loop3A_946] {strides = array<i32>} : memref<65536xf32, #tpu.memory_space<vmem>>, vector<16xf32>,
        tpu.vector_store %arg6[%parallel_loop3A_946], %parallel_loop3A_940 {strides = array<i32>} : memref<65536xf32, #tpu.memory_space<vmem>>, vector<16xf32>,
      } {sc.loop_unroll_factor = 1 : i64, sc.parallel_access}
      %mul3A_313 = arith.constant 1024 : i32
      %mul3A_314 = arith.muli %mul3A_309, %mul3A_313 : i32
      %mul3A_315 = arith.constant 1024 : i32
      %mul3A_316 = arith.muli %mul3A_309, %mul3A_315 : i32
      "tpu.region"() ({
        %run_scoped3A = tpu.sem_alloc : memref<!tpu.dma_semaphore, #tpu.memory_space<semaphore_mem>>
        %dma_start3A_317 = tpu.memref_slice %arg6[%mul3A_314] : memref<65536xf32, #tpu.memory_space<vmem>> -> memref<8192xf32, #tpu.memory_space<vmem>>
        %dma_start3A_318 = tpu.memref_slice %arg16[%mul3A_316] : memref<65536xf32, #tpu.memory_space<vmem_shared>> -> memref<8192xf32, #tpu.memory_space<vmem_shared>>
        %dma_start3A_319 = tpu.memref_slice %arg16[%mul3A_316] : memref<65536xf32, #tpu.memory_space<vmem_shared>> -> memref<8192xf32, #tpu.memory_space<vmem_shared>>
        %dma_start3A_320 = tpu.memref_slice %arg6[%mul3A_314] : memref<65536xf32, #tpu.memory_space<vmem>> -> memref<8192xf32, #tpu.memory_space<vmem>>
        tpu.enqueue_dma source(%dma_start3A_320 : memref<8192xf32, #tpu.memory_space<vmem>>) target(%dma_start3A_319 : memref<8192xf32, #tpu.memory_space<vmem_shared>>) target_semaphore(%run_scoped3A : memref<!tpu.dma_semaphore, #tpu.memory_space<semaphore_mem>>)
        %dma_wait3A_321 = tpu.memref_slice %arg6[%mul3A_314] : memref<65536xf32, #tpu.memory_space<vmem>> -> memref<8192xf32, #tpu.memory_space<vmem>>
        %dma_wait3A_322 = tpu.memref_slice %arg16[%mul3A_316] : memref<65536xf32, #tpu.memory_space<vmem_shared>> -> memref<8192xf32, #tpu.memory_space<vmem_shared>>
        %dma_wait3A_323 = tpu.memref_slice %arg16[%mul3A_316] : memref<65536xf32, #tpu.memory_space<vmem_shared>> -> memref<8192xf32, #tpu.memory_space<vmem_shared>>
        %dma_wait3A_324 = tpu.memref_slice %arg6[%mul3A_314] : memref<65536xf32, #tpu.memory_space<vmem>> -> memref<8192xf32, #tpu.memory_space<vmem>>
        tpu.wait_dma2 semaphore(%run_scoped3A : memref<!tpu.dma_semaphore, #tpu.memory_space<semaphore_mem>>) src(%dma_wait3A_324 : memref<8192xf32, #tpu.memory_space<vmem>>) dst(%dma_wait3A_323 : memref<8192xf32, #tpu.memory_space<vmem_shared>>)
        tpu.yield
      }) : () -> ()
    } else {
    }
    %barrier3A = arith.constant 0 : index
    tpu.barrier barrier_id(%barrier3A)
    tpu.enqueue_dma source(%arg16 : memref<65536xf32, #tpu.memory_space<vmem_shared>>) target(%arg6 : memref<65536xf32, #tpu.memory_space<vmem>>) target_semaphore(%arg18 : memref<!tpu.dma_semaphore, #tpu.memory_space<semaphore_mem>>)
    "tpu.trace_stop"() : () -> ()
    "tpu.trace_start"() <{level = 10 : i32, message = "ph1_hist"}> : () -> ()
    %mul3A_12 = arith.constant 1024 : i32
    %mul3A_13 = arith.muli %arg1, %mul3A_12 : i32
    "tpu.region"() ({
      %run_scoped3A = tpu.sem_alloc : memref<!tpu.dma_semaphore, #tpu.memory_space<semaphore_mem>>
      %dma_start3A_307 = tpu.memref_slice %arg3[%mul3A_13] : memref<16384xi32, #tpu.memory_space<hbm>> -> memref<1024xi32, #tpu.memory_space<hbm>>
      %dma_start3A_308 = tpu.memref_slice %arg3[%mul3A_13] : memref<16384xi32, #tpu.memory_space<hbm>> -> memref<1024xi32, #tpu.memory_space<hbm>>
      tpu.enqueue_dma source(%dma_start3A_308 : memref<1024xi32, #tpu.memory_space<hbm>>) target(%arg9 : memref<1024xi32, #tpu.memory_space<vmem>>) target_semaphore(%run_scoped3A : memref<!tpu.dma_semaphore, #tpu.memory_space<semaphore_mem>>)
      %dma_wait3A_309 = tpu.memref_slice %arg3[%mul3A_13] : memref<16384xi32, #tpu.memory_space<hbm>> -> memref<1024xi32, #tpu.memory_space<hbm>>
      %dma_wait3A_310 = tpu.memref_slice %arg3[%mul3A_13] : memref<16384xi32, #tpu.memory_space<hbm>> -> memref<1024xi32, #tpu.memory_space<hbm>>
      tpu.wait_dma2 semaphore(%run_scoped3A : memref<!tpu.dma_semaphore, #tpu.memory_space<semaphore_mem>>) src(%dma_wait3A_310 : memref<1024xi32, #tpu.memory_space<hbm>>) dst(%arg9 : memref<1024xi32, #tpu.memory_space<vmem>>)
      tpu.yield
    }) : () -> ()
    %broadcast_in_dim3A = arith.constant 0.000000e+00 : f32
    %broadcast_in_dim3A_14 = vector.broadcast %broadcast_in_dim3A : f32 to vector<16xf32>
    %swap3A = arith.constant 0 : i32
    %swap3A_15 = arith.index_cast %swap3A : i32 to index
    %swap3A_16 = arith.constant 0 : index
    %swap3A_17 = tpu.vector_load %arg11[%swap3A_15, %swap3A_16] {strides = array<i32>} : memref<8x128xf32, #tpu.memory_space<vmem>>, vector<16xf32>,
    tpu.vector_store %arg11[%swap3A_15, %swap3A_16], %broadcast_in_dim3A_14 {strides = array<i32>} : memref<8x128xf32, #tpu.memory_space<vmem>>, vector<16xf32>,
    %swap3A_18 = arith.constant 0 : i32
    %swap3A_19 = arith.index_cast %swap3A_18 : i32 to index
    %swap3A_20 = arith.constant 16 : index
    %swap3A_21 = tpu.vector_load %arg11[%swap3A_19, %swap3A_20] {strides = array<i32>} : memref<8x128xf32, #tpu.memory_space<vmem>>, vector<16xf32>,
    tpu.vector_store %arg11[%swap3A_19, %swap3A_20], %broadcast_in_dim3A_14 {strides = array<i32>} : memref<8x128xf32, #tpu.memory_space<vmem>>, vector<16xf32>,
    %swap3A_22 = arith.constant 0 : i32
    %swap3A_23 = arith.index_cast %swap3A_22 : i32 to index
    %swap3A_24 = arith.constant 32 : index
    %swap3A_25 = tpu.vector_load %arg11[%swap3A_23, %swap3A_24] {strides = array<i32>} : memref<8x128xf32, #tpu.memory_space<vmem>>, vector<16xf32>,
    tpu.vector_store %arg11[%swap3A_23, %swap3A_24], %broadcast_in_dim3A_14 {strides = array<i32>} : memref<8x128xf32, #tpu.memory_space<vmem>>, vector<16xf32>,
    %swap3A_26 = arith.constant 0 : i32
    %swap3A_27 = arith.index_cast %swap3A_26 : i32 to index
    %swap3A_28 = arith.constant 48 : index
    %swap3A_29 = tpu.vector_load %arg11[%swap3A_27, %swap3A_28] {strides = array<i32>} : memref<8x128xf32, #tpu.memory_space<vmem>>, vector<16xf32>,
    tpu.vector_store %arg11[%swap3A_27, %swap3A_28], %broadcast_in_dim3A_14 {strides = array<i32>} : memref<8x128xf32, #tpu.memory_space<vmem>>, vector<16xf32>,
    %swap3A_30 = arith.constant 0 : i32
    %swap3A_31 = arith.index_cast %swap3A_30 : i32 to index
    %swap3A_32 = arith.constant 64 : index
    %swap3A_33 = tpu.vector_load %arg11[%swap3A_31, %swap3A_32] {strides = array<i32>} : memref<8x128xf32, #tpu.memory_space<vmem>>, vector<16xf32>,
    tpu.vector_store %arg11[%swap3A_31, %swap3A_32], %broadcast_in_dim3A_14 {strides = array<i32>} : memref<8x128xf32, #tpu.memory_space<vmem>>, vector<16xf32>,
    %swap3A_34 = arith.constant 0 : i32
    %swap3A_35 = arith.index_cast %swap3A_34 : i32 to index
    %swap3A_36 = arith.constant 80 : index
    %swap3A_37 = tpu.vector_load %arg11[%swap3A_35, %swap3A_36] {strides = array<i32>} : memref<8x128xf32, #tpu.memory_space<vmem>>, vector<16xf32>,
    tpu.vector_store %arg11[%swap3A_35, %swap3A_36], %broadcast_in_dim3A_14 {strides = array<i32>} : memref<8x128xf32, #tpu.memory_space<vmem>>, vector<16xf32>,
    %swap3A_38 = arith.constant 0 : i32
    %swap3A_39 = arith.index_cast %swap3A_38 : i32 to index
    %swap3A_40 = arith.constant 96 : index
    %swap3A_41 = tpu.vector_load %arg11[%swap3A_39, %swap3A_40] {strides = array<i32>} : memref<8x128xf32, #tpu.memory_space<vmem>>, vector<16xf32>,
    tpu.vector_store %arg11[%swap3A_39, %swap3A_40], %broadcast_in_dim3A_14 {strides = array<i32>} : memref<8x128xf32, #tpu.memory_space<vmem>>, vector<16xf32>,
    %swap3A_42 = arith.constant 0 : i32
    %swap3A_43 = arith.index_cast %swap3A_42 : i32 to index
    %swap3A_44 = arith.constant 112 : index
    %swap3A_45 = tpu.vector_load %arg11[%swap3A_43, %swap3A_44] {strides = array<i32>} : memref<8x128xf32, #tpu.memory_space<vmem>>, vector<16xf32>,
    tpu.vector_store %arg11[%swap3A_43, %swap3A_44], %broadcast_in_dim3A_14 {strides = array<i32>} : memref<8x128xf32, #tpu.memory_space<vmem>>, vector<16xf32>,
    %swap3A_46 = arith.constant 1 : i32
    %swap3A_47 = arith.index_cast %swap3A_46 : i32 to index
    %swap3A_48 = arith.constant 0 : index
    %swap3A_49 = tpu.vector_load %arg11[%swap3A_47, %swap3A_48] {strides = array<i32>} : memref<8x128xf32, #tpu.memory_space<vmem>>, vector<16xf32>,
    tpu.vector_store %arg11[%swap3A_47, %swap3A_48], %broadcast_in_dim3A_14 {strides = array<i32>} : memref<8x128xf32, #tpu.memory_space<vmem>>, vector<16xf32>,
    %swap3A_50 = arith.constant 1 : i32
    %swap3A_51 = arith.index_cast %swap3A_50 : i32 to index
    %swap3A_52 = arith.constant 16 : index
    %swap3A_53 = tpu.vector_load %arg11[%swap3A_51, %swap3A_52] {strides = array<i32>} : memref<8x128xf32, #tpu.memory_space<vmem>>, vector<16xf32>,
    tpu.vector_store %arg11[%swap3A_51, %swap3A_52], %broadcast_in_dim3A_14 {strides = array<i32>} : memref<8x128xf32, #tpu.memory_space<vmem>>, vector<16xf32>,
    %swap3A_54 = arith.constant 1 : i32
    %swap3A_55 = arith.index_cast %swap3A_54 : i32 to index
    %swap3A_56 = arith.constant 32 : index
    %swap3A_57 = tpu.vector_load %arg11[%swap3A_55, %swap3A_56] {strides = array<i32>} : memref<8x128xf32, #tpu.memory_space<vmem>>, vector<16xf32>,
    tpu.vector_store %arg11[%swap3A_55, %swap3A_56], %broadcast_in_dim3A_14 {strides = array<i32>} : memref<8x128xf32, #tpu.memory_space<vmem>>, vector<16xf32>,
    %swap3A_58 = arith.constant 1 : i32
    %swap3A_59 = arith.index_cast %swap3A_58 : i32 to index
    %swap3A_60 = arith.constant 48 : index
    %swap3A_61 = tpu.vector_load %arg11[%swap3A_59, %swap3A_60] {strides = array<i32>} : memref<8x128xf32, #tpu.memory_space<vmem>>, vector<16xf32>,
    tpu.vector_store %arg11[%swap3A_59, %swap3A_60], %broadcast_in_dim3A_14 {strides = array<i32>} : memref<8x128xf32, #tpu.memory_space<vmem>>, vector<16xf32>,
    %swap3A_62 = arith.constant 1 : i32
    %swap3A_63 = arith.index_cast %swap3A_62 : i32 to index
    %swap3A_64 = arith.constant 64 : index
    %swap3A_65 = tpu.vector_load %arg11[%swap3A_63, %swap3A_64] {strides = array<i32>} : memref<8x128xf32, #tpu.memory_space<vmem>>, vector<16xf32>,
    tpu.vector_store %arg11[%swap3A_63, %swap3A_64], %broadcast_in_dim3A_14 {strides = array<i32>} : memref<8x128xf32, #tpu.memory_space<vmem>>, vector<16xf32>,
    %swap3A_66 = arith.constant 1 : i32
    %swap3A_67 = arith.index_cast %swap3A_66 : i32 to index
    %swap3A_68 = arith.constant 80 : index
    %swap3A_69 = tpu.vector_load %arg11[%swap3A_67, %swap3A_68] {strides = array<i32>} : memref<8x128xf32, #tpu.memory_space<vmem>>, vector<16xf32>,
    tpu.vector_store %arg11[%swap3A_67, %swap3A_68], %broadcast_in_dim3A_14 {strides = array<i32>} : memref<8x128xf32, #tpu.memory_space<vmem>>, vector<16xf32>,
    %swap3A_70 = arith.constant 1 : i32
    %swap3A_71 = arith.index_cast %swap3A_70 : i32 to index
    %swap3A_72 = arith.constant 96 : index
    %swap3A_73 = tpu.vector_load %arg11[%swap3A_71, %swap3A_72] {strides = array<i32>} : memref<8x128xf32, #tpu.memory_space<vmem>>, vector<16xf32>,
    tpu.vector_store %arg11[%swap3A_71, %swap3A_72], %broadcast_in_dim3A_14 {strides = array<i32>} : memref<8x128xf32, #tpu.memory_space<vmem>>, vector<16xf32>,
    %swap3A_74 = arith.constant 1 : i32
    %swap3A_75 = arith.index_cast %swap3A_74 : i32 to index
    %swap3A_76 = arith.constant 112 : index
    %swap3A_77 = tpu.vector_load %arg11[%swap3A_75, %swap3A_76] {strides = array<i32>} : memref<8x128xf32, #tpu.memory_space<vmem>>, vector<16xf32>,
    tpu.vector_store %arg11[%swap3A_75, %swap3A_76], %broadcast_in_dim3A_14 {strides = array<i32>} : memref<8x128xf32, #tpu.memory_space<vmem>>, vector<16xf32>,
    %swap3A_78 = arith.constant 2 : i32
    %swap3A_79 = arith.index_cast %swap3A_78 : i32 to index
    %swap3A_80 = arith.constant 0 : index
    %swap3A_81 = tpu.vector_load %arg11[%swap3A_79, %swap3A_80] {strides = array<i32>} : memref<8x128xf32, #tpu.memory_space<vmem>>, vector<16xf32>,
    tpu.vector_store %arg11[%swap3A_79, %swap3A_80], %broadcast_in_dim3A_14 {strides = array<i32>} : memref<8x128xf32, #tpu.memory_space<vmem>>, vector<16xf32>,
    %swap3A_82 = arith.constant 2 : i32
    %swap3A_83 = arith.index_cast %swap3A_82 : i32 to index
    %swap3A_84 = arith.constant 16 : index
    %swap3A_85 = tpu.vector_load %arg11[%swap3A_83, %swap3A_84] {strides = array<i32>} : memref<8x128xf32, #tpu.memory_space<vmem>>, vector<16xf32>,
    tpu.vector_store %arg11[%swap3A_83, %swap3A_84], %broadcast_in_dim3A_14 {strides = array<i32>} : memref<8x128xf32, #tpu.memory_space<vmem>>, vector<16xf32>,
    %swap3A_86 = arith.constant 2 : i32
    %swap3A_87 = arith.index_cast %swap3A_86 : i32 to index
    %swap3A_88 = arith.constant 32 : index
    %swap3A_89 = tpu.vector_load %arg11[%swap3A_87, %swap3A_88] {strides = array<i32>} : memref<8x128xf32, #tpu.memory_space<vmem>>, vector<16xf32>,
    tpu.vector_store %arg11[%swap3A_87, %swap3A_88], %broadcast_in_dim3A_14 {strides = array<i32>} : memref<8x128xf32, #tpu.memory_space<vmem>>, vector<16xf32>,
    %swap3A_90 = arith.constant 2 : i32
    %swap3A_91 = arith.index_cast %swap3A_90 : i32 to index
    %swap3A_92 = arith.constant 48 : index
    %swap3A_93 = tpu.vector_load %arg11[%swap3A_91, %swap3A_92] {strides = array<i32>} : memref<8x128xf32, #tpu.memory_space<vmem>>, vector<16xf32>,
    tpu.vector_store %arg11[%swap3A_91, %swap3A_92], %broadcast_in_dim3A_14 {strides = array<i32>} : memref<8x128xf32, #tpu.memory_space<vmem>>, vector<16xf32>,
    %swap3A_94 = arith.constant 2 : i32
    %swap3A_95 = arith.index_cast %swap3A_94 : i32 to index
    %swap3A_96 = arith.constant 64 : index
    %swap3A_97 = tpu.vector_load %arg11[%swap3A_95, %swap3A_96] {strides = array<i32>} : memref<8x128xf32, #tpu.memory_space<vmem>>, vector<16xf32>,
    tpu.vector_store %arg11[%swap3A_95, %swap3A_96], %broadcast_in_dim3A_14 {strides = array<i32>} : memref<8x128xf32, #tpu.memory_space<vmem>>, vector<16xf32>,
    %swap3A_98 = arith.constant 2 : i32
    %swap3A_99 = arith.index_cast %swap3A_98 : i32 to index
    %swap3A_100 = arith.constant 80 : index
    %swap3A_101 = tpu.vector_load %arg11[%swap3A_99, %swap3A_100] {strides = array<i32>} : memref<8x128xf32, #tpu.memory_space<vmem>>, vector<16xf32>,
    tpu.vector_store %arg11[%swap3A_99, %swap3A_100], %broadcast_in_dim3A_14 {strides = array<i32>} : memref<8x128xf32, #tpu.memory_space<vmem>>, vector<16xf32>,
    %swap3A_102 = arith.constant 2 : i32
    %swap3A_103 = arith.index_cast %swap3A_102 : i32 to index
    %swap3A_104 = arith.constant 96 : index
    %swap3A_105 = tpu.vector_load %arg11[%swap3A_103, %swap3A_104] {strides = array<i32>} : memref<8x128xf32, #tpu.memory_space<vmem>>, vector<16xf32>,
    tpu.vector_store %arg11[%swap3A_103, %swap3A_104], %broadcast_in_dim3A_14 {strides = array<i32>} : memref<8x128xf32, #tpu.memory_space<vmem>>, vector<16xf32>,
    %swap3A_106 = arith.constant 2 : i32
    %swap3A_107 = arith.index_cast %swap3A_106 : i32 to index
    %swap3A_108 = arith.constant 112 : index
    %swap3A_109 = tpu.vector_load %arg11[%swap3A_107, %swap3A_108] {strides = array<i32>} : memref<8x128xf32, #tpu.memory_space<vmem>>, vector<16xf32>,
    tpu.vector_store %arg11[%swap3A_107, %swap3A_108], %broadcast_in_dim3A_14 {strides = array<i32>} : memref<8x128xf32, #tpu.memory_space<vmem>>, vector<16xf32>,
    %swap3A_110 = arith.constant 3 : i32
    %swap3A_111 = arith.index_cast %swap3A_110 : i32 to index
    %swap3A_112 = arith.constant 0 : index
    %swap3A_113 = tpu.vector_load %arg11[%swap3A_111, %swap3A_112] {strides = array<i32>} : memref<8x128xf32, #tpu.memory_space<vmem>>, vector<16xf32>,
    tpu.vector_store %arg11[%swap3A_111, %swap3A_112], %broadcast_in_dim3A_14 {strides = array<i32>} : memref<8x128xf32, #tpu.memory_space<vmem>>, vector<16xf32>,
    %swap3A_114 = arith.constant 3 : i32
    %swap3A_115 = arith.index_cast %swap3A_114 : i32 to index
    %swap3A_116 = arith.constant 16 : index
    %swap3A_117 = tpu.vector_load %arg11[%swap3A_115, %swap3A_116] {strides = array<i32>} : memref<8x128xf32, #tpu.memory_space<vmem>>, vector<16xf32>,
    tpu.vector_store %arg11[%swap3A_115, %swap3A_116], %broadcast_in_dim3A_14 {strides = array<i32>} : memref<8x128xf32, #tpu.memory_space<vmem>>, vector<16xf32>,
    %swap3A_118 = arith.constant 3 : i32
    %swap3A_119 = arith.index_cast %swap3A_118 : i32 to index
    %swap3A_120 = arith.constant 32 : index
    %swap3A_121 = tpu.vector_load %arg11[%swap3A_119, %swap3A_120] {strides = array<i32>} : memref<8x128xf32, #tpu.memory_space<vmem>>, vector<16xf32>,
    tpu.vector_store %arg11[%swap3A_119, %swap3A_120], %broadcast_in_dim3A_14 {strides = array<i32>} : memref<8x128xf32, #tpu.memory_space<vmem>>, vector<16xf32>,
    %swap3A_122 = arith.constant 3 : i32
    %swap3A_123 = arith.index_cast %swap3A_122 : i32 to index
    %swap3A_124 = arith.constant 48 : index
    %swap3A_125 = tpu.vector_load %arg11[%swap3A_123, %swap3A_124] {strides = array<i32>} : memref<8x128xf32, #tpu.memory_space<vmem>>, vector<16xf32>,
    tpu.vector_store %arg11[%swap3A_123, %swap3A_124], %broadcast_in_dim3A_14 {strides = array<i32>} : memref<8x128xf32, #tpu.memory_space<vmem>>, vector<16xf32>,
    %swap3A_126 = arith.constant 3 : i32
    %swap3A_127 = arith.index_cast %swap3A_126 : i32 to index
    %swap3A_128 = arith.constant 64 : index
    %swap3A_129 = tpu.vector_load %arg11[%swap3A_127, %swap3A_128] {strides = array<i32>} : memref<8x128xf32, #tpu.memory_space<vmem>>, vector<16xf32>,
    tpu.vector_store %arg11[%swap3A_127, %swap3A_128], %broadcast_in_dim3A_14 {strides = array<i32>} : memref<8x128xf32, #tpu.memory_space<vmem>>, vector<16xf32>,
    %swap3A_130 = arith.constant 3 : i32
    %swap3A_131 = arith.index_cast %swap3A_130 : i32 to index
    %swap3A_132 = arith.constant 80 : index
    %swap3A_133 = tpu.vector_load %arg11[%swap3A_131, %swap3A_132] {strides = array<i32>} : memref<8x128xf32, #tpu.memory_space<vmem>>, vector<16xf32>,
    tpu.vector_store %arg11[%swap3A_131, %swap3A_132], %broadcast_in_dim3A_14 {strides = array<i32>} : memref<8x128xf32, #tpu.memory_space<vmem>>, vector<16xf32>,
    %swap3A_134 = arith.constant 3 : i32
    %swap3A_135 = arith.index_cast %swap3A_134 : i32 to index
    %swap3A_136 = arith.constant 96 : index
    %swap3A_137 = tpu.vector_load %arg11[%swap3A_135, %swap3A_136] {strides = array<i32>} : memref<8x128xf32, #tpu.memory_space<vmem>>, vector<16xf32>,
    tpu.vector_store %arg11[%swap3A_135, %swap3A_136], %broadcast_in_dim3A_14 {strides = array<i32>} : memref<8x128xf32, #tpu.memory_space<vmem>>, vector<16xf32>,
    %swap3A_138 = arith.constant 3 : i32
    %swap3A_139 = arith.index_cast %swap3A_138 : i32 to index
    %swap3A_140 = arith.constant 112 : index
    %swap3A_141 = tpu.vector_load %arg11[%swap3A_139, %swap3A_140] {strides = array<i32>} : memref<8x128xf32, #tpu.memory_space<vmem>>, vector<16xf32>,
    tpu.vector_store %arg11[%swap3A_139, %swap3A_140], %broadcast_in_dim3A_14 {strides = array<i32>} : memref<8x128xf32, #tpu.memory_space<vmem>>, vector<16xf32>,
    %swap3A_142 = arith.constant 4 : i32
    %swap3A_143 = arith.index_cast %swap3A_142 : i32 to index
    %swap3A_144 = arith.constant 0 : index
    %swap3A_145 = tpu.vector_load %arg11[%swap3A_143, %swap3A_144] {strides = array<i32>} : memref<8x128xf32, #tpu.memory_space<vmem>>, vector<16xf32>,
    tpu.vector_store %arg11[%swap3A_143, %swap3A_144], %broadcast_in_dim3A_14 {strides = array<i32>} : memref<8x128xf32, #tpu.memory_space<vmem>>, vector<16xf32>,
    %swap3A_146 = arith.constant 4 : i32
    %swap3A_147 = arith.index_cast %swap3A_146 : i32 to index
    %swap3A_148 = arith.constant 16 : index
    %swap3A_149 = tpu.vector_load %arg11[%swap3A_147, %swap3A_148] {strides = array<i32>} : memref<8x128xf32, #tpu.memory_space<vmem>>, vector<16xf32>,
    tpu.vector_store %arg11[%swap3A_147, %swap3A_148], %broadcast_in_dim3A_14 {strides = array<i32>} : memref<8x128xf32, #tpu.memory_space<vmem>>, vector<16xf32>,
    %swap3A_150 = arith.constant 4 : i32
    %swap3A_151 = arith.index_cast %swap3A_150 : i32 to index
    %swap3A_152 = arith.constant 32 : index
    %swap3A_153 = tpu.vector_load %arg11[%swap3A_151, %swap3A_152] {strides = array<i32>} : memref<8x128xf32, #tpu.memory_space<vmem>>, vector<16xf32>,
    tpu.vector_store %arg11[%swap3A_151, %swap3A_152], %broadcast_in_dim3A_14 {strides = array<i32>} : memref<8x128xf32, #tpu.memory_space<vmem>>, vector<16xf32>,
    %swap3A_154 = arith.constant 4 : i32
    %swap3A_155 = arith.index_cast %swap3A_154 : i32 to index
    %swap3A_156 = arith.constant 48 : index
    %swap3A_157 = tpu.vector_load %arg11[%swap3A_155, %swap3A_156] {strides = array<i32>} : memref<8x128xf32, #tpu.memory_space<vmem>>, vector<16xf32>,
    tpu.vector_store %arg11[%swap3A_155, %swap3A_156], %broadcast_in_dim3A_14 {strides = array<i32>} : memref<8x128xf32, #tpu.memory_space<vmem>>, vector<16xf32>,
    %swap3A_158 = arith.constant 4 : i32
    %swap3A_159 = arith.index_cast %swap3A_158 : i32 to index
    %swap3A_160 = arith.constant 64 : index
    %swap3A_161 = tpu.vector_load %arg11[%swap3A_159, %swap3A_160] {strides = array<i32>} : memref<8x128xf32, #tpu.memory_space<vmem>>, vector<16xf32>,
    tpu.vector_store %arg11[%swap3A_159, %swap3A_160], %broadcast_in_dim3A_14 {strides = array<i32>} : memref<8x128xf32, #tpu.memory_space<vmem>>, vector<16xf32>,
    %swap3A_162 = arith.constant 4 : i32
    %swap3A_163 = arith.index_cast %swap3A_162 : i32 to index
    %swap3A_164 = arith.constant 80 : index
    %swap3A_165 = tpu.vector_load %arg11[%swap3A_163, %swap3A_164] {strides = array<i32>} : memref<8x128xf32, #tpu.memory_space<vmem>>, vector<16xf32>,
    tpu.vector_store %arg11[%swap3A_163, %swap3A_164], %broadcast_in_dim3A_14 {strides = array<i32>} : memref<8x128xf32, #tpu.memory_space<vmem>>, vector<16xf32>,
    %swap3A_166 = arith.constant 4 : i32
    %swap3A_167 = arith.index_cast %swap3A_166 : i32 to index
    %swap3A_168 = arith.constant 96 : index
    %swap3A_169 = tpu.vector_load %arg11[%swap3A_167, %swap3A_168] {strides = array<i32>} : memref<8x128xf32, #tpu.memory_space<vmem>>, vector<16xf32>,
    tpu.vector_store %arg11[%swap3A_167, %swap3A_168], %broadcast_in_dim3A_14 {strides = array<i32>} : memref<8x128xf32, #tpu.memory_space<vmem>>, vector<16xf32>,
    %swap3A_170 = arith.constant 4 : i32
    %swap3A_171 = arith.index_cast %swap3A_170 : i32 to index
    %swap3A_172 = arith.constant 112 : index
    %swap3A_173 = tpu.vector_load %arg11[%swap3A_171, %swap3A_172] {strides = array<i32>} : memref<8x128xf32, #tpu.memory_space<vmem>>, vector<16xf32>,
    tpu.vector_store %arg11[%swap3A_171, %swap3A_172], %broadcast_in_dim3A_14 {strides = array<i32>} : memref<8x128xf32, #tpu.memory_space<vmem>>, vector<16xf32>,
    %swap3A_174 = arith.constant 5 : i32
    %swap3A_175 = arith.index_cast %swap3A_174 : i32 to index
    %swap3A_176 = arith.constant 0 : index
    %swap3A_177 = tpu.vector_load %arg11[%swap3A_175, %swap3A_176] {strides = array<i32>} : memref<8x128xf32, #tpu.memory_space<vmem>>, vector<16xf32>,
    tpu.vector_store %arg11[%swap3A_175, %swap3A_176], %broadcast_in_dim3A_14 {strides = array<i32>} : memref<8x128xf32, #tpu.memory_space<vmem>>, vector<16xf32>,
    %swap3A_178 = arith.constant 5 : i32
    %swap3A_179 = arith.index_cast %swap3A_178 : i32 to index
    %swap3A_180 = arith.constant 16 : index
    %swap3A_181 = tpu.vector_load %arg11[%swap3A_179, %swap3A_180] {strides = array<i32>} : memref<8x128xf32, #tpu.memory_space<vmem>>, vector<16xf32>,
    tpu.vector_store %arg11[%swap3A_179, %swap3A_180], %broadcast_in_dim3A_14 {strides = array<i32>} : memref<8x128xf32, #tpu.memory_space<vmem>>, vector<16xf32>,
    %swap3A_182 = arith.constant 5 : i32
    %swap3A_183 = arith.index_cast %swap3A_182 : i32 to index
    %swap3A_184 = arith.constant 32 : index
    %swap3A_185 = tpu.vector_load %arg11[%swap3A_183, %swap3A_184] {strides = array<i32>} : memref<8x128xf32, #tpu.memory_space<vmem>>, vector<16xf32>,
    tpu.vector_store %arg11[%swap3A_183, %swap3A_184], %broadcast_in_dim3A_14 {strides = array<i32>} : memref<8x128xf32, #tpu.memory_space<vmem>>, vector<16xf32>,
    %swap3A_186 = arith.constant 5 : i32
    %swap3A_187 = arith.index_cast %swap3A_186 : i32 to index
    %swap3A_188 = arith.constant 48 : index
    %swap3A_189 = tpu.vector_load %arg11[%swap3A_187, %swap3A_188] {strides = array<i32>} : memref<8x128xf32, #tpu.memory_space<vmem>>, vector<16xf32>,
    tpu.vector_store %arg11[%swap3A_187, %swap3A_188], %broadcast_in_dim3A_14 {strides = array<i32>} : memref<8x128xf32, #tpu.memory_space<vmem>>, vector<16xf32>,
    %swap3A_190 = arith.constant 5 : i32
    %swap3A_191 = arith.index_cast %swap3A_190 : i32 to index
    %swap3A_192 = arith.constant 64 : index
    %swap3A_193 = tpu.vector_load %arg11[%swap3A_191, %swap3A_192] {strides = array<i32>} : memref<8x128xf32, #tpu.memory_space<vmem>>, vector<16xf32>,
    tpu.vector_store %arg11[%swap3A_191, %swap3A_192], %broadcast_in_dim3A_14 {strides = array<i32>} : memref<8x128xf32, #tpu.memory_space<vmem>>, vector<16xf32>,
    %swap3A_194 = arith.constant 5 : i32
    %swap3A_195 = arith.index_cast %swap3A_194 : i32 to index
    %swap3A_196 = arith.constant 80 : index
    %swap3A_197 = tpu.vector_load %arg11[%swap3A_195, %swap3A_196] {strides = array<i32>} : memref<8x128xf32, #tpu.memory_space<vmem>>, vector<16xf32>,
    tpu.vector_store %arg11[%swap3A_195, %swap3A_196], %broadcast_in_dim3A_14 {strides = array<i32>} : memref<8x128xf32, #tpu.memory_space<vmem>>, vector<16xf32>,
    %swap3A_198 = arith.constant 5 : i32
    %swap3A_199 = arith.index_cast %swap3A_198 : i32 to index
    %swap3A_200 = arith.constant 96 : index
    %swap3A_201 = tpu.vector_load %arg11[%swap3A_199, %swap3A_200] {strides = array<i32>} : memref<8x128xf32, #tpu.memory_space<vmem>>, vector<16xf32>,
    tpu.vector_store %arg11[%swap3A_199, %swap3A_200], %broadcast_in_dim3A_14 {strides = array<i32>} : memref<8x128xf32, #tpu.memory_space<vmem>>, vector<16xf32>,
    %swap3A_202 = arith.constant 5 : i32
    %swap3A_203 = arith.index_cast %swap3A_202 : i32 to index
    %swap3A_204 = arith.constant 112 : index
    %swap3A_205 = tpu.vector_load %arg11[%swap3A_203, %swap3A_204] {strides = array<i32>} : memref<8x128xf32, #tpu.memory_space<vmem>>, vector<16xf32>,
    tpu.vector_store %arg11[%swap3A_203, %swap3A_204], %broadcast_in_dim3A_14 {strides = array<i32>} : memref<8x128xf32, #tpu.memory_space<vmem>>, vector<16xf32>,
    %swap3A_206 = arith.constant 6 : i32
    %swap3A_207 = arith.index_cast %swap3A_206 : i32 to index
    %swap3A_208 = arith.constant 0 : index
    %swap3A_209 = tpu.vector_load %arg11[%swap3A_207, %swap3A_208] {strides = array<i32>} : memref<8x128xf32, #tpu.memory_space<vmem>>, vector<16xf32>,
    tpu.vector_store %arg11[%swap3A_207, %swap3A_208], %broadcast_in_dim3A_14 {strides = array<i32>} : memref<8x128xf32, #tpu.memory_space<vmem>>, vector<16xf32>,
    %swap3A_210 = arith.constant 6 : i32
    %swap3A_211 = arith.index_cast %swap3A_210 : i32 to index
    %swap3A_212 = arith.constant 16 : index
    %swap3A_213 = tpu.vector_load %arg11[%swap3A_211, %swap3A_212] {strides = array<i32>} : memref<8x128xf32, #tpu.memory_space<vmem>>, vector<16xf32>,
    tpu.vector_store %arg11[%swap3A_211, %swap3A_212], %broadcast_in_dim3A_14 {strides = array<i32>} : memref<8x128xf32, #tpu.memory_space<vmem>>, vector<16xf32>,
    %swap3A_214 = arith.constant 6 : i32
    %swap3A_215 = arith.index_cast %swap3A_214 : i32 to index
    %swap3A_216 = arith.constant 32 : index
    %swap3A_217 = tpu.vector_load %arg11[%swap3A_215, %swap3A_216] {strides = array<i32>} : memref<8x128xf32, #tpu.memory_space<vmem>>, vector<16xf32>,
    tpu.vector_store %arg11[%swap3A_215, %swap3A_216], %broadcast_in_dim3A_14 {strides = array<i32>} : memref<8x128xf32, #tpu.memory_space<vmem>>, vector<16xf32>,
    %swap3A_218 = arith.constant 6 : i32
    %swap3A_219 = arith.index_cast %swap3A_218 : i32 to index
    %swap3A_220 = arith.constant 48 : index
    %swap3A_221 = tpu.vector_load %arg11[%swap3A_219, %swap3A_220] {strides = array<i32>} : memref<8x128xf32, #tpu.memory_space<vmem>>, vector<16xf32>,
    tpu.vector_store %arg11[%swap3A_219, %swap3A_220], %broadcast_in_dim3A_14 {strides = array<i32>} : memref<8x128xf32, #tpu.memory_space<vmem>>, vector<16xf32>,
    %swap3A_222 = arith.constant 6 : i32
    %swap3A_223 = arith.index_cast %swap3A_222 : i32 to index
    %swap3A_224 = arith.constant 64 : index
    %swap3A_225 = tpu.vector_load %arg11[%swap3A_223, %swap3A_224] {strides = array<i32>} : memref<8x128xf32, #tpu.memory_space<vmem>>, vector<16xf32>,
    tpu.vector_store %arg11[%swap3A_223, %swap3A_224], %broadcast_in_dim3A_14 {strides = array<i32>} : memref<8x128xf32, #tpu.memory_space<vmem>>, vector<16xf32>,
    %swap3A_226 = arith.constant 6 : i32
    %swap3A_227 = arith.index_cast %swap3A_226 : i32 to index
    %swap3A_228 = arith.constant 80 : index
    %swap3A_229 = tpu.vector_load %arg11[%swap3A_227, %swap3A_228] {strides = array<i32>} : memref<8x128xf32, #tpu.memory_space<vmem>>, vector<16xf32>,
    tpu.vector_store %arg11[%swap3A_227, %swap3A_228], %broadcast_in_dim3A_14 {strides = array<i32>} : memref<8x128xf32, #tpu.memory_space<vmem>>, vector<16xf32>,
    %swap3A_230 = arith.constant 6 : i32
    %swap3A_231 = arith.index_cast %swap3A_230 : i32 to index
    %swap3A_232 = arith.constant 96 : index
    %swap3A_233 = tpu.vector_load %arg11[%swap3A_231, %swap3A_232] {strides = array<i32>} : memref<8x128xf32, #tpu.memory_space<vmem>>, vector<16xf32>,
    tpu.vector_store %arg11[%swap3A_231, %swap3A_232], %broadcast_in_dim3A_14 {strides = array<i32>} : memref<8x128xf32, #tpu.memory_space<vmem>>, vector<16xf32>,
    %swap3A_234 = arith.constant 6 : i32
    %swap3A_235 = arith.index_cast %swap3A_234 : i32 to index
    %swap3A_236 = arith.constant 112 : index
    %swap3A_237 = tpu.vector_load %arg11[%swap3A_235, %swap3A_236] {strides = array<i32>} : memref<8x128xf32, #tpu.memory_space<vmem>>, vector<16xf32>,
    tpu.vector_store %arg11[%swap3A_235, %swap3A_236], %broadcast_in_dim3A_14 {strides = array<i32>} : memref<8x128xf32, #tpu.memory_space<vmem>>, vector<16xf32>,
    %swap3A_238 = arith.constant 7 : i32
    %swap3A_239 = arith.index_cast %swap3A_238 : i32 to index
    %swap3A_240 = arith.constant 0 : index
    %swap3A_241 = tpu.vector_load %arg11[%swap3A_239, %swap3A_240] {strides = array<i32>} : memref<8x128xf32, #tpu.memory_space<vmem>>, vector<16xf32>,
    tpu.vector_store %arg11[%swap3A_239, %swap3A_240], %broadcast_in_dim3A_14 {strides = array<i32>} : memref<8x128xf32, #tpu.memory_space<vmem>>, vector<16xf32>,
    %swap3A_242 = arith.constant 7 : i32
    %swap3A_243 = arith.index_cast %swap3A_242 : i32 to index
    %swap3A_244 = arith.constant 16 : index
    %swap3A_245 = tpu.vector_load %arg11[%swap3A_243, %swap3A_244] {strides = array<i32>} : memref<8x128xf32, #tpu.memory_space<vmem>>, vector<16xf32>,
    tpu.vector_store %arg11[%swap3A_243, %swap3A_244], %broadcast_in_dim3A_14 {strides = array<i32>} : memref<8x128xf32, #tpu.memory_space<vmem>>, vector<16xf32>,
    %swap3A_246 = arith.constant 7 : i32
    %swap3A_247 = arith.index_cast %swap3A_246 : i32 to index
    %swap3A_248 = arith.constant 32 : index
    %swap3A_249 = tpu.vector_load %arg11[%swap3A_247, %swap3A_248] {strides = array<i32>} : memref<8x128xf32, #tpu.memory_space<vmem>>, vector<16xf32>,
    tpu.vector_store %arg11[%swap3A_247, %swap3A_248], %broadcast_in_dim3A_14 {strides = array<i32>} : memref<8x128xf32, #tpu.memory_space<vmem>>, vector<16xf32>,
    %swap3A_250 = arith.constant 7 : i32
    %swap3A_251 = arith.index_cast %swap3A_250 : i32 to index
    %swap3A_252 = arith.constant 48 : index
    %swap3A_253 = tpu.vector_load %arg11[%swap3A_251, %swap3A_252] {strides = array<i32>} : memref<8x128xf32, #tpu.memory_space<vmem>>, vector<16xf32>,
    tpu.vector_store %arg11[%swap3A_251, %swap3A_252], %broadcast_in_dim3A_14 {strides = array<i32>} : memref<8x128xf32, #tpu.memory_space<vmem>>, vector<16xf32>,
    %swap3A_254 = arith.constant 7 : i32
    %swap3A_255 = arith.index_cast %swap3A_254 : i32 to index
    %swap3A_256 = arith.constant 64 : index
    %swap3A_257 = tpu.vector_load %arg11[%swap3A_255, %swap3A_256] {strides = array<i32>} : memref<8x128xf32, #tpu.memory_space<vmem>>, vector<16xf32>,
    tpu.vector_store %arg11[%swap3A_255, %swap3A_256], %broadcast_in_dim3A_14 {strides = array<i32>} : memref<8x128xf32, #tpu.memory_space<vmem>>, vector<16xf32>,
    %swap3A_258 = arith.constant 7 : i32
    %swap3A_259 = arith.index_cast %swap3A_258 : i32 to index
    %swap3A_260 = arith.constant 80 : index
    %swap3A_261 = tpu.vector_load %arg11[%swap3A_259, %swap3A_260] {strides = array<i32>} : memref<8x128xf32, #tpu.memory_space<vmem>>, vector<16xf32>,
    tpu.vector_store %arg11[%swap3A_259, %swap3A_260], %broadcast_in_dim3A_14 {strides = array<i32>} : memref<8x128xf32, #tpu.memory_space<vmem>>, vector<16xf32>,
    %swap3A_262 = arith.constant 7 : i32
    %swap3A_263 = arith.index_cast %swap3A_262 : i32 to index
    %swap3A_264 = arith.constant 96 : index
    %swap3A_265 = tpu.vector_load %arg11[%swap3A_263, %swap3A_264] {strides = array<i32>} : memref<8x128xf32, #tpu.memory_space<vmem>>, vector<16xf32>,
    tpu.vector_store %arg11[%swap3A_263, %swap3A_264], %broadcast_in_dim3A_14 {strides = array<i32>} : memref<8x128xf32, #tpu.memory_space<vmem>>, vector<16xf32>,
    %swap3A_266 = arith.constant 7 : i32
    %swap3A_267 = arith.index_cast %swap3A_266 : i32 to index
    %swap3A_268 = arith.constant 112 : index
    %swap3A_269 = tpu.vector_load %arg11[%swap3A_267, %swap3A_268] {strides = array<i32>} : memref<8x128xf32, #tpu.memory_space<vmem>>, vector<16xf32>,
    tpu.vector_store %arg11[%swap3A_267, %swap3A_268], %broadcast_in_dim3A_14 {strides = array<i32>} : memref<8x128xf32, #tpu.memory_space<vmem>>, vector<16xf32>,
    %broadcast_in_dim3A_270 = arith.constant 1.000000e+00 : f32
    %broadcast_in_dim3A_271 = vector.broadcast %broadcast_in_dim3A_270 : f32 to vector<16xf32>
    %scan3A = arith.constant 0 : i32
    %scan3A_272 = arith.constant 0 : i32
    %scan3A_273 = arith.constant 64 : i32
    %scan3A_274 = arith.addi %scan3A_272, %scan3A_273 : i32
    %scan3A_275 = arith.constant 1 : i32
    %scan3A_276 = scf.for %scan3A_307 = %scan3A_272 to %scan3A_274 step %scan3A_275 iter_args(%scan3A_308 = %scan3A) -> (i32)  : i32 {
      %mul3A_309 = arith.constant 16 : i32
      %mul3A_310 = arith.muli %scan3A_307, %mul3A_309 : i32
      %get3A = arith.index_cast %mul3A_310 : i32 to index
      %get3A_311 = tpu.vector_load %arg9[%get3A] {strides = array<i32>} : memref<1024xi32, #tpu.memory_space<vmem>>, vector<16xi32>,
      %shift_right_logical3A = arith.constant 7 : i32
      %shift_right_logical3A_312 = vector.broadcast %shift_right_logical3A : i32 to vector<16xi32>
      %shift_right_logical3A_313 = arith.shrui %get3A_311, %shift_right_logical3A_312 : vector<16xi32>
      %and3A = arith.constant 127 : i32
      %and3A_314 = vector.broadcast %and3A : i32 to vector<16xi32>
      %and3A_315 = arith.andi %get3A_311, %and3A_314 : vector<16xi32>
      tpu.vector_store_idx %arg11[%shift_right_logical3A_313, %and3A_315], %broadcast_in_dim3A_271 {add = true} : memref<8x128xf32, #tpu.memory_space<vmem>>[vector<16xi32>, vector<16xi32>], vector<16xf32>,
      %scan3A_316 = arith.constant 0 : i32
      scf.yield %scan3A_316 : i32
    }
    %scan3A_277 = arith.constant 64 : i32
    "tpu.trace_stop"() : () -> ()
    "tpu.trace_start"() <{level = 10 : i32, message = "ph1_allreduce"}> : () -> ()
    "tpu.region"() ({
      %run_scoped3A = tpu.sem_alloc : memref<!tpu.dma_semaphore, #tpu.memory_space<semaphore_mem>>
      %dma_start3A_307 = arith.constant 0 : i32
      %dma_start3A_308 = arith.constant 0 : i32
      %dma_start3A_309 = tpu.memref_slice %arg14[%arg1, %dma_start3A_307, %dma_start3A_308] : memref<16x8x128xf32, #tpu.memory_space<vmem_shared>> -> memref<1x8x128xf32, #tpu.memory_space<vmem_shared>>
      %dma_start3A_310 = tpu.memref_squeeze %dma_start3A_309 : memref<1x8x128xf32, #tpu.memory_space<vmem_shared>> -> memref<8x128xf32, #tpu.memory_space<vmem_shared>>
      %dma_start3A_311 = arith.constant 0 : i32
      %dma_start3A_312 = arith.constant 0 : i32
      %dma_start3A_313 = tpu.memref_slice %arg14[%arg1, %dma_start3A_311, %dma_start3A_312] : memref<16x8x128xf32, #tpu.memory_space<vmem_shared>> -> memref<1x8x128xf32, #tpu.memory_space<vmem_shared>>
      %dma_start3A_314 = tpu.memref_squeeze %dma_start3A_313 : memref<1x8x128xf32, #tpu.memory_space<vmem_shared>> -> memref<8x128xf32, #tpu.memory_space<vmem_shared>>
      tpu.enqueue_dma source(%arg11 : memref<8x128xf32, #tpu.memory_space<vmem>>) target(%dma_start3A_314 : memref<8x128xf32, #tpu.memory_space<vmem_shared>>) target_semaphore(%run_scoped3A : memref<!tpu.dma_semaphore, #tpu.memory_space<semaphore_mem>>)
      %dma_wait3A_315 = arith.constant 0 : i32
      %dma_wait3A_316 = arith.constant 0 : i32
      %dma_wait3A_317 = tpu.memref_slice %arg14[%arg1, %dma_wait3A_315, %dma_wait3A_316] : memref<16x8x128xf32, #tpu.memory_space<vmem_shared>> -> memref<1x8x128xf32, #tpu.memory_space<vmem_shared>>
      %dma_wait3A_318 = tpu.memref_squeeze %dma_wait3A_317 : memref<1x8x128xf32, #tpu.memory_space<vmem_shared>> -> memref<8x128xf32, #tpu.memory_space<vmem_shared>>
      %dma_wait3A_319 = arith.constant 0 : i32
      %dma_wait3A_320 = arith.constant 0 : i32
      %dma_wait3A_321 = tpu.memref_slice %arg14[%arg1, %dma_wait3A_319, %dma_wait3A_320] : memref<16x8x128xf32, #tpu.memory_space<vmem_shared>> -> memref<1x8x128xf32, #tpu.memory_space<vmem_shared>>
      %dma_wait3A_322 = tpu.memref_squeeze %dma_wait3A_321 : memref<1x8x128xf32, #tpu.memory_space<vmem_shared>> -> memref<8x128xf32, #tpu.memory_space<vmem_shared>>
      tpu.wait_dma2 semaphore(%run_scoped3A : memref<!tpu.dma_semaphore, #tpu.memory_space<semaphore_mem>>) src(%arg11 : memref<8x128xf32, #tpu.memory_space<vmem>>) dst(%dma_wait3A_322 : memref<8x128xf32, #tpu.memory_space<vmem_shared>>)
      tpu.yield
    }) : () -> ()
    %barrier3A_278 = arith.constant 0 : index
    tpu.barrier barrier_id(%barrier3A_278)
    %lt3A_279 = arith.constant 8 : i32
    %lt3A_280 = arith.cmpi slt, %arg1, %lt3A_279 : i32
    %convert_element_type3A_281 = arith.extui %lt3A_280 : i1 to i32
    %cond3A_282 = arith.constant 0 : i32
    %cond3A_283 = arith.cmpi ne, %convert_element_type3A_281, %cond3A_282 : i32
    scf.if %cond3A_283 {
      "tpu.region"() ({
        %run_scoped3A_486 = tpu.sem_alloc : memref<!tpu.dma_semaphore, #tpu.memory_space<semaphore_mem>>
        %dma_start3A_487 = arith.constant 0 : i32
        %dma_start3A_488 = arith.constant 0 : i32
        %dma_start3A_489 = tpu.memref_slice %arg14[%dma_start3A_487, %arg1, %dma_start3A_488] : memref<16x8x128xf32, #tpu.memory_space<vmem_shared>> -> memref<16x1x128xf32, #tpu.memory_space<vmem_shared>>
        %dma_start3A_490 = tpu.memref_squeeze %dma_start3A_489 : memref<16x1x128xf32, #tpu.memory_space<vmem_shared>> -> memref<16x128xf32, #tpu.memory_space<vmem_shared>>
        %dma_start3A_491 = arith.constant 0 : i32
        %dma_start3A_492 = arith.constant 0 : i32
        %dma_start3A_493 = tpu.memref_slice %arg14[%dma_start3A_491, %arg1, %dma_start3A_492] : memref<16x8x128xf32, #tpu.memory_space<vmem_shared>> -> memref<16x1x128xf32, #tpu.memory_space<vmem_shared>>
        %dma_start3A_494 = tpu.memref_squeeze %dma_start3A_493 : memref<16x1x128xf32, #tpu.memory_space<vmem_shared>> -> memref<16x128xf32, #tpu.memory_space<vmem_shared>>
        tpu.enqueue_dma source(%dma_start3A_494 : memref<16x128xf32, #tpu.memory_space<vmem_shared>>) target(%arg12 : memref<16x128xf32, #tpu.memory_space<vmem>>) target_semaphore(%run_scoped3A_486 : memref<!tpu.dma_semaphore, #tpu.memory_space<semaphore_mem>>)
        %dma_wait3A_495 = arith.constant 0 : i32
        %dma_wait3A_496 = arith.constant 0 : i32
        %dma_wait3A_497 = tpu.memref_slice %arg14[%dma_wait3A_495, %arg1, %dma_wait3A_496] : memref<16x8x128xf32, #tpu.memory_space<vmem_shared>> -> memref<16x1x128xf32, #tpu.memory_space<vmem_shared>>
        %dma_wait3A_498 = tpu.memref_squeeze %dma_wait3A_497 : memref<16x1x128xf32, #tpu.memory_space<vmem_shared>> -> memref<16x128xf32, #tpu.memory_space<vmem_shared>>
        %dma_wait3A_499 = arith.constant 0 : i32
        %dma_wait3A_500 = arith.constant 0 : i32
        %dma_wait3A_501 = tpu.memref_slice %arg14[%dma_wait3A_499, %arg1, %dma_wait3A_500] : memref<16x8x128xf32, #tpu.memory_space<vmem_shared>> -> memref<16x1x128xf32, #tpu.memory_space<vmem_shared>>
        %dma_wait3A_502 = tpu.memref_squeeze %dma_wait3A_501 : memref<16x1x128xf32, #tpu.memory_space<vmem_shared>> -> memref<16x128xf32, #tpu.memory_space<vmem_shared>>
        tpu.wait_dma2 semaphore(%run_scoped3A_486 : memref<!tpu.dma_semaphore, #tpu.memory_space<semaphore_mem>>) src(%dma_wait3A_502 : memref<16x128xf32, #tpu.memory_space<vmem_shared>>) dst(%arg12 : memref<16x128xf32, #tpu.memory_space<vmem>>)
        tpu.yield
      }) : () -> ()
      %get3A = arith.constant 0 : i32
      %get3A_307 = arith.index_cast %get3A : i32 to index
      %get3A_308 = arith.constant 0 : index
      %get3A_309 = tpu.vector_load %arg12[%get3A_307, %get3A_308] {strides = array<i32>} : memref<16x128xf32, #tpu.memory_space<vmem>>, vector<16xf32>,
      %scan3A_310 = arith.constant 1 : i32
      %scan3A_311 = arith.constant 15 : i32
      %scan3A_312 = arith.addi %scan3A_310, %scan3A_311 : i32
      %scan3A_313 = arith.constant 1 : i32
      %scan3A_314 = scf.for %scan3A_486 = %scan3A_310 to %scan3A_312 step %scan3A_313 iter_args(%scan3A_487 = %get3A_309) -> (vector<16xf32>)  : i32 {
        %get3A_488 = arith.index_cast %scan3A_486 : i32 to index
        %get3A_489 = arith.constant 0 : index
        %get3A_490 = tpu.vector_load %arg12[%get3A_488, %get3A_489] {strides = array<i32>} : memref<16x128xf32, #tpu.memory_space<vmem>>, vector<16xf32>,
        %add3A_491 = arith.addf %scan3A_487, %get3A_490 : vector<16xf32>
        scf.yield %add3A_491 : vector<16xf32>
      }
      %scan3A_315 = arith.constant 15 : i32
      %gt3A = arith.constant 0.000000e+00 : f32
      %gt3A_316 = vector.broadcast %gt3A : f32 to vector<16xf32>
      %gt3A_317 = arith.cmpf ogt, %scan3A_314, %gt3A_316 : vector<16xf32>
      %div3A = arith.constant 1.000000e+00 : f32
      %div3A_318 = vector.broadcast %div3A : f32 to vector<16xf32>
      %div3A_319 = arith.divf %div3A_318, %scan3A_314 : vector<16xf32>
      %jit3A = arith.constant 0.000000e+00 : f32
      %broadcast_in_dim3A_320 = vector.broadcast %jit3A : f32 to vector<16xf32>
      %select_n3A = arith.select %gt3A_317, %div3A_319, %broadcast_in_dim3A_320 : vector<16xi1>, vector<16xf32>
      %swap3A_321 = arith.constant 0 : i32
      %swap3A_322 = arith.index_cast %swap3A_321 : i32 to index
      %swap3A_323 = arith.constant 0 : index
      %swap3A_324 = tpu.vector_load %arg13[%swap3A_322, %swap3A_323] {strides = array<i32>} : memref<8x128xf32, #tpu.memory_space<vmem>>, vector<16xf32>,
      tpu.vector_store %arg13[%swap3A_322, %swap3A_323], %select_n3A {strides = array<i32>} : memref<8x128xf32, #tpu.memory_space<vmem>>, vector<16xf32>,
      %get3A_325 = arith.constant 0 : i32
      %get3A_326 = arith.index_cast %get3A_325 : i32 to index
      %get3A_327 = arith.constant 16 : index
      %get3A_328 = tpu.vector_load %arg12[%get3A_326, %get3A_327] {strides = array<i32>} : memref<16x128xf32, #tpu.memory_space<vmem>>, vector<16xf32>,
      %scan3A_329 = arith.constant 1 : i32
      %scan3A_330 = arith.constant 15 : i32
      %scan3A_331 = arith.addi %scan3A_329, %scan3A_330 : i32
      %scan3A_332 = arith.constant 1 : i32
      %scan3A_333 = scf.for %scan3A_486 = %scan3A_329 to %scan3A_331 step %scan3A_332 iter_args(%scan3A_487 = %get3A_328) -> (vector<16xf32>)  : i32 {
        %get3A_488 = arith.index_cast %scan3A_486 : i32 to index
        %get3A_489 = arith.constant 16 : index
        %get3A_490 = tpu.vector_load %arg12[%get3A_488, %get3A_489] {strides = array<i32>} : memref<16x128xf32, #tpu.memory_space<vmem>>, vector<16xf32>,
        %add3A_491 = arith.addf %scan3A_487, %get3A_490 : vector<16xf32>
        scf.yield %add3A_491 : vector<16xf32>
      }
      %scan3A_334 = arith.constant 15 : i32
      %gt3A_335 = arith.constant 0.000000e+00 : f32
      %gt3A_336 = vector.broadcast %gt3A_335 : f32 to vector<16xf32>
      %gt3A_337 = arith.cmpf ogt, %scan3A_333, %gt3A_336 : vector<16xf32>
      %div3A_338 = arith.constant 1.000000e+00 : f32
      %div3A_339 = vector.broadcast %div3A_338 : f32 to vector<16xf32>
      %div3A_340 = arith.divf %div3A_339, %scan3A_333 : vector<16xf32>
      %jit3A_341 = arith.constant 0.000000e+00 : f32
      %broadcast_in_dim3A_342 = vector.broadcast %jit3A_341 : f32 to vector<16xf32>
      %select_n3A_343 = arith.select %gt3A_337, %div3A_340, %broadcast_in_dim3A_342 : vector<16xi1>, vector<16xf32>
      %swap3A_344 = arith.constant 0 : i32
      %swap3A_345 = arith.index_cast %swap3A_344 : i32 to index
      %swap3A_346 = arith.constant 16 : index
      %swap3A_347 = tpu.vector_load %arg13[%swap3A_345, %swap3A_346] {strides = array<i32>} : memref<8x128xf32, #tpu.memory_space<vmem>>, vector<16xf32>,
      tpu.vector_store %arg13[%swap3A_345, %swap3A_346], %select_n3A_343 {strides = array<i32>} : memref<8x128xf32, #tpu.memory_space<vmem>>, vector<16xf32>,
      %get3A_348 = arith.constant 0 : i32
      %get3A_349 = arith.index_cast %get3A_348 : i32 to index
      %get3A_350 = arith.constant 32 : index
      %get3A_351 = tpu.vector_load %arg12[%get3A_349, %get3A_350] {strides = array<i32>} : memref<16x128xf32, #tpu.memory_space<vmem>>, vector<16xf32>,
      %scan3A_352 = arith.constant 1 : i32
      %scan3A_353 = arith.constant 15 : i32
      %scan3A_354 = arith.addi %scan3A_352, %scan3A_353 : i32
      %scan3A_355 = arith.constant 1 : i32
      %scan3A_356 = scf.for %scan3A_486 = %scan3A_352 to %scan3A_354 step %scan3A_355 iter_args(%scan3A_487 = %get3A_351) -> (vector<16xf32>)  : i32 {
        %get3A_488 = arith.index_cast %scan3A_486 : i32 to index
        %get3A_489 = arith.constant 32 : index
        %get3A_490 = tpu.vector_load %arg12[%get3A_488, %get3A_489] {strides = array<i32>} : memref<16x128xf32, #tpu.memory_space<vmem>>, vector<16xf32>,
        %add3A_491 = arith.addf %scan3A_487, %get3A_490 : vector<16xf32>
        scf.yield %add3A_491 : vector<16xf32>
      }
      %scan3A_357 = arith.constant 15 : i32
      %gt3A_358 = arith.constant 0.000000e+00 : f32
      %gt3A_359 = vector.broadcast %gt3A_358 : f32 to vector<16xf32>
      %gt3A_360 = arith.cmpf ogt, %scan3A_356, %gt3A_359 : vector<16xf32>
      %div3A_361 = arith.constant 1.000000e+00 : f32
      %div3A_362 = vector.broadcast %div3A_361 : f32 to vector<16xf32>
      %div3A_363 = arith.divf %div3A_362, %scan3A_356 : vector<16xf32>
      %jit3A_364 = arith.constant 0.000000e+00 : f32
      %broadcast_in_dim3A_365 = vector.broadcast %jit3A_364 : f32 to vector<16xf32>
      %select_n3A_366 = arith.select %gt3A_360, %div3A_363, %broadcast_in_dim3A_365 : vector<16xi1>, vector<16xf32>
      %swap3A_367 = arith.constant 0 : i32
      %swap3A_368 = arith.index_cast %swap3A_367 : i32 to index
      %swap3A_369 = arith.constant 32 : index
      %swap3A_370 = tpu.vector_load %arg13[%swap3A_368, %swap3A_369] {strides = array<i32>} : memref<8x128xf32, #tpu.memory_space<vmem>>, vector<16xf32>,
      tpu.vector_store %arg13[%swap3A_368, %swap3A_369], %select_n3A_366 {strides = array<i32>} : memref<8x128xf32, #tpu.memory_space<vmem>>, vector<16xf32>,
      %get3A_371 = arith.constant 0 : i32
      %get3A_372 = arith.index_cast %get3A_371 : i32 to index
      %get3A_373 = arith.constant 48 : index
      %get3A_374 = tpu.vector_load %arg12[%get3A_372, %get3A_373] {strides = array<i32>} : memref<16x128xf32, #tpu.memory_space<vmem>>, vector<16xf32>,
      %scan3A_375 = arith.constant 1 : i32
      %scan3A_376 = arith.constant 15 : i32
      %scan3A_377 = arith.addi %scan3A_375, %scan3A_376 : i32
      %scan3A_378 = arith.constant 1 : i32
      %scan3A_379 = scf.for %scan3A_486 = %scan3A_375 to %scan3A_377 step %scan3A_378 iter_args(%scan3A_487 = %get3A_374) -> (vector<16xf32>)  : i32 {
        %get3A_488 = arith.index_cast %scan3A_486 : i32 to index
        %get3A_489 = arith.constant 48 : index
        %get3A_490 = tpu.vector_load %arg12[%get3A_488, %get3A_489] {strides = array<i32>} : memref<16x128xf32, #tpu.memory_space<vmem>>, vector<16xf32>,
        %add3A_491 = arith.addf %scan3A_487, %get3A_490 : vector<16xf32>
        scf.yield %add3A_491 : vector<16xf32>
      }
      %scan3A_380 = arith.constant 15 : i32
      %gt3A_381 = arith.constant 0.000000e+00 : f32
      %gt3A_382 = vector.broadcast %gt3A_381 : f32 to vector<16xf32>
      %gt3A_383 = arith.cmpf ogt, %scan3A_379, %gt3A_382 : vector<16xf32>
      %div3A_384 = arith.constant 1.000000e+00 : f32
      %div3A_385 = vector.broadcast %div3A_384 : f32 to vector<16xf32>
      %div3A_386 = arith.divf %div3A_385, %scan3A_379 : vector<16xf32>
      %jit3A_387 = arith.constant 0.000000e+00 : f32
      %broadcast_in_dim3A_388 = vector.broadcast %jit3A_387 : f32 to vector<16xf32>
      %select_n3A_389 = arith.select %gt3A_383, %div3A_386, %broadcast_in_dim3A_388 : vector<16xi1>, vector<16xf32>
      %swap3A_390 = arith.constant 0 : i32
      %swap3A_391 = arith.index_cast %swap3A_390 : i32 to index
      %swap3A_392 = arith.constant 48 : index
      %swap3A_393 = tpu.vector_load %arg13[%swap3A_391, %swap3A_392] {strides = array<i32>} : memref<8x128xf32, #tpu.memory_space<vmem>>, vector<16xf32>,
      tpu.vector_store %arg13[%swap3A_391, %swap3A_392], %select_n3A_389 {strides = array<i32>} : memref<8x128xf32, #tpu.memory_space<vmem>>, vector<16xf32>,
      %get3A_394 = arith.constant 0 : i32
      %get3A_395 = arith.index_cast %get3A_394 : i32 to index
      %get3A_396 = arith.constant 64 : index
      %get3A_397 = tpu.vector_load %arg12[%get3A_395, %get3A_396] {strides = array<i32>} : memref<16x128xf32, #tpu.memory_space<vmem>>, vector<16xf32>,
      %scan3A_398 = arith.constant 1 : i32
      %scan3A_399 = arith.constant 15 : i32
      %scan3A_400 = arith.addi %scan3A_398, %scan3A_399 : i32
      %scan3A_401 = arith.constant 1 : i32
      %scan3A_402 = scf.for %scan3A_486 = %scan3A_398 to %scan3A_400 step %scan3A_401 iter_args(%scan3A_487 = %get3A_397) -> (vector<16xf32>)  : i32 {
        %get3A_488 = arith.index_cast %scan3A_486 : i32 to index
        %get3A_489 = arith.constant 64 : index
        %get3A_490 = tpu.vector_load %arg12[%get3A_488, %get3A_489] {strides = array<i32>} : memref<16x128xf32, #tpu.memory_space<vmem>>, vector<16xf32>,
        %add3A_491 = arith.addf %scan3A_487, %get3A_490 : vector<16xf32>
        scf.yield %add3A_491 : vector<16xf32>
      }
      %scan3A_403 = arith.constant 15 : i32
      %gt3A_404 = arith.constant 0.000000e+00 : f32
      %gt3A_405 = vector.broadcast %gt3A_404 : f32 to vector<16xf32>
      %gt3A_406 = arith.cmpf ogt, %scan3A_402, %gt3A_405 : vector<16xf32>
      %div3A_407 = arith.constant 1.000000e+00 : f32
      %div3A_408 = vector.broadcast %div3A_407 : f32 to vector<16xf32>
      %div3A_409 = arith.divf %div3A_408, %scan3A_402 : vector<16xf32>
      %jit3A_410 = arith.constant 0.000000e+00 : f32
      %broadcast_in_dim3A_411 = vector.broadcast %jit3A_410 : f32 to vector<16xf32>
      %select_n3A_412 = arith.select %gt3A_406, %div3A_409, %broadcast_in_dim3A_411 : vector<16xi1>, vector<16xf32>
      %swap3A_413 = arith.constant 0 : i32
      %swap3A_414 = arith.index_cast %swap3A_413 : i32 to index
      %swap3A_415 = arith.constant 64 : index
      %swap3A_416 = tpu.vector_load %arg13[%swap3A_414, %swap3A_415] {strides = array<i32>} : memref<8x128xf32, #tpu.memory_space<vmem>>, vector<16xf32>,
      tpu.vector_store %arg13[%swap3A_414, %swap3A_415], %select_n3A_412 {strides = array<i32>} : memref<8x128xf32, #tpu.memory_space<vmem>>, vector<16xf32>,
      %get3A_417 = arith.constant 0 : i32
      %get3A_418 = arith.index_cast %get3A_417 : i32 to index
      %get3A_419 = arith.constant 80 : index
      %get3A_420 = tpu.vector_load %arg12[%get3A_418, %get3A_419] {strides = array<i32>} : memref<16x128xf32, #tpu.memory_space<vmem>>, vector<16xf32>,
      %scan3A_421 = arith.constant 1 : i32
      %scan3A_422 = arith.constant 15 : i32
      %scan3A_423 = arith.addi %scan3A_421, %scan3A_422 : i32
      %scan3A_424 = arith.constant 1 : i32
      %scan3A_425 = scf.for %scan3A_486 = %scan3A_421 to %scan3A_423 step %scan3A_424 iter_args(%scan3A_487 = %get3A_420) -> (vector<16xf32>)  : i32 {
        %get3A_488 = arith.index_cast %scan3A_486 : i32 to index
        %get3A_489 = arith.constant 80 : index
        %get3A_490 = tpu.vector_load %arg12[%get3A_488, %get3A_489] {strides = array<i32>} : memref<16x128xf32, #tpu.memory_space<vmem>>, vector<16xf32>,
        %add3A_491 = arith.addf %scan3A_487, %get3A_490 : vector<16xf32>
        scf.yield %add3A_491 : vector<16xf32>
      }
      %scan3A_426 = arith.constant 15 : i32
      %gt3A_427 = arith.constant 0.000000e+00 : f32
      %gt3A_428 = vector.broadcast %gt3A_427 : f32 to vector<16xf32>
      %gt3A_429 = arith.cmpf ogt, %scan3A_425, %gt3A_428 : vector<16xf32>
      %div3A_430 = arith.constant 1.000000e+00 : f32
      %div3A_431 = vector.broadcast %div3A_430 : f32 to vector<16xf32>
      %div3A_432 = arith.divf %div3A_431, %scan3A_425 : vector<16xf32>
      %jit3A_433 = arith.constant 0.000000e+00 : f32
      %broadcast_in_dim3A_434 = vector.broadcast %jit3A_433 : f32 to vector<16xf32>
      %select_n3A_435 = arith.select %gt3A_429, %div3A_432, %broadcast_in_dim3A_434 : vector<16xi1>, vector<16xf32>
      %swap3A_436 = arith.constant 0 : i32
      %swap3A_437 = arith.index_cast %swap3A_436 : i32 to index
      %swap3A_438 = arith.constant 80 : index
      %swap3A_439 = tpu.vector_load %arg13[%swap3A_437, %swap3A_438] {strides = array<i32>} : memref<8x128xf32, #tpu.memory_space<vmem>>, vector<16xf32>,
      tpu.vector_store %arg13[%swap3A_437, %swap3A_438], %select_n3A_435 {strides = array<i32>} : memref<8x128xf32, #tpu.memory_space<vmem>>, vector<16xf32>,
      %get3A_440 = arith.constant 0 : i32
      %get3A_441 = arith.index_cast %get3A_440 : i32 to index
      %get3A_442 = arith.constant 96 : index
      %get3A_443 = tpu.vector_load %arg12[%get3A_441, %get3A_442] {strides = array<i32>} : memref<16x128xf32, #tpu.memory_space<vmem>>, vector<16xf32>,
      %scan3A_444 = arith.constant 1 : i32
      %scan3A_445 = arith.constant 15 : i32
      %scan3A_446 = arith.addi %scan3A_444, %scan3A_445 : i32
      %scan3A_447 = arith.constant 1 : i32
      %scan3A_448 = scf.for %scan3A_486 = %scan3A_444 to %scan3A_446 step %scan3A_447 iter_args(%scan3A_487 = %get3A_443) -> (vector<16xf32>)  : i32 {
        %get3A_488 = arith.index_cast %scan3A_486 : i32 to index
        %get3A_489 = arith.constant 96 : index
        %get3A_490 = tpu.vector_load %arg12[%get3A_488, %get3A_489] {strides = array<i32>} : memref<16x128xf32, #tpu.memory_space<vmem>>, vector<16xf32>,
        %add3A_491 = arith.addf %scan3A_487, %get3A_490 : vector<16xf32>
        scf.yield %add3A_491 : vector<16xf32>
      }
      %scan3A_449 = arith.constant 15 : i32
      %gt3A_450 = arith.constant 0.000000e+00 : f32
      %gt3A_451 = vector.broadcast %gt3A_450 : f32 to vector<16xf32>
      %gt3A_452 = arith.cmpf ogt, %scan3A_448, %gt3A_451 : vector<16xf32>
      %div3A_453 = arith.constant 1.000000e+00 : f32
      %div3A_454 = vector.broadcast %div3A_453 : f32 to vector<16xf32>
      %div3A_455 = arith.divf %div3A_454, %scan3A_448 : vector<16xf32>
      %jit3A_456 = arith.constant 0.000000e+00 : f32
      %broadcast_in_dim3A_457 = vector.broadcast %jit3A_456 : f32 to vector<16xf32>
      %select_n3A_458 = arith.select %gt3A_452, %div3A_455, %broadcast_in_dim3A_457 : vector<16xi1>, vector<16xf32>
      %swap3A_459 = arith.constant 0 : i32
      %swap3A_460 = arith.index_cast %swap3A_459 : i32 to index
      %swap3A_461 = arith.constant 96 : index
      %swap3A_462 = tpu.vector_load %arg13[%swap3A_460, %swap3A_461] {strides = array<i32>} : memref<8x128xf32, #tpu.memory_space<vmem>>, vector<16xf32>,
      tpu.vector_store %arg13[%swap3A_460, %swap3A_461], %select_n3A_458 {strides = array<i32>} : memref<8x128xf32, #tpu.memory_space<vmem>>, vector<16xf32>,
      %get3A_463 = arith.constant 0 : i32
      %get3A_464 = arith.index_cast %get3A_463 : i32 to index
      %get3A_465 = arith.constant 112 : index
      %get3A_466 = tpu.vector_load %arg12[%get3A_464, %get3A_465] {strides = array<i32>} : memref<16x128xf32, #tpu.memory_space<vmem>>, vector<16xf32>,
      %scan3A_467 = arith.constant 1 : i32
      %scan3A_468 = arith.constant 15 : i32
      %scan3A_469 = arith.addi %scan3A_467, %scan3A_468 : i32
      %scan3A_470 = arith.constant 1 : i32
      %scan3A_471 = scf.for %scan3A_486 = %scan3A_467 to %scan3A_469 step %scan3A_470 iter_args(%scan3A_487 = %get3A_466) -> (vector<16xf32>)  : i32 {
        %get3A_488 = arith.index_cast %scan3A_486 : i32 to index
        %get3A_489 = arith.constant 112 : index
        %get3A_490 = tpu.vector_load %arg12[%get3A_488, %get3A_489] {strides = array<i32>} : memref<16x128xf32, #tpu.memory_space<vmem>>, vector<16xf32>,
        %add3A_491 = arith.addf %scan3A_487, %get3A_490 : vector<16xf32>
        scf.yield %add3A_491 : vector<16xf32>
      }
      %scan3A_472 = arith.constant 15 : i32
      %gt3A_473 = arith.constant 0.000000e+00 : f32
      %gt3A_474 = vector.broadcast %gt3A_473 : f32 to vector<16xf32>
      %gt3A_475 = arith.cmpf ogt, %scan3A_471, %gt3A_474 : vector<16xf32>
      %div3A_476 = arith.constant 1.000000e+00 : f32
      %div3A_477 = vector.broadcast %div3A_476 : f32 to vector<16xf32>
      %div3A_478 = arith.divf %div3A_477, %scan3A_471 : vector<16xf32>
      %jit3A_479 = arith.constant 0.000000e+00 : f32
      %broadcast_in_dim3A_480 = vector.broadcast %jit3A_479 : f32 to vector<16xf32>
      %select_n3A_481 = arith.select %gt3A_475, %div3A_478, %broadcast_in_dim3A_480 : vector<16xi1>, vector<16xf32>
      %swap3A_482 = arith.constant 0 : i32
      %swap3A_483 = arith.index_cast %swap3A_482 : i32 to index
      %swap3A_484 = arith.constant 112 : index
      %swap3A_485 = tpu.vector_load %arg13[%swap3A_483, %swap3A_484] {strides = array<i32>} : memref<8x128xf32, #tpu.memory_space<vmem>>, vector<16xf32>,
      tpu.vector_store %arg13[%swap3A_483, %swap3A_484], %select_n3A_481 {strides = array<i32>} : memref<8x128xf32, #tpu.memory_space<vmem>>, vector<16xf32>,
      %run_scoped3A = arith.constant 0 : i32
      "tpu.region"() ({
        %run_scoped3A_486 = tpu.sem_alloc : memref<!tpu.dma_semaphore, #tpu.memory_space<semaphore_mem>>
        %dma_start3A_487 = arith.constant 0 : i32
        %dma_start3A_488 = tpu.memref_slice %arg13[%run_scoped3A, %dma_start3A_487] : memref<8x128xf32, #tpu.memory_space<vmem>> -> memref<1x128xf32, #tpu.memory_space<vmem>>
        %dma_start3A_489 = tpu.memref_squeeze %dma_start3A_488 : memref<1x128xf32, #tpu.memory_space<vmem>> -> memref<128xf32, #tpu.memory_space<vmem>>
        %dma_start3A_490 = arith.constant 0 : i32
        %dma_start3A_491 = tpu.memref_slice %arg15[%arg1, %dma_start3A_490] : memref<8x128xf32, #tpu.memory_space<vmem_shared>> -> memref<1x128xf32, #tpu.memory_space<vmem_shared>>
        %dma_start3A_492 = tpu.memref_squeeze %dma_start3A_491 : memref<1x128xf32, #tpu.memory_space<vmem_shared>> -> memref<128xf32, #tpu.memory_space<vmem_shared>>
        %dma_start3A_493 = arith.constant 0 : i32
        %dma_start3A_494 = tpu.memref_slice %arg15[%arg1, %dma_start3A_493] : memref<8x128xf32, #tpu.memory_space<vmem_shared>> -> memref<1x128xf32, #tpu.memory_space<vmem_shared>>
        %dma_start3A_495 = tpu.memref_squeeze %dma_start3A_494 : memref<1x128xf32, #tpu.memory_space<vmem_shared>> -> memref<128xf32, #tpu.memory_space<vmem_shared>>
        %dma_start3A_496 = arith.constant 0 : i32
        %dma_start3A_497 = tpu.memref_slice %arg13[%run_scoped3A, %dma_start3A_496] : memref<8x128xf32, #tpu.memory_space<vmem>> -> memref<1x128xf32, #tpu.memory_space<vmem>>
        %dma_start3A_498 = tpu.memref_squeeze %dma_start3A_497 : memref<1x128xf32, #tpu.memory_space<vmem>> -> memref<128xf32, #tpu.memory_space<vmem>>
        tpu.enqueue_dma source(%dma_start3A_498 : memref<128xf32, #tpu.memory_space<vmem>>) target(%dma_start3A_495 : memref<128xf32, #tpu.memory_space<vmem_shared>>) target_semaphore(%run_scoped3A_486 : memref<!tpu.dma_semaphore, #tpu.memory_space<semaphore_mem>>)
        %dma_wait3A_499 = arith.constant 0 : i32
        %dma_wait3A_500 = tpu.memref_slice %arg13[%run_scoped3A, %dma_wait3A_499] : memref<8x128xf32, #tpu.memory_space<vmem>> -> memref<1x128xf32, #tpu.memory_space<vmem>>
        %dma_wait3A_501 = tpu.memref_squeeze %dma_wait3A_500 : memref<1x128xf32, #tpu.memory_space<vmem>> -> memref<128xf32, #tpu.memory_space<vmem>>
        %dma_wait3A_502 = arith.constant 0 : i32
        %dma_wait3A_503 = tpu.memref_slice %arg15[%arg1, %dma_wait3A_502] : memref<8x128xf32, #tpu.memory_space<vmem_shared>> -> memref<1x128xf32, #tpu.memory_space<vmem_shared>>
        %dma_wait3A_504 = tpu.memref_squeeze %dma_wait3A_503 : memref<1x128xf32, #tpu.memory_space<vmem_shared>> -> memref<128xf32, #tpu.memory_space<vmem_shared>>
        %dma_wait3A_505 = arith.constant 0 : i32
        %dma_wait3A_506 = tpu.memref_slice %arg15[%arg1, %dma_wait3A_505] : memref<8x128xf32, #tpu.memory_space<vmem_shared>> -> memref<1x128xf32, #tpu.memory_space<vmem_shared>>
        %dma_wait3A_507 = tpu.memref_squeeze %dma_wait3A_506 : memref<1x128xf32, #tpu.memory_space<vmem_shared>> -> memref<128xf32, #tpu.memory_space<vmem_shared>>
        %dma_wait3A_508 = arith.constant 0 : i32
        %dma_wait3A_509 = tpu.memref_slice %arg13[%run_scoped3A, %dma_wait3A_508] : memref<8x128xf32, #tpu.memory_space<vmem>> -> memref<1x128xf32, #tpu.memory_space<vmem>>
        %dma_wait3A_510 = tpu.memref_squeeze %dma_wait3A_509 : memref<1x128xf32, #tpu.memory_space<vmem>> -> memref<128xf32, #tpu.memory_space<vmem>>
        tpu.wait_dma2 semaphore(%run_scoped3A_486 : memref<!tpu.dma_semaphore, #tpu.memory_space<semaphore_mem>>) src(%dma_wait3A_510 : memref<128xf32, #tpu.memory_space<vmem>>) dst(%dma_wait3A_507 : memref<128xf32, #tpu.memory_space<vmem_shared>>)
        tpu.yield
      }) : () -> ()
    } else {
    }
    "tpu.trace_stop"() : () -> ()
    "tpu.trace_start"() <{level = 10 : i32, message = "ph2_wait"}> : () -> ()
    %barrier3A_284 = arith.constant 0 : index
    tpu.barrier barrier_id(%barrier3A_284)
    "tpu.region"() ({
      %run_scoped3A = tpu.sem_alloc : memref<!tpu.dma_semaphore, #tpu.memory_space<semaphore_mem>>
      tpu.enqueue_dma source(%arg15 : memref<8x128xf32, #tpu.memory_space<vmem_shared>>) target(%arg13 : memref<8x128xf32, #tpu.memory_space<vmem>>) target_semaphore(%run_scoped3A : memref<!tpu.dma_semaphore, #tpu.memory_space<semaphore_mem>>)
      tpu.wait_dma2 semaphore(%run_scoped3A : memref<!tpu.dma_semaphore, #tpu.memory_space<semaphore_mem>>) src(%arg15 : memref<8x128xf32, #tpu.memory_space<vmem_shared>>) dst(%arg13 : memref<8x128xf32, #tpu.memory_space<vmem>>)
      tpu.yield
    }) : () -> ()
    %dma_wait3A = tpu.memref_slice %arg3[%mul3A_7] : memref<16384xi32, #tpu.memory_space<hbm>> -> memref<512xi32, #tpu.memory_space<hbm>>
    %dma_wait3A_285 = tpu.memref_slice %arg3[%mul3A_7] : memref<16384xi32, #tpu.memory_space<hbm>> -> memref<512xi32, #tpu.memory_space<hbm>>
    tpu.wait_dma2 semaphore(%arg19 : memref<!tpu.dma_semaphore, #tpu.memory_space<semaphore_mem>>) src(%dma_wait3A_285 : memref<512xi32, #tpu.memory_space<hbm>>) dst(%arg10 : memref<512xi32, #tpu.memory_space<vmem>>)
    tpu.wait_dma2 semaphore(%arg18 : memref<!tpu.dma_semaphore, #tpu.memory_space<semaphore_mem>>) src(%arg16 : memref<65536xf32, #tpu.memory_space<vmem_shared>>) dst(%arg6 : memref<65536xf32, #tpu.memory_space<vmem>>)
    %dma_wait3A_286 = arith.constant 0 : i32
    %dma_wait3A_287 = tpu.memref_slice %arg2[%dma_wait3A_286, %mul3A_2] : memref<64x16384xf32, #tpu.memory_space<hbm>> -> memref<64x512xf32, #tpu.memory_space<hbm>>
    %dma_wait3A_288 = arith.constant 0 : i32
    %dma_wait3A_289 = tpu.memref_slice %arg2[%dma_wait3A_288, %mul3A_2] : memref<64x16384xf32, #tpu.memory_space<hbm>> -> memref<64x512xf32, #tpu.memory_space<hbm>>
    tpu.wait_dma2 semaphore(%arg17 : memref<!tpu.dma_semaphore, #tpu.memory_space<semaphore_mem>>) src(%dma_wait3A_289 : memref<64x512xf32, #tpu.memory_space<hbm>>) dst(%arg8 : memref<64x512xf32, #tpu.memory_space<vmem>>)
    %broadcast_in_dim3A_290 = arith.constant 0.000000e+00 : f32
    "tpu.trace_stop"() : () -> ()
    "tpu.trace_start"() <{level = 10 : i32, message = "ph3_main"}> : () -> ()
    %broadcast_in_dim3A_291 = vector.broadcast %broadcast_in_dim3A_290 : f32 to vector<16xf32>
    %parallel_loop3A = arith.constant 0 : i32
    %parallel_loop3A_292 = arith.constant 32 : i32
    %parallel_loop3A_293 = arith.constant 1 : i32
    %parallel_loop3A_294:4 = scf.for %parallel_loop3A_307 = %parallel_loop3A to %parallel_loop3A_292 step %parallel_loop3A_293 iter_args(%parallel_loop3A_308 = %broadcast_in_dim3A_291, %parallel_loop3A_309 = %broadcast_in_dim3A_291, %parallel_loop3A_310 = %broadcast_in_dim3A_291, %parallel_loop3A_311 = %broadcast_in_dim3A_291) -> (vector<16xf32>, vector<16xf32>, vector<16xf32>, vector<16xf32>)  : i32 {
      %parallel_loop3A_312 = arith.constant 16 : i32
      %parallel_loop3A_313 = arith.muli %parallel_loop3A_307, %parallel_loop3A_312 : i32
      %parallel_loop3A_314 = arith.index_cast %parallel_loop3A_313 : i32 to index
      %parallel_loop3A_315 = tpu.vector_load %arg10[%parallel_loop3A_314] {strides = array<i32>} : memref<512xi32, #tpu.memory_space<vmem>>, vector<16xi32>,
      %parallel_loop3A_316 = arith.constant 7 : i32
      %parallel_loop3A_317 = vector.broadcast %parallel_loop3A_316 : i32 to vector<16xi32>
      %parallel_loop3A_318 = arith.shrui %parallel_loop3A_315, %parallel_loop3A_317 : vector<16xi32>
      %parallel_loop3A_319 = arith.constant 127 : i32
      %parallel_loop3A_320 = vector.broadcast %parallel_loop3A_319 : i32 to vector<16xi32>
      %parallel_loop3A_321 = arith.andi %parallel_loop3A_315, %parallel_loop3A_320 : vector<16xi32>
      %parallel_loop3A_322 = tpu.vector_load_idx %arg13[%parallel_loop3A_318, %parallel_loop3A_321] : memref<8x128xf32, #tpu.memory_space<vmem>>[vector<16xi32>, vector<16xi32>], vector<16xf32>,
      %parallel_loop3A_323 = arith.constant 16 : i32
      %parallel_loop3A_324 = arith.muli %parallel_loop3A_307, %parallel_loop3A_323 : i32
      %parallel_loop3A_325 = arith.constant 0 : i32
      %parallel_loop3A_326 = arith.index_cast %parallel_loop3A_325 : i32 to index
      %parallel_loop3A_327 = arith.index_cast %parallel_loop3A_324 : i32 to index
      %parallel_loop3A_328 = tpu.vector_load %arg8[%parallel_loop3A_326, %parallel_loop3A_327] {strides = array<i32>} : memref<64x512xf32, #tpu.memory_space<vmem>>, vector<16xf32>,
      %parallel_loop3A_329 = arith.constant 0 : i32
      %parallel_loop3A_330 = vector.broadcast %parallel_loop3A_329 : i32 to vector<16xi32>
      %parallel_loop3A_331 = arith.addi %parallel_loop3A_315, %parallel_loop3A_330 : vector<16xi32>
      %parallel_loop3A_332 = tpu.vector_load_idx %arg6[%parallel_loop3A_331] : memref<65536xf32, #tpu.memory_space<vmem>>[vector<16xi32>], vector<16xf32>,
      %parallel_loop3A_333 = arith.subf %parallel_loop3A_328, %parallel_loop3A_332 : vector<16xf32>
      %parallel_loop3A_334 = arith.mulf %parallel_loop3A_333, %parallel_loop3A_333 : vector<16xf32>
      %parallel_loop3A_335 = arith.addf %broadcast_in_dim3A_291, %parallel_loop3A_334 : vector<16xf32>
      %parallel_loop3A_336 = arith.constant 16 : i32
      %parallel_loop3A_337 = arith.muli %parallel_loop3A_307, %parallel_loop3A_336 : i32
      %parallel_loop3A_338 = arith.constant 1 : i32
      %parallel_loop3A_339 = arith.index_cast %parallel_loop3A_338 : i32 to index
      %parallel_loop3A_340 = arith.index_cast %parallel_loop3A_337 : i32 to index
      %parallel_loop3A_341 = tpu.vector_load %arg8[%parallel_loop3A_339, %parallel_loop3A_340] {strides = array<i32>} : memref<64x512xf32, #tpu.memory_space<vmem>>, vector<16xf32>,
      %parallel_loop3A_342 = arith.constant 1024 : i32
      %parallel_loop3A_343 = vector.broadcast %parallel_loop3A_342 : i32 to vector<16xi32>
      %parallel_loop3A_344 = arith.addi %parallel_loop3A_315, %parallel_loop3A_343 : vector<16xi32>
      %parallel_loop3A_345 = tpu.vector_load_idx %arg6[%parallel_loop3A_344] : memref<65536xf32, #tpu.memory_space<vmem>>[vector<16xi32>], vector<16xf32>,
      %parallel_loop3A_346 = arith.subf %parallel_loop3A_341, %parallel_loop3A_345 : vector<16xf32>
      %parallel_loop3A_347 = arith.mulf %parallel_loop3A_346, %parallel_loop3A_346 : vector<16xf32>
      %parallel_loop3A_348 = arith.addf %broadcast_in_dim3A_291, %parallel_loop3A_347 : vector<16xf32>
      %parallel_loop3A_349 = arith.constant 16 : i32
      %parallel_loop3A_350 = arith.muli %parallel_loop3A_307, %parallel_loop3A_349 : i32
      %parallel_loop3A_351 = arith.constant 2 : i32
      %parallel_loop3A_352 = arith.index_cast %parallel_loop3A_351 : i32 to index
      %parallel_loop3A_353 = arith.index_cast %parallel_loop3A_350 : i32 to index
      %parallel_loop3A_354 = tpu.vector_load %arg8[%parallel_loop3A_352, %parallel_loop3A_353] {strides = array<i32>} : memref<64x512xf32, #tpu.memory_space<vmem>>, vector<16xf32>,
      %parallel_loop3A_355 = arith.constant 2048 : i32
      %parallel_loop3A_356 = vector.broadcast %parallel_loop3A_355 : i32 to vector<16xi32>
      %parallel_loop3A_357 = arith.addi %parallel_loop3A_315, %parallel_loop3A_356 : vector<16xi32>
      %parallel_loop3A_358 = tpu.vector_load_idx %arg6[%parallel_loop3A_357] : memref<65536xf32, #tpu.memory_space<vmem>>[vector<16xi32>], vector<16xf32>,
      %parallel_loop3A_359 = arith.subf %parallel_loop3A_354, %parallel_loop3A_358 : vector<16xf32>
      %parallel_loop3A_360 = arith.mulf %parallel_loop3A_359, %parallel_loop3A_359 : vector<16xf32>
      %parallel_loop3A_361 = arith.addf %broadcast_in_dim3A_291, %parallel_loop3A_360 : vector<16xf32>
      %parallel_loop3A_362 = arith.constant 16 : i32
      %parallel_loop3A_363 = arith.muli %parallel_loop3A_307, %parallel_loop3A_362 : i32
      %parallel_loop3A_364 = arith.constant 3 : i32
      %parallel_loop3A_365 = arith.index_cast %parallel_loop3A_364 : i32 to index
      %parallel_loop3A_366 = arith.index_cast %parallel_loop3A_363 : i32 to index
      %parallel_loop3A_367 = tpu.vector_load %arg8[%parallel_loop3A_365, %parallel_loop3A_366] {strides = array<i32>} : memref<64x512xf32, #tpu.memory_space<vmem>>, vector<16xf32>,
      %parallel_loop3A_368 = arith.constant 3072 : i32
      %parallel_loop3A_369 = vector.broadcast %parallel_loop3A_368 : i32 to vector<16xi32>
      %parallel_loop3A_370 = arith.addi %parallel_loop3A_315, %parallel_loop3A_369 : vector<16xi32>
      %parallel_loop3A_371 = tpu.vector_load_idx %arg6[%parallel_loop3A_370] : memref<65536xf32, #tpu.memory_space<vmem>>[vector<16xi32>], vector<16xf32>,
      %parallel_loop3A_372 = arith.subf %parallel_loop3A_367, %parallel_loop3A_371 : vector<16xf32>
      %parallel_loop3A_373 = arith.mulf %parallel_loop3A_372, %parallel_loop3A_372 : vector<16xf32>
      %parallel_loop3A_374 = arith.addf %broadcast_in_dim3A_291, %parallel_loop3A_373 : vector<16xf32>
      %parallel_loop3A_375 = arith.constant 16 : i32
      %parallel_loop3A_376 = arith.muli %parallel_loop3A_307, %parallel_loop3A_375 : i32
      %parallel_loop3A_377 = arith.constant 4 : i32
      %parallel_loop3A_378 = arith.index_cast %parallel_loop3A_377 : i32 to index
      %parallel_loop3A_379 = arith.index_cast %parallel_loop3A_376 : i32 to index
      %parallel_loop3A_380 = tpu.vector_load %arg8[%parallel_loop3A_378, %parallel_loop3A_379] {strides = array<i32>} : memref<64x512xf32, #tpu.memory_space<vmem>>, vector<16xf32>,
      %parallel_loop3A_381 = arith.constant 4096 : i32
      %parallel_loop3A_382 = vector.broadcast %parallel_loop3A_381 : i32 to vector<16xi32>
      %parallel_loop3A_383 = arith.addi %parallel_loop3A_315, %parallel_loop3A_382 : vector<16xi32>
      %parallel_loop3A_384 = tpu.vector_load_idx %arg6[%parallel_loop3A_383] : memref<65536xf32, #tpu.memory_space<vmem>>[vector<16xi32>], vector<16xf32>,
      %parallel_loop3A_385 = arith.subf %parallel_loop3A_380, %parallel_loop3A_384 : vector<16xf32>
      %parallel_loop3A_386 = arith.mulf %parallel_loop3A_385, %parallel_loop3A_385 : vector<16xf32>
      %parallel_loop3A_387 = arith.addf %parallel_loop3A_335, %parallel_loop3A_386 : vector<16xf32>
      %parallel_loop3A_388 = arith.constant 16 : i32
      %parallel_loop3A_389 = arith.muli %parallel_loop3A_307, %parallel_loop3A_388 : i32
      %parallel_loop3A_390 = arith.constant 5 : i32
      %parallel_loop3A_391 = arith.index_cast %parallel_loop3A_390 : i32 to index
      %parallel_loop3A_392 = arith.index_cast %parallel_loop3A_389 : i32 to index
      %parallel_loop3A_393 = tpu.vector_load %arg8[%parallel_loop3A_391, %parallel_loop3A_392] {strides = array<i32>} : memref<64x512xf32, #tpu.memory_space<vmem>>, vector<16xf32>,
      %parallel_loop3A_394 = arith.constant 5120 : i32
      %parallel_loop3A_395 = vector.broadcast %parallel_loop3A_394 : i32 to vector<16xi32>
      %parallel_loop3A_396 = arith.addi %parallel_loop3A_315, %parallel_loop3A_395 : vector<16xi32>
      %parallel_loop3A_397 = tpu.vector_load_idx %arg6[%parallel_loop3A_396] : memref<65536xf32, #tpu.memory_space<vmem>>[vector<16xi32>], vector<16xf32>,
      %parallel_loop3A_398 = arith.subf %parallel_loop3A_393, %parallel_loop3A_397 : vector<16xf32>
      %parallel_loop3A_399 = arith.mulf %parallel_loop3A_398, %parallel_loop3A_398 : vector<16xf32>
      %parallel_loop3A_400 = arith.addf %parallel_loop3A_348, %parallel_loop3A_399 : vector<16xf32>
      %parallel_loop3A_401 = arith.constant 16 : i32
      %parallel_loop3A_402 = arith.muli %parallel_loop3A_307, %parallel_loop3A_401 : i32
      %parallel_loop3A_403 = arith.constant 6 : i32
      %parallel_loop3A_404 = arith.index_cast %parallel_loop3A_403 : i32 to index
      %parallel_loop3A_405 = arith.index_cast %parallel_loop3A_402 : i32 to index
      %parallel_loop3A_406 = tpu.vector_load %arg8[%parallel_loop3A_404, %parallel_loop3A_405] {strides = array<i32>} : memref<64x512xf32, #tpu.memory_space<vmem>>, vector<16xf32>,
      %parallel_loop3A_407 = arith.constant 6144 : i32
      %parallel_loop3A_408 = vector.broadcast %parallel_loop3A_407 : i32 to vector<16xi32>
      %parallel_loop3A_409 = arith.addi %parallel_loop3A_315, %parallel_loop3A_408 : vector<16xi32>
      %parallel_loop3A_410 = tpu.vector_load_idx %arg6[%parallel_loop3A_409] : memref<65536xf32, #tpu.memory_space<vmem>>[vector<16xi32>], vector<16xf32>,
      %parallel_loop3A_411 = arith.subf %parallel_loop3A_406, %parallel_loop3A_410 : vector<16xf32>
      %parallel_loop3A_412 = arith.mulf %parallel_loop3A_411, %parallel_loop3A_411 : vector<16xf32>
      %parallel_loop3A_413 = arith.addf %parallel_loop3A_361, %parallel_loop3A_412 : vector<16xf32>
      %parallel_loop3A_414 = arith.constant 16 : i32
      %parallel_loop3A_415 = arith.muli %parallel_loop3A_307, %parallel_loop3A_414 : i32
      %parallel_loop3A_416 = arith.constant 7 : i32
      %parallel_loop3A_417 = arith.index_cast %parallel_loop3A_416 : i32 to index
      %parallel_loop3A_418 = arith.index_cast %parallel_loop3A_415 : i32 to index
      %parallel_loop3A_419 = tpu.vector_load %arg8[%parallel_loop3A_417, %parallel_loop3A_418] {strides = array<i32>} : memref<64x512xf32, #tpu.memory_space<vmem>>, vector<16xf32>,
      %parallel_loop3A_420 = arith.constant 7168 : i32
      %parallel_loop3A_421 = vector.broadcast %parallel_loop3A_420 : i32 to vector<16xi32>
      %parallel_loop3A_422 = arith.addi %parallel_loop3A_315, %parallel_loop3A_421 : vector<16xi32>
      %parallel_loop3A_423 = tpu.vector_load_idx %arg6[%parallel_loop3A_422] : memref<65536xf32, #tpu.memory_space<vmem>>[vector<16xi32>], vector<16xf32>,
      %parallel_loop3A_424 = arith.subf %parallel_loop3A_419, %parallel_loop3A_423 : vector<16xf32>
      %parallel_loop3A_425 = arith.mulf %parallel_loop3A_424, %parallel_loop3A_424 : vector<16xf32>
      %parallel_loop3A_426 = arith.addf %parallel_loop3A_374, %parallel_loop3A_425 : vector<16xf32>
      %parallel_loop3A_427 = arith.constant 16 : i32
      %parallel_loop3A_428 = arith.muli %parallel_loop3A_307, %parallel_loop3A_427 : i32
      %parallel_loop3A_429 = arith.constant 8 : i32
      %parallel_loop3A_430 = arith.index_cast %parallel_loop3A_429 : i32 to index
      %parallel_loop3A_431 = arith.index_cast %parallel_loop3A_428 : i32 to index
      %parallel_loop3A_432 = tpu.vector_load %arg8[%parallel_loop3A_430, %parallel_loop3A_431] {strides = array<i32>} : memref<64x512xf32, #tpu.memory_space<vmem>>, vector<16xf32>,
      %parallel_loop3A_433 = arith.constant 8192 : i32
      %parallel_loop3A_434 = vector.broadcast %parallel_loop3A_433 : i32 to vector<16xi32>
      %parallel_loop3A_435 = arith.addi %parallel_loop3A_315, %parallel_loop3A_434 : vector<16xi32>
      %parallel_loop3A_436 = tpu.vector_load_idx %arg6[%parallel_loop3A_435] : memref<65536xf32, #tpu.memory_space<vmem>>[vector<16xi32>], vector<16xf32>,
      %parallel_loop3A_437 = arith.subf %parallel_loop3A_432, %parallel_loop3A_436 : vector<16xf32>
      %parallel_loop3A_438 = arith.mulf %parallel_loop3A_437, %parallel_loop3A_437 : vector<16xf32>
      %parallel_loop3A_439 = arith.addf %parallel_loop3A_387, %parallel_loop3A_438 : vector<16xf32>
      %parallel_loop3A_440 = arith.constant 16 : i32
      %parallel_loop3A_441 = arith.muli %parallel_loop3A_307, %parallel_loop3A_440 : i32
      %parallel_loop3A_442 = arith.constant 9 : i32
      %parallel_loop3A_443 = arith.index_cast %parallel_loop3A_442 : i32 to index
      %parallel_loop3A_444 = arith.index_cast %parallel_loop3A_441 : i32 to index
      %parallel_loop3A_445 = tpu.vector_load %arg8[%parallel_loop3A_443, %parallel_loop3A_444] {strides = array<i32>} : memref<64x512xf32, #tpu.memory_space<vmem>>, vector<16xf32>,
      %parallel_loop3A_446 = arith.constant 9216 : i32
      %parallel_loop3A_447 = vector.broadcast %parallel_loop3A_446 : i32 to vector<16xi32>
      %parallel_loop3A_448 = arith.addi %parallel_loop3A_315, %parallel_loop3A_447 : vector<16xi32>
      %parallel_loop3A_449 = tpu.vector_load_idx %arg6[%parallel_loop3A_448] : memref<65536xf32, #tpu.memory_space<vmem>>[vector<16xi32>], vector<16xf32>,
      %parallel_loop3A_450 = arith.subf %parallel_loop3A_445, %parallel_loop3A_449 : vector<16xf32>
      %parallel_loop3A_451 = arith.mulf %parallel_loop3A_450, %parallel_loop3A_450 : vector<16xf32>
      %parallel_loop3A_452 = arith.addf %parallel_loop3A_400, %parallel_loop3A_451 : vector<16xf32>
      %parallel_loop3A_453 = arith.constant 16 : i32
      %parallel_loop3A_454 = arith.muli %parallel_loop3A_307, %parallel_loop3A_453 : i32
      %parallel_loop3A_455 = arith.constant 10 : i32
      %parallel_loop3A_456 = arith.index_cast %parallel_loop3A_455 : i32 to index
      %parallel_loop3A_457 = arith.index_cast %parallel_loop3A_454 : i32 to index
      %parallel_loop3A_458 = tpu.vector_load %arg8[%parallel_loop3A_456, %parallel_loop3A_457] {strides = array<i32>} : memref<64x512xf32, #tpu.memory_space<vmem>>, vector<16xf32>,
      %parallel_loop3A_459 = arith.constant 10240 : i32
      %parallel_loop3A_460 = vector.broadcast %parallel_loop3A_459 : i32 to vector<16xi32>
      %parallel_loop3A_461 = arith.addi %parallel_loop3A_315, %parallel_loop3A_460 : vector<16xi32>
      %parallel_loop3A_462 = tpu.vector_load_idx %arg6[%parallel_loop3A_461] : memref<65536xf32, #tpu.memory_space<vmem>>[vector<16xi32>], vector<16xf32>,
      %parallel_loop3A_463 = arith.subf %parallel_loop3A_458, %parallel_loop3A_462 : vector<16xf32>
      %parallel_loop3A_464 = arith.mulf %parallel_loop3A_463, %parallel_loop3A_463 : vector<16xf32>
      %parallel_loop3A_465 = arith.addf %parallel_loop3A_413, %parallel_loop3A_464 : vector<16xf32>
      %parallel_loop3A_466 = arith.constant 16 : i32
      %parallel_loop3A_467 = arith.muli %parallel_loop3A_307, %parallel_loop3A_466 : i32
      %parallel_loop3A_468 = arith.constant 11 : i32
      %parallel_loop3A_469 = arith.index_cast %parallel_loop3A_468 : i32 to index
      %parallel_loop3A_470 = arith.index_cast %parallel_loop3A_467 : i32 to index
      %parallel_loop3A_471 = tpu.vector_load %arg8[%parallel_loop3A_469, %parallel_loop3A_470] {strides = array<i32>} : memref<64x512xf32, #tpu.memory_space<vmem>>, vector<16xf32>,
      %parallel_loop3A_472 = arith.constant 11264 : i32
      %parallel_loop3A_473 = vector.broadcast %parallel_loop3A_472 : i32 to vector<16xi32>
      %parallel_loop3A_474 = arith.addi %parallel_loop3A_315, %parallel_loop3A_473 : vector<16xi32>
      %parallel_loop3A_475 = tpu.vector_load_idx %arg6[%parallel_loop3A_474] : memref<65536xf32, #tpu.memory_space<vmem>>[vector<16xi32>], vector<16xf32>,
      %parallel_loop3A_476 = arith.subf %parallel_loop3A_471, %parallel_loop3A_475 : vector<16xf32>
      %parallel_loop3A_477 = arith.mulf %parallel_loop3A_476, %parallel_loop3A_476 : vector<16xf32>
      %parallel_loop3A_478 = arith.addf %parallel_loop3A_426, %parallel_loop3A_477 : vector<16xf32>
      %parallel_loop3A_479 = arith.constant 16 : i32
      %parallel_loop3A_480 = arith.muli %parallel_loop3A_307, %parallel_loop3A_479 : i32
      %parallel_loop3A_481 = arith.constant 12 : i32
      %parallel_loop3A_482 = arith.index_cast %parallel_loop3A_481 : i32 to index
      %parallel_loop3A_483 = arith.index_cast %parallel_loop3A_480 : i32 to index
      %parallel_loop3A_484 = tpu.vector_load %arg8[%parallel_loop3A_482, %parallel_loop3A_483] {strides = array<i32>} : memref<64x512xf32, #tpu.memory_space<vmem>>, vector<16xf32>,
      %parallel_loop3A_485 = arith.constant 12288 : i32
      %parallel_loop3A_486 = vector.broadcast %parallel_loop3A_485 : i32 to vector<16xi32>
      %parallel_loop3A_487 = arith.addi %parallel_loop3A_315, %parallel_loop3A_486 : vector<16xi32>
      %parallel_loop3A_488 = tpu.vector_load_idx %arg6[%parallel_loop3A_487] : memref<65536xf32, #tpu.memory_space<vmem>>[vector<16xi32>], vector<16xf32>,
      %parallel_loop3A_489 = arith.subf %parallel_loop3A_484, %parallel_loop3A_488 : vector<16xf32>
      %parallel_loop3A_490 = arith.mulf %parallel_loop3A_489, %parallel_loop3A_489 : vector<16xf32>
      %parallel_loop3A_491 = arith.addf %parallel_loop3A_439, %parallel_loop3A_490 : vector<16xf32>
      %parallel_loop3A_492 = arith.constant 16 : i32
      %parallel_loop3A_493 = arith.muli %parallel_loop3A_307, %parallel_loop3A_492 : i32
      %parallel_loop3A_494 = arith.constant 13 : i32
      %parallel_loop3A_495 = arith.index_cast %parallel_loop3A_494 : i32 to index
      %parallel_loop3A_496 = arith.index_cast %parallel_loop3A_493 : i32 to index
      %parallel_loop3A_497 = tpu.vector_load %arg8[%parallel_loop3A_495, %parallel_loop3A_496] {strides = array<i32>} : memref<64x512xf32, #tpu.memory_space<vmem>>, vector<16xf32>,
      %parallel_loop3A_498 = arith.constant 13312 : i32
      %parallel_loop3A_499 = vector.broadcast %parallel_loop3A_498 : i32 to vector<16xi32>
      %parallel_loop3A_500 = arith.addi %parallel_loop3A_315, %parallel_loop3A_499 : vector<16xi32>
      %parallel_loop3A_501 = tpu.vector_load_idx %arg6[%parallel_loop3A_500] : memref<65536xf32, #tpu.memory_space<vmem>>[vector<16xi32>], vector<16xf32>,
      %parallel_loop3A_502 = arith.subf %parallel_loop3A_497, %parallel_loop3A_501 : vector<16xf32>
      %parallel_loop3A_503 = arith.mulf %parallel_loop3A_502, %parallel_loop3A_502 : vector<16xf32>
      %parallel_loop3A_504 = arith.addf %parallel_loop3A_452, %parallel_loop3A_503 : vector<16xf32>
      %parallel_loop3A_505 = arith.constant 16 : i32
      %parallel_loop3A_506 = arith.muli %parallel_loop3A_307, %parallel_loop3A_505 : i32
      %parallel_loop3A_507 = arith.constant 14 : i32
      %parallel_loop3A_508 = arith.index_cast %parallel_loop3A_507 : i32 to index
      %parallel_loop3A_509 = arith.index_cast %parallel_loop3A_506 : i32 to index
      %parallel_loop3A_510 = tpu.vector_load %arg8[%parallel_loop3A_508, %parallel_loop3A_509] {strides = array<i32>} : memref<64x512xf32, #tpu.memory_space<vmem>>, vector<16xf32>,
      %parallel_loop3A_511 = arith.constant 14336 : i32
      %parallel_loop3A_512 = vector.broadcast %parallel_loop3A_511 : i32 to vector<16xi32>
      %parallel_loop3A_513 = arith.addi %parallel_loop3A_315, %parallel_loop3A_512 : vector<16xi32>
      %parallel_loop3A_514 = tpu.vector_load_idx %arg6[%parallel_loop3A_513] : memref<65536xf32, #tpu.memory_space<vmem>>[vector<16xi32>], vector<16xf32>,
      %parallel_loop3A_515 = arith.subf %parallel_loop3A_510, %parallel_loop3A_514 : vector<16xf32>
      %parallel_loop3A_516 = arith.mulf %parallel_loop3A_515, %parallel_loop3A_515 : vector<16xf32>
      %parallel_loop3A_517 = arith.addf %parallel_loop3A_465, %parallel_loop3A_516 : vector<16xf32>
      %parallel_loop3A_518 = arith.constant 16 : i32
      %parallel_loop3A_519 = arith.muli %parallel_loop3A_307, %parallel_loop3A_518 : i32
      %parallel_loop3A_520 = arith.constant 15 : i32
      %parallel_loop3A_521 = arith.index_cast %parallel_loop3A_520 : i32 to index
      %parallel_loop3A_522 = arith.index_cast %parallel_loop3A_519 : i32 to index
      %parallel_loop3A_523 = tpu.vector_load %arg8[%parallel_loop3A_521, %parallel_loop3A_522] {strides = array<i32>} : memref<64x512xf32, #tpu.memory_space<vmem>>, vector<16xf32>,
      %parallel_loop3A_524 = arith.constant 15360 : i32
      %parallel_loop3A_525 = vector.broadcast %parallel_loop3A_524 : i32 to vector<16xi32>
      %parallel_loop3A_526 = arith.addi %parallel_loop3A_315, %parallel_loop3A_525 : vector<16xi32>
      %parallel_loop3A_527 = tpu.vector_load_idx %arg6[%parallel_loop3A_526] : memref<65536xf32, #tpu.memory_space<vmem>>[vector<16xi32>], vector<16xf32>,
      %parallel_loop3A_528 = arith.subf %parallel_loop3A_523, %parallel_loop3A_527 : vector<16xf32>
      %parallel_loop3A_529 = arith.mulf %parallel_loop3A_528, %parallel_loop3A_528 : vector<16xf32>
      %parallel_loop3A_530 = arith.addf %parallel_loop3A_478, %parallel_loop3A_529 : vector<16xf32>
      %parallel_loop3A_531 = arith.constant 16 : i32
      %parallel_loop3A_532 = arith.muli %parallel_loop3A_307, %parallel_loop3A_531 : i32
      %parallel_loop3A_533 = arith.constant 16 : i32
      %parallel_loop3A_534 = arith.index_cast %parallel_loop3A_533 : i32 to index
      %parallel_loop3A_535 = arith.index_cast %parallel_loop3A_532 : i32 to index
      %parallel_loop3A_536 = tpu.vector_load %arg8[%parallel_loop3A_534, %parallel_loop3A_535] {strides = array<i32>} : memref<64x512xf32, #tpu.memory_space<vmem>>, vector<16xf32>,
      %parallel_loop3A_537 = arith.constant 16384 : i32
      %parallel_loop3A_538 = vector.broadcast %parallel_loop3A_537 : i32 to vector<16xi32>
      %parallel_loop3A_539 = arith.addi %parallel_loop3A_315, %parallel_loop3A_538 : vector<16xi32>
      %parallel_loop3A_540 = tpu.vector_load_idx %arg6[%parallel_loop3A_539] : memref<65536xf32, #tpu.memory_space<vmem>>[vector<16xi32>], vector<16xf32>,
      %parallel_loop3A_541 = arith.subf %parallel_loop3A_536, %parallel_loop3A_540 : vector<16xf32>
      %parallel_loop3A_542 = arith.mulf %parallel_loop3A_541, %parallel_loop3A_541 : vector<16xf32>
      %parallel_loop3A_543 = arith.addf %parallel_loop3A_491, %parallel_loop3A_542 : vector<16xf32>
      %parallel_loop3A_544 = arith.constant 16 : i32
      %parallel_loop3A_545 = arith.muli %parallel_loop3A_307, %parallel_loop3A_544 : i32
      %parallel_loop3A_546 = arith.constant 17 : i32
      %parallel_loop3A_547 = arith.index_cast %parallel_loop3A_546 : i32 to index
      %parallel_loop3A_548 = arith.index_cast %parallel_loop3A_545 : i32 to index
      %parallel_loop3A_549 = tpu.vector_load %arg8[%parallel_loop3A_547, %parallel_loop3A_548] {strides = array<i32>} : memref<64x512xf32, #tpu.memory_space<vmem>>, vector<16xf32>,
      %parallel_loop3A_550 = arith.constant 17408 : i32
      %parallel_loop3A_551 = vector.broadcast %parallel_loop3A_550 : i32 to vector<16xi32>
      %parallel_loop3A_552 = arith.addi %parallel_loop3A_315, %parallel_loop3A_551 : vector<16xi32>
      %parallel_loop3A_553 = tpu.vector_load_idx %arg6[%parallel_loop3A_552] : memref<65536xf32, #tpu.memory_space<vmem>>[vector<16xi32>], vector<16xf32>,
      %parallel_loop3A_554 = arith.subf %parallel_loop3A_549, %parallel_loop3A_553 : vector<16xf32>
      %parallel_loop3A_555 = arith.mulf %parallel_loop3A_554, %parallel_loop3A_554 : vector<16xf32>
      %parallel_loop3A_556 = arith.addf %parallel_loop3A_504, %parallel_loop3A_555 : vector<16xf32>
      %parallel_loop3A_557 = arith.constant 16 : i32
      %parallel_loop3A_558 = arith.muli %parallel_loop3A_307, %parallel_loop3A_557 : i32
      %parallel_loop3A_559 = arith.constant 18 : i32
      %parallel_loop3A_560 = arith.index_cast %parallel_loop3A_559 : i32 to index
      %parallel_loop3A_561 = arith.index_cast %parallel_loop3A_558 : i32 to index
      %parallel_loop3A_562 = tpu.vector_load %arg8[%parallel_loop3A_560, %parallel_loop3A_561] {strides = array<i32>} : memref<64x512xf32, #tpu.memory_space<vmem>>, vector<16xf32>,
      %parallel_loop3A_563 = arith.constant 18432 : i32
      %parallel_loop3A_564 = vector.broadcast %parallel_loop3A_563 : i32 to vector<16xi32>
      %parallel_loop3A_565 = arith.addi %parallel_loop3A_315, %parallel_loop3A_564 : vector<16xi32>
      %parallel_loop3A_566 = tpu.vector_load_idx %arg6[%parallel_loop3A_565] : memref<65536xf32, #tpu.memory_space<vmem>>[vector<16xi32>], vector<16xf32>,
      %parallel_loop3A_567 = arith.subf %parallel_loop3A_562, %parallel_loop3A_566 : vector<16xf32>
      %parallel_loop3A_568 = arith.mulf %parallel_loop3A_567, %parallel_loop3A_567 : vector<16xf32>
      %parallel_loop3A_569 = arith.addf %parallel_loop3A_517, %parallel_loop3A_568 : vector<16xf32>
      %parallel_loop3A_570 = arith.constant 16 : i32
      %parallel_loop3A_571 = arith.muli %parallel_loop3A_307, %parallel_loop3A_570 : i32
      %parallel_loop3A_572 = arith.constant 19 : i32
      %parallel_loop3A_573 = arith.index_cast %parallel_loop3A_572 : i32 to index
      %parallel_loop3A_574 = arith.index_cast %parallel_loop3A_571 : i32 to index
      %parallel_loop3A_575 = tpu.vector_load %arg8[%parallel_loop3A_573, %parallel_loop3A_574] {strides = array<i32>} : memref<64x512xf32, #tpu.memory_space<vmem>>, vector<16xf32>,
      %parallel_loop3A_576 = arith.constant 19456 : i32
      %parallel_loop3A_577 = vector.broadcast %parallel_loop3A_576 : i32 to vector<16xi32>
      %parallel_loop3A_578 = arith.addi %parallel_loop3A_315, %parallel_loop3A_577 : vector<16xi32>
      %parallel_loop3A_579 = tpu.vector_load_idx %arg6[%parallel_loop3A_578] : memref<65536xf32, #tpu.memory_space<vmem>>[vector<16xi32>], vector<16xf32>,
      %parallel_loop3A_580 = arith.subf %parallel_loop3A_575, %parallel_loop3A_579 : vector<16xf32>
      %parallel_loop3A_581 = arith.mulf %parallel_loop3A_580, %parallel_loop3A_580 : vector<16xf32>
      %parallel_loop3A_582 = arith.addf %parallel_loop3A_530, %parallel_loop3A_581 : vector<16xf32>
      %parallel_loop3A_583 = arith.constant 16 : i32
      %parallel_loop3A_584 = arith.muli %parallel_loop3A_307, %parallel_loop3A_583 : i32
      %parallel_loop3A_585 = arith.constant 20 : i32
      %parallel_loop3A_586 = arith.index_cast %parallel_loop3A_585 : i32 to index
      %parallel_loop3A_587 = arith.index_cast %parallel_loop3A_584 : i32 to index
      %parallel_loop3A_588 = tpu.vector_load %arg8[%parallel_loop3A_586, %parallel_loop3A_587] {strides = array<i32>} : memref<64x512xf32, #tpu.memory_space<vmem>>, vector<16xf32>,
      %parallel_loop3A_589 = arith.constant 20480 : i32
      %parallel_loop3A_590 = vector.broadcast %parallel_loop3A_589 : i32 to vector<16xi32>
      %parallel_loop3A_591 = arith.addi %parallel_loop3A_315, %parallel_loop3A_590 : vector<16xi32>
      %parallel_loop3A_592 = tpu.vector_load_idx %arg6[%parallel_loop3A_591] : memref<65536xf32, #tpu.memory_space<vmem>>[vector<16xi32>], vector<16xf32>,
      %parallel_loop3A_593 = arith.subf %parallel_loop3A_588, %parallel_loop3A_592 : vector<16xf32>
      %parallel_loop3A_594 = arith.mulf %parallel_loop3A_593, %parallel_loop3A_593 : vector<16xf32>
      %parallel_loop3A_595 = arith.addf %parallel_loop3A_543, %parallel_loop3A_594 : vector<16xf32>
      %parallel_loop3A_596 = arith.constant 16 : i32
      %parallel_loop3A_597 = arith.muli %parallel_loop3A_307, %parallel_loop3A_596 : i32
      %parallel_loop3A_598 = arith.constant 21 : i32
      %parallel_loop3A_599 = arith.index_cast %parallel_loop3A_598 : i32 to index
      %parallel_loop3A_600 = arith.index_cast %parallel_loop3A_597 : i32 to index
      %parallel_loop3A_601 = tpu.vector_load %arg8[%parallel_loop3A_599, %parallel_loop3A_600] {strides = array<i32>} : memref<64x512xf32, #tpu.memory_space<vmem>>, vector<16xf32>,
      %parallel_loop3A_602 = arith.constant 21504 : i32
      %parallel_loop3A_603 = vector.broadcast %parallel_loop3A_602 : i32 to vector<16xi32>
      %parallel_loop3A_604 = arith.addi %parallel_loop3A_315, %parallel_loop3A_603 : vector<16xi32>
      %parallel_loop3A_605 = tpu.vector_load_idx %arg6[%parallel_loop3A_604] : memref<65536xf32, #tpu.memory_space<vmem>>[vector<16xi32>], vector<16xf32>,
      %parallel_loop3A_606 = arith.subf %parallel_loop3A_601, %parallel_loop3A_605 : vector<16xf32>
      %parallel_loop3A_607 = arith.mulf %parallel_loop3A_606, %parallel_loop3A_606 : vector<16xf32>
      %parallel_loop3A_608 = arith.addf %parallel_loop3A_556, %parallel_loop3A_607 : vector<16xf32>
      %parallel_loop3A_609 = arith.constant 16 : i32
      %parallel_loop3A_610 = arith.muli %parallel_loop3A_307, %parallel_loop3A_609 : i32
      %parallel_loop3A_611 = arith.constant 22 : i32
      %parallel_loop3A_612 = arith.index_cast %parallel_loop3A_611 : i32 to index
      %parallel_loop3A_613 = arith.index_cast %parallel_loop3A_610 : i32 to index
      %parallel_loop3A_614 = tpu.vector_load %arg8[%parallel_loop3A_612, %parallel_loop3A_613] {strides = array<i32>} : memref<64x512xf32, #tpu.memory_space<vmem>>, vector<16xf32>,
      %parallel_loop3A_615 = arith.constant 22528 : i32
      %parallel_loop3A_616 = vector.broadcast %parallel_loop3A_615 : i32 to vector<16xi32>
      %parallel_loop3A_617 = arith.addi %parallel_loop3A_315, %parallel_loop3A_616 : vector<16xi32>
      %parallel_loop3A_618 = tpu.vector_load_idx %arg6[%parallel_loop3A_617] : memref<65536xf32, #tpu.memory_space<vmem>>[vector<16xi32>], vector<16xf32>,
      %parallel_loop3A_619 = arith.subf %parallel_loop3A_614, %parallel_loop3A_618 : vector<16xf32>
      %parallel_loop3A_620 = arith.mulf %parallel_loop3A_619, %parallel_loop3A_619 : vector<16xf32>
      %parallel_loop3A_621 = arith.addf %parallel_loop3A_569, %parallel_loop3A_620 : vector<16xf32>
      %parallel_loop3A_622 = arith.constant 16 : i32
      %parallel_loop3A_623 = arith.muli %parallel_loop3A_307, %parallel_loop3A_622 : i32
      %parallel_loop3A_624 = arith.constant 23 : i32
      %parallel_loop3A_625 = arith.index_cast %parallel_loop3A_624 : i32 to index
      %parallel_loop3A_626 = arith.index_cast %parallel_loop3A_623 : i32 to index
      %parallel_loop3A_627 = tpu.vector_load %arg8[%parallel_loop3A_625, %parallel_loop3A_626] {strides = array<i32>} : memref<64x512xf32, #tpu.memory_space<vmem>>, vector<16xf32>,
      %parallel_loop3A_628 = arith.constant 23552 : i32
      %parallel_loop3A_629 = vector.broadcast %parallel_loop3A_628 : i32 to vector<16xi32>
      %parallel_loop3A_630 = arith.addi %parallel_loop3A_315, %parallel_loop3A_629 : vector<16xi32>
      %parallel_loop3A_631 = tpu.vector_load_idx %arg6[%parallel_loop3A_630] : memref<65536xf32, #tpu.memory_space<vmem>>[vector<16xi32>], vector<16xf32>,
      %parallel_loop3A_632 = arith.subf %parallel_loop3A_627, %parallel_loop3A_631 : vector<16xf32>
      %parallel_loop3A_633 = arith.mulf %parallel_loop3A_632, %parallel_loop3A_632 : vector<16xf32>
      %parallel_loop3A_634 = arith.addf %parallel_loop3A_582, %parallel_loop3A_633 : vector<16xf32>
      %parallel_loop3A_635 = arith.constant 16 : i32
      %parallel_loop3A_636 = arith.muli %parallel_loop3A_307, %parallel_loop3A_635 : i32
      %parallel_loop3A_637 = arith.constant 24 : i32
      %parallel_loop3A_638 = arith.index_cast %parallel_loop3A_637 : i32 to index
      %parallel_loop3A_639 = arith.index_cast %parallel_loop3A_636 : i32 to index
      %parallel_loop3A_640 = tpu.vector_load %arg8[%parallel_loop3A_638, %parallel_loop3A_639] {strides = array<i32>} : memref<64x512xf32, #tpu.memory_space<vmem>>, vector<16xf32>,
      %parallel_loop3A_641 = arith.constant 24576 : i32
      %parallel_loop3A_642 = vector.broadcast %parallel_loop3A_641 : i32 to vector<16xi32>
      %parallel_loop3A_643 = arith.addi %parallel_loop3A_315, %parallel_loop3A_642 : vector<16xi32>
      %parallel_loop3A_644 = tpu.vector_load_idx %arg6[%parallel_loop3A_643] : memref<65536xf32, #tpu.memory_space<vmem>>[vector<16xi32>], vector<16xf32>,
      %parallel_loop3A_645 = arith.subf %parallel_loop3A_640, %parallel_loop3A_644 : vector<16xf32>
      %parallel_loop3A_646 = arith.mulf %parallel_loop3A_645, %parallel_loop3A_645 : vector<16xf32>
      %parallel_loop3A_647 = arith.addf %parallel_loop3A_595, %parallel_loop3A_646 : vector<16xf32>
      %parallel_loop3A_648 = arith.constant 16 : i32
      %parallel_loop3A_649 = arith.muli %parallel_loop3A_307, %parallel_loop3A_648 : i32
      %parallel_loop3A_650 = arith.constant 25 : i32
      %parallel_loop3A_651 = arith.index_cast %parallel_loop3A_650 : i32 to index
      %parallel_loop3A_652 = arith.index_cast %parallel_loop3A_649 : i32 to index
      %parallel_loop3A_653 = tpu.vector_load %arg8[%parallel_loop3A_651, %parallel_loop3A_652] {strides = array<i32>} : memref<64x512xf32, #tpu.memory_space<vmem>>, vector<16xf32>,
      %parallel_loop3A_654 = arith.constant 25600 : i32
      %parallel_loop3A_655 = vector.broadcast %parallel_loop3A_654 : i32 to vector<16xi32>
      %parallel_loop3A_656 = arith.addi %parallel_loop3A_315, %parallel_loop3A_655 : vector<16xi32>
      %parallel_loop3A_657 = tpu.vector_load_idx %arg6[%parallel_loop3A_656] : memref<65536xf32, #tpu.memory_space<vmem>>[vector<16xi32>], vector<16xf32>,
      %parallel_loop3A_658 = arith.subf %parallel_loop3A_653, %parallel_loop3A_657 : vector<16xf32>
      %parallel_loop3A_659 = arith.mulf %parallel_loop3A_658, %parallel_loop3A_658 : vector<16xf32>
      %parallel_loop3A_660 = arith.addf %parallel_loop3A_608, %parallel_loop3A_659 : vector<16xf32>
      %parallel_loop3A_661 = arith.constant 16 : i32
      %parallel_loop3A_662 = arith.muli %parallel_loop3A_307, %parallel_loop3A_661 : i32
      %parallel_loop3A_663 = arith.constant 26 : i32
      %parallel_loop3A_664 = arith.index_cast %parallel_loop3A_663 : i32 to index
      %parallel_loop3A_665 = arith.index_cast %parallel_loop3A_662 : i32 to index
      %parallel_loop3A_666 = tpu.vector_load %arg8[%parallel_loop3A_664, %parallel_loop3A_665] {strides = array<i32>} : memref<64x512xf32, #tpu.memory_space<vmem>>, vector<16xf32>,
      %parallel_loop3A_667 = arith.constant 26624 : i32
      %parallel_loop3A_668 = vector.broadcast %parallel_loop3A_667 : i32 to vector<16xi32>
      %parallel_loop3A_669 = arith.addi %parallel_loop3A_315, %parallel_loop3A_668 : vector<16xi32>
      %parallel_loop3A_670 = tpu.vector_load_idx %arg6[%parallel_loop3A_669] : memref<65536xf32, #tpu.memory_space<vmem>>[vector<16xi32>], vector<16xf32>,
      %parallel_loop3A_671 = arith.subf %parallel_loop3A_666, %parallel_loop3A_670 : vector<16xf32>
      %parallel_loop3A_672 = arith.mulf %parallel_loop3A_671, %parallel_loop3A_671 : vector<16xf32>
      %parallel_loop3A_673 = arith.addf %parallel_loop3A_621, %parallel_loop3A_672 : vector<16xf32>
      %parallel_loop3A_674 = arith.constant 16 : i32
      %parallel_loop3A_675 = arith.muli %parallel_loop3A_307, %parallel_loop3A_674 : i32
      %parallel_loop3A_676 = arith.constant 27 : i32
      %parallel_loop3A_677 = arith.index_cast %parallel_loop3A_676 : i32 to index
      %parallel_loop3A_678 = arith.index_cast %parallel_loop3A_675 : i32 to index
      %parallel_loop3A_679 = tpu.vector_load %arg8[%parallel_loop3A_677, %parallel_loop3A_678] {strides = array<i32>} : memref<64x512xf32, #tpu.memory_space<vmem>>, vector<16xf32>,
      %parallel_loop3A_680 = arith.constant 27648 : i32
      %parallel_loop3A_681 = vector.broadcast %parallel_loop3A_680 : i32 to vector<16xi32>
      %parallel_loop3A_682 = arith.addi %parallel_loop3A_315, %parallel_loop3A_681 : vector<16xi32>
      %parallel_loop3A_683 = tpu.vector_load_idx %arg6[%parallel_loop3A_682] : memref<65536xf32, #tpu.memory_space<vmem>>[vector<16xi32>], vector<16xf32>,
      %parallel_loop3A_684 = arith.subf %parallel_loop3A_679, %parallel_loop3A_683 : vector<16xf32>
      %parallel_loop3A_685 = arith.mulf %parallel_loop3A_684, %parallel_loop3A_684 : vector<16xf32>
      %parallel_loop3A_686 = arith.addf %parallel_loop3A_634, %parallel_loop3A_685 : vector<16xf32>
      %parallel_loop3A_687 = arith.constant 16 : i32
      %parallel_loop3A_688 = arith.muli %parallel_loop3A_307, %parallel_loop3A_687 : i32
      %parallel_loop3A_689 = arith.constant 28 : i32
      %parallel_loop3A_690 = arith.index_cast %parallel_loop3A_689 : i32 to index
      %parallel_loop3A_691 = arith.index_cast %parallel_loop3A_688 : i32 to index
      %parallel_loop3A_692 = tpu.vector_load %arg8[%parallel_loop3A_690, %parallel_loop3A_691] {strides = array<i32>} : memref<64x512xf32, #tpu.memory_space<vmem>>, vector<16xf32>,
      %parallel_loop3A_693 = arith.constant 28672 : i32
      %parallel_loop3A_694 = vector.broadcast %parallel_loop3A_693 : i32 to vector<16xi32>
      %parallel_loop3A_695 = arith.addi %parallel_loop3A_315, %parallel_loop3A_694 : vector<16xi32>
      %parallel_loop3A_696 = tpu.vector_load_idx %arg6[%parallel_loop3A_695] : memref<65536xf32, #tpu.memory_space<vmem>>[vector<16xi32>], vector<16xf32>,
      %parallel_loop3A_697 = arith.subf %parallel_loop3A_692, %parallel_loop3A_696 : vector<16xf32>
      %parallel_loop3A_698 = arith.mulf %parallel_loop3A_697, %parallel_loop3A_697 : vector<16xf32>
      %parallel_loop3A_699 = arith.addf %parallel_loop3A_647, %parallel_loop3A_698 : vector<16xf32>
      %parallel_loop3A_700 = arith.constant 16 : i32
      %parallel_loop3A_701 = arith.muli %parallel_loop3A_307, %parallel_loop3A_700 : i32
      %parallel_loop3A_702 = arith.constant 29 : i32
      %parallel_loop3A_703 = arith.index_cast %parallel_loop3A_702 : i32 to index
      %parallel_loop3A_704 = arith.index_cast %parallel_loop3A_701 : i32 to index
      %parallel_loop3A_705 = tpu.vector_load %arg8[%parallel_loop3A_703, %parallel_loop3A_704] {strides = array<i32>} : memref<64x512xf32, #tpu.memory_space<vmem>>, vector<16xf32>,
      %parallel_loop3A_706 = arith.constant 29696 : i32
      %parallel_loop3A_707 = vector.broadcast %parallel_loop3A_706 : i32 to vector<16xi32>
      %parallel_loop3A_708 = arith.addi %parallel_loop3A_315, %parallel_loop3A_707 : vector<16xi32>
      %parallel_loop3A_709 = tpu.vector_load_idx %arg6[%parallel_loop3A_708] : memref<65536xf32, #tpu.memory_space<vmem>>[vector<16xi32>], vector<16xf32>,
      %parallel_loop3A_710 = arith.subf %parallel_loop3A_705, %parallel_loop3A_709 : vector<16xf32>
      %parallel_loop3A_711 = arith.mulf %parallel_loop3A_710, %parallel_loop3A_710 : vector<16xf32>
      %parallel_loop3A_712 = arith.addf %parallel_loop3A_660, %parallel_loop3A_711 : vector<16xf32>
      %parallel_loop3A_713 = arith.constant 16 : i32
      %parallel_loop3A_714 = arith.muli %parallel_loop3A_307, %parallel_loop3A_713 : i32
      %parallel_loop3A_715 = arith.constant 30 : i32
      %parallel_loop3A_716 = arith.index_cast %parallel_loop3A_715 : i32 to index
      %parallel_loop3A_717 = arith.index_cast %parallel_loop3A_714 : i32 to index
      %parallel_loop3A_718 = tpu.vector_load %arg8[%parallel_loop3A_716, %parallel_loop3A_717] {strides = array<i32>} : memref<64x512xf32, #tpu.memory_space<vmem>>, vector<16xf32>,
      %parallel_loop3A_719 = arith.constant 30720 : i32
      %parallel_loop3A_720 = vector.broadcast %parallel_loop3A_719 : i32 to vector<16xi32>
      %parallel_loop3A_721 = arith.addi %parallel_loop3A_315, %parallel_loop3A_720 : vector<16xi32>
      %parallel_loop3A_722 = tpu.vector_load_idx %arg6[%parallel_loop3A_721] : memref<65536xf32, #tpu.memory_space<vmem>>[vector<16xi32>], vector<16xf32>,
      %parallel_loop3A_723 = arith.subf %parallel_loop3A_718, %parallel_loop3A_722 : vector<16xf32>
      %parallel_loop3A_724 = arith.mulf %parallel_loop3A_723, %parallel_loop3A_723 : vector<16xf32>
      %parallel_loop3A_725 = arith.addf %parallel_loop3A_673, %parallel_loop3A_724 : vector<16xf32>
      %parallel_loop3A_726 = arith.constant 16 : i32
      %parallel_loop3A_727 = arith.muli %parallel_loop3A_307, %parallel_loop3A_726 : i32
      %parallel_loop3A_728 = arith.constant 31 : i32
      %parallel_loop3A_729 = arith.index_cast %parallel_loop3A_728 : i32 to index
      %parallel_loop3A_730 = arith.index_cast %parallel_loop3A_727 : i32 to index
      %parallel_loop3A_731 = tpu.vector_load %arg8[%parallel_loop3A_729, %parallel_loop3A_730] {strides = array<i32>} : memref<64x512xf32, #tpu.memory_space<vmem>>, vector<16xf32>,
      %parallel_loop3A_732 = arith.constant 31744 : i32
      %parallel_loop3A_733 = vector.broadcast %parallel_loop3A_732 : i32 to vector<16xi32>
      %parallel_loop3A_734 = arith.addi %parallel_loop3A_315, %parallel_loop3A_733 : vector<16xi32>
      %parallel_loop3A_735 = tpu.vector_load_idx %arg6[%parallel_loop3A_734] : memref<65536xf32, #tpu.memory_space<vmem>>[vector<16xi32>], vector<16xf32>,
      %parallel_loop3A_736 = arith.subf %parallel_loop3A_731, %parallel_loop3A_735 : vector<16xf32>
      %parallel_loop3A_737 = arith.mulf %parallel_loop3A_736, %parallel_loop3A_736 : vector<16xf32>
      %parallel_loop3A_738 = arith.addf %parallel_loop3A_686, %parallel_loop3A_737 : vector<16xf32>
      %parallel_loop3A_739 = arith.constant 16 : i32
      %parallel_loop3A_740 = arith.muli %parallel_loop3A_307, %parallel_loop3A_739 : i32
      %parallel_loop3A_741 = arith.constant 32 : i32
      %parallel_loop3A_742 = arith.index_cast %parallel_loop3A_741 : i32 to index
      %parallel_loop3A_743 = arith.index_cast %parallel_loop3A_740 : i32 to index
      %parallel_loop3A_744 = tpu.vector_load %arg8[%parallel_loop3A_742, %parallel_loop3A_743] {strides = array<i32>} : memref<64x512xf32, #tpu.memory_space<vmem>>, vector<16xf32>,
      %parallel_loop3A_745 = arith.constant 32768 : i32
      %parallel_loop3A_746 = vector.broadcast %parallel_loop3A_745 : i32 to vector<16xi32>
      %parallel_loop3A_747 = arith.addi %parallel_loop3A_315, %parallel_loop3A_746 : vector<16xi32>
      %parallel_loop3A_748 = tpu.vector_load_idx %arg6[%parallel_loop3A_747] : memref<65536xf32, #tpu.memory_space<vmem>>[vector<16xi32>], vector<16xf32>,
      %parallel_loop3A_749 = arith.subf %parallel_loop3A_744, %parallel_loop3A_748 : vector<16xf32>
      %parallel_loop3A_750 = arith.mulf %parallel_loop3A_749, %parallel_loop3A_749 : vector<16xf32>
      %parallel_loop3A_751 = arith.addf %parallel_loop3A_699, %parallel_loop3A_750 : vector<16xf32>
      %parallel_loop3A_752 = arith.constant 16 : i32
      %parallel_loop3A_753 = arith.muli %parallel_loop3A_307, %parallel_loop3A_752 : i32
      %parallel_loop3A_754 = arith.constant 33 : i32
      %parallel_loop3A_755 = arith.index_cast %parallel_loop3A_754 : i32 to index
      %parallel_loop3A_756 = arith.index_cast %parallel_loop3A_753 : i32 to index
      %parallel_loop3A_757 = tpu.vector_load %arg8[%parallel_loop3A_755, %parallel_loop3A_756] {strides = array<i32>} : memref<64x512xf32, #tpu.memory_space<vmem>>, vector<16xf32>,
      %parallel_loop3A_758 = arith.constant 33792 : i32
      %parallel_loop3A_759 = vector.broadcast %parallel_loop3A_758 : i32 to vector<16xi32>
      %parallel_loop3A_760 = arith.addi %parallel_loop3A_315, %parallel_loop3A_759 : vector<16xi32>
      %parallel_loop3A_761 = tpu.vector_load_idx %arg6[%parallel_loop3A_760] : memref<65536xf32, #tpu.memory_space<vmem>>[vector<16xi32>], vector<16xf32>,
      %parallel_loop3A_762 = arith.subf %parallel_loop3A_757, %parallel_loop3A_761 : vector<16xf32>
      %parallel_loop3A_763 = arith.mulf %parallel_loop3A_762, %parallel_loop3A_762 : vector<16xf32>
      %parallel_loop3A_764 = arith.addf %parallel_loop3A_712, %parallel_loop3A_763 : vector<16xf32>
      %parallel_loop3A_765 = arith.constant 16 : i32
      %parallel_loop3A_766 = arith.muli %parallel_loop3A_307, %parallel_loop3A_765 : i32
      %parallel_loop3A_767 = arith.constant 34 : i32
      %parallel_loop3A_768 = arith.index_cast %parallel_loop3A_767 : i32 to index
      %parallel_loop3A_769 = arith.index_cast %parallel_loop3A_766 : i32 to index
      %parallel_loop3A_770 = tpu.vector_load %arg8[%parallel_loop3A_768, %parallel_loop3A_769] {strides = array<i32>} : memref<64x512xf32, #tpu.memory_space<vmem>>, vector<16xf32>,
      %parallel_loop3A_771 = arith.constant 34816 : i32
      %parallel_loop3A_772 = vector.broadcast %parallel_loop3A_771 : i32 to vector<16xi32>
      %parallel_loop3A_773 = arith.addi %parallel_loop3A_315, %parallel_loop3A_772 : vector<16xi32>
      %parallel_loop3A_774 = tpu.vector_load_idx %arg6[%parallel_loop3A_773] : memref<65536xf32, #tpu.memory_space<vmem>>[vector<16xi32>], vector<16xf32>,
      %parallel_loop3A_775 = arith.subf %parallel_loop3A_770, %parallel_loop3A_774 : vector<16xf32>
      %parallel_loop3A_776 = arith.mulf %parallel_loop3A_775, %parallel_loop3A_775 : vector<16xf32>
      %parallel_loop3A_777 = arith.addf %parallel_loop3A_725, %parallel_loop3A_776 : vector<16xf32>
      %parallel_loop3A_778 = arith.constant 16 : i32
      %parallel_loop3A_779 = arith.muli %parallel_loop3A_307, %parallel_loop3A_778 : i32
      %parallel_loop3A_780 = arith.constant 35 : i32
      %parallel_loop3A_781 = arith.index_cast %parallel_loop3A_780 : i32 to index
      %parallel_loop3A_782 = arith.index_cast %parallel_loop3A_779 : i32 to index
      %parallel_loop3A_783 = tpu.vector_load %arg8[%parallel_loop3A_781, %parallel_loop3A_782] {strides = array<i32>} : memref<64x512xf32, #tpu.memory_space<vmem>>, vector<16xf32>,
      %parallel_loop3A_784 = arith.constant 35840 : i32
      %parallel_loop3A_785 = vector.broadcast %parallel_loop3A_784 : i32 to vector<16xi32>
      %parallel_loop3A_786 = arith.addi %parallel_loop3A_315, %parallel_loop3A_785 : vector<16xi32>
      %parallel_loop3A_787 = tpu.vector_load_idx %arg6[%parallel_loop3A_786] : memref<65536xf32, #tpu.memory_space<vmem>>[vector<16xi32>], vector<16xf32>,
      %parallel_loop3A_788 = arith.subf %parallel_loop3A_783, %parallel_loop3A_787 : vector<16xf32>
      %parallel_loop3A_789 = arith.mulf %parallel_loop3A_788, %parallel_loop3A_788 : vector<16xf32>
      %parallel_loop3A_790 = arith.addf %parallel_loop3A_738, %parallel_loop3A_789 : vector<16xf32>
      %parallel_loop3A_791 = arith.constant 16 : i32
      %parallel_loop3A_792 = arith.muli %parallel_loop3A_307, %parallel_loop3A_791 : i32
      %parallel_loop3A_793 = arith.constant 36 : i32
      %parallel_loop3A_794 = arith.index_cast %parallel_loop3A_793 : i32 to index
      %parallel_loop3A_795 = arith.index_cast %parallel_loop3A_792 : i32 to index
      %parallel_loop3A_796 = tpu.vector_load %arg8[%parallel_loop3A_794, %parallel_loop3A_795] {strides = array<i32>} : memref<64x512xf32, #tpu.memory_space<vmem>>, vector<16xf32>,
      %parallel_loop3A_797 = arith.constant 36864 : i32
      %parallel_loop3A_798 = vector.broadcast %parallel_loop3A_797 : i32 to vector<16xi32>
      %parallel_loop3A_799 = arith.addi %parallel_loop3A_315, %parallel_loop3A_798 : vector<16xi32>
      %parallel_loop3A_800 = tpu.vector_load_idx %arg6[%parallel_loop3A_799] : memref<65536xf32, #tpu.memory_space<vmem>>[vector<16xi32>], vector<16xf32>,
      %parallel_loop3A_801 = arith.subf %parallel_loop3A_796, %parallel_loop3A_800 : vector<16xf32>
      %parallel_loop3A_802 = arith.mulf %parallel_loop3A_801, %parallel_loop3A_801 : vector<16xf32>
      %parallel_loop3A_803 = arith.addf %parallel_loop3A_751, %parallel_loop3A_802 : vector<16xf32>
      %parallel_loop3A_804 = arith.constant 16 : i32
      %parallel_loop3A_805 = arith.muli %parallel_loop3A_307, %parallel_loop3A_804 : i32
      %parallel_loop3A_806 = arith.constant 37 : i32
      %parallel_loop3A_807 = arith.index_cast %parallel_loop3A_806 : i32 to index
      %parallel_loop3A_808 = arith.index_cast %parallel_loop3A_805 : i32 to index
      %parallel_loop3A_809 = tpu.vector_load %arg8[%parallel_loop3A_807, %parallel_loop3A_808] {strides = array<i32>} : memref<64x512xf32, #tpu.memory_space<vmem>>, vector<16xf32>,
      %parallel_loop3A_810 = arith.constant 37888 : i32
      %parallel_loop3A_811 = vector.broadcast %parallel_loop3A_810 : i32 to vector<16xi32>
      %parallel_loop3A_812 = arith.addi %parallel_loop3A_315, %parallel_loop3A_811 : vector<16xi32>
      %parallel_loop3A_813 = tpu.vector_load_idx %arg6[%parallel_loop3A_812] : memref<65536xf32, #tpu.memory_space<vmem>>[vector<16xi32>], vector<16xf32>,
      %parallel_loop3A_814 = arith.subf %parallel_loop3A_809, %parallel_loop3A_813 : vector<16xf32>
      %parallel_loop3A_815 = arith.mulf %parallel_loop3A_814, %parallel_loop3A_814 : vector<16xf32>
      %parallel_loop3A_816 = arith.addf %parallel_loop3A_764, %parallel_loop3A_815 : vector<16xf32>
      %parallel_loop3A_817 = arith.constant 16 : i32
      %parallel_loop3A_818 = arith.muli %parallel_loop3A_307, %parallel_loop3A_817 : i32
      %parallel_loop3A_819 = arith.constant 38 : i32
      %parallel_loop3A_820 = arith.index_cast %parallel_loop3A_819 : i32 to index
      %parallel_loop3A_821 = arith.index_cast %parallel_loop3A_818 : i32 to index
      %parallel_loop3A_822 = tpu.vector_load %arg8[%parallel_loop3A_820, %parallel_loop3A_821] {strides = array<i32>} : memref<64x512xf32, #tpu.memory_space<vmem>>, vector<16xf32>,
      %parallel_loop3A_823 = arith.constant 38912 : i32
      %parallel_loop3A_824 = vector.broadcast %parallel_loop3A_823 : i32 to vector<16xi32>
      %parallel_loop3A_825 = arith.addi %parallel_loop3A_315, %parallel_loop3A_824 : vector<16xi32>
      %parallel_loop3A_826 = tpu.vector_load_idx %arg6[%parallel_loop3A_825] : memref<65536xf32, #tpu.memory_space<vmem>>[vector<16xi32>], vector<16xf32>,
      %parallel_loop3A_827 = arith.subf %parallel_loop3A_822, %parallel_loop3A_826 : vector<16xf32>
      %parallel_loop3A_828 = arith.mulf %parallel_loop3A_827, %parallel_loop3A_827 : vector<16xf32>
      %parallel_loop3A_829 = arith.addf %parallel_loop3A_777, %parallel_loop3A_828 : vector<16xf32>
      %parallel_loop3A_830 = arith.constant 16 : i32
      %parallel_loop3A_831 = arith.muli %parallel_loop3A_307, %parallel_loop3A_830 : i32
      %parallel_loop3A_832 = arith.constant 39 : i32
      %parallel_loop3A_833 = arith.index_cast %parallel_loop3A_832 : i32 to index
      %parallel_loop3A_834 = arith.index_cast %parallel_loop3A_831 : i32 to index
      %parallel_loop3A_835 = tpu.vector_load %arg8[%parallel_loop3A_833, %parallel_loop3A_834] {strides = array<i32>} : memref<64x512xf32, #tpu.memory_space<vmem>>, vector<16xf32>,
      %parallel_loop3A_836 = arith.constant 39936 : i32
      %parallel_loop3A_837 = vector.broadcast %parallel_loop3A_836 : i32 to vector<16xi32>
      %parallel_loop3A_838 = arith.addi %parallel_loop3A_315, %parallel_loop3A_837 : vector<16xi32>
      %parallel_loop3A_839 = tpu.vector_load_idx %arg6[%parallel_loop3A_838] : memref<65536xf32, #tpu.memory_space<vmem>>[vector<16xi32>], vector<16xf32>,
      %parallel_loop3A_840 = arith.subf %parallel_loop3A_835, %parallel_loop3A_839 : vector<16xf32>
      %parallel_loop3A_841 = arith.mulf %parallel_loop3A_840, %parallel_loop3A_840 : vector<16xf32>
      %parallel_loop3A_842 = arith.addf %parallel_loop3A_790, %parallel_loop3A_841 : vector<16xf32>
      %parallel_loop3A_843 = arith.constant 16 : i32
      %parallel_loop3A_844 = arith.muli %parallel_loop3A_307, %parallel_loop3A_843 : i32
      %parallel_loop3A_845 = arith.constant 40 : i32
      %parallel_loop3A_846 = arith.index_cast %parallel_loop3A_845 : i32 to index
      %parallel_loop3A_847 = arith.index_cast %parallel_loop3A_844 : i32 to index
      %parallel_loop3A_848 = tpu.vector_load %arg8[%parallel_loop3A_846, %parallel_loop3A_847] {strides = array<i32>} : memref<64x512xf32, #tpu.memory_space<vmem>>, vector<16xf32>,
      %parallel_loop3A_849 = arith.constant 40960 : i32
      %parallel_loop3A_850 = vector.broadcast %parallel_loop3A_849 : i32 to vector<16xi32>
      %parallel_loop3A_851 = arith.addi %parallel_loop3A_315, %parallel_loop3A_850 : vector<16xi32>
      %parallel_loop3A_852 = tpu.vector_load_idx %arg6[%parallel_loop3A_851] : memref<65536xf32, #tpu.memory_space<vmem>>[vector<16xi32>], vector<16xf32>,
      %parallel_loop3A_853 = arith.subf %parallel_loop3A_848, %parallel_loop3A_852 : vector<16xf32>
      %parallel_loop3A_854 = arith.mulf %parallel_loop3A_853, %parallel_loop3A_853 : vector<16xf32>
      %parallel_loop3A_855 = arith.addf %parallel_loop3A_803, %parallel_loop3A_854 : vector<16xf32>
      %parallel_loop3A_856 = arith.constant 16 : i32
      %parallel_loop3A_857 = arith.muli %parallel_loop3A_307, %parallel_loop3A_856 : i32
      %parallel_loop3A_858 = arith.constant 41 : i32
      %parallel_loop3A_859 = arith.index_cast %parallel_loop3A_858 : i32 to index
      %parallel_loop3A_860 = arith.index_cast %parallel_loop3A_857 : i32 to index
      %parallel_loop3A_861 = tpu.vector_load %arg8[%parallel_loop3A_859, %parallel_loop3A_860] {strides = array<i32>} : memref<64x512xf32, #tpu.memory_space<vmem>>, vector<16xf32>,
      %parallel_loop3A_862 = arith.constant 41984 : i32
      %parallel_loop3A_863 = vector.broadcast %parallel_loop3A_862 : i32 to vector<16xi32>
      %parallel_loop3A_864 = arith.addi %parallel_loop3A_315, %parallel_loop3A_863 : vector<16xi32>
      %parallel_loop3A_865 = tpu.vector_load_idx %arg6[%parallel_loop3A_864] : memref<65536xf32, #tpu.memory_space<vmem>>[vector<16xi32>], vector<16xf32>,
      %parallel_loop3A_866 = arith.subf %parallel_loop3A_861, %parallel_loop3A_865 : vector<16xf32>
      %parallel_loop3A_867 = arith.mulf %parallel_loop3A_866, %parallel_loop3A_866 : vector<16xf32>
      %parallel_loop3A_868 = arith.addf %parallel_loop3A_816, %parallel_loop3A_867 : vector<16xf32>
      %parallel_loop3A_869 = arith.constant 16 : i32
      %parallel_loop3A_870 = arith.muli %parallel_loop3A_307, %parallel_loop3A_869 : i32
      %parallel_loop3A_871 = arith.constant 42 : i32
      %parallel_loop3A_872 = arith.index_cast %parallel_loop3A_871 : i32 to index
      %parallel_loop3A_873 = arith.index_cast %parallel_loop3A_870 : i32 to index
      %parallel_loop3A_874 = tpu.vector_load %arg8[%parallel_loop3A_872, %parallel_loop3A_873] {strides = array<i32>} : memref<64x512xf32, #tpu.memory_space<vmem>>, vector<16xf32>,
      %parallel_loop3A_875 = arith.constant 43008 : i32
      %parallel_loop3A_876 = vector.broadcast %parallel_loop3A_875 : i32 to vector<16xi32>
      %parallel_loop3A_877 = arith.addi %parallel_loop3A_315, %parallel_loop3A_876 : vector<16xi32>
      %parallel_loop3A_878 = tpu.vector_load_idx %arg6[%parallel_loop3A_877] : memref<65536xf32, #tpu.memory_space<vmem>>[vector<16xi32>], vector<16xf32>,
      %parallel_loop3A_879 = arith.subf %parallel_loop3A_874, %parallel_loop3A_878 : vector<16xf32>
      %parallel_loop3A_880 = arith.mulf %parallel_loop3A_879, %parallel_loop3A_879 : vector<16xf32>
      %parallel_loop3A_881 = arith.addf %parallel_loop3A_829, %parallel_loop3A_880 : vector<16xf32>
      %parallel_loop3A_882 = arith.constant 16 : i32
      %parallel_loop3A_883 = arith.muli %parallel_loop3A_307, %parallel_loop3A_882 : i32
      %parallel_loop3A_884 = arith.constant 43 : i32
      %parallel_loop3A_885 = arith.index_cast %parallel_loop3A_884 : i32 to index
      %parallel_loop3A_886 = arith.index_cast %parallel_loop3A_883 : i32 to index
      %parallel_loop3A_887 = tpu.vector_load %arg8[%parallel_loop3A_885, %parallel_loop3A_886] {strides = array<i32>} : memref<64x512xf32, #tpu.memory_space<vmem>>, vector<16xf32>,
      %parallel_loop3A_888 = arith.constant 44032 : i32
      %parallel_loop3A_889 = vector.broadcast %parallel_loop3A_888 : i32 to vector<16xi32>
      %parallel_loop3A_890 = arith.addi %parallel_loop3A_315, %parallel_loop3A_889 : vector<16xi32>
      %parallel_loop3A_891 = tpu.vector_load_idx %arg6[%parallel_loop3A_890] : memref<65536xf32, #tpu.memory_space<vmem>>[vector<16xi32>], vector<16xf32>,
      %parallel_loop3A_892 = arith.subf %parallel_loop3A_887, %parallel_loop3A_891 : vector<16xf32>
      %parallel_loop3A_893 = arith.mulf %parallel_loop3A_892, %parallel_loop3A_892 : vector<16xf32>
      %parallel_loop3A_894 = arith.addf %parallel_loop3A_842, %parallel_loop3A_893 : vector<16xf32>
      %parallel_loop3A_895 = arith.constant 16 : i32
      %parallel_loop3A_896 = arith.muli %parallel_loop3A_307, %parallel_loop3A_895 : i32
      %parallel_loop3A_897 = arith.constant 44 : i32
      %parallel_loop3A_898 = arith.index_cast %parallel_loop3A_897 : i32 to index
      %parallel_loop3A_899 = arith.index_cast %parallel_loop3A_896 : i32 to index
      %parallel_loop3A_900 = tpu.vector_load %arg8[%parallel_loop3A_898, %parallel_loop3A_899] {strides = array<i32>} : memref<64x512xf32, #tpu.memory_space<vmem>>, vector<16xf32>,
      %parallel_loop3A_901 = arith.constant 45056 : i32
      %parallel_loop3A_902 = vector.broadcast %parallel_loop3A_901 : i32 to vector<16xi32>
      %parallel_loop3A_903 = arith.addi %parallel_loop3A_315, %parallel_loop3A_902 : vector<16xi32>
      %parallel_loop3A_904 = tpu.vector_load_idx %arg6[%parallel_loop3A_903] : memref<65536xf32, #tpu.memory_space<vmem>>[vector<16xi32>], vector<16xf32>,
      %parallel_loop3A_905 = arith.subf %parallel_loop3A_900, %parallel_loop3A_904 : vector<16xf32>
      %parallel_loop3A_906 = arith.mulf %parallel_loop3A_905, %parallel_loop3A_905 : vector<16xf32>
      %parallel_loop3A_907 = arith.addf %parallel_loop3A_855, %parallel_loop3A_906 : vector<16xf32>
      %parallel_loop3A_908 = arith.constant 16 : i32
      %parallel_loop3A_909 = arith.muli %parallel_loop3A_307, %parallel_loop3A_908 : i32
      %parallel_loop3A_910 = arith.constant 45 : i32
      %parallel_loop3A_911 = arith.index_cast %parallel_loop3A_910 : i32 to index
      %parallel_loop3A_912 = arith.index_cast %parallel_loop3A_909 : i32 to index
      %parallel_loop3A_913 = tpu.vector_load %arg8[%parallel_loop3A_911, %parallel_loop3A_912] {strides = array<i32>} : memref<64x512xf32, #tpu.memory_space<vmem>>, vector<16xf32>,
      %parallel_loop3A_914 = arith.constant 46080 : i32
      %parallel_loop3A_915 = vector.broadcast %parallel_loop3A_914 : i32 to vector<16xi32>
      %parallel_loop3A_916 = arith.addi %parallel_loop3A_315, %parallel_loop3A_915 : vector<16xi32>
      %parallel_loop3A_917 = tpu.vector_load_idx %arg6[%parallel_loop3A_916] : memref<65536xf32, #tpu.memory_space<vmem>>[vector<16xi32>], vector<16xf32>,
      %parallel_loop3A_918 = arith.subf %parallel_loop3A_913, %parallel_loop3A_917 : vector<16xf32>
      %parallel_loop3A_919 = arith.mulf %parallel_loop3A_918, %parallel_loop3A_918 : vector<16xf32>
      %parallel_loop3A_920 = arith.addf %parallel_loop3A_868, %parallel_loop3A_919 : vector<16xf32>
      %parallel_loop3A_921 = arith.constant 16 : i32
      %parallel_loop3A_922 = arith.muli %parallel_loop3A_307, %parallel_loop3A_921 : i32
      %parallel_loop3A_923 = arith.constant 46 : i32
      %parallel_loop3A_924 = arith.index_cast %parallel_loop3A_923 : i32 to index
      %parallel_loop3A_925 = arith.index_cast %parallel_loop3A_922 : i32 to index
      %parallel_loop3A_926 = tpu.vector_load %arg8[%parallel_loop3A_924, %parallel_loop3A_925] {strides = array<i32>} : memref<64x512xf32, #tpu.memory_space<vmem>>, vector<16xf32>,
      %parallel_loop3A_927 = arith.constant 47104 : i32
      %parallel_loop3A_928 = vector.broadcast %parallel_loop3A_927 : i32 to vector<16xi32>
      %parallel_loop3A_929 = arith.addi %parallel_loop3A_315, %parallel_loop3A_928 : vector<16xi32>
      %parallel_loop3A_930 = tpu.vector_load_idx %arg6[%parallel_loop3A_929] : memref<65536xf32, #tpu.memory_space<vmem>>[vector<16xi32>], vector<16xf32>,
      %parallel_loop3A_931 = arith.subf %parallel_loop3A_926, %parallel_loop3A_930 : vector<16xf32>
      %parallel_loop3A_932 = arith.mulf %parallel_loop3A_931, %parallel_loop3A_931 : vector<16xf32>
      %parallel_loop3A_933 = arith.addf %parallel_loop3A_881, %parallel_loop3A_932 : vector<16xf32>
      %parallel_loop3A_934 = arith.constant 16 : i32
      %parallel_loop3A_935 = arith.muli %parallel_loop3A_307, %parallel_loop3A_934 : i32
      %parallel_loop3A_936 = arith.constant 47 : i32
      %parallel_loop3A_937 = arith.index_cast %parallel_loop3A_936 : i32 to index
      %parallel_loop3A_938 = arith.index_cast %parallel_loop3A_935 : i32 to index
      %parallel_loop3A_939 = tpu.vector_load %arg8[%parallel_loop3A_937, %parallel_loop3A_938] {strides = array<i32>} : memref<64x512xf32, #tpu.memory_space<vmem>>, vector<16xf32>,
      %parallel_loop3A_940 = arith.constant 48128 : i32
      %parallel_loop3A_941 = vector.broadcast %parallel_loop3A_940 : i32 to vector<16xi32>
      %parallel_loop3A_942 = arith.addi %parallel_loop3A_315, %parallel_loop3A_941 : vector<16xi32>
      %parallel_loop3A_943 = tpu.vector_load_idx %arg6[%parallel_loop3A_942] : memref<65536xf32, #tpu.memory_space<vmem>>[vector<16xi32>], vector<16xf32>,
      %parallel_loop3A_944 = arith.subf %parallel_loop3A_939, %parallel_loop3A_943 : vector<16xf32>
      %parallel_loop3A_945 = arith.mulf %parallel_loop3A_944, %parallel_loop3A_944 : vector<16xf32>
      %parallel_loop3A_946 = arith.addf %parallel_loop3A_894, %parallel_loop3A_945 : vector<16xf32>
      %parallel_loop3A_947 = arith.constant 16 : i32
      %parallel_loop3A_948 = arith.muli %parallel_loop3A_307, %parallel_loop3A_947 : i32
      %parallel_loop3A_949 = arith.constant 48 : i32
      %parallel_loop3A_950 = arith.index_cast %parallel_loop3A_949 : i32 to index
      %parallel_loop3A_951 = arith.index_cast %parallel_loop3A_948 : i32 to index
      %parallel_loop3A_952 = tpu.vector_load %arg8[%parallel_loop3A_950, %parallel_loop3A_951] {strides = array<i32>} : memref<64x512xf32, #tpu.memory_space<vmem>>, vector<16xf32>,
      %parallel_loop3A_953 = arith.constant 49152 : i32
      %parallel_loop3A_954 = vector.broadcast %parallel_loop3A_953 : i32 to vector<16xi32>
      %parallel_loop3A_955 = arith.addi %parallel_loop3A_315, %parallel_loop3A_954 : vector<16xi32>
      %parallel_loop3A_956 = tpu.vector_load_idx %arg6[%parallel_loop3A_955] : memref<65536xf32, #tpu.memory_space<vmem>>[vector<16xi32>], vector<16xf32>,
      %parallel_loop3A_957 = arith.subf %parallel_loop3A_952, %parallel_loop3A_956 : vector<16xf32>
      %parallel_loop3A_958 = arith.mulf %parallel_loop3A_957, %parallel_loop3A_957 : vector<16xf32>
      %parallel_loop3A_959 = arith.addf %parallel_loop3A_907, %parallel_loop3A_958 : vector<16xf32>
      %parallel_loop3A_960 = arith.constant 16 : i32
      %parallel_loop3A_961 = arith.muli %parallel_loop3A_307, %parallel_loop3A_960 : i32
      %parallel_loop3A_962 = arith.constant 49 : i32
      %parallel_loop3A_963 = arith.index_cast %parallel_loop3A_962 : i32 to index
      %parallel_loop3A_964 = arith.index_cast %parallel_loop3A_961 : i32 to index
      %parallel_loop3A_965 = tpu.vector_load %arg8[%parallel_loop3A_963, %parallel_loop3A_964] {strides = array<i32>} : memref<64x512xf32, #tpu.memory_space<vmem>>, vector<16xf32>,
      %parallel_loop3A_966 = arith.constant 50176 : i32
      %parallel_loop3A_967 = vector.broadcast %parallel_loop3A_966 : i32 to vector<16xi32>
      %parallel_loop3A_968 = arith.addi %parallel_loop3A_315, %parallel_loop3A_967 : vector<16xi32>
      %parallel_loop3A_969 = tpu.vector_load_idx %arg6[%parallel_loop3A_968] : memref<65536xf32, #tpu.memory_space<vmem>>[vector<16xi32>], vector<16xf32>,
      %parallel_loop3A_970 = arith.subf %parallel_loop3A_965, %parallel_loop3A_969 : vector<16xf32>
      %parallel_loop3A_971 = arith.mulf %parallel_loop3A_970, %parallel_loop3A_970 : vector<16xf32>
      %parallel_loop3A_972 = arith.addf %parallel_loop3A_920, %parallel_loop3A_971 : vector<16xf32>
      %parallel_loop3A_973 = arith.constant 16 : i32
      %parallel_loop3A_974 = arith.muli %parallel_loop3A_307, %parallel_loop3A_973 : i32
      %parallel_loop3A_975 = arith.constant 50 : i32
      %parallel_loop3A_976 = arith.index_cast %parallel_loop3A_975 : i32 to index
      %parallel_loop3A_977 = arith.index_cast %parallel_loop3A_974 : i32 to index
      %parallel_loop3A_978 = tpu.vector_load %arg8[%parallel_loop3A_976, %parallel_loop3A_977] {strides = array<i32>} : memref<64x512xf32, #tpu.memory_space<vmem>>, vector<16xf32>,
      %parallel_loop3A_979 = arith.constant 51200 : i32
      %parallel_loop3A_980 = vector.broadcast %parallel_loop3A_979 : i32 to vector<16xi32>
      %parallel_loop3A_981 = arith.addi %parallel_loop3A_315, %parallel_loop3A_980 : vector<16xi32>
      %parallel_loop3A_982 = tpu.vector_load_idx %arg6[%parallel_loop3A_981] : memref<65536xf32, #tpu.memory_space<vmem>>[vector<16xi32>], vector<16xf32>,
      %parallel_loop3A_983 = arith.subf %parallel_loop3A_978, %parallel_loop3A_982 : vector<16xf32>
      %parallel_loop3A_984 = arith.mulf %parallel_loop3A_983, %parallel_loop3A_983 : vector<16xf32>
      %parallel_loop3A_985 = arith.addf %parallel_loop3A_933, %parallel_loop3A_984 : vector<16xf32>
      %parallel_loop3A_986 = arith.constant 16 : i32
      %parallel_loop3A_987 = arith.muli %parallel_loop3A_307, %parallel_loop3A_986 : i32
      %parallel_loop3A_988 = arith.constant 51 : i32
      %parallel_loop3A_989 = arith.index_cast %parallel_loop3A_988 : i32 to index
      %parallel_loop3A_990 = arith.index_cast %parallel_loop3A_987 : i32 to index
      %parallel_loop3A_991 = tpu.vector_load %arg8[%parallel_loop3A_989, %parallel_loop3A_990] {strides = array<i32>} : memref<64x512xf32, #tpu.memory_space<vmem>>, vector<16xf32>,
      %parallel_loop3A_992 = arith.constant 52224 : i32
      %parallel_loop3A_993 = vector.broadcast %parallel_loop3A_992 : i32 to vector<16xi32>
      %parallel_loop3A_994 = arith.addi %parallel_loop3A_315, %parallel_loop3A_993 : vector<16xi32>
      %parallel_loop3A_995 = tpu.vector_load_idx %arg6[%parallel_loop3A_994] : memref<65536xf32, #tpu.memory_space<vmem>>[vector<16xi32>], vector<16xf32>,
      %parallel_loop3A_996 = arith.subf %parallel_loop3A_991, %parallel_loop3A_995 : vector<16xf32>
      %parallel_loop3A_997 = arith.mulf %parallel_loop3A_996, %parallel_loop3A_996 : vector<16xf32>
      %parallel_loop3A_998 = arith.addf %parallel_loop3A_946, %parallel_loop3A_997 : vector<16xf32>
      %parallel_loop3A_999 = arith.constant 16 : i32
      %parallel_loop3A_1000 = arith.muli %parallel_loop3A_307, %parallel_loop3A_999 : i32
      %parallel_loop3A_1001 = arith.constant 52 : i32
      %parallel_loop3A_1002 = arith.index_cast %parallel_loop3A_1001 : i32 to index
      %parallel_loop3A_1003 = arith.index_cast %parallel_loop3A_1000 : i32 to index
      %parallel_loop3A_1004 = tpu.vector_load %arg8[%parallel_loop3A_1002, %parallel_loop3A_1003] {strides = array<i32>} : memref<64x512xf32, #tpu.memory_space<vmem>>, vector<16xf32>,
      %parallel_loop3A_1005 = arith.constant 53248 : i32
      %parallel_loop3A_1006 = vector.broadcast %parallel_loop3A_1005 : i32 to vector<16xi32>
      %parallel_loop3A_1007 = arith.addi %parallel_loop3A_315, %parallel_loop3A_1006 : vector<16xi32>
      %parallel_loop3A_1008 = tpu.vector_load_idx %arg6[%parallel_loop3A_1007] : memref<65536xf32, #tpu.memory_space<vmem>>[vector<16xi32>], vector<16xf32>,
      %parallel_loop3A_1009 = arith.subf %parallel_loop3A_1004, %parallel_loop3A_1008 : vector<16xf32>
      %parallel_loop3A_1010 = arith.mulf %parallel_loop3A_1009, %parallel_loop3A_1009 : vector<16xf32>
      %parallel_loop3A_1011 = arith.addf %parallel_loop3A_959, %parallel_loop3A_1010 : vector<16xf32>
      %parallel_loop3A_1012 = arith.constant 16 : i32
      %parallel_loop3A_1013 = arith.muli %parallel_loop3A_307, %parallel_loop3A_1012 : i32
      %parallel_loop3A_1014 = arith.constant 53 : i32
      %parallel_loop3A_1015 = arith.index_cast %parallel_loop3A_1014 : i32 to index
      %parallel_loop3A_1016 = arith.index_cast %parallel_loop3A_1013 : i32 to index
      %parallel_loop3A_1017 = tpu.vector_load %arg8[%parallel_loop3A_1015, %parallel_loop3A_1016] {strides = array<i32>} : memref<64x512xf32, #tpu.memory_space<vmem>>, vector<16xf32>,
      %parallel_loop3A_1018 = arith.constant 54272 : i32
      %parallel_loop3A_1019 = vector.broadcast %parallel_loop3A_1018 : i32 to vector<16xi32>
      %parallel_loop3A_1020 = arith.addi %parallel_loop3A_315, %parallel_loop3A_1019 : vector<16xi32>
      %parallel_loop3A_1021 = tpu.vector_load_idx %arg6[%parallel_loop3A_1020] : memref<65536xf32, #tpu.memory_space<vmem>>[vector<16xi32>], vector<16xf32>,
      %parallel_loop3A_1022 = arith.subf %parallel_loop3A_1017, %parallel_loop3A_1021 : vector<16xf32>
      %parallel_loop3A_1023 = arith.mulf %parallel_loop3A_1022, %parallel_loop3A_1022 : vector<16xf32>
      %parallel_loop3A_1024 = arith.addf %parallel_loop3A_972, %parallel_loop3A_1023 : vector<16xf32>
      %parallel_loop3A_1025 = arith.constant 16 : i32
      %parallel_loop3A_1026 = arith.muli %parallel_loop3A_307, %parallel_loop3A_1025 : i32
      %parallel_loop3A_1027 = arith.constant 54 : i32
      %parallel_loop3A_1028 = arith.index_cast %parallel_loop3A_1027 : i32 to index
      %parallel_loop3A_1029 = arith.index_cast %parallel_loop3A_1026 : i32 to index
      %parallel_loop3A_1030 = tpu.vector_load %arg8[%parallel_loop3A_1028, %parallel_loop3A_1029] {strides = array<i32>} : memref<64x512xf32, #tpu.memory_space<vmem>>, vector<16xf32>,
      %parallel_loop3A_1031 = arith.constant 55296 : i32
      %parallel_loop3A_1032 = vector.broadcast %parallel_loop3A_1031 : i32 to vector<16xi32>
      %parallel_loop3A_1033 = arith.addi %parallel_loop3A_315, %parallel_loop3A_1032 : vector<16xi32>
      %parallel_loop3A_1034 = tpu.vector_load_idx %arg6[%parallel_loop3A_1033] : memref<65536xf32, #tpu.memory_space<vmem>>[vector<16xi32>], vector<16xf32>,
      %parallel_loop3A_1035 = arith.subf %parallel_loop3A_1030, %parallel_loop3A_1034 : vector<16xf32>
      %parallel_loop3A_1036 = arith.mulf %parallel_loop3A_1035, %parallel_loop3A_1035 : vector<16xf32>
      %parallel_loop3A_1037 = arith.addf %parallel_loop3A_985, %parallel_loop3A_1036 : vector<16xf32>
      %parallel_loop3A_1038 = arith.constant 16 : i32
      %parallel_loop3A_1039 = arith.muli %parallel_loop3A_307, %parallel_loop3A_1038 : i32
      %parallel_loop3A_1040 = arith.constant 55 : i32
      %parallel_loop3A_1041 = arith.index_cast %parallel_loop3A_1040 : i32 to index
      %parallel_loop3A_1042 = arith.index_cast %parallel_loop3A_1039 : i32 to index
      %parallel_loop3A_1043 = tpu.vector_load %arg8[%parallel_loop3A_1041, %parallel_loop3A_1042] {strides = array<i32>} : memref<64x512xf32, #tpu.memory_space<vmem>>, vector<16xf32>,
      %parallel_loop3A_1044 = arith.constant 56320 : i32
      %parallel_loop3A_1045 = vector.broadcast %parallel_loop3A_1044 : i32 to vector<16xi32>
      %parallel_loop3A_1046 = arith.addi %parallel_loop3A_315, %parallel_loop3A_1045 : vector<16xi32>
      %parallel_loop3A_1047 = tpu.vector_load_idx %arg6[%parallel_loop3A_1046] : memref<65536xf32, #tpu.memory_space<vmem>>[vector<16xi32>], vector<16xf32>,
      %parallel_loop3A_1048 = arith.subf %parallel_loop3A_1043, %parallel_loop3A_1047 : vector<16xf32>
      %parallel_loop3A_1049 = arith.mulf %parallel_loop3A_1048, %parallel_loop3A_1048 : vector<16xf32>
      %parallel_loop3A_1050 = arith.addf %parallel_loop3A_998, %parallel_loop3A_1049 : vector<16xf32>
      %parallel_loop3A_1051 = arith.constant 16 : i32
      %parallel_loop3A_1052 = arith.muli %parallel_loop3A_307, %parallel_loop3A_1051 : i32
      %parallel_loop3A_1053 = arith.constant 56 : i32
      %parallel_loop3A_1054 = arith.index_cast %parallel_loop3A_1053 : i32 to index
      %parallel_loop3A_1055 = arith.index_cast %parallel_loop3A_1052 : i32 to index
      %parallel_loop3A_1056 = tpu.vector_load %arg8[%parallel_loop3A_1054, %parallel_loop3A_1055] {strides = array<i32>} : memref<64x512xf32, #tpu.memory_space<vmem>>, vector<16xf32>,
      %parallel_loop3A_1057 = arith.constant 57344 : i32
      %parallel_loop3A_1058 = vector.broadcast %parallel_loop3A_1057 : i32 to vector<16xi32>
      %parallel_loop3A_1059 = arith.addi %parallel_loop3A_315, %parallel_loop3A_1058 : vector<16xi32>
      %parallel_loop3A_1060 = tpu.vector_load_idx %arg6[%parallel_loop3A_1059] : memref<65536xf32, #tpu.memory_space<vmem>>[vector<16xi32>], vector<16xf32>,
      %parallel_loop3A_1061 = arith.subf %parallel_loop3A_1056, %parallel_loop3A_1060 : vector<16xf32>
      %parallel_loop3A_1062 = arith.mulf %parallel_loop3A_1061, %parallel_loop3A_1061 : vector<16xf32>
      %parallel_loop3A_1063 = arith.addf %parallel_loop3A_1011, %parallel_loop3A_1062 : vector<16xf32>
      %parallel_loop3A_1064 = arith.constant 16 : i32
      %parallel_loop3A_1065 = arith.muli %parallel_loop3A_307, %parallel_loop3A_1064 : i32
      %parallel_loop3A_1066 = arith.constant 57 : i32
      %parallel_loop3A_1067 = arith.index_cast %parallel_loop3A_1066 : i32 to index
      %parallel_loop3A_1068 = arith.index_cast %parallel_loop3A_1065 : i32 to index
      %parallel_loop3A_1069 = tpu.vector_load %arg8[%parallel_loop3A_1067, %parallel_loop3A_1068] {strides = array<i32>} : memref<64x512xf32, #tpu.memory_space<vmem>>, vector<16xf32>,
      %parallel_loop3A_1070 = arith.constant 58368 : i32
      %parallel_loop3A_1071 = vector.broadcast %parallel_loop3A_1070 : i32 to vector<16xi32>
      %parallel_loop3A_1072 = arith.addi %parallel_loop3A_315, %parallel_loop3A_1071 : vector<16xi32>
      %parallel_loop3A_1073 = tpu.vector_load_idx %arg6[%parallel_loop3A_1072] : memref<65536xf32, #tpu.memory_space<vmem>>[vector<16xi32>], vector<16xf32>,
      %parallel_loop3A_1074 = arith.subf %parallel_loop3A_1069, %parallel_loop3A_1073 : vector<16xf32>
      %parallel_loop3A_1075 = arith.mulf %parallel_loop3A_1074, %parallel_loop3A_1074 : vector<16xf32>
      %parallel_loop3A_1076 = arith.addf %parallel_loop3A_1024, %parallel_loop3A_1075 : vector<16xf32>
      %parallel_loop3A_1077 = arith.constant 16 : i32
      %parallel_loop3A_1078 = arith.muli %parallel_loop3A_307, %parallel_loop3A_1077 : i32
      %parallel_loop3A_1079 = arith.constant 58 : i32
      %parallel_loop3A_1080 = arith.index_cast %parallel_loop3A_1079 : i32 to index
      %parallel_loop3A_1081 = arith.index_cast %parallel_loop3A_1078 : i32 to index
      %parallel_loop3A_1082 = tpu.vector_load %arg8[%parallel_loop3A_1080, %parallel_loop3A_1081] {strides = array<i32>} : memref<64x512xf32, #tpu.memory_space<vmem>>, vector<16xf32>,
      %parallel_loop3A_1083 = arith.constant 59392 : i32
      %parallel_loop3A_1084 = vector.broadcast %parallel_loop3A_1083 : i32 to vector<16xi32>
      %parallel_loop3A_1085 = arith.addi %parallel_loop3A_315, %parallel_loop3A_1084 : vector<16xi32>
      %parallel_loop3A_1086 = tpu.vector_load_idx %arg6[%parallel_loop3A_1085] : memref<65536xf32, #tpu.memory_space<vmem>>[vector<16xi32>], vector<16xf32>,
      %parallel_loop3A_1087 = arith.subf %parallel_loop3A_1082, %parallel_loop3A_1086 : vector<16xf32>
      %parallel_loop3A_1088 = arith.mulf %parallel_loop3A_1087, %parallel_loop3A_1087 : vector<16xf32>
      %parallel_loop3A_1089 = arith.addf %parallel_loop3A_1037, %parallel_loop3A_1088 : vector<16xf32>
      %parallel_loop3A_1090 = arith.constant 16 : i32
      %parallel_loop3A_1091 = arith.muli %parallel_loop3A_307, %parallel_loop3A_1090 : i32
      %parallel_loop3A_1092 = arith.constant 59 : i32
      %parallel_loop3A_1093 = arith.index_cast %parallel_loop3A_1092 : i32 to index
      %parallel_loop3A_1094 = arith.index_cast %parallel_loop3A_1091 : i32 to index
      %parallel_loop3A_1095 = tpu.vector_load %arg8[%parallel_loop3A_1093, %parallel_loop3A_1094] {strides = array<i32>} : memref<64x512xf32, #tpu.memory_space<vmem>>, vector<16xf32>,
      %parallel_loop3A_1096 = arith.constant 60416 : i32
      %parallel_loop3A_1097 = vector.broadcast %parallel_loop3A_1096 : i32 to vector<16xi32>
      %parallel_loop3A_1098 = arith.addi %parallel_loop3A_315, %parallel_loop3A_1097 : vector<16xi32>
      %parallel_loop3A_1099 = tpu.vector_load_idx %arg6[%parallel_loop3A_1098] : memref<65536xf32, #tpu.memory_space<vmem>>[vector<16xi32>], vector<16xf32>,
      %parallel_loop3A_1100 = arith.subf %parallel_loop3A_1095, %parallel_loop3A_1099 : vector<16xf32>
      %parallel_loop3A_1101 = arith.mulf %parallel_loop3A_1100, %parallel_loop3A_1100 : vector<16xf32>
      %parallel_loop3A_1102 = arith.addf %parallel_loop3A_1050, %parallel_loop3A_1101 : vector<16xf32>
      %parallel_loop3A_1103 = arith.constant 16 : i32
      %parallel_loop3A_1104 = arith.muli %parallel_loop3A_307, %parallel_loop3A_1103 : i32
      %parallel_loop3A_1105 = arith.constant 60 : i32
      %parallel_loop3A_1106 = arith.index_cast %parallel_loop3A_1105 : i32 to index
      %parallel_loop3A_1107 = arith.index_cast %parallel_loop3A_1104 : i32 to index
      %parallel_loop3A_1108 = tpu.vector_load %arg8[%parallel_loop3A_1106, %parallel_loop3A_1107] {strides = array<i32>} : memref<64x512xf32, #tpu.memory_space<vmem>>, vector<16xf32>,
      %parallel_loop3A_1109 = arith.constant 61440 : i32
      %parallel_loop3A_1110 = vector.broadcast %parallel_loop3A_1109 : i32 to vector<16xi32>
      %parallel_loop3A_1111 = arith.addi %parallel_loop3A_315, %parallel_loop3A_1110 : vector<16xi32>
      %parallel_loop3A_1112 = tpu.vector_load_idx %arg6[%parallel_loop3A_1111] : memref<65536xf32, #tpu.memory_space<vmem>>[vector<16xi32>], vector<16xf32>,
      %parallel_loop3A_1113 = arith.subf %parallel_loop3A_1108, %parallel_loop3A_1112 : vector<16xf32>
      %parallel_loop3A_1114 = arith.mulf %parallel_loop3A_1113, %parallel_loop3A_1113 : vector<16xf32>
      %parallel_loop3A_1115 = arith.addf %parallel_loop3A_1063, %parallel_loop3A_1114 : vector<16xf32>
      %parallel_loop3A_1116 = arith.constant 16 : i32
      %parallel_loop3A_1117 = arith.muli %parallel_loop3A_307, %parallel_loop3A_1116 : i32
      %parallel_loop3A_1118 = arith.constant 61 : i32
      %parallel_loop3A_1119 = arith.index_cast %parallel_loop3A_1118 : i32 to index
      %parallel_loop3A_1120 = arith.index_cast %parallel_loop3A_1117 : i32 to index
      %parallel_loop3A_1121 = tpu.vector_load %arg8[%parallel_loop3A_1119, %parallel_loop3A_1120] {strides = array<i32>} : memref<64x512xf32, #tpu.memory_space<vmem>>, vector<16xf32>,
      %parallel_loop3A_1122 = arith.constant 62464 : i32
      %parallel_loop3A_1123 = vector.broadcast %parallel_loop3A_1122 : i32 to vector<16xi32>
      %parallel_loop3A_1124 = arith.addi %parallel_loop3A_315, %parallel_loop3A_1123 : vector<16xi32>
      %parallel_loop3A_1125 = tpu.vector_load_idx %arg6[%parallel_loop3A_1124] : memref<65536xf32, #tpu.memory_space<vmem>>[vector<16xi32>], vector<16xf32>,
      %parallel_loop3A_1126 = arith.subf %parallel_loop3A_1121, %parallel_loop3A_1125 : vector<16xf32>
      %parallel_loop3A_1127 = arith.mulf %parallel_loop3A_1126, %parallel_loop3A_1126 : vector<16xf32>
      %parallel_loop3A_1128 = arith.addf %parallel_loop3A_1076, %parallel_loop3A_1127 : vector<16xf32>
      %parallel_loop3A_1129 = arith.constant 16 : i32
      %parallel_loop3A_1130 = arith.muli %parallel_loop3A_307, %parallel_loop3A_1129 : i32
      %parallel_loop3A_1131 = arith.constant 62 : i32
      %parallel_loop3A_1132 = arith.index_cast %parallel_loop3A_1131 : i32 to index
      %parallel_loop3A_1133 = arith.index_cast %parallel_loop3A_1130 : i32 to index
      %parallel_loop3A_1134 = tpu.vector_load %arg8[%parallel_loop3A_1132, %parallel_loop3A_1133] {strides = array<i32>} : memref<64x512xf32, #tpu.memory_space<vmem>>, vector<16xf32>,
      %parallel_loop3A_1135 = arith.constant 63488 : i32
      %parallel_loop3A_1136 = vector.broadcast %parallel_loop3A_1135 : i32 to vector<16xi32>
      %parallel_loop3A_1137 = arith.addi %parallel_loop3A_315, %parallel_loop3A_1136 : vector<16xi32>
      %parallel_loop3A_1138 = tpu.vector_load_idx %arg6[%parallel_loop3A_1137] : memref<65536xf32, #tpu.memory_space<vmem>>[vector<16xi32>], vector<16xf32>,
      %parallel_loop3A_1139 = arith.subf %parallel_loop3A_1134, %parallel_loop3A_1138 : vector<16xf32>
      %parallel_loop3A_1140 = arith.mulf %parallel_loop3A_1139, %parallel_loop3A_1139 : vector<16xf32>
      %parallel_loop3A_1141 = arith.addf %parallel_loop3A_1089, %parallel_loop3A_1140 : vector<16xf32>
      %parallel_loop3A_1142 = arith.constant 16 : i32
      %parallel_loop3A_1143 = arith.muli %parallel_loop3A_307, %parallel_loop3A_1142 : i32
      %parallel_loop3A_1144 = arith.constant 63 : i32
      %parallel_loop3A_1145 = arith.index_cast %parallel_loop3A_1144 : i32 to index
      %parallel_loop3A_1146 = arith.index_cast %parallel_loop3A_1143 : i32 to index
      %parallel_loop3A_1147 = tpu.vector_load %arg8[%parallel_loop3A_1145, %parallel_loop3A_1146] {strides = array<i32>} : memref<64x512xf32, #tpu.memory_space<vmem>>, vector<16xf32>,
      %parallel_loop3A_1148 = arith.constant 64512 : i32
      %parallel_loop3A_1149 = vector.broadcast %parallel_loop3A_1148 : i32 to vector<16xi32>
      %parallel_loop3A_1150 = arith.addi %parallel_loop3A_315, %parallel_loop3A_1149 : vector<16xi32>
      %parallel_loop3A_1151 = tpu.vector_load_idx %arg6[%parallel_loop3A_1150] : memref<65536xf32, #tpu.memory_space<vmem>>[vector<16xi32>], vector<16xf32>,
      %parallel_loop3A_1152 = arith.subf %parallel_loop3A_1147, %parallel_loop3A_1151 : vector<16xf32>
      %parallel_loop3A_1153 = arith.mulf %parallel_loop3A_1152, %parallel_loop3A_1152 : vector<16xf32>
      %parallel_loop3A_1154 = arith.addf %parallel_loop3A_1102, %parallel_loop3A_1153 : vector<16xf32>
      %parallel_loop3A_1155 = arith.addf %parallel_loop3A_1115, %parallel_loop3A_1128 : vector<16xf32>
      %parallel_loop3A_1156 = arith.mulf %parallel_loop3A_1155, %parallel_loop3A_322 : vector<16xf32>
      %parallel_loop3A_1157 = arith.addf %parallel_loop3A_308, %parallel_loop3A_1156 : vector<16xf32>
      %parallel_loop3A_1158 = arith.addf %parallel_loop3A_1141, %parallel_loop3A_1154 : vector<16xf32>
      %parallel_loop3A_1159 = arith.mulf %parallel_loop3A_1158, %parallel_loop3A_322 : vector<16xf32>
      %parallel_loop3A_1160 = arith.addf %parallel_loop3A_309, %parallel_loop3A_1159 : vector<16xf32>
      scf.yield %parallel_loop3A_1157, %parallel_loop3A_1160, %parallel_loop3A_310, %parallel_loop3A_311 : vector<16xf32>, vector<16xf32>, vector<16xf32>, vector<16xf32>
    } {sc.loop_unroll_factor = 1 : i64, sc.parallel_access}
    %add3A_295 = arith.addf %parallel_loop3A_294#0, %parallel_loop3A_294#1 : vector<16xf32>
    %add3A_296 = arith.addf %parallel_loop3A_294#2, %parallel_loop3A_294#3 : vector<16xf32>
    %add3A_297 = arith.addf %add3A_295, %add3A_296 : vector<16xf32>
    %swap3A_298 = arith.constant 0 : i32
    "tpu.trace_stop"() : () -> ()
    %swap3A_299 = arith.index_cast %swap3A_298 : i32 to index
    %swap3A_300 = arith.constant 0 : index
    %swap3A_301 = tpu.vector_load %arg11[%swap3A_299, %swap3A_300] {strides = array<i32>} : memref<8x128xf32, #tpu.memory_space<vmem>>, vector<16xf32>,
    tpu.vector_store %arg11[%swap3A_299, %swap3A_300], %add3A_297 {strides = array<i32>} : memref<8x128xf32, #tpu.memory_space<vmem>>, vector<16xf32>,
    "tpu.region"() ({
      %run_scoped3A = tpu.sem_alloc : memref<!tpu.dma_semaphore, #tpu.memory_space<semaphore_mem>>
      %dma_start3A_307 = arith.constant 0 : i32
      %dma_start3A_308 = arith.constant 0 : i32
      %dma_start3A_309 = tpu.memref_slice %arg14[%arg1, %dma_start3A_307, %dma_start3A_308] : memref<16x8x128xf32, #tpu.memory_space<vmem_shared>> -> memref<1x8x128xf32, #tpu.memory_space<vmem_shared>>
      %dma_start3A_310 = tpu.memref_squeeze %dma_start3A_309 : memref<1x8x128xf32, #tpu.memory_space<vmem_shared>> -> memref<8x128xf32, #tpu.memory_space<vmem_shared>>
      %dma_start3A_311 = arith.constant 0 : i32
      %dma_start3A_312 = arith.constant 0 : i32
      %dma_start3A_313 = tpu.memref_slice %arg14[%arg1, %dma_start3A_311, %dma_start3A_312] : memref<16x8x128xf32, #tpu.memory_space<vmem_shared>> -> memref<1x8x128xf32, #tpu.memory_space<vmem_shared>>
      %dma_start3A_314 = tpu.memref_squeeze %dma_start3A_313 : memref<1x8x128xf32, #tpu.memory_space<vmem_shared>> -> memref<8x128xf32, #tpu.memory_space<vmem_shared>>
      tpu.enqueue_dma source(%arg11 : memref<8x128xf32, #tpu.memory_space<vmem>>) target(%dma_start3A_314 : memref<8x128xf32, #tpu.memory_space<vmem_shared>>) target_semaphore(%run_scoped3A : memref<!tpu.dma_semaphore, #tpu.memory_space<semaphore_mem>>)
      %dma_wait3A_315 = arith.constant 0 : i32
      %dma_wait3A_316 = arith.constant 0 : i32
      %dma_wait3A_317 = tpu.memref_slice %arg14[%arg1, %dma_wait3A_315, %dma_wait3A_316] : memref<16x8x128xf32, #tpu.memory_space<vmem_shared>> -> memref<1x8x128xf32, #tpu.memory_space<vmem_shared>>
      %dma_wait3A_318 = tpu.memref_squeeze %dma_wait3A_317 : memref<1x8x128xf32, #tpu.memory_space<vmem_shared>> -> memref<8x128xf32, #tpu.memory_space<vmem_shared>>
      %dma_wait3A_319 = arith.constant 0 : i32
      %dma_wait3A_320 = arith.constant 0 : i32
      %dma_wait3A_321 = tpu.memref_slice %arg14[%arg1, %dma_wait3A_319, %dma_wait3A_320] : memref<16x8x128xf32, #tpu.memory_space<vmem_shared>> -> memref<1x8x128xf32, #tpu.memory_space<vmem_shared>>
      %dma_wait3A_322 = tpu.memref_squeeze %dma_wait3A_321 : memref<1x8x128xf32, #tpu.memory_space<vmem_shared>> -> memref<8x128xf32, #tpu.memory_space<vmem_shared>>
      tpu.wait_dma2 semaphore(%run_scoped3A : memref<!tpu.dma_semaphore, #tpu.memory_space<semaphore_mem>>) src(%arg11 : memref<8x128xf32, #tpu.memory_space<vmem>>) dst(%dma_wait3A_322 : memref<8x128xf32, #tpu.memory_space<vmem_shared>>)
      tpu.yield
    }) : () -> ()
    %barrier3A_302 = arith.constant 0 : index
    tpu.barrier barrier_id(%barrier3A_302)
    %eq3A = arith.constant 0 : i32
    %eq3A_303 = arith.cmpi eq, %arg1, %eq3A : i32
    %convert_element_type3A_304 = arith.extui %eq3A_303 : i1 to i32
    %cond3A_305 = arith.constant 0 : i32
    %cond3A_306 = arith.cmpi ne, %convert_element_type3A_304, %cond3A_305 : i32
    scf.if %cond3A_306 {
      %run_scoped3A = arith.constant 0 : i32
      "tpu.region"() ({
        %run_scoped3A_323 = tpu.sem_alloc : memref<!tpu.dma_semaphore, #tpu.memory_space<semaphore_mem>>
        %dma_start3A_324 = arith.constant 0 : i32
        %dma_start3A_325 = arith.constant 0 : i32
        %dma_start3A_326 = tpu.memref_slice %arg14[%dma_start3A_324, %run_scoped3A, %dma_start3A_325] : memref<16x8x128xf32, #tpu.memory_space<vmem_shared>> -> memref<16x1x128xf32, #tpu.memory_space<vmem_shared>>
        %dma_start3A_327 = tpu.memref_squeeze %dma_start3A_326 : memref<16x1x128xf32, #tpu.memory_space<vmem_shared>> -> memref<16x128xf32, #tpu.memory_space<vmem_shared>>
        %dma_start3A_328 = arith.constant 0 : i32
        %dma_start3A_329 = arith.constant 0 : i32
        %dma_start3A_330 = tpu.memref_slice %arg14[%dma_start3A_328, %run_scoped3A, %dma_start3A_329] : memref<16x8x128xf32, #tpu.memory_space<vmem_shared>> -> memref<16x1x128xf32, #tpu.memory_space<vmem_shared>>
        %dma_start3A_331 = tpu.memref_squeeze %dma_start3A_330 : memref<16x1x128xf32, #tpu.memory_space<vmem_shared>> -> memref<16x128xf32, #tpu.memory_space<vmem_shared>>
        tpu.enqueue_dma source(%dma_start3A_331 : memref<16x128xf32, #tpu.memory_space<vmem_shared>>) target(%arg12 : memref<16x128xf32, #tpu.memory_space<vmem>>) target_semaphore(%run_scoped3A_323 : memref<!tpu.dma_semaphore, #tpu.memory_space<semaphore_mem>>)
        %dma_wait3A_332 = arith.constant 0 : i32
        %dma_wait3A_333 = arith.constant 0 : i32
        %dma_wait3A_334 = tpu.memref_slice %arg14[%dma_wait3A_332, %run_scoped3A, %dma_wait3A_333] : memref<16x8x128xf32, #tpu.memory_space<vmem_shared>> -> memref<16x1x128xf32, #tpu.memory_space<vmem_shared>>
        %dma_wait3A_335 = tpu.memref_squeeze %dma_wait3A_334 : memref<16x1x128xf32, #tpu.memory_space<vmem_shared>> -> memref<16x128xf32, #tpu.memory_space<vmem_shared>>
        %dma_wait3A_336 = arith.constant 0 : i32
        %dma_wait3A_337 = arith.constant 0 : i32
        %dma_wait3A_338 = tpu.memref_slice %arg14[%dma_wait3A_336, %run_scoped3A, %dma_wait3A_337] : memref<16x8x128xf32, #tpu.memory_space<vmem_shared>> -> memref<16x1x128xf32, #tpu.memory_space<vmem_shared>>
        %dma_wait3A_339 = tpu.memref_squeeze %dma_wait3A_338 : memref<16x1x128xf32, #tpu.memory_space<vmem_shared>> -> memref<16x128xf32, #tpu.memory_space<vmem_shared>>
        tpu.wait_dma2 semaphore(%run_scoped3A_323 : memref<!tpu.dma_semaphore, #tpu.memory_space<semaphore_mem>>) src(%dma_wait3A_339 : memref<16x128xf32, #tpu.memory_space<vmem_shared>>) dst(%arg12 : memref<16x128xf32, #tpu.memory_space<vmem>>)
        tpu.yield
      }) : () -> ()
      %get3A = arith.constant 0 : i32
      %get3A_307 = arith.index_cast %get3A : i32 to index
      %get3A_308 = arith.constant 0 : index
      %get3A_309 = tpu.vector_load %arg12[%get3A_307, %get3A_308] {strides = array<i32>} : memref<16x128xf32, #tpu.memory_space<vmem>>, vector<16xf32>,
      %scan3A_310 = arith.constant 1 : i32
      %scan3A_311 = arith.constant 15 : i32
      %scan3A_312 = arith.addi %scan3A_310, %scan3A_311 : i32
      %scan3A_313 = arith.constant 1 : i32
      %scan3A_314 = scf.for %scan3A_323 = %scan3A_310 to %scan3A_312 step %scan3A_313 iter_args(%scan3A_324 = %get3A_309) -> (vector<16xf32>)  : i32 {
        %get3A_325 = arith.index_cast %scan3A_323 : i32 to index
        %get3A_326 = arith.constant 0 : index
        %get3A_327 = tpu.vector_load %arg12[%get3A_325, %get3A_326] {strides = array<i32>} : memref<16x128xf32, #tpu.memory_space<vmem>>, vector<16xf32>,
        %add3A_328 = arith.addf %scan3A_324, %get3A_327 : vector<16xf32>
        scf.yield %add3A_328 : vector<16xf32>
      }
      %scan3A_315 = arith.constant 15 : i32
      %mul3A_316 = arith.constant 9.53674316E-7 : f32
      %mul3A_317 = vector.broadcast %mul3A_316 : f32 to vector<16xf32>
      %mul3A_318 = arith.mulf %scan3A_314, %mul3A_317 : vector<16xf32>
      %swap3A_319 = arith.constant 0 : i32
      %swap3A_320 = arith.index_cast %swap3A_319 : i32 to index
      %swap3A_321 = arith.constant 0 : index
      %swap3A_322 = tpu.vector_load %arg11[%swap3A_320, %swap3A_321] {strides = array<i32>} : memref<8x128xf32, #tpu.memory_space<vmem>>, vector<16xf32>,
      tpu.vector_store %arg11[%swap3A_320, %swap3A_321], %mul3A_318 {strides = array<i32>} : memref<8x128xf32, #tpu.memory_space<vmem>>, vector<16xf32>,
      "tpu.region"() ({
        %run_scoped3A_323 = tpu.sem_alloc : memref<!tpu.dma_semaphore, #tpu.memory_space<semaphore_mem>>
        %dma_start3A_324 = arith.constant 0 : i32
        %dma_start3A_325 = arith.constant 0 : i32
        %dma_start3A_326 = tpu.memref_slice %arg5[%arg0, %dma_start3A_324, %dma_start3A_325] : memref<2x8x128xf32, #tpu.memory_space<hbm>> -> memref<1x8x128xf32, #tpu.memory_space<hbm>>
        %dma_start3A_327 = tpu.memref_squeeze %dma_start3A_326 : memref<1x8x128xf32, #tpu.memory_space<hbm>> -> memref<8x128xf32, #tpu.memory_space<hbm>>
        %dma_start3A_328 = arith.constant 0 : i32
        %dma_start3A_329 = arith.constant 0 : i32
        %dma_start3A_330 = tpu.memref_slice %arg5[%arg0, %dma_start3A_328, %dma_start3A_329] : memref<2x8x128xf32, #tpu.memory_space<hbm>> -> memref<1x8x128xf32, #tpu.memory_space<hbm>>
        %dma_start3A_331 = tpu.memref_squeeze %dma_start3A_330 : memref<1x8x128xf32, #tpu.memory_space<hbm>> -> memref<8x128xf32, #tpu.memory_space<hbm>>
        tpu.enqueue_dma source(%arg11 : memref<8x128xf32, #tpu.memory_space<vmem>>) target(%dma_start3A_331 : memref<8x128xf32, #tpu.memory_space<hbm>>) target_semaphore(%run_scoped3A_323 : memref<!tpu.dma_semaphore, #tpu.memory_space<semaphore_mem>>)
        %dma_wait3A_332 = arith.constant 0 : i32
        %dma_wait3A_333 = arith.constant 0 : i32
        %dma_wait3A_334 = tpu.memref_slice %arg5[%arg0, %dma_wait3A_332, %dma_wait3A_333] : memref<2x8x128xf32, #tpu.memory_space<hbm>> -> memref<1x8x128xf32, #tpu.memory_space<hbm>>
        %dma_wait3A_335 = tpu.memref_squeeze %dma_wait3A_334 : memref<1x8x128xf32, #tpu.memory_space<hbm>> -> memref<8x128xf32, #tpu.memory_space<hbm>>
        %dma_wait3A_336 = arith.constant 0 : i32
        %dma_wait3A_337 = arith.constant 0 : i32
        %dma_wait3A_338 = tpu.memref_slice %arg5[%arg0, %dma_wait3A_336, %dma_wait3A_337] : memref<2x8x128xf32, #tpu.memory_space<hbm>> -> memref<1x8x128xf32, #tpu.memory_space<hbm>>
        %dma_wait3A_339 = tpu.memref_squeeze %dma_wait3A_338 : memref<1x8x128xf32, #tpu.memory_space<hbm>> -> memref<8x128xf32, #tpu.memory_space<hbm>>
        tpu.wait_dma2 semaphore(%run_scoped3A_323 : memref<!tpu.dma_semaphore, #tpu.memory_space<semaphore_mem>>) src(%arg11 : memref<8x128xf32, #tpu.memory_space<vmem>>) dst(%dma_wait3A_339 : memref<8x128xf32, #tpu.memory_space<hbm>>)
        tpu.yield
      }) : () -> ()
    } else {
    }
    return
  }
}

</mosaic_0001>

<sc_bundles>
// kernel: _center_loss_sc.3.cloned.1.call-start
scs
__scs_entry_jumppad:
0x0: {  	(pc) =	sbr.rel $0x88, $3  }
0x1: {  	(tag) =	ssettag $0x0;
	lr =	simm.s32 $0x1  }
0x2: {  	[smem:$0x3F9E] =	sst lr;
	_ =	strace $0xD0000000  }
0x3: {  	_ = 	snop  }
0x4: {  	_ = 	snop  }
0x5: {  	_ = 	snop  }
0x6: {  	_ = 	snop  }
0x7: {  	_ = 	snop  }
__scs_overlays_trampoline_lowered:
0x8: {  	[smem:$0x3FAD] =	sst s0  }
0x9: {  	[smem:$0x3FAE] =	sst s1  }
0xa: {  	[smem:$0x3FAF] =	sst s2  }
0xb: {  	[smem:$0x3FB0] =	sst s3  }
0xc: {  	[smem:$0x3FB1] =	sst s4  }
0xd: {  	[smem:$0x3FB2] =	sst s5  }
0xe: {  	[smem:$0x3FB3] =	sst s6  }
0xf: {  	[smem:$0x3FB4] =	sst s7  }
0x10: {  	[smem:$0x3FB5] =	sst s8  }
0x11: {  	[smem:$0x3FB6] =	sst s9;
	s0 =	simm.s32 @!p0 $0x0  }
0x12: {  	s1 =	sld [smem:$0x3F9C];
	s0 =	simm.s32 @p0 $0x1  }
0x13: {  	[smem:$0x3FB7] =	sst s0;
	s0 =	simm.s32 @!p1 $0x0  }
0x14: {  	s2 =	sld [smem:$0x3F9B];
	s0 =	simm.s32 @p1 $0x1  }
0x15: {  	[smem:$0x3FB8] =	sst s0;
	s0 =	simm.s32 @!p2 $0x0  }
0x16: {  	s3 =	sld [smem:$0x3FDB];
	s0 =	simm.s32 @p2 $0x1  }
0x17: {  	s4 =	simm.s32 $0x1BF5;
	[smem:$0x3FBA] =	sst s0  }
0x18: {  	s0 =	sld [smem:$0x3F9D];
	_ =	swait.ge [sflag:s4], $0x0  }
0x19: {  	s7 =	sld [smem:$0x3F9E]  }
0x1a: {  	s8 =	sadd.s32 $0xFFFFE003, lr  }
0x1b: {  	s9 =	sadd.s32 $0xFFFFFEF7, lr;
	s5 =	simm.s32 $0xFFFFFFFF;
	p2 =	slt.u32 s8, $0xFFFFF086  }
0x1c: {  	p1 =	slt.u32 s9, $0xF7A;
	s5 =	simm.s32 @!p2 $0x0  }
0x1d: {  	s5 =	simm.s32 @p1 $0x1;
	p0 =	seq.s32 s7, s2  }
0x1e: {  	s7 =	smul.u32 @!p0 $0xF7A, s2;
	p2 =	seq.s32 @!p0 s5, $0x0  }
0x1f: {  	s9 =	smul.u32 $0xF7A, s1;
	s8 =	simm.s32 @!p0 $0x1BF5;
	p2 =	por !p2, p0  }
0x20: {  	[sflag:s8] =	ssyncset.s32 @!p0 $0xFFFFF086;
	s6 =	sadd.s32 @!p0 s3, s7;
	s7 =	simm.s32 @!p0 $0x108  }
0x21: {  	s3 =	sadd.s32 s3, s9;
	s6 =	sadd.s32 @!p0 $0x88, s6;
	s7 =	simm.s32 @p2 $0x1082  }
0x22: {  	[simem:s7], [sflag:s8] =	dma.local @!p0 [hbm:s6], $0xF7A  }
0x23: {  	s9 =	sor.u32 $0xD0000000, s2;
	s6 =	simm.s32 $0x108;
	_ =	swait.ge @!p0 [sflag:s8], $0x0  }
0x24: {  	s3 =	sadd.s32 $0x88, s3;
	s6 =	simm.s32 @!p1 $0x1082;
	[sflag:s4] =	ssyncset.s32 $0xFFFFF086  }
0x25: {  	[simem:s6], [sflag:s4] =	dma.local [hbm:s3], $0xF7A  }
0x26: {  	[smem:$0x3F9E] =	sst s1;
	(tag) =	ssettag s2;
	_ =	strace s9  }
0x27: {  	s1 =	sld [smem:$0x3FAE]  }
0x28: {  	s2 =	sld [smem:$0x3FAF]  }
0x29: {  	s4 =	sld [smem:$0x3FB1]  }
0x2a: {  	p0 =	seq.s32 s5, $0x0;
	s5 =	sld [smem:$0x3FB2]  }
0x2b: {  	s6 =	sld [smem:$0x3FB3]  }
0x2c: {  	s7 =	sld [smem:$0x3FB4]  }
0x2d: {  	s3 =	simm.s32 $0x108;
	s8 =	sld [smem:$0x3FB5]  }
0x2e: {  	s3 =	simm.s32 @!p0 $0x1082;
	s9 =	sld [smem:$0x3FB6]  }
0x2f: {  	lr =	sadd.s32 s0, s3;
	s0 =	sld [smem:$0x3FAD]  }
0x30: {  	s3 =	sld [smem:$0x3FB0]  }
0x31: {  	[smem:$0x3FB9] =	sst s10  }
0x32: {  	s10 =	sld [smem:$0x3FB7];
	_ =	sdelay $0x3  }
0x33: {  	p0 =	seq.s32 s10, $0x1;
	s10 =	sld [smem:$0x3FB9];
	_ =	sdelay $0x3  }
0x34: {  	[smem:$0x3FB9] =	sst s10  }
0x35: {  	s10 =	sld [smem:$0x3FB8];
	_ =	sdelay $0x3  }
0x36: {  	p1 =	seq.s32 s10, $0x1;
	s10 =	sld [smem:$0x3FB9];
	_ =	sdelay $0x3  }
0x37: {  	[smem:$0x3FB9] =	sst s10  }
0x38: {  	s10 =	sld [smem:$0x3FBA]  }
0x39: {  	_ = 	snop;
	(pc) =	sbr.ind lr, $3  }
0x3a: {  	_ = 	snop  }
0x3b: {  	_ = 	snop  }
0x3c: {  	p2 =	seq.s32 s10, $0x1;
	s10 =	sld [smem:$0x3FB9]  }
0x3d: {  	_ =	shalt  }
0x3e: {  	_ =	shalt  }
0x3f: {  	_ =	shalt  }
0x40: {  	_ =	shalt  }
0x41: {  	_ =	shalt  }
0x42: {  	_ =	shalt  }
0x43: {  	_ =	shalt  }
0x44: {  	_ =	shalt  }
0x45: {  	_ =	shalt  }
0x46: {  	_ =	shalt  }
0x47: {  	_ =	shalt  }
0x48: {  	_ =	shalt  }
0x49: {  	_ =	shalt  }
0x4a: {  	_ =	shalt  }
0x4b: {  	_ =	shalt  }
0x4c: {  	_ =	shalt  }
0x4d: {  	_ =	shalt  }
0x4e: {  	_ =	shalt  }
0x4f: {  	_ =	shalt  }
0x50: {  	_ =	shalt  }
0x51: {  	_ =	shalt  }
0x52: {  	_ =	shalt  }
0x53: {  	_ =	shalt  }
0x54: {  	_ =	shalt  }
0x55: {  	_ =	shalt  }
0x56: {  	_ =	shalt  }
0x57: {  	_ =	shalt  }
0x58: {  	_ =	shalt  }
0x59: {  	_ =	shalt  }
0x5a: {  	_ =	shalt  }
0x5b: {  	_ =	shalt  }
0x5c: {  	_ =	shalt  }
0x5d: {  	_ =	shalt  }
0x5e: {  	_ =	shalt  }
0x5f: {  	_ =	shalt  }
0x60: {  	_ =	shalt  }
0x61: {  	_ =	shalt  }
0x62: {  	_ =	shalt  }
0x63: {  	_ =	shalt  }
0x64: {  	_ =	shalt  }
0x65: {  	_ =	shalt  }
0x66: {  	_ =	shalt  }
0x67: {  	_ =	shalt  }
0x68: {  	_ =	shalt  }
0x69: {  	_ =	shalt  }
0x6a: {  	_ =	shalt  }
0x6b: {  	_ =	shalt  }
0x6c: {  	_ =	shalt  }
0x6d: {  	_ =	shalt  }
0x6e: {  	_ =	shalt  }
0x6f: {  	_ =	shalt  }
0x70: {  	_ =	shalt  }
0x71: {  	_ =	shalt  }
0x72: {  	_ =	shalt  }
0x73: {  	_ =	shalt  }
0x74: {  	_ =	shalt  }
0x75: {  	_ =	shalt  }
0x76: {  	_ =	shalt  }
0x77: {  	_ =	shalt  }
0x78: {  	_ =	shalt  }
0x79: {  	_ =	shalt  }
0x7a: {  	_ =	shalt  }
0x7b: {  	_ =	shalt  }
0x7c: {  	_ =	shalt  }
0x7d: {  	_ =	shalt  }
0x7e: {  	_ =	shalt  }
0x7f: {  	_ =	shalt  }
0x80: {  	_ =	shalt  }
0x81: {  	_ =	shalt  }
0x82: {  	_ =	shalt  }
0x83: {  	_ =	shalt  }
0x84: {  	_ =	shalt  }
0x85: {  	_ =	shalt  }
0x86: {  	_ =	shalt  }
0x87: {  	_ =	shalt  }
.Lfunc_end0:
.L_simem_size_0:
called_computation_lowered:
.L_overlay_start_0:
0x88: {  	s2 =	sld [smem:$0x3FD9]  }
0x89: {  	s3 =	sld [smem:$0x3FFE];
	_ =	sdelay $0x1  }
0x8a: {  	s1 =	srdreg.scid  }
0x8b: {  	s0 =	sand.u32 $0x1, s1  }
0x8c: {  	s17 =	sshll.u32 s0, $0xA;
	s2 =	sadd.s32 s3, s2  }
0x8d: {  	s2 =	sadd.s32 s2, s17  }
0x8e: {  	[smem:$0x3FC5] =	sst s2  }
0x8f: {  	_ = 	snop  }
0x90: {  	s2 =	sld [smem:$0x3FC9]  }
0x91: {  	s18 =	sld [smem:$0x3FC8]  }
0x92: {  	s4 =	sld [smem:$0x3FC7];
	(tm) =	ssettm $0x1  }
0x93: {  	s5 =	sld [smem:$0x3FFB];
	_ =	sdelay $0x3  }
0x94: {  	_ =	strace s5  }
0x95: {  	s5 =	sld [smem:$0x3FFC];
	_ =	sdelay $0x3  }
0x96: {  	_ =	strace s5  }
0x97: {  	s5 =	sld [smem:$0x3FFD];
	_ =	sdelay $0x3  }
0x98: {  	_ =	strace s5  }
0x99: {  	_ =	strace $0x8FFFFFFF  }
0x9a: {  	s19 =	sld [smem:$0x3FDB];
	_ =	sdelay $0x1  }
0x9b: {  	s6 =	simm.s32 $_scs_section_size  }
0x9c: {  	s7 =	simm.s32 $_size__tile_overlayer_lowered;
	s8 =	simm.s32 $_tile_overlayer_lowered  }
0x9d: {  	s22 =	simm.s32 $0x1BFF;
	s21 =	sshll.u32 s8, $0x1;
	s5 =	sadd.s32 s6, s19  }
0x9e: {  	s9 =	simm.s32 $0x0;
	s20 =	sshll.u32 s7, $0x1;
	s7 =	sadd.s32 s21, s5  }
0x9f: {  	[timem:s9], [sflag:s22] =	dma.local [hbm:s7], s20  }
0xa0: {  	_ =	swait.ge [sflag:s22], s20  }
0xa1: {  	s6 =	ssub.s32 $0x0, s20;
	[sflag:s22] =	ssyncset.done $0x0  }
0xa2: {  	[sflag:s22] =	ssyncadd.s32 s6;
	_ =	sdelay $0x1  }
0xa3: {  	s23 =	simm.s32 $0x1B8B  }
0xa4: {  	_ =	swait.ge [sflag:s23], $0x1  }
0xa5: {  	[sflag:s23] =	ssyncset.done $0x0  }
0xa6: {  	s25 =	simm.s32 $0x1B8E;
	s24 =	sld [smem:$0x3FFE];
	[sflag:s23] =	ssyncadd.s32 $0xFFFFFFFF  }
0xa7: {  	s26 =	simm.s32 $execute0_lowered;
	[smem:$0x3FD2] =	sst s25  }
0xa8: {  	s7 =	sshll.u32 s26, $0x1;
	_ =	strace $0x80000046;
	[dreg:$0x1] =	wrdreg $0xFFFFFFFF  }
0xa9: {  	s28 =	simm.s32 $_size_execute0_lowered;
	s5 =	sadd.s32 s5, s7;
	[dreg:$0x0] =	wrdreg $0x0  }
0xaa: {  	s7 =	sshll.u32 s28, $0x1;
	[dreg:$0x2] =	wrdreg s5  }
0xab: {  	[dreg:$0x3] =	wrdreg s7  }
0xac: {  	[dreg:$0x4] =	wrdreg $0xC0  }
0xad: {  	_ =	task [dreg:s9], $0x5FFFF  }
0xae: {  	[dreg:$0x1] =	wrdreg $0xFFFFFFFF  }
0xaf: {  	[dreg:$0x0] =	wrdreg $0x60  }
0xb0: {  	[dreg:$0x2] =	wrdreg s2  }
0xb1: {  	[dreg:$0x3] =	wrdreg s18  }
0xb2: {  	[dreg:$0x4] =	wrdreg s4  }
0xb3: {  	[dreg:$0x5] =	wrdreg s24  }
0xb4: {  	[dreg:$0x6] =	wrdreg $0x1B6000  }
0xb5: {  	[dreg:$0x7] =	wrdreg $0x1BA000  }
0xb6: {  	[dreg:$0x8] =	wrdreg $0x1BA400  }
0xb7: {  	[dreg:$0x9] =	wrdreg $0x9  }
0xb8: {  	_ =	task.clear_ibuf [dreg:s9], $0xAFFFF;
	_ =	strace $0x90000046  }
0xb9: {  	s29 =	simm.s32 $0x9;
	_ =	strace $0x8000004D  }
0xba: {  	_ =	swait.ge [sflag:s29], $0x1  }
0xbb: {  	[sflag:s29] =	ssyncadd.s32 $0xFFFFFFFF  }
0xbc: {  	_ =	strace $0x9000004D  }
0xbd: {  	_ =	sfence  }
0xbe: {  	s30 =	sld [smem:$0x0];
	_ =	sdelay $0x2  }
0xbf: {  	s31 =	sshll.u32 s1, $0xD;
	s1 =	sshrl.u32 s1, $0x2  }
0xc0: {  	s3 =	sand.u32 $0x4000, s31;
	s1 =	sadd.s32 s1, s30  }
0xc1: {  	s0 =	sor.u32 s3, s0;
	s1 =	sshll.u32 s1, $0x11  }
0xc2: {  	s0 =	sor.u32 s1, s0  }
0xc3: {  	s0 =	sadd.s32 $0x8F2B, s0  }
0xc4: {  	[sflag:s0] =	ssyncadd.remote.s32 $0x1  }
0xc5: {  	_ =	sfence.sel $0xFFFF  }
0xc6: {  	[dreg:$0x0] =	wrdreg $0xFFFFFFFF;
	(pc) =	sbr.abs _section_cstart, $3  }
0xc7: {  	[dreg:$0x1] =	wrdreg $0xFFFFFFFF  }
0xc8: {  	_ =	task.clear_ibuf [dreg:s9], $0x2FFFF;
	_ =	strace $0x9FFFFFFF  }
0xc9: {  	(tm) =	ssettm $0x7FFFFFFF  }
tec
execute0_lowered:
.L_overlay_start_1:
0x0: {  	(tag) =	ssettag $0x1  }
0x1: {  	s0 =	rddreg [dreg:$0x0]  }
0x2: {  	s2 =	rddreg [dreg:$0x1]  }
0x3: {  	s3 =	rddreg [dreg:$0x2]  }
0x4: {  	s7 =	rddreg [dreg:$0x3]  }
0x5: {  	s1 =	rddreg [dreg:$0x4]  }
0x6: {  	s19 =	rddreg [dreg:$0x5]  }
0x7: {  	s13 =	rddreg [dreg:$0x6];
	s5 =	srdreg.scid;
	s4 =	simm.s32 $0x0  }
0x8: {  	s9 =	stileid.u32;
	s20 =	simm.s32 $0x20000;
	s29 =	simm.s32 $0x1B200  }
0x9: {  	s30 =	simm.s32 $0x3;
	s31 =	simm.s32 $0x2;
	s12 =	sand.u32 $0x1, s5  }
0xa: {  	s8 =	sshll.u32 s9, $0x9;
	[smem:$0x7FF] =	sst s4;
	s21 =	sshll.u32 s9, $0xA  }
0xb: {  	s22 =	sshll.u32 s9, $0xD;
	s23 =	sshll.u32 s9, $0x7;
	p0 =	sgt.u32 s9, $0x7  }
0xc: {  	p1 =	sne.s32 s9, $0x0;
	s5 =	ssub.s32 $0x2, s12;
	s6 =	sshll.u32 s12, $0xD  }
0xd: {  	_ =	strace $0x80000047;
	s3 =	sadd.s32 s3, s21;
	[dreg:$0x9] =	wrdreg s22  }
0xe: {  	s24 =	sadd.s32 s22, s13;
	s11 =	sadd.s32 s21, s1;
	[dreg:$0x8] =	wrdreg s3  }
0xf: {  	s25 =	sadd.s32 s23, s1;
	s26 =	sadd.s32 s23, s19;
	[dreg:$0xa] =	wrdreg s24  }
0x10: {  	s28 =	sshll.u32 s12, $0x7;
	s21 =	simm.s32 $0x0;
	[dreg:$0xb] =	wrdreg s25  }
0x11: {  	s10 =	sshrl.u32 s5, $0x1;
	s6 =	sor.u32 s8, s6;
	[dreg:$0xc] =	wrdreg s26  }
0x12: {  	s14 =	sadd.s32 s7, s28;
	s7 =	sor.u32 $0x1F0, s22;
	s25 =	simm.s32 $0x1A400  }
0x13: {  	s22 =	simm.s32 $0x4;
	s26 =	simm.s32 $0x1A000;
	s24 =	simm.s32 $0x1A600  }
0x14: {  	s15 =	ssub.s32 s5, s10;
	s8 =	sshrl.u32 s6, $0x3;
	s5 =	sadd.s32 s0, s6  }
0x15: {  	s10 =	sadd.s32 s2, s23;
	s23 =	simm.s32 $0x12000;
	s0 =	simm.s32 $0x1  }
0x16: {  	v9 =	vimm.f32 $1.000000000e+00;
	s6 =	sadd.s32 s2, s8;
	s15 =	smax.u32 s15, $0x1;
	s8 =	simm.s32 $0x1000  }
.LBB2_1:
.Ltmp0:
0x17: {  	(pc) =	sbr.rel @p0 .LBB2_5-.Ltmp0, $4  }
0x18: {  	_ = 	snop  }
0x19: {  	[tilespmem:s23], [sflag:$0x1] =	stream.strided.gather [hbm4b:s5+s8], $0x8000, s20, s8, $0x38;
	[tilespmem:$0x1CA40] =	vst v63  }
0x1a: {  	_ =	strace $0x80000048  }
0x1b: {  	[tilespmem:s25], [sflag:$0x3] =	stream.linear.gather [hbm4b:s6+s4], $0x200, $0x200038;
	[tilespmem:$0x1CA40] =	vst v63  }
0x1c: {  	s2 =	rddreg [dreg:$0x8];
	s3 =	simm.s32 $0x10000  }
0x1d: {  	[tilespmem:s3], [sflag:$0x4] =	stream.linear.gather [hbm4b:s2+s4], $0x2000, $0x200038;
	[tilespmem:$0x1CA40] =	vst v63  }
0x1e: {  	_ =	swait.ge [sflag:s22], $0x2000  }
0x1f: {  	[sflag:s22] =	ssyncset.done $0x0  }
0x20: {  	s25 =	simm.s32 $0xFFFFFC00;
	[sflag:s22] =	ssyncadd.s32 $0xFFFFE000  }
0x21: {  	v0 =	vld [tilespmem:s25+$0x10400];
	_ =	sdelay $0x4  }
0x22: {  	[tilespmem:s7+$0xFFFFFE10] =	vst v0  }
0x23: {  	v0 =	vld [tilespmem:s25+$0x10410];
	_ =	sdelay $0x4  }
0x24: {  	[tilespmem:s7+$0xFFFFFE20] =	vst v0  }
0x25: {  	v0 =	vld [tilespmem:s25+$0x10420];
	_ =	sdelay $0x4  }
0x26: {  	[tilespmem:s7+$0xFFFFFE30] =	vst v0  }
0x27: {  	v0 =	vld [tilespmem:s25+$0x10430];
	_ =	sdelay $0x4  }
0x28: {  	[tilespmem:s7+$0xFFFFFE40] =	vst v0  }
0x29: {  	v0 =	vld [tilespmem:s25+$0x10440];
	_ =	sdelay $0x4  }
0x2a: {  	[tilespmem:s7+$0xFFFFFE50] =	vst v0  }
0x2b: {  	v0 =	vld [tilespmem:s25+$0x10450];
	_ =	sdelay $0x4  }
0x2c: {  	[tilespmem:s7+$0xFFFFFE60] =	vst v0  }
0x2d: {  	v0 =	vld [tilespmem:s25+$0x10460];
	_ =	sdelay $0x4  }
0x2e: {  	[tilespmem:s7+$0xFFFFFE70] =	vst v0  }
0x2f: {  	v0 =	vld [tilespmem:s25+$0x10470];
	_ =	sdelay $0x4  }
0x30: {  	[tilespmem:s7+$0xFFFFFE80] =	vst v0  }
0x31: {  	v0 =	vld [tilespmem:s25+$0x10800];
	_ =	sdelay $0x4  }
0x32: {  	[tilespmem:s7+$0xFFFFFE90] =	vst v0  }
0x33: {  	v0 =	vld [tilespmem:s25+$0x10810];
	_ =	sdelay $0x4  }
0x34: {  	[tilespmem:s7+$0xFFFFFEA0] =	vst v0  }
0x35: {  	v0 =	vld [tilespmem:s25+$0x10820];
	_ =	sdelay $0x1  }
0x36: {  	s28 =	simm.s32 $0xFFFFFC80  }
0x37: {  	v1 =	vld [tilespmem:s28+$0x10400];
	_ =	sdelay $0x1  }
0x38: {  	[tilespmem:s7+$0xFFFFFEB0] =	vst v0  }
0x39: {  	v0 =	vld [tilespmem:s25+$0x10830]  }
0x3a: {  	s26 =	sadd.s32 $0x400, s7  }
0x3b: {  	[tilespmem:s26+$0xFFFFFE10] =	vst v1  }
0x3c: {  	v1 =	vld [tilespmem:s28+$0x10410];
	_ =	sdelay $0x1  }
0x3d: {  	[tilespmem:s7+$0xFFFFFEC0] =	vst v0  }
0x3e: {  	v0 =	vld [tilespmem:s25+$0x10840];
	_ =	sdelay $0x1  }
0x3f: {  	[tilespmem:s26+$0xFFFFFE20] =	vst v1  }
0x40: {  	v1 =	vld [tilespmem:s28+$0x10420];
	_ =	sdelay $0x1  }
0x41: {  	[tilespmem:s7+$0xFFFFFED0] =	vst v0  }
0x42: {  	v0 =	vld [tilespmem:s25+$0x10850];
	_ =	sdelay $0x1  }
0x43: {  	[tilespmem:s26+$0xFFFFFE30] =	vst v1  }
0x44: {  	v1 =	vld [tilespmem:s28+$0x10430];
	_ =	sdelay $0x1  }
0x45: {  	[tilespmem:s7+$0xFFFFFEE0] =	vst v0  }
0x46: {  	v0 =	vld [tilespmem:s25+$0x10860];
	_ =	sdelay $0x1  }
0x47: {  	[tilespmem:s26+$0xFFFFFE40] =	vst v1  }
0x48: {  	v1 =	vld [tilespmem:s28+$0x10440];
	_ =	sdelay $0x1  }
0x49: {  	[tilespmem:s7+$0xFFFFFEF0] =	vst v0  }
0x4a: {  	v0 =	vld [tilespmem:s25+$0x10870];
	_ =	sdelay $0x1  }
0x4b: {  	[tilespmem:s26+$0xFFFFFE50] =	vst v1  }
0x4c: {  	v1 =	vld [tilespmem:s28+$0x10450];
	_ =	sdelay $0x1  }
0x4d: {  	[tilespmem:s7+$0xFFFFFF00] =	vst v0  }
0x4e: {  	v0 =	vld [tilespmem:s25+$0x10C00];
	_ =	sdelay $0x1  }
0x4f: {  	[tilespmem:s26+$0xFFFFFE60] =	vst v1  }
0x50: {  	v1 =	vld [tilespmem:s28+$0x10460];
	_ =	sdelay $0x1  }
0x51: {  	[tilespmem:s7+$0xFFFFFF10] =	vst v0  }
0x52: {  	v0 =	vld [tilespmem:s25+$0x10C10];
	_ =	sdelay $0x1  }
0x53: {  	[tilespmem:s26+$0xFFFFFE70] =	vst v1  }
0x54: {  	v1 =	vld [tilespmem:s28+$0x10470];
	_ =	sdelay $0x1  }
0x55: {  	[tilespmem:s7+$0xFFFFFF20] =	vst v0  }
0x56: {  	v0 =	vld [tilespmem:s25+$0x10C20];
	_ =	sdelay $0x1  }
0x57: {  	[tilespmem:s26+$0xFFFFFE80] =	vst v1  }
0x58: {  	v1 =	vld [tilespmem:s28+$0x10800];
	_ =	sdelay $0x1  }
0x59: {  	[tilespmem:s7+$0xFFFFFF30] =	vst v0  }
0x5a: {  	v0 =	vld [tilespmem:s25+$0x10C30];
	_ =	sdelay $0x1  }
0x5b: {  	[tilespmem:s26+$0xFFFFFE90] =	vst v1  }
0x5c: {  	v1 =	vld [tilespmem:s28+$0x10810];
	_ =	sdelay $0x1  }
0x5d: {  	[tilespmem:s7+$0xFFFFFF40] =	vst v0  }
0x5e: {  	v0 =	vld [tilespmem:s25+$0x10C40];
	_ =	sdelay $0x1  }
0x5f: {  	[tilespmem:s26+$0xFFFFFEA0] =	vst v1  }
0x60: {  	v1 =	vld [tilespmem:s28+$0x10820]  }
0x61: {  	s18 =	simm.s32 $0xFFFFFD00  }
0x62: {  	[tilespmem:s7+$0xFFFFFF50] =	vst v0;
	v0 =	vld [tilespmem:s18+$0x10400]  }
0x63: {  	v2 =	vld [tilespmem:s25+$0x10C50];
	_ =	sdelay $0x1  }
0x64: {  	[tilespmem:s26+$0xFFFFFEB0] =	vst v1  }
0x65: {  	s17 =	sadd.s32 $0x400, s26;
	v1 =	vld [tilespmem:s28+$0x10830]  }
0x66: {  	[tilespmem:s17+$0xFFFFFE10] =	vst v0  }
0x67: {  	v0 =	vld [tilespmem:s18+$0x10410];
	[tilespmem:s7+$0xFFFFFF60] =	vst v2  }
0x68: {  	v2 =	vld [tilespmem:s25+$0x10C60];
	_ =	sdelay $0x1  }
0x69: {  	[tilespmem:s26+$0xFFFFFEC0] =	vst v1  }
0x6a: {  	v1 =	vld [tilespmem:s28+$0x10840]  }
0x6b: {  	[tilespmem:s17+$0xFFFFFE20] =	vst v0  }
0x6c: {  	v0 =	vld [tilespmem:s18+$0x10420];
	[tilespmem:s7+$0xFFFFFF70] =	vst v2  }
0x6d: {  	v2 =	vld [tilespmem:s25+$0x10C70];
	_ =	sdelay $0x1  }
0x6e: {  	[tilespmem:s26+$0xFFFFFED0] =	vst v1  }
0x6f: {  	v1 =	vld [tilespmem:s28+$0x10850]  }
0x70: {  	[tilespmem:s17+$0xFFFFFE30] =	vst v0  }
0x71: {  	v0 =	vld [tilespmem:s18+$0x10430];
	[tilespmem:s7+$0xFFFFFF80] =	vst v2  }
0x72: {  	v2 =	vld [tilespmem:s25+$0x11000];
	_ =	sdelay $0x1  }
0x73: {  	[tilespmem:s26+$0xFFFFFEE0] =	vst v1  }
0x74: {  	v1 =	vld [tilespmem:s28+$0x10860]  }
0x75: {  	[tilespmem:s17+$0xFFFFFE40] =	vst v0  }
0x76: {  	v0 =	vld [tilespmem:s18+$0x10440];
	[tilespmem:s7+$0xFFFFFF90] =	vst v2  }
0x77: {  	v2 =	vld [tilespmem:s25+$0x11010];
	_ =	sdelay $0x1  }
0x78: {  	[tilespmem:s26+$0xFFFFFEF0] =	vst v1  }
0x79: {  	v1 =	vld [tilespmem:s28+$0x10870]  }
0x7a: {  	[tilespmem:s17+$0xFFFFFE50] =	vst v0  }
0x7b: {  	v0 =	vld [tilespmem:s18+$0x10450];
	[tilespmem:s7+$0xFFFFFFA0] =	vst v2  }
0x7c: {  	v2 =	vld [tilespmem:s25+$0x11020];
	_ =	sdelay $0x1  }
0x7d: {  	[tilespmem:s26+$0xFFFFFF00] =	vst v1  }
0x7e: {  	v1 =	vld [tilespmem:s28+$0x10C00]  }
0x7f: {  	[tilespmem:s17+$0xFFFFFE60] =	vst v0  }
0x80: {  	v0 =	vld [tilespmem:s18+$0x10460];
	[tilespmem:s7+$0xFFFFFFB0] =	vst v2  }
0x81: {  	v2 =	vld [tilespmem:s25+$0x11030];
	_ =	sdelay $0x1  }
0x82: {  	[tilespmem:s26+$0xFFFFFF10] =	vst v1  }
0x83: {  	v1 =	vld [tilespmem:s28+$0x10C10]  }
0x84: {  	[tilespmem:s17+$0xFFFFFE70] =	vst v0  }
0x85: {  	v0 =	vld [tilespmem:s18+$0x10470];
	[tilespmem:s7+$0xFFFFFFC0] =	vst v2  }
0x86: {  	v2 =	vld [tilespmem:s25+$0x11040];
	_ =	sdelay $0x1  }
0x87: {  	[tilespmem:s26+$0xFFFFFF20] =	vst v1  }
0x88: {  	v1 =	vld [tilespmem:s28+$0x10C20]  }
0x89: {  	[tilespmem:s17+$0xFFFFFE80] =	vst v0  }
0x8a: {  	v0 =	vld [tilespmem:s18+$0x10800];
	[tilespmem:s7+$0xFFFFFFD0] =	vst v2  }
0x8b: {  	v2 =	vld [tilespmem:s25+$0x11050];
	_ =	sdelay $0x1  }
0x8c: {  	[tilespmem:s26+$0xFFFFFF30] =	vst v1  }
0x8d: {  	v1 =	vld [tilespmem:s28+$0x10C30]  }
0x8e: {  	[tilespmem:s17+$0xFFFFFE90] =	vst v0  }
0x8f: {  	v0 =	vld [tilespmem:s18+$0x10810];
	[tilespmem:s7+$0xFFFFFFE0] =	vst v2  }
0x90: {  	v2 =	vld [tilespmem:s25+$0x11060];
	_ =	sdelay $0x1  }
0x91: {  	[tilespmem:s26+$0xFFFFFF40] =	vst v1  }
0x92: {  	v1 =	vld [tilespmem:s28+$0x10C40]  }
0x93: {  	[tilespmem:s17+$0xFFFFFEA0] =	vst v0  }
0x94: {  	v0 =	vld [tilespmem:s18+$0x10820];
	[tilespmem:s7+$0xFFFFFFF0] =	vst v2  }
0x95: {  	v2 =	vld [tilespmem:s25+$0x11070]  }
0x96: {  	s20 =	simm.s32 $0xFFFFFD80  }
0x97: {  	[tilespmem:s26+$0xFFFFFF50] =	vst v1;
	v1 =	vld [tilespmem:s20+$0x10400]  }
0x98: {  	v3 =	vld [tilespmem:s28+$0x10C50]  }
0x99: {  	[tilespmem:s17+$0xFFFFFEB0] =	vst v0  }
0x9a: {  	s8 =	smov.u32 s1;
	v0 =	vld [tilespmem:s18+$0x10830];
	[tilespmem:s7+$0x0] =	vst v2  }
0x9b: {  	s1 =	smov.u32 s13;
	s13 =	smov.u32 s19;
	s19 =	sadd.s32 $0x400, s17;
	v2 =	vld [tilespmem:s25+$0x11400]  }
0x9c: {  	[tilespmem:s19+$0xFFFFFE10] =	vst v1  }
0x9d: {  	v1 =	vld [tilespmem:s20+$0x10410];
	[tilespmem:s26+$0xFFFFFF60] =	vst v3  }
0x9e: {  	v3 =	vld [tilespmem:s28+$0x10C60]  }
0x9f: {  	[tilespmem:s17+$0xFFFFFEC0] =	vst v0  }
0xa0: {  	v0 =	vld [tilespmem:s18+$0x10840];
	[tilespmem:s7+$0x10] =	vst v2  }
0xa1: {  	v2 =	vld [tilespmem:s25+$0x11410]  }
0xa2: {  	[tilespmem:s19+$0xFFFFFE20] =	vst v1  }
0xa3: {  	v1 =	vld [tilespmem:s20+$0x10420];
	[tilespmem:s26+$0xFFFFFF70] =	vst v3  }
0xa4: {  	v3 =	vld [tilespmem:s28+$0x10C70]  }
0xa5: {  	[tilespmem:s17+$0xFFFFFED0] =	vst v0  }
0xa6: {  	v0 =	vld [tilespmem:s18+$0x10850];
	[tilespmem:s7+$0x20] =	vst v2  }
0xa7: {  	v2 =	vld [tilespmem:s25+$0x11420]  }
0xa8: {  	[tilespmem:s19+$0xFFFFFE30] =	vst v1  }
0xa9: {  	v1 =	vld [tilespmem:s20+$0x10430];
	[tilespmem:s26+$0xFFFFFF80] =	vst v3  }
0xaa: {  	v3 =	vld [tilespmem:s28+$0x11000]  }
0xab: {  	[tilespmem:s17+$0xFFFFFEE0] =	vst v0  }
0xac: {  	v0 =	vld [tilespmem:s18+$0x10860];
	[tilespmem:s7+$0x30] =	vst v2  }
0xad: {  	v2 =	vld [tilespmem:s25+$0x11430]  }
0xae: {  	[tilespmem:s19+$0xFFFFFE40] =	vst v1  }
0xaf: {  	v1 =	vld [tilespmem:s20+$0x10440];
	[tilespmem:s26+$0xFFFFFF90] =	vst v3  }
0xb0: {  	v3 =	vld [tilespmem:s28+$0x11010]  }
0xb1: {  	[tilespmem:s17+$0xFFFFFEF0] =	vst v0  }
0xb2: {  	v0 =	vld [tilespmem:s18+$0x10870];
	[tilespmem:s7+$0x40] =	vst v2  }
0xb3: {  	v2 =	vld [tilespmem:s25+$0x11440]  }
0xb4: {  	[tilespmem:s19+$0xFFFFFE50] =	vst v1  }
0xb5: {  	v1 =	vld [tilespmem:s20+$0x10450];
	[tilespmem:s26+$0xFFFFFFA0] =	vst v3  }
0xb6: {  	v3 =	vld [tilespmem:s28+$0x11020]  }
0xb7: {  	[tilespmem:s17+$0xFFFFFF00] =	vst v0  }
0xb8: {  	v0 =	vld [tilespmem:s18+$0x10C00];
	[tilespmem:s7+$0x50] =	vst v2  }
0xb9: {  	v2 =	vld [tilespmem:s25+$0x11450]  }
0xba: {  	[tilespmem:s19+$0xFFFFFE60] =	vst v1  }
0xbb: {  	v1 =	vld [tilespmem:s20+$0x10460];
	[tilespmem:s26+$0xFFFFFFB0] =	vst v3  }
0xbc: {  	v3 =	vld [tilespmem:s28+$0x11030]  }
0xbd: {  	[tilespmem:s17+$0xFFFFFF10] =	vst v0  }
0xbe: {  	v0 =	vld [tilespmem:s18+$0x10C10];
	[tilespmem:s7+$0x60] =	vst v2  }
0xbf: {  	v2 =	vld [tilespmem:s25+$0x11460]  }
0xc0: {  	[tilespmem:s19+$0xFFFFFE70] =	vst v1  }
0xc1: {  	v1 =	vld [tilespmem:s20+$0x10470];
	[tilespmem:s26+$0xFFFFFFC0] =	vst v3  }
0xc2: {  	v3 =	vld [tilespmem:s28+$0x11040]  }
0xc3: {  	[tilespmem:s17+$0xFFFFFF20] =	vst v0  }
0xc4: {  	v0 =	vld [tilespmem:s18+$0x10C20];
	[tilespmem:s7+$0x70] =	vst v2  }
0xc5: {  	v2 =	vld [tilespmem:s25+$0x11470]  }
0xc6: {  	[tilespmem:s19+$0xFFFFFE80] =	vst v1  }
0xc7: {  	v1 =	vld [tilespmem:s20+$0x10800];
	[tilespmem:s26+$0xFFFFFFD0] =	vst v3  }
0xc8: {  	v3 =	vld [tilespmem:s28+$0x11050]  }
0xc9: {  	[tilespmem:s17+$0xFFFFFF30] =	vst v0  }
0xca: {  	v0 =	vld [tilespmem:s18+$0x10C30];
	[tilespmem:s7+$0x80] =	vst v2  }
0xcb: {  	v2 =	vld [tilespmem:s25+$0x11800]  }
0xcc: {  	[tilespmem:s19+$0xFFFFFE90] =	vst v1  }
0xcd: {  	v1 =	vld [tilespmem:s20+$0x10810];
	[tilespmem:s26+$0xFFFFFFE0] =	vst v3  }
0xce: {  	v3 =	vld [tilespmem:s28+$0x11060]  }
0xcf: {  	[tilespmem:s17+$0xFFFFFF40] =	vst v0  }
0xd0: {  	v0 =	vld [tilespmem:s18+$0x10C40];
	[tilespmem:s7+$0x90] =	vst v2  }
0xd1: {  	v2 =	vld [tilespmem:s25+$0x11810]  }
0xd2: {  	[tilespmem:s19+$0xFFFFFEA0] =	vst v1  }
0xd3: {  	v1 =	vld [tilespmem:s20+$0x10820];
	[tilespmem:s26+$0xFFFFFFF0] =	vst v3  }
0xd4: {  	s23 =	simm.s32 $0xFFFFFE00;
	v3 =	vld [tilespmem:s28+$0x11070]  }
0xd5: {  	[tilespmem:s17+$0xFFFFFF50] =	vst v0;
	v0 =	vld [tilespmem:s23+$0x10400]  }
0xd6: {  	[tilespmem:s7+$0xA0] =	vst v2;
	v2 =	vld [tilespmem:s18+$0x10C50]  }
0xd7: {  	v4 =	vld [tilespmem:s25+$0x11820]  }
0xd8: {  	[tilespmem:s19+$0xFFFFFEB0] =	vst v1  }
0xd9: {  	s2 =	sadd.s32 $0x400, s19;
	v1 =	vld [tilespmem:s20+$0x10830];
	[tilespmem:s26+$0x0] =	vst v3  }
0xda: {  	v3 =	vld [tilespmem:s28+$0x11400];
	[tilespmem:s2+$0xFFFFFE10] =	vst v0  }
0xdb: {  	v0 =	vld [tilespmem:s23+$0x10410];
	[tilespmem:s17+$0xFFFFFF60] =	vst v2  }
0xdc: {  	v2 =	vld [tilespmem:s18+$0x10C60];
	[tilespmem:s7+$0xB0] =	vst v4  }
0xdd: {  	v4 =	vld [tilespmem:s25+$0x11830]  }
0xde: {  	[tilespmem:s19+$0xFFFFFEC0] =	vst v1  }
0xdf: {  	v1 =	vld [tilespmem:s20+$0x10840];
	[tilespmem:s26+$0x10] =	vst v3  }
0xe0: {  	v3 =	vld [tilespmem:s28+$0x11410];
	[tilespmem:s2+$0xFFFFFE20] =	vst v0  }
0xe1: {  	v0 =	vld [tilespmem:s23+$0x10420];
	[tilespmem:s17+$0xFFFFFF70] =	vst v2  }
0xe2: {  	v2 =	vld [tilespmem:s18+$0x10C70];
	[tilespmem:s7+$0xC0] =	vst v4  }
0xe3: {  	v4 =	vld [tilespmem:s25+$0x11840]  }
0xe4: {  	[tilespmem:s19+$0xFFFFFED0] =	vst v1  }
0xe5: {  	v1 =	vld [tilespmem:s20+$0x10850];
	[tilespmem:s26+$0x20] =	vst v3  }
0xe6: {  	v3 =	vld [tilespmem:s28+$0x11420];
	[tilespmem:s2+$0xFFFFFE30] =	vst v0  }
0xe7: {  	v0 =	vld [tilespmem:s23+$0x10430];
	[tilespmem:s17+$0xFFFFFF80] =	vst v2  }
0xe8: {  	v2 =	vld [tilespmem:s18+$0x11000];
	[tilespmem:s7+$0xD0] =	vst v4  }
0xe9: {  	v4 =	vld [tilespmem:s25+$0x11850]  }
0xea: {  	[tilespmem:s19+$0xFFFFFEE0] =	vst v1  }
0xeb: {  	v1 =	vld [tilespmem:s20+$0x10860];
	[tilespmem:s26+$0x30] =	vst v3  }
0xec: {  	v3 =	vld [tilespmem:s28+$0x11430];
	[tilespmem:s2+$0xFFFFFE40] =	vst v0  }
0xed: {  	v0 =	vld [tilespmem:s23+$0x10440];
	[tilespmem:s17+$0xFFFFFF90] =	vst v2  }
0xee: {  	v2 =	vld [tilespmem:s18+$0x11010];
	[tilespmem:s7+$0xE0] =	vst v4  }
0xef: {  	v4 =	vld [tilespmem:s25+$0x11860]  }
0xf0: {  	[tilespmem:s19+$0xFFFFFEF0] =	vst v1  }
0xf1: {  	v1 =	vld [tilespmem:s20+$0x10870];
	[tilespmem:s26+$0x40] =	vst v3  }
0xf2: {  	v3 =	vld [tilespmem:s28+$0x11440];
	[tilespmem:s2+$0xFFFFFE50] =	vst v0  }
0xf3: {  	v0 =	vld [tilespmem:s23+$0x10450];
	[tilespmem:s17+$0xFFFFFFA0] =	vst v2  }
0xf4: {  	v2 =	vld [tilespmem:s18+$0x11020];
	[tilespmem:s7+$0xF0] =	vst v4  }
0xf5: {  	v4 =	vld [tilespmem:s25+$0x11870]  }
0xf6: {  	[tilespmem:s19+$0xFFFFFF00] =	vst v1  }
0xf7: {  	v1 =	vld [tilespmem:s20+$0x10C00];
	[tilespmem:s26+$0x50] =	vst v3  }
0xf8: {  	v3 =	vld [tilespmem:s28+$0x11450];
	[tilespmem:s2+$0xFFFFFE60] =	vst v0  }
0xf9: {  	v0 =	vld [tilespmem:s23+$0x10460];
	[tilespmem:s17+$0xFFFFFFB0] =	vst v2  }
0xfa: {  	v2 =	vld [tilespmem:s18+$0x11030];
	[tilespmem:s7+$0x100] =	vst v4  }
0xfb: {  	v4 =	vld [tilespmem:s25+$0x11C00]  }
0xfc: {  	[tilespmem:s19+$0xFFFFFF10] =	vst v1  }
0xfd: {  	v1 =	vld [tilespmem:s20+$0x10C10];
	[tilespmem:s26+$0x60] =	vst v3  }
0xfe: {  	v3 =	vld [tilespmem:s28+$0x11460];
	[tilespmem:s2+$0xFFFFFE70] =	vst v0  }
0xff: {  	v0 =	vld [tilespmem:s23+$0x10470];
	[tilespmem:s17+$0xFFFFFFC0] =	vst v2  }
0x100: {  	v2 =	vld [tilespmem:s18+$0x11040];
	[tilespmem:s7+$0x110] =	vst v4  }
0x101: {  	v4 =	vld [tilespmem:s25+$0x11C10]  }
0x102: {  	[tilespmem:s19+$0xFFFFFF20] =	vst v1  }
0x103: {  	v1 =	vld [tilespmem:s20+$0x10C20];
	[tilespmem:s26+$0x70] =	vst v3  }
0x104: {  	v3 =	vld [tilespmem:s28+$0x11470];
	[tilespmem:s2+$0xFFFFFE80] =	vst v0  }
0x105: {  	v0 =	vld [tilespmem:s23+$0x10800];
	[tilespmem:s17+$0xFFFFFFD0] =	vst v2  }
0x106: {  	v2 =	vld [tilespmem:s18+$0x11050];
	[tilespmem:s7+$0x120] =	vst v4  }
0x107: {  	v4 =	vld [tilespmem:s25+$0x11C20]  }
0x108: {  	[tilespmem:s19+$0xFFFFFF30] =	vst v1  }
0x109: {  	v1 =	vld [tilespmem:s20+$0x10C30];
	[tilespmem:s26+$0x80] =	vst v3  }
0x10a: {  	v3 =	vld [tilespmem:s28+$0x11800];
	[tilespmem:s2+$0xFFFFFE90] =	vst v0  }
0x10b: {  	v0 =	vld [tilespmem:s23+$0x10810];
	[tilespmem:s17+$0xFFFFFFE0] =	vst v2  }
0x10c: {  	v2 =	vld [tilespmem:s18+$0x11060];
	[tilespmem:s7+$0x130] =	vst v4  }
0x10d: {  	v4 =	vld [tilespmem:s25+$0x11C30]  }
0x10e: {  	[tilespmem:s19+$0xFFFFFF40] =	vst v1  }
0x10f: {  	v5 =	vld [tilespmem:s20+$0x10C40];
	[tilespmem:s26+$0x90] =	vst v3  }
0x110: {  	v6 =	vld [tilespmem:s28+$0x11810];
	[tilespmem:s2+$0xFFFFFEA0] =	vst v0  }
0x111: {  	v1 =	vld [tilespmem:s23+$0x10820];
	[tilespmem:s17+$0xFFFFFFF0] =	vst v2  }
0x112: {  	v3 =	vld [tilespmem:s18+$0x11070];
	[tilespmem:s7+$0x140] =	vst v4  }
0x113: {  	s3 =	simm.s32 $0xFFFFFE80;
	v2 =	vld [tilespmem:s25+$0x11C40]  }
0x114: {  	[tilespmem:s19+$0xFFFFFF50] =	vst v5;
	v4 =	vld [tilespmem:s3+$0x10400]  }
0x115: {  	s9 =	simm.s32 $0xFFFFFC00;
	s16 =	smov.u32 s7;
	[tilespmem:s26+$0xA0] =	vst v6;
	v0 =	vld [tilespmem:s20+$0x10C50]  }
.LBB2_3:
0x116: {  	p2 =	sne.s32 s9, $0xFFFFFE00;
	[tilespmem:s2+$0xFFFFFEB0] =	vst v1;
	v1 =	vld [tilespmem:s28+$0x11820];
	s12 =	smov.u32 s17;
	s17 =	smov.u32 s19  }
0x117: {  	s19 =	smov.u32 s2;
	v5 =	vld [tilespmem:s23+$0x10830];
	[tilespmem:s12+$0x0] =	vst v3  }
0x118: {  	s2 =	sadd.s32 $0x400, s2;
	v3 =	vld [tilespmem:s18+$0x11400];
	[tilespmem:s16+$0x150] =	vst v2  }
0x119: {  	[tilespmem:s2+$0xFFFFFE10] =	vst v4;
	v2 =	vld [tilespmem:s25+$0x11C50]  }
0x11a: {  	v4 =	vld [tilespmem:s3+$0x10410];
	[tilespmem:s17+$0xFFFFFF60] =	vst v0  }
0x11b: {  	v0 =	vld [tilespmem:s20+$0x10C60];
	[tilespmem:s26+$0xB0] =	vst v1  }
0x11c: {  	[tilespmem:s19+$0xFFFFFEC0] =	vst v5;
	v1 =	vld [tilespmem:s28+$0x11830]  }
0x11d: {  	v5 =	vld [tilespmem:s23+$0x10840];
	[tilespmem:s12+$0x10] =	vst v3  }
0x11e: {  	v3 =	vld [tilespmem:s18+$0x11410];
	[tilespmem:s16+$0x160] =	vst v2  }
0x11f: {  	[tilespmem:s2+$0xFFFFFE20] =	vst v4;
	v2 =	vld [tilespmem:s25+$0x11C60]  }
0x120: {  	v4 =	vld [tilespmem:s3+$0x10420];
	[tilespmem:s17+$0xFFFFFF70] =	vst v0  }
0x121: {  	v0 =	vld [tilespmem:s20+$0x10C70];
	[tilespmem:s26+$0xC0] =	vst v1  }
0x122: {  	[tilespmem:s19+$0xFFFFFED0] =	vst v5;
	v1 =	vld [tilespmem:s28+$0x11840]  }
0x123: {  	v5 =	vld [tilespmem:s23+$0x10850];
	[tilespmem:s12+$0x20] =	vst v3  }
0x124: {  	v3 =	vld [tilespmem:s18+$0x11420];
	[tilespmem:s16+$0x170] =	vst v2  }
0x125: {  	[tilespmem:s2+$0xFFFFFE30] =	vst v4;
	v2 =	vld [tilespmem:s25+$0x11C70]  }
0x126: {  	v4 =	vld [tilespmem:s3+$0x10430];
	[tilespmem:s17+$0xFFFFFF80] =	vst v0  }
0x127: {  	v0 =	vld [tilespmem:s20+$0x11000];
	[tilespmem:s26+$0xD0] =	vst v1  }
0x128: {  	[tilespmem:s19+$0xFFFFFEE0] =	vst v5;
	v1 =	vld [tilespmem:s28+$0x11850]  }
0x129: {  	v5 =	vld [tilespmem:s23+$0x10860];
	[tilespmem:s12+$0x30] =	vst v3  }
0x12a: {  	v3 =	vld [tilespmem:s18+$0x11430];
	[tilespmem:s16+$0x180] =	vst v2  }
0x12b: {  	[tilespmem:s2+$0xFFFFFE40] =	vst v4;
	v2 =	vld [tilespmem:s25+$0x12000]  }
0x12c: {  	v4 =	vld [tilespmem:s3+$0x10440];
	[tilespmem:s17+$0xFFFFFF90] =	vst v0  }
0x12d: {  	v0 =	vld [tilespmem:s20+$0x11010];
	[tilespmem:s26+$0xE0] =	vst v1  }
0x12e: {  	[tilespmem:s19+$0xFFFFFEF0] =	vst v5;
	v1 =	vld [tilespmem:s28+$0x11860]  }
0x12f: {  	v5 =	vld [tilespmem:s23+$0x10870];
	[tilespmem:s12+$0x40] =	vst v3  }
0x130: {  	v3 =	vld [tilespmem:s18+$0x11440];
	[tilespmem:s16+$0x190] =	vst v2  }
0x131: {  	[tilespmem:s2+$0xFFFFFE50] =	vst v4;
	v2 =	vld [tilespmem:s25+$0x12010]  }
0x132: {  	v4 =	vld [tilespmem:s3+$0x10450];
	[tilespmem:s17+$0xFFFFFFA0] =	vst v0  }
0x133: {  	v0 =	vld [tilespmem:s20+$0x11020];
	[tilespmem:s26+$0xF0] =	vst v1  }
0x134: {  	[tilespmem:s19+$0xFFFFFF00] =	vst v5;
	v1 =	vld [tilespmem:s28+$0x11870]  }
0x135: {  	v5 =	vld [tilespmem:s23+$0x10C00];
	[tilespmem:s12+$0x50] =	vst v3  }
0x136: {  	v3 =	vld [tilespmem:s18+$0x11450];
	[tilespmem:s16+$0x1A0] =	vst v2  }
0x137: {  	[tilespmem:s2+$0xFFFFFE60] =	vst v4;
	v2 =	vld [tilespmem:s25+$0x12020]  }
0x138: {  	v4 =	vld [tilespmem:s3+$0x10460];
	[tilespmem:s17+$0xFFFFFFB0] =	vst v0  }
0x139: {  	v0 =	vld [tilespmem:s20+$0x11030];
	[tilespmem:s26+$0x100] =	vst v1  }
0x13a: {  	[tilespmem:s19+$0xFFFFFF10] =	vst v5;
	v1 =	vld [tilespmem:s28+$0x11C00]  }
0x13b: {  	v5 =	vld [tilespmem:s23+$0x10C10];
	[tilespmem:s12+$0x60] =	vst v3  }
0x13c: {  	v3 =	vld [tilespmem:s18+$0x11460];
	[tilespmem:s16+$0x1B0] =	vst v2  }
0x13d: {  	[tilespmem:s2+$0xFFFFFE70] =	vst v4;
	v2 =	vld [tilespmem:s25+$0x12030]  }
0x13e: {  	v4 =	vld [tilespmem:s3+$0x10470];
	[tilespmem:s17+$0xFFFFFFC0] =	vst v0  }
0x13f: {  	v0 =	vld [tilespmem:s20+$0x11040];
	[tilespmem:s26+$0x110] =	vst v1  }
0x140: {  	[tilespmem:s19+$0xFFFFFF20] =	vst v5;
	v1 =	vld [tilespmem:s28+$0x11C10]  }
0x141: {  	v5 =	vld [tilespmem:s23+$0x10C20];
	[tilespmem:s12+$0x70] =	vst v3  }
0x142: {  	v3 =	vld [tilespmem:s18+$0x11470];
	[tilespmem:s16+$0x1C0] =	vst v2  }
0x143: {  	[tilespmem:s2+$0xFFFFFE80] =	vst v4;
	v2 =	vld [tilespmem:s25+$0x12040]  }
0x144: {  	v4 =	vld [tilespmem:s3+$0x10800];
	[tilespmem:s17+$0xFFFFFFD0] =	vst v0  }
0x145: {  	v0 =	vld [tilespmem:s20+$0x11050];
	[tilespmem:s26+$0x120] =	vst v1  }
0x146: {  	[tilespmem:s19+$0xFFFFFF30] =	vst v5;
	v1 =	vld [tilespmem:s28+$0x11C20]  }
0x147: {  	v5 =	vld [tilespmem:s23+$0x10C30];
	[tilespmem:s12+$0x80] =	vst v3  }
0x148: {  	v3 =	vld [tilespmem:s18+$0x11800];
	[tilespmem:s16+$0x1D0] =	vst v2  }
0x149: {  	[tilespmem:s2+$0xFFFFFE90] =	vst v4;
	v2 =	vld [tilespmem:s25+$0x12050]  }
0x14a: {  	v4 =	vld [tilespmem:s3+$0x10810];
	[tilespmem:s17+$0xFFFFFFE0] =	vst v0  }
0x14b: {  	v0 =	vld [tilespmem:s20+$0x11060];
	[tilespmem:s26+$0x130] =	vst v1  }
0x14c: {  	[tilespmem:s19+$0xFFFFFF40] =	vst v5;
	v5 =	vld [tilespmem:s28+$0x11C30]  }
0x14d: {  	v6 =	vld [tilespmem:s23+$0x10C40];
	[tilespmem:s12+$0x90] =	vst v3  }
0x14e: {  	v7 =	vld [tilespmem:s18+$0x11810];
	[tilespmem:s16+$0x1E0] =	vst v2  }
0x14f: {  	[tilespmem:s2+$0xFFFFFEA0] =	vst v4;
	v8 =	vld [tilespmem:s25+$0x12058];
	s25 =	smov.u32 s28;
	s28 =	smov.u32 s18;
	s18 =	smov.u32 s20  }
.Ltmp1:
0x150: {  	s20 =	smov.u32 s23;
	s23 =	smov.u32 s3;
	v1 =	vld [tilespmem:s3+$0x10820];
	[tilespmem:s17+$0xFFFFFFF0] =	vst v0;
	(pc) =	sbr.rel @p2 .LBB2_3-.Ltmp1, $4  }
0x151: {  	v3 =	vld [tilespmem:s18+$0x11070];
	[tilespmem:s26+$0x140] =	vst v5  }
0x152: {  	s3 =	sshra.s32 s9, $0x2;
	[tilespmem:s19+$0xFFFFFF50] =	vst v6;
	v2 =	vld [tilespmem:s25+$0x11C40]  }
0x153: {  	v4 =	vld [tilespmem:s3+$0x10400];
	[tilespmem:s12+$0xA0] =	vst v7  }
0x154: {  	s9 =	sadd.s32 $0x200, s9;
	v0 =	vld [tilespmem:s20+$0x10C50];
	[tilespmem:s16+$0x1E8] =	vst v8;
	s16 =	smov.u32 s26;
	s26 =	smov.u32 s12  }
0x155: {  	_ =	sdelay $0x1  }
0x156: {  	s9 =	sadd.s32 $0x400, s2  }
0x157: {  	[tilespmem:s9+$0xFFFFFE10] =	vst v4  }
0x158: {  	v4 =	vld [tilespmem:s3+$0x10410];
	_ =	sdelay $0x4  }
0x159: {  	[tilespmem:s9+$0xFFFFFE20] =	vst v4  }
0x15a: {  	v4 =	vld [tilespmem:s3+$0x10420];
	_ =	sdelay $0x4  }
0x15b: {  	[tilespmem:s9+$0xFFFFFE30] =	vst v4  }
0x15c: {  	v4 =	vld [tilespmem:s3+$0x10430];
	_ =	sdelay $0x4  }
0x15d: {  	[tilespmem:s9+$0xFFFFFE40] =	vst v4  }
0x15e: {  	v4 =	vld [tilespmem:s3+$0x10440];
	_ =	sdelay $0x4  }
0x15f: {  	[tilespmem:s9+$0xFFFFFE50] =	vst v4  }
0x160: {  	v4 =	vld [tilespmem:s3+$0x10450];
	_ =	sdelay $0x4  }
0x161: {  	[tilespmem:s9+$0xFFFFFE60] =	vst v4  }
0x162: {  	v4 =	vld [tilespmem:s3+$0x10460];
	_ =	sdelay $0x4  }
0x163: {  	[tilespmem:s9+$0xFFFFFE70] =	vst v4  }
0x164: {  	v4 =	vld [tilespmem:s3+$0x10470];
	_ =	sdelay $0x4  }
0x165: {  	[tilespmem:s9+$0xFFFFFE80] =	vst v4  }
0x166: {  	v4 =	vld [tilespmem:s3+$0x10800];
	_ =	sdelay $0x4  }
0x167: {  	[tilespmem:s9+$0xFFFFFE90] =	vst v4  }
0x168: {  	v4 =	vld [tilespmem:s3+$0x10810];
	_ =	sdelay $0x4  }
0x169: {  	[tilespmem:s9+$0xFFFFFEA0] =	vst v4  }
0x16a: {  	v4 =	vld [tilespmem:s3+$0x10820];
	_ =	sdelay $0x2  }
0x16b: {  	[tilespmem:s2+$0xFFFFFEB0] =	vst v1  }
0x16c: {  	v1 =	vld [tilespmem:s23+$0x10830]  }
0x16d: {  	[tilespmem:s9+$0xFFFFFEB0] =	vst v4  }
0x16e: {  	v4 =	vld [tilespmem:s3+$0x10830];
	_ =	sdelay $0x2  }
0x16f: {  	[tilespmem:s2+$0xFFFFFEC0] =	vst v1  }
0x170: {  	v1 =	vld [tilespmem:s23+$0x10840]  }
0x171: {  	[tilespmem:s9+$0xFFFFFEC0] =	vst v4  }
0x172: {  	v4 =	vld [tilespmem:s3+$0x10840];
	_ =	sdelay $0x2  }
0x173: {  	[tilespmem:s2+$0xFFFFFED0] =	vst v1  }
0x174: {  	v1 =	vld [tilespmem:s23+$0x10850]  }
0x175: {  	[tilespmem:s9+$0xFFFFFED0] =	vst v4  }
0x176: {  	v4 =	vld [tilespmem:s3+$0x10850];
	_ =	sdelay $0x2  }
0x177: {  	[tilespmem:s2+$0xFFFFFEE0] =	vst v1  }
0x178: {  	v1 =	vld [tilespmem:s23+$0x10860]  }
0x179: {  	[tilespmem:s9+$0xFFFFFEE0] =	vst v4  }
0x17a: {  	v4 =	vld [tilespmem:s3+$0x10860];
	_ =	sdelay $0x2  }
0x17b: {  	[tilespmem:s2+$0xFFFFFEF0] =	vst v1  }
0x17c: {  	v1 =	vld [tilespmem:s23+$0x10870]  }
0x17d: {  	[tilespmem:s9+$0xFFFFFEF0] =	vst v4  }
0x17e: {  	v4 =	vld [tilespmem:s3+$0x10870];
	_ =	sdelay $0x2  }
0x17f: {  	[tilespmem:s2+$0xFFFFFF00] =	vst v1  }
0x180: {  	v1 =	vld [tilespmem:s23+$0x10C00]  }
0x181: {  	[tilespmem:s9+$0xFFFFFF00] =	vst v4  }
0x182: {  	v4 =	vld [tilespmem:s3+$0x10C00];
	_ =	sdelay $0x2  }
0x183: {  	[tilespmem:s2+$0xFFFFFF10] =	vst v1  }
0x184: {  	v1 =	vld [tilespmem:s23+$0x10C10]  }
0x185: {  	[tilespmem:s9+$0xFFFFFF10] =	vst v4  }
0x186: {  	v4 =	vld [tilespmem:s3+$0x10C10];
	_ =	sdelay $0x2  }
0x187: {  	[tilespmem:s2+$0xFFFFFF20] =	vst v1  }
0x188: {  	v1 =	vld [tilespmem:s23+$0x10C20]  }
0x189: {  	[tilespmem:s9+$0xFFFFFF20] =	vst v4  }
0x18a: {  	v4 =	vld [tilespmem:s3+$0x10C20];
	_ =	sdelay $0x2  }
0x18b: {  	[tilespmem:s2+$0xFFFFFF30] =	vst v1  }
0x18c: {  	v1 =	vld [tilespmem:s23+$0x10C30]  }
0x18d: {  	[tilespmem:s9+$0xFFFFFF30] =	vst v4  }
0x18e: {  	v4 =	vld [tilespmem:s3+$0x10C30];
	_ =	sdelay $0x2  }
0x18f: {  	[tilespmem:s2+$0xFFFFFF40] =	vst v1  }
0x190: {  	v1 =	vld [tilespmem:s23+$0x10C40]  }
0x191: {  	[tilespmem:s9+$0xFFFFFF40] =	vst v4  }
0x192: {  	v4 =	vld [tilespmem:s3+$0x10C40];
	_ =	sdelay $0x2  }
0x193: {  	[tilespmem:s2+$0xFFFFFF50] =	vst v1  }
0x194: {  	v1 =	vld [tilespmem:s23+$0x10C50]  }
0x195: {  	[tilespmem:s9+$0xFFFFFF50] =	vst v4  }
0x196: {  	v4 =	vld [tilespmem:s3+$0x10C50];
	_ =	sdelay $0x1  }
0x197: {  	[tilespmem:s19+$0xFFFFFF60] =	vst v0  }
0x198: {  	v0 =	vld [tilespmem:s20+$0x10C60];
	[tilespmem:s2+$0xFFFFFF60] =	vst v1  }
0x199: {  	v1 =	vld [tilespmem:s23+$0x10C60]  }
0x19a: {  	[tilespmem:s9+$0xFFFFFF60] =	vst v4  }
0x19b: {  	v4 =	vld [tilespmem:s3+$0x10C60];
	_ =	sdelay $0x1  }
0x19c: {  	[tilespmem:s19+$0xFFFFFF70] =	vst v0  }
0x19d: {  	v0 =	vld [tilespmem:s20+$0x10C70];
	[tilespmem:s2+$0xFFFFFF70] =	vst v1  }
0x19e: {  	v1 =	vld [tilespmem:s23+$0x10C70]  }
0x19f: {  	[tilespmem:s9+$0xFFFFFF70] =	vst v4  }
0x1a0: {  	v4 =	vld [tilespmem:s3+$0x10C70];
	_ =	sdelay $0x1  }
0x1a1: {  	[tilespmem:s19+$0xFFFFFF80] =	vst v0  }
0x1a2: {  	v0 =	vld [tilespmem:s20+$0x11000];
	[tilespmem:s2+$0xFFFFFF80] =	vst v1  }
0x1a3: {  	v1 =	vld [tilespmem:s23+$0x11000]  }
0x1a4: {  	[tilespmem:s9+$0xFFFFFF80] =	vst v4  }
0x1a5: {  	v4 =	vld [tilespmem:s3+$0x11000];
	_ =	sdelay $0x1  }
0x1a6: {  	[tilespmem:s19+$0xFFFFFF90] =	vst v0  }
0x1a7: {  	v0 =	vld [tilespmem:s20+$0x11010];
	[tilespmem:s2+$0xFFFFFF90] =	vst v1  }
0x1a8: {  	v1 =	vld [tilespmem:s23+$0x11010]  }
0x1a9: {  	[tilespmem:s9+$0xFFFFFF90] =	vst v4  }
0x1aa: {  	v4 =	vld [tilespmem:s3+$0x11010];
	_ =	sdelay $0x1  }
0x1ab: {  	[tilespmem:s19+$0xFFFFFFA0] =	vst v0  }
0x1ac: {  	v0 =	vld [tilespmem:s20+$0x11020];
	[tilespmem:s2+$0xFFFFFFA0] =	vst v1  }
0x1ad: {  	v1 =	vld [tilespmem:s23+$0x11020]  }
0x1ae: {  	[tilespmem:s9+$0xFFFFFFA0] =	vst v4  }
0x1af: {  	v4 =	vld [tilespmem:s3+$0x11020];
	_ =	sdelay $0x1  }
0x1b0: {  	[tilespmem:s19+$0xFFFFFFB0] =	vst v0  }
0x1b1: {  	v0 =	vld [tilespmem:s20+$0x11030];
	[tilespmem:s2+$0xFFFFFFB0] =	vst v1  }
0x1b2: {  	v1 =	vld [tilespmem:s23+$0x11030]  }
0x1b3: {  	[tilespmem:s9+$0xFFFFFFB0] =	vst v4  }
0x1b4: {  	v4 =	vld [tilespmem:s3+$0x11030];
	_ =	sdelay $0x1  }
0x1b5: {  	[tilespmem:s19+$0xFFFFFFC0] =	vst v0  }
0x1b6: {  	v0 =	vld [tilespmem:s20+$0x11040];
	[tilespmem:s2+$0xFFFFFFC0] =	vst v1  }
0x1b7: {  	v1 =	vld [tilespmem:s23+$0x11040]  }
0x1b8: {  	[tilespmem:s9+$0xFFFFFFC0] =	vst v4  }
0x1b9: {  	v4 =	vld [tilespmem:s3+$0x11040];
	_ =	sdelay $0x1  }
0x1ba: {  	[tilespmem:s19+$0xFFFFFFD0] =	vst v0  }
0x1bb: {  	v0 =	vld [tilespmem:s20+$0x11050];
	[tilespmem:s2+$0xFFFFFFD0] =	vst v1  }
0x1bc: {  	v1 =	vld [tilespmem:s23+$0x11050]  }
0x1bd: {  	[tilespmem:s9+$0xFFFFFFD0] =	vst v4  }
0x1be: {  	v4 =	vld [tilespmem:s3+$0x11050];
	_ =	sdelay $0x1  }
0x1bf: {  	[tilespmem:s19+$0xFFFFFFE0] =	vst v0  }
0x1c0: {  	v0 =	vld [tilespmem:s20+$0x11060];
	[tilespmem:s2+$0xFFFFFFE0] =	vst v1  }
0x1c1: {  	v1 =	vld [tilespmem:s23+$0x11060]  }
0x1c2: {  	[tilespmem:s9+$0xFFFFFFE0] =	vst v4  }
0x1c3: {  	v4 =	vld [tilespmem:s3+$0x11060];
	_ =	sdelay $0x1  }
0x1c4: {  	[tilespmem:s19+$0xFFFFFFF0] =	vst v0  }
0x1c5: {  	v0 =	vld [tilespmem:s20+$0x11070];
	[tilespmem:s2+$0xFFFFFFF0] =	vst v1  }
0x1c6: {  	v1 =	vld [tilespmem:s23+$0x11070]  }
0x1c7: {  	[tilespmem:s9+$0xFFFFFFF0] =	vst v4  }
0x1c8: {  	v4 =	vld [tilespmem:s3+$0x11070]  }
0x1c9: {  	[tilespmem:s17+$0x0] =	vst v3  }
0x1ca: {  	v3 =	vld [tilespmem:s18+$0x11400];
	[tilespmem:s19+$0x0] =	vst v0  }
0x1cb: {  	v0 =	vld [tilespmem:s20+$0x11400];
	[tilespmem:s2+$0x0] =	vst v1  }
0x1cc: {  	v1 =	vld [tilespmem:s23+$0x11400]  }
0x1cd: {  	[tilespmem:s9+$0x0] =	vst v4  }
0x1ce: {  	v4 =	vld [tilespmem:s3+$0x11400]  }
0x1cf: {  	[tilespmem:s17+$0x10] =	vst v3  }
0x1d0: {  	v3 =	vld [tilespmem:s18+$0x11410];
	[tilespmem:s19+$0x10] =	vst v0  }
0x1d1: {  	v0 =	vld [tilespmem:s20+$0x11410];
	[tilespmem:s2+$0x10] =	vst v1  }
0x1d2: {  	v1 =	vld [tilespmem:s23+$0x11410]  }
0x1d3: {  	[tilespmem:s9+$0x10] =	vst v4  }
0x1d4: {  	v4 =	vld [tilespmem:s3+$0x11410]  }
0x1d5: {  	[tilespmem:s17+$0x20] =	vst v3  }
0x1d6: {  	v3 =	vld [tilespmem:s18+$0x11420];
	[tilespmem:s19+$0x20] =	vst v0  }
0x1d7: {  	v0 =	vld [tilespmem:s20+$0x11420];
	[tilespmem:s2+$0x20] =	vst v1  }
0x1d8: {  	v1 =	vld [tilespmem:s23+$0x11420]  }
0x1d9: {  	[tilespmem:s9+$0x20] =	vst v4  }
0x1da: {  	v4 =	vld [tilespmem:s3+$0x11420]  }
0x1db: {  	[tilespmem:s17+$0x30] =	vst v3  }
0x1dc: {  	v3 =	vld [tilespmem:s18+$0x11430];
	[tilespmem:s19+$0x30] =	vst v0  }
0x1dd: {  	v0 =	vld [tilespmem:s20+$0x11430];
	[tilespmem:s2+$0x30] =	vst v1  }
0x1de: {  	v1 =	vld [tilespmem:s23+$0x11430]  }
0x1df: {  	[tilespmem:s9+$0x30] =	vst v4  }
0x1e0: {  	v4 =	vld [tilespmem:s3+$0x11430]  }
0x1e1: {  	[tilespmem:s17+$0x40] =	vst v3  }
0x1e2: {  	v3 =	vld [tilespmem:s18+$0x11440];
	[tilespmem:s19+$0x40] =	vst v0  }
0x1e3: {  	v0 =	vld [tilespmem:s20+$0x11440];
	[tilespmem:s2+$0x40] =	vst v1  }
0x1e4: {  	v1 =	vld [tilespmem:s23+$0x11440]  }
0x1e5: {  	[tilespmem:s9+$0x40] =	vst v4  }
0x1e6: {  	v4 =	vld [tilespmem:s3+$0x11440]  }
0x1e7: {  	[tilespmem:s17+$0x50] =	vst v3  }
0x1e8: {  	v3 =	vld [tilespmem:s18+$0x11450];
	[tilespmem:s19+$0x50] =	vst v0  }
0x1e9: {  	v0 =	vld [tilespmem:s20+$0x11450];
	[tilespmem:s2+$0x50] =	vst v1  }
0x1ea: {  	v1 =	vld [tilespmem:s23+$0x11450]  }
0x1eb: {  	[tilespmem:s9+$0x50] =	vst v4  }
0x1ec: {  	v4 =	vld [tilespmem:s3+$0x11450]  }
0x1ed: {  	[tilespmem:s17+$0x60] =	vst v3  }
0x1ee: {  	v3 =	vld [tilespmem:s18+$0x11460];
	[tilespmem:s19+$0x60] =	vst v0  }
0x1ef: {  	v0 =	vld [tilespmem:s20+$0x11460];
	[tilespmem:s2+$0x60] =	vst v1  }
0x1f0: {  	v1 =	vld [tilespmem:s23+$0x11460]  }
0x1f1: {  	[tilespmem:s9+$0x60] =	vst v4  }
0x1f2: {  	v4 =	vld [tilespmem:s3+$0x11460]  }
0x1f3: {  	[tilespmem:s17+$0x70] =	vst v3  }
0x1f4: {  	v3 =	vld [tilespmem:s18+$0x11470];
	[tilespmem:s19+$0x70] =	vst v0  }
0x1f5: {  	v0 =	vld [tilespmem:s20+$0x11470];
	[tilespmem:s2+$0x70] =	vst v1  }
0x1f6: {  	v1 =	vld [tilespmem:s23+$0x11470]  }
0x1f7: {  	[tilespmem:s9+$0x70] =	vst v4  }
0x1f8: {  	v4 =	vld [tilespmem:s3+$0x11470]  }
0x1f9: {  	[tilespmem:s17+$0x80] =	vst v3  }
0x1fa: {  	v3 =	vld [tilespmem:s18+$0x11800];
	[tilespmem:s19+$0x80] =	vst v0  }
0x1fb: {  	v0 =	vld [tilespmem:s20+$0x11800];
	[tilespmem:s2+$0x80] =	vst v1  }
0x1fc: {  	v1 =	vld [tilespmem:s23+$0x11800]  }
0x1fd: {  	[tilespmem:s9+$0x80] =	vst v4  }
0x1fe: {  	v4 =	vld [tilespmem:s3+$0x11800]  }
0x1ff: {  	[tilespmem:s17+$0x90] =	vst v3  }
0x200: {  	v3 =	vld [tilespmem:s18+$0x11810];
	[tilespmem:s19+$0x90] =	vst v0  }
0x201: {  	v0 =	vld [tilespmem:s20+$0x11810];
	[tilespmem:s2+$0x90] =	vst v1  }
0x202: {  	v1 =	vld [tilespmem:s23+$0x11810]  }
0x203: {  	[tilespmem:s9+$0x90] =	vst v4  }
0x204: {  	v4 =	vld [tilespmem:s3+$0x11810]  }
0x205: {  	v5 =	vld [tilespmem:s28+$0x11820];
	[tilespmem:s17+$0xA0] =	vst v3  }
0x206: {  	v3 =	vld [tilespmem:s18+$0x11820];
	[tilespmem:s19+$0xA0] =	vst v0  }
0x207: {  	v0 =	vld [tilespmem:s20+$0x11820];
	[tilespmem:s2+$0xA0] =	vst v1  }
0x208: {  	v1 =	vld [tilespmem:s23+$0x11820]  }
0x209: {  	[tilespmem:s9+$0xA0] =	vst v4  }
0x20a: {  	[tilespmem:s26+$0xB0] =	vst v5;
	v4 =	vld [tilespmem:s3+$0x11820]  }
0x20b: {  	v5 =	vld [tilespmem:s28+$0x11830];
	[tilespmem:s17+$0xB0] =	vst v3  }
0x20c: {  	v3 =	vld [tilespmem:s18+$0x11830];
	[tilespmem:s19+$0xB0] =	vst v0  }
0x20d: {  	v0 =	vld [tilespmem:s20+$0x11830];
	[tilespmem:s2+$0xB0] =	vst v1  }
0x20e: {  	v1 =	vld [tilespmem:s23+$0x11830]  }
0x20f: {  	[tilespmem:s9+$0xB0] =	vst v4  }
0x210: {  	[tilespmem:s26+$0xC0] =	vst v5;
	v4 =	vld [tilespmem:s3+$0x11830]  }
0x211: {  	v5 =	vld [tilespmem:s28+$0x11840];
	[tilespmem:s17+$0xC0] =	vst v3  }
0x212: {  	v3 =	vld [tilespmem:s18+$0x11840];
	[tilespmem:s19+$0xC0] =	vst v0  }
0x213: {  	v0 =	vld [tilespmem:s20+$0x11840];
	[tilespmem:s2+$0xC0] =	vst v1  }
0x214: {  	v1 =	vld [tilespmem:s23+$0x11840]  }
0x215: {  	[tilespmem:s9+$0xC0] =	vst v4  }
0x216: {  	[tilespmem:s26+$0xD0] =	vst v5;
	v4 =	vld [tilespmem:s3+$0x11840]  }
0x217: {  	v5 =	vld [tilespmem:s28+$0x11850];
	[tilespmem:s17+$0xD0] =	vst v3  }
0x218: {  	v3 =	vld [tilespmem:s18+$0x11850];
	[tilespmem:s19+$0xD0] =	vst v0  }
0x219: {  	v0 =	vld [tilespmem:s20+$0x11850];
	[tilespmem:s2+$0xD0] =	vst v1  }
0x21a: {  	v1 =	vld [tilespmem:s23+$0x11850]  }
0x21b: {  	[tilespmem:s9+$0xD0] =	vst v4  }
0x21c: {  	[tilespmem:s26+$0xE0] =	vst v5;
	v4 =	vld [tilespmem:s3+$0x11850]  }
0x21d: {  	v5 =	vld [tilespmem:s28+$0x11860];
	[tilespmem:s17+$0xE0] =	vst v3  }
0x21e: {  	v3 =	vld [tilespmem:s18+$0x11860];
	[tilespmem:s19+$0xE0] =	vst v0  }
0x21f: {  	v0 =	vld [tilespmem:s20+$0x11860];
	[tilespmem:s2+$0xE0] =	vst v1  }
0x220: {  	v1 =	vld [tilespmem:s23+$0x11860]  }
0x221: {  	[tilespmem:s9+$0xE0] =	vst v4  }
0x222: {  	[tilespmem:s26+$0xF0] =	vst v5;
	v4 =	vld [tilespmem:s3+$0x11860]  }
0x223: {  	v5 =	vld [tilespmem:s28+$0x11870];
	[tilespmem:s17+$0xF0] =	vst v3  }
0x224: {  	v3 =	vld [tilespmem:s18+$0x11870];
	[tilespmem:s19+$0xF0] =	vst v0  }
0x225: {  	v0 =	vld [tilespmem:s20+$0x11870];
	[tilespmem:s2+$0xF0] =	vst v1  }
0x226: {  	v1 =	vld [tilespmem:s23+$0x11870]  }
0x227: {  	[tilespmem:s9+$0xF0] =	vst v4  }
0x228: {  	[tilespmem:s26+$0x100] =	vst v5;
	v4 =	vld [tilespmem:s3+$0x11870]  }
0x229: {  	v5 =	vld [tilespmem:s28+$0x11C00];
	[tilespmem:s17+$0x100] =	vst v3  }
0x22a: {  	v3 =	vld [tilespmem:s18+$0x11C00];
	[tilespmem:s19+$0x100] =	vst v0  }
0x22b: {  	v0 =	vld [tilespmem:s20+$0x11C00];
	[tilespmem:s2+$0x100] =	vst v1  }
0x22c: {  	v1 =	vld [tilespmem:s23+$0x11C00]  }
0x22d: {  	[tilespmem:s9+$0x100] =	vst v4  }
0x22e: {  	[tilespmem:s26+$0x110] =	vst v5;
	v4 =	vld [tilespmem:s3+$0x11C00]  }
0x22f: {  	v5 =	vld [tilespmem:s28+$0x11C10];
	[tilespmem:s17+$0x110] =	vst v3  }
0x230: {  	v3 =	vld [tilespmem:s18+$0x11C10];
	[tilespmem:s19+$0x110] =	vst v0  }
0x231: {  	v0 =	vld [tilespmem:s20+$0x11C10];
	[tilespmem:s2+$0x110] =	vst v1  }
0x232: {  	v1 =	vld [tilespmem:s23+$0x11C10]  }
0x233: {  	[tilespmem:s9+$0x110] =	vst v4  }
0x234: {  	[tilespmem:s26+$0x120] =	vst v5;
	v4 =	vld [tilespmem:s3+$0x11C10]  }
0x235: {  	v5 =	vld [tilespmem:s28+$0x11C20];
	[tilespmem:s17+$0x120] =	vst v3  }
0x236: {  	v3 =	vld [tilespmem:s18+$0x11C20];
	[tilespmem:s19+$0x120] =	vst v0  }
0x237: {  	v0 =	vld [tilespmem:s20+$0x11C20];
	[tilespmem:s2+$0x120] =	vst v1  }
0x238: {  	v1 =	vld [tilespmem:s23+$0x11C20]  }
0x239: {  	[tilespmem:s9+$0x120] =	vst v4  }
0x23a: {  	[tilespmem:s26+$0x130] =	vst v5;
	v4 =	vld [tilespmem:s3+$0x11C20]  }
0x23b: {  	v5 =	vld [tilespmem:s28+$0x11C30];
	[tilespmem:s17+$0x130] =	vst v3  }
0x23c: {  	v3 =	vld [tilespmem:s18+$0x11C30];
	[tilespmem:s19+$0x130] =	vst v0  }
0x23d: {  	v0 =	vld [tilespmem:s20+$0x11C30];
	[tilespmem:s2+$0x130] =	vst v1  }
0x23e: {  	v1 =	vld [tilespmem:s23+$0x11C30]  }
0x23f: {  	[tilespmem:s9+$0x130] =	vst v4  }
0x240: {  	[tilespmem:s26+$0x140] =	vst v5;
	v4 =	vld [tilespmem:s3+$0x11C30]  }
0x241: {  	v5 =	vld [tilespmem:s28+$0x11C40];
	[tilespmem:s17+$0x140] =	vst v3  }
0x242: {  	v3 =	vld [tilespmem:s18+$0x11C40];
	[tilespmem:s19+$0x140] =	vst v0  }
0x243: {  	v0 =	vld [tilespmem:s20+$0x11C40];
	[tilespmem:s2+$0x140] =	vst v1  }
0x244: {  	v1 =	vld [tilespmem:s23+$0x11C40]  }
0x245: {  	[tilespmem:s9+$0x140] =	vst v4  }
0x246: {  	[tilespmem:s26+$0x150] =	vst v5;
	v62 =	vld [tilespmem:s3+$0x11C40]  }
0x247: {  	v5 =	vld [tilespmem:s28+$0x11C50];
	[tilespmem:s17+$0x150] =	vst v3  }
0x248: {  	v3 =	vld [tilespmem:s18+$0x11C50];
	[tilespmem:s19+$0x150] =	vst v0  }
0x249: {  	v0 =	vld [tilespmem:s20+$0x11C50];
	[tilespmem:s2+$0x150] =	vst v1  }
0x24a: {  	[tilespmem:s16+$0x150] =	vst v2;
	v1 =	vld [tilespmem:s23+$0x11C50]  }
0x24b: {  	v63 =	vld [tilespmem:s25+$0x11C50];
	[tilespmem:s9+$0x150] =	vst v62  }
0x24c: {  	[tilespmem:s26+$0x160] =	vst v5;
	v2 =	vld [tilespmem:s3+$0x11C50]  }
0x24d: {  	v5 =	vld [tilespmem:s28+$0x11C60];
	[tilespmem:s17+$0x160] =	vst v3  }
0x24e: {  	v3 =	vld [tilespmem:s18+$0x11C60];
	[tilespmem:s19+$0x160] =	vst v0  }
0x24f: {  	v0 =	vld [tilespmem:s20+$0x11C60];
	[tilespmem:s2+$0x160] =	vst v1  }
0x250: {  	[tilespmem:s16+$0x160] =	vst v63;
	v1 =	vld [tilespmem:s23+$0x11C60]  }
0x251: {  	v4 =	vld [tilespmem:s25+$0x11C60];
	[tilespmem:s9+$0x160] =	vst v2  }
0x252: {  	[tilespmem:s26+$0x170] =	vst v5;
	v2 =	vld [tilespmem:s3+$0x11C60]  }
0x253: {  	v5 =	vld [tilespmem:s28+$0x11C70];
	[tilespmem:s17+$0x170] =	vst v3  }
0x254: {  	v3 =	vld [tilespmem:s18+$0x11C70];
	[tilespmem:s19+$0x170] =	vst v0  }
0x255: {  	v0 =	vld [tilespmem:s20+$0x11C70];
	[tilespmem:s2+$0x170] =	vst v1  }
0x256: {  	v1 =	vld [tilespmem:s23+$0x11C70];
	[tilespmem:s16+$0x170] =	vst v4  }
0x257: {  	v4 =	vld [tilespmem:s25+$0x11C70];
	[tilespmem:s9+$0x170] =	vst v2  }
0x258: {  	[tilespmem:s26+$0x180] =	vst v5;
	v2 =	vld [tilespmem:s3+$0x11C70]  }
0x259: {  	v5 =	vld [tilespmem:s28+$0x12000];
	[tilespmem:s17+$0x180] =	vst v3  }
0x25a: {  	v3 =	vld [tilespmem:s18+$0x12000];
	[tilespmem:s19+$0x180] =	vst v0  }
0x25b: {  	v0 =	vld [tilespmem:s20+$0x12000];
	[tilespmem:s2+$0x180] =	vst v1  }
0x25c: {  	v1 =	vld [tilespmem:s23+$0x12000];
	[tilespmem:s16+$0x180] =	vst v4  }
0x25d: {  	v4 =	vld [tilespmem:s25+$0x12000];
	[tilespmem:s9+$0x180] =	vst v2  }
0x25e: {  	[tilespmem:s26+$0x190] =	vst v5;
	v2 =	vld [tilespmem:s3+$0x12000]  }
0x25f: {  	v5 =	vld [tilespmem:s28+$0x12010];
	[tilespmem:s17+$0x190] =	vst v3  }
0x260: {  	v3 =	vld [tilespmem:s18+$0x12010];
	[tilespmem:s19+$0x190] =	vst v0  }
0x261: {  	v0 =	vld [tilespmem:s20+$0x12010];
	[tilespmem:s2+$0x190] =	vst v1  }
0x262: {  	v1 =	vld [tilespmem:s23+$0x12010];
	[tilespmem:s16+$0x190] =	vst v4  }
0x263: {  	v4 =	vld [tilespmem:s25+$0x12010];
	[tilespmem:s9+$0x190] =	vst v2  }
0x264: {  	[tilespmem:s26+$0x1A0] =	vst v5;
	v2 =	vld [tilespmem:s3+$0x12010]  }
0x265: {  	v5 =	vld [tilespmem:s28+$0x12020];
	[tilespmem:s17+$0x1A0] =	vst v3  }
0x266: {  	v3 =	vld [tilespmem:s18+$0x12020];
	[tilespmem:s19+$0x1A0] =	vst v0  }
0x267: {  	v0 =	vld [tilespmem:s20+$0x12020];
	[tilespmem:s2+$0x1A0] =	vst v1  }
0x268: {  	v1 =	vld [tilespmem:s23+$0x12020];
	[tilespmem:s16+$0x1A0] =	vst v4  }
0x269: {  	v4 =	vld [tilespmem:s25+$0x12020];
	[tilespmem:s9+$0x1A0] =	vst v2  }
0x26a: {  	[tilespmem:s26+$0x1B0] =	vst v5;
	v2 =	vld [tilespmem:s3+$0x12020]  }
0x26b: {  	v5 =	vld [tilespmem:s28+$0x12030];
	[tilespmem:s17+$0x1B0] =	vst v3  }
0x26c: {  	v3 =	vld [tilespmem:s18+$0x12030];
	[tilespmem:s19+$0x1B0] =	vst v0  }
0x26d: {  	v0 =	vld [tilespmem:s20+$0x12030];
	[tilespmem:s2+$0x1B0] =	vst v1  }
0x26e: {  	v1 =	vld [tilespmem:s23+$0x12030];
	[tilespmem:s16+$0x1B0] =	vst v4  }
0x26f: {  	v4 =	vld [tilespmem:s25+$0x12030];
	[tilespmem:s9+$0x1B0] =	vst v2  }
0x270: {  	[tilespmem:s26+$0x1C0] =	vst v5;
	v2 =	vld [tilespmem:s3+$0x12030]  }
0x271: {  	v5 =	vld [tilespmem:s28+$0x12040];
	[tilespmem:s17+$0x1C0] =	vst v3  }
0x272: {  	v3 =	vld [tilespmem:s18+$0x12040];
	[tilespmem:s19+$0x1C0] =	vst v0  }
0x273: {  	v0 =	vld [tilespmem:s20+$0x12040];
	[tilespmem:s2+$0x1C0] =	vst v1  }
0x274: {  	v1 =	vld [tilespmem:s23+$0x12040];
	[tilespmem:s16+$0x1C0] =	vst v4  }
0x275: {  	v4 =	vld [tilespmem:s25+$0x12040];
	[tilespmem:s9+$0x1C0] =	vst v2  }
0x276: {  	[tilespmem:s26+$0x1D0] =	vst v5;
	v2 =	vld [tilespmem:s3+$0x12040]  }
0x277: {  	v5 =	vld [tilespmem:s28+$0x12050];
	[tilespmem:s17+$0x1D0] =	vst v3  }
0x278: {  	v3 =	vld [tilespmem:s18+$0x12050];
	[tilespmem:s19+$0x1D0] =	vst v0  }
0x279: {  	v0 =	vld [tilespmem:s20+$0x12050];
	[tilespmem:s2+$0x1D0] =	vst v1  }
0x27a: {  	v1 =	vld [tilespmem:s23+$0x12050];
	[tilespmem:s16+$0x1D0] =	vst v4  }
0x27b: {  	v4 =	vld [tilespmem:s25+$0x12050];
	[tilespmem:s9+$0x1D0] =	vst v2  }
0x27c: {  	[tilespmem:s26+$0x1E0] =	vst v5;
	v2 =	vld [tilespmem:s3+$0x12050]  }
0x27d: {  	v5 =	vld [tilespmem:s28+$0x12058];
	[tilespmem:s17+$0x1E0] =	vst v3  }
0x27e: {  	v3 =	vld [tilespmem:s18+$0x12058];
	[tilespmem:s19+$0x1E0] =	vst v0  }
0x27f: {  	v0 =	vld [tilespmem:s20+$0x12058];
	[tilespmem:s2+$0x1E0] =	vst v1  }
0x280: {  	v1 =	vld [tilespmem:s23+$0x12058];
	[tilespmem:s16+$0x1E0] =	vst v4  }
0x281: {  	v4 =	vld [tilespmem:s25+$0x12058];
	[tilespmem:s9+$0x1E0] =	vst v2  }
0x282: {  	[tilespmem:s26+$0x1E8] =	vst v5;
	v2 =	vld [tilespmem:s3+$0x12058]  }
0x283: {  	[tilespmem:s17+$0x1E8] =	vst v3  }
0x284: {  	[tilespmem:s19+$0x1E8] =	vst v0  }
0x285: {  	[tilespmem:s2+$0x1E8] =	vst v1  }
0x286: {  	[tilespmem:s16+$0x1E8] =	vst v4  }
0x287: {  	[tilespmem:s9+$0x1E8] =	vst v2  }
0x288: {  	s2 =	rddreg [dreg:$0x9]  }
0x289: {  	s26 =	simm.s32 $0x1A000;
	s20 =	simm.s32 $0x20000;
	s28 =	rddreg [dreg:$0xa]  }
0x28a: {  	[spmem:s28] =	stream.linear.scatter [tilespmem:s2], [sflag:$0x4], $0x2000, $0x200038;
	[tilespmem:$0x1CA40] =	vst v63  }
0x28b: {  	s19 =	smov.u32 s13;
	s13 =	smov.u32 s1;
	_ =	swait.ge [sflag:s22], $0x2000  }
0x28c: {  	s1 =	smov.u32 s8;
	s8 =	simm.s32 $0x1000;
	[sflag:s22] =	ssyncset.done $0x0  }
0x28d: {  	s23 =	simm.s32 $0x12000;
	s25 =	simm.s32 $0x1A400;
	[sflag:s22] =	ssyncadd.s32 $0xFFFFE000  }
.LBB2_5:
0x28e: {  	[bflag:$0x0] =	sbarrier.arrive $0xFFFF;
	s2 =	simm.s32 $0x0  }
0x28f: {  	[tilespmem:s2], [sflag:$0x2] =	stream.linear.gather [spmem:s13], $0x10000, $0x200038;
	[tilespmem:$0x1CA40] =	vst v63  }
0x290: {  	_ =	strace $0x90000048  }
0x291: {  	_ =	strace $0x80000049  }
0x292: {  	[tilespmem:s26], [sflag:$0x4] =	stream.linear.gather [hbm4b:s10+s2], $0x400, $0x200038;
	[tilespmem:$0x1CA40] =	vst v63  }
0x293: {  	_ =	swait.ge [sflag:s22], $0x400  }
0x294: {  	[sflag:s22] =	ssyncset.done $0x0  }
0x295: {  	v0 =	vimm.f32 $0.0e+00;
	[sflag:s22] =	ssyncadd.s32 $0xFFFFFC00  }
0x296: {  	[tilespmem:$0x1A600] =	vst v0  }
0x297: {  	[tilespmem:$0x1A610] =	vst v0  }
0x298: {  	[tilespmem:$0x1A620] =	vst v0  }
0x299: {  	[tilespmem:$0x1A630] =	vst v0  }
0x29a: {  	[tilespmem:$0x1A640] =	vst v0  }
0x29b: {  	[tilespmem:$0x1A650] =	vst v0  }
0x29c: {  	[tilespmem:$0x1A660] =	vst v0  }
0x29d: {  	[tilespmem:$0x1A670] =	vst v0  }
0x29e: {  	[tilespmem:$0x1A680] =	vst v0  }
0x29f: {  	[tilespmem:$0x1A690] =	vst v0  }
0x2a0: {  	[tilespmem:$0x1A6A0] =	vst v0  }
0x2a1: {  	[tilespmem:$0x1A6B0] =	vst v0  }
0x2a2: {  	[tilespmem:$0x1A6C0] =	vst v0  }
0x2a3: {  	[tilespmem:$0x1A6D0] =	vst v0  }
0x2a4: {  	[tilespmem:$0x1A6E0] =	vst v0  }
0x2a5: {  	[tilespmem:$0x1A6F0] =	vst v0  }
0x2a6: {  	[tilespmem:$0x1A700] =	vst v0  }
0x2a7: {  	[tilespmem:$0x1A710] =	vst v0  }
0x2a8: {  	[tilespmem:$0x1A720] =	vst v0  }
0x2a9: {  	[tilespmem:$0x1A730] =	vst v0  }
0x2aa: {  	[tilespmem:$0x1A740] =	vst v0  }
0x2ab: {  	[tilespmem:$0x1A750] =	vst v0  }
0x2ac: {  	[tilespmem:$0x1A760] =	vst v0  }
0x2ad: {  	[tilespmem:$0x1A770] =	vst v0  }
0x2ae: {  	[tilespmem:$0x1A780] =	vst v0  }
0x2af: {  	[tilespmem:$0x1A790] =	vst v0  }
0x2b0: {  	[tilespmem:$0x1A7A0] =	vst v0  }
0x2b1: {  	[tilespmem:$0x1A7B0] =	vst v0  }
0x2b2: {  	[tilespmem:$0x1A7C0] =	vst v0  }
0x2b3: {  	[tilespmem:$0x1A7D0] =	vst v0  }
0x2b4: {  	[tilespmem:$0x1A7E0] =	vst v0  }
0x2b5: {  	[tilespmem:$0x1A7F0] =	vst v0  }
0x2b6: {  	[tilespmem:$0x1A800] =	vst v0  }
0x2b7: {  	[tilespmem:$0x1A810] =	vst v0  }
0x2b8: {  	[tilespmem:$0x1A820] =	vst v0  }
0x2b9: {  	[tilespmem:$0x1A830] =	vst v0  }
0x2ba: {  	[tilespmem:$0x1A840] =	vst v0  }
0x2bb: {  	[tilespmem:$0x1A850] =	vst v0  }
0x2bc: {  	[tilespmem:$0x1A860] =	vst v0  }
0x2bd: {  	[tilespmem:$0x1A870] =	vst v0  }
0x2be: {  	[tilespmem:$0x1A880] =	vst v0  }
0x2bf: {  	[tilespmem:$0x1A890] =	vst v0  }
0x2c0: {  	[tilespmem:$0x1A8A0] =	vst v0  }
0x2c1: {  	[tilespmem:$0x1A8B0] =	vst v0  }
0x2c2: {  	[tilespmem:$0x1A8C0] =	vst v0  }
0x2c3: {  	[tilespmem:$0x1A8D0] =	vst v0  }
0x2c4: {  	[tilespmem:$0x1A8E0] =	vst v0  }
0x2c5: {  	[tilespmem:$0x1A8F0] =	vst v0  }
0x2c6: {  	[tilespmem:$0x1A900] =	vst v0  }
0x2c7: {  	[tilespmem:$0x1A910] =	vst v0  }
0x2c8: {  	[tilespmem:$0x1A920] =	vst v0  }
0x2c9: {  	[tilespmem:$0x1A930] =	vst v0  }
0x2ca: {  	[tilespmem:$0x1A940] =	vst v0  }
0x2cb: {  	[tilespmem:$0x1A950] =	vst v0  }
0x2cc: {  	[tilespmem:$0x1A960] =	vst v0  }
0x2cd: {  	[tilespmem:$0x1A970] =	vst v0  }
0x2ce: {  	[tilespmem:$0x1A980] =	vst v0  }
0x2cf: {  	[tilespmem:$0x1A990] =	vst v0  }
0x2d0: {  	[tilespmem:$0x1A9A0] =	vst v0  }
0x2d1: {  	[tilespmem:$0x1A9B0] =	vst v0  }
0x2d2: {  	[tilespmem:$0x1A9C0] =	vst v0  }
0x2d3: {  	[tilespmem:$0x1A9D0] =	vst v0  }
0x2d4: {  	[tilespmem:$0x1A9E0] =	vst v0  }
0x2d5: {  	s3 =	simm.s32 $0x0;
	s2 =	simm.s32 $0x40;
	[tilespmem:$0x1A9F0] =	vst v0  }
.LBB2_6:
0x2d6: {  	p2 =	sne.s32 s2, $0xFC0;
	v0 =	vld [tilespmem:s3+$0x1A000];
	_ =	sdelay $0x3  }
.Ltmp2:
0x2d7: {  	(pc) =	sbr.rel @p2 .LBB2_6-.Ltmp2, $2  }
0x2d8: {  	_ =	sdelay $0x2  }
0x2d9: {  	s3 =	sshra.s32 s2, $0x2;
	s2 =	sadd.s32 $0x40, s2;
	[tilespmem:v0+s24+$0x0] =	vst.idx.add.f32.msk $0xffff, v9  }
0x2da: {  	v0 =	vld [tilespmem:s3+$0x1A000];
	_ =	sdelay $0x7  }
0x2db: {  	[tilespmem:v0+s24+$0x0] =	vst.idx.add.f32.msk $0xffff, v9  }
0x2dc: {  	_ =	strace $0x90000049  }
0x2dd: {  	_ =	strace $0x8000004A  }
0x2de: {  	[spmem:s11] =	stream.linear.scatter [tilespmem:s24], [sflag:$0x4], $0x400, $0x200038;
	[tilespmem:$0x1CA40] =	vst v63  }
.Ltmp3:
0x2df: {  	_ =	swait.ge [sflag:s22], $0x400;
	(pc) =	sbr.rel @p0 .LBB2_9-.Ltmp3, $3  }
0x2e0: {  	[sflag:s22] =	ssyncset.done $0x0  }
0x2e1: {  	[sflag:s22] =	ssyncadd.s32 $0xFFFFFC00  }
0x2e2: {  	[bflag:$0x0] =	sbarrier.arrive $0xFFFF;
	_ =	sdelay $0x1  }
0x2e3: {  	s2 =	rddreg [dreg:$0xb]  }
0x2e4: {  	s3 =	simm.s32 $0x80;
	s9 =	simm.s32 $0x400;
	s12 =	simm.s32 $0x1AA00  }
0x2e5: {  	[tilespmem:s12], [sflag:$0x4] =	stream.strided.gather [spmem:s2], $0x800, s9, s3, $0x200038;
	[tilespmem:$0x1CA40] =	vst v63  }
0x2e6: {  	_ =	swait.ge [sflag:s22], $0x800  }
0x2e7: {  	[sflag:s22] =	ssyncset.done $0x0  }
0x2e8: {  	[sflag:s22] =	ssyncadd.s32 $0xFFFFF800  }
0x2e9: {  	v1 =	vld [tilespmem:$0x1AA00]  }
0x2ea: {  	v2 =	vld [tilespmem:$0x1AA80]  }
0x2eb: {  	v3 =	vld [tilespmem:$0x1AB00]  }
0x2ec: {  	v4 =	vld [tilespmem:$0x1AB80]  }
0x2ed: {  	v9 =	vld [tilespmem:$0x1AC00]  }
0x2ee: {  	v10 =	vld [tilespmem:$0x1AC80]  }
0x2ef: {  	v11 =	vld [tilespmem:$0x1AD00]  }
0x2f0: {  	v12 =	vld [tilespmem:$0x1AD80]  }
0x2f1: {  	v14 =	vld [tilespmem:$0x1AE00]  }
0x2f2: {  	v16 =	vld [tilespmem:$0x1AE80]  }
0x2f3: {  	v18 =	vld [tilespmem:$0x1AF00]  }
0x2f4: {  	v0 =	vld [tilespmem:$0x1AF80]  }
0x2f5: {  	v42 =	vld [tilespmem:$0x1B000]  }
0x2f6: {  	v43 =	vld [tilespmem:$0x1B080]  }
0x2f7: {  	v44 =	vld [tilespmem:$0x1B100]  }
0x2f8: {  	v45 =	vld [tilespmem:$0x1B180]  }
0x2f9: {  	v5 =	vld [tilespmem:$0x1AA10]  }
0x2fa: {  	v7 =	vld [tilespmem:$0x1AA90]  }
0x2fb: {  	v8 =	vld [tilespmem:$0x1AB10]  }
0x2fc: {  	v19 =	vld [tilespmem:$0x1AB90]  }
0x2fd: {  	v20 =	vld [tilespmem:$0x1AC10]  }
0x2fe: {  	v21 =	vld [tilespmem:$0x1AC90]  }
0x2ff: {  	v22 =	vld [tilespmem:$0x1AD10]  }
0x300: {  	v23 =	vld [tilespmem:$0x1AD90]  }
0x301: {  	v24 =	vld [tilespmem:$0x1AE10]  }
0x302: {  	v25 =	vld [tilespmem:$0x1AE90]  }
0x303: {  	v26 =	vld [tilespmem:$0x1AF10]  }
0x304: {  	v27 =	vld [tilespmem:$0x1AF90]  }
0x305: {  	v28 =	vld [tilespmem:$0x1B010]  }
0x306: {  	v30 =	vld [tilespmem:$0x1B090]  }
0x307: {  	v46 =	vld [tilespmem:$0x1B110]  }
0x308: {  	v47 =	vld [tilespmem:$0x1B190]  }
0x309: {  	v32 =	vld [tilespmem:$0x1AA20]  }
0x30a: {  	v33 =	vld [tilespmem:$0x1AAA0]  }
0x30b: {  	v34 =	vld [tilespmem:$0x1AB20]  }
0x30c: {  	v35 =	vld [tilespmem:$0x1ABA0]  }
0x30d: {  	v36 =	vld [tilespmem:$0x1AC20]  }
0x30e: {  	v37 =	vld [tilespmem:$0x1ACA0]  }
0x30f: {  	v38 =	vld [tilespmem:$0x1AD20]  }
0x310: {  	v39 =	vld [tilespmem:$0x1ADA0]  }
0x311: {  	v40 =	vld [tilespmem:$0x1AE20]  }
0x312: {  	v41 =	vld [tilespmem:$0x1AEA0]  }
0x313: {  	v48 =	vld [tilespmem:$0x1AA30]  }
0x314: {  	v49 =	vld [tilespmem:$0x1AAB0]  }
0x315: {  	v50 =	vld [tilespmem:$0x1AB30]  }
0x316: {  	v51 =	vld [tilespmem:$0x1ABB0]  }
0x317: {  	v52 =	vld [tilespmem:$0x1AC30]  }
0x318: {  	v53 =	vld [tilespmem:$0x1ACB0]  }
0x319: {  	v54 =	vld [tilespmem:$0x1AD30]  }
0x31a: {  	v55 =	vld [tilespmem:$0x1ADB0]  }
0x31b: {  	v56 =	vld [tilespmem:$0x1AE30]  }
0x31c: {  	v57 =	vld [tilespmem:$0x1AEB0]  }
0x31d: {  	v58 =	vld [tilespmem:$0x1AF30]  }
0x31e: {  	v59 =	vld [tilespmem:$0x1AFB0]  }
0x31f: {  	v60 =	vld [tilespmem:$0x1B030]  }
0x320: {  	v61 =	vld [tilespmem:$0x1B0B0]  }
0x321: {  	v62 =	vld [tilespmem:$0x1B130]  }
0x322: {  	v63 =	vld [tilespmem:$0x1B1B0]  }
0x323: {  	v6 =	vld [tilespmem:$0x1AA40]  }
0x324: {  	v13 =	vld [tilespmem:$0x1AB40]  }
0x325: {  	v15 =	vld [tilespmem:$0x1ABC0]  }
0x326: {  	v17 =	vld [tilespmem:$0x1AC40]  }
0x327: {  	v29 =	vld [tilespmem:$0x1ACC0]  }
0x328: {  	v31 =	vld [tilespmem:$0x1AD40]  }
0x329: {  	[tilespmem:$0x1FF90] =	vst v42;
	v42 =	vld [tilespmem:$0x1AF20]  }
0x32a: {  	[tilespmem:$0x1FFA0] =	vst v43;
	v43 =	vld [tilespmem:$0x1AFA0]  }
0x32b: {  	[tilespmem:$0x1FFB0] =	vst v44;
	v44 =	vld [tilespmem:$0x1B020]  }
0x32c: {  	[tilespmem:$0x1FFD0] =	vst v45;
	v45 =	vld [tilespmem:$0x1B0A0]  }
0x32d: {  	[tilespmem:$0x1FFC0] =	vst v46;
	v46 =	vld [tilespmem:$0x1B120]  }
0x32e: {  	[tilespmem:$0x1FFE0] =	vst v47;
	v47 =	vld [tilespmem:$0x1B1A0]  }
0x32f: {  	[tilespmem:$0x1FF80] =	vst v0;
	v0 =	vld [tilespmem:$0x1AAC0]  }
0x330: {  	v1 =	vadd.f32 v2, v1;
	v2 =	vld [tilespmem:$0x1ADC0]  }
0x331: {  	v5 =	vadd.f32 v7, v5;
	v7 =	vld [tilespmem:$0x1AE40]  }
0x332: {  	[tilespmem:$0x1FFF0] =	vst v31;
	v31 =	vld [tilespmem:$0x1AFD0]  }
0x333: {  	v32 =	vadd.f32 v33, v32;
	v3 =	vadd.f32 v3, v1;
	v1 =	vld [tilespmem:$0x1AEC0]  }
0x334: {  	v48 =	vadd.f32 v49, v48;
	v5 =	vadd.f32 v8, v5;
	v8 =	vld [tilespmem:$0x1AF40]  }
0x335: {  	v49 =	vadd.f32 v34, v32;
	v32 =	vld [tilespmem:$0x1AFC0]  }
0x336: {  	v33 =	vadd.f32 v50, v48;
	v50 =	vld [tilespmem:$0x1AA50]  }
0x337: {  	v19 =	vadd.f32 v19, v5;
	v5 =	vld [tilespmem:$0x1B040]  }
0x338: {  	v3 =	vadd.f32 v4, v3;
	v4 =	vld [tilespmem:$0x1B0C0]  }
0x339: {  	v34 =	vadd.f32 v35, v49;
	v48 =	vadd.f32 v51, v33;
	v35 =	vld [tilespmem:$0x1B1D0]  }
0x33a: {  	v9 =	vadd.f32 v9, v3;
	v3 =	vld [tilespmem:$0x1B140]  }
0x33b: {  	v19 =	vadd.f32 v20, v19;
	v20 =	vadd.f32 v52, v48;
	v52 =	vld [tilespmem:$0x1AAD0]  }
0x33c: {  	v49 =	vadd.f32 v36, v34;
	v34 =	vld [tilespmem:$0x1B0D0]  }
0x33d: {  	v48 =	vld [tilespmem:$0x1AB60]  }
0x33e: {  	v36 =	vld [tilespmem:$0x1AF70]  }
0x33f: {  	v10 =	vadd.f32 v10, v9;
	v9 =	vld [tilespmem:$0x1B1C0]  }
0x340: {  	v0 =	vadd.f32 v0, v6;
	v20 =	vadd.f32 v53, v20;
	v53 =	vld [tilespmem:$0x1AB50]  }
0x341: {  	v51 =	vadd.f32 v37, v49;
	v49 =	vld [tilespmem:$0x1AB70]  }
0x342: {  	v0 =	vadd.f32 v13, v0;
	v19 =	vadd.f32 v21, v19;
	v37 =	vld [tilespmem:$0x1AFE0]  }
0x343: {  	v20 =	vadd.f32 v54, v20;
	v54 =	vld [tilespmem:$0x1AC60]  }
0x344: {  	v0 =	vadd.f32 v15, v0;
	v19 =	vadd.f32 v22, v19;
	v22 =	vld [tilespmem:$0x1AE70]  }
0x345: {  	v10 =	vadd.f32 v11, v10;
	v21 =	vadd.f32 v52, v50;
	v50 =	vld [tilespmem:$0x1ABE0]  }
0x346: {  	v11 =	vadd.f32 v38, v51;
	v52 =	vld [tilespmem:$0x1ABF0];
	v0 =	vadd.f32 v17, v0  }
0x347: {  	v10 =	vadd.f32 v12, v10;
	v12 =	vld [tilespmem:$0x1ABD0];
	v19 =	vadd.f32 v23, v19  }
0x348: {  	v23 =	vld [tilespmem:$0x1AC50];
	v11 =	vadd.f32 v39, v11;
	v20 =	vadd.f32 v55, v20  }
0x349: {  	v55 =	vld [tilespmem:$0x1FF80];
	v21 =	vadd.f32 v53, v21;
	v0 =	vadd.f32 v29, v0  }
0x34a: {  	v29 =	vld [tilespmem:$0x1AEF0];
	v10 =	vadd.f32 v14, v10;
	v11 =	vadd.f32 v40, v11  }
0x34b: {  	v14 =	vld [tilespmem:$0x1ACD0];
	v19 =	vadd.f32 v24, v19;
	v20 =	vadd.f32 v56, v20  }
0x34c: {  	v24 =	vld [tilespmem:$0x1AD50];
	v10 =	vadd.f32 v16, v10;
	v11 =	vadd.f32 v41, v11  }
0x34d: {  	v56 =	vld [tilespmem:$0x1FF90];
	v19 =	vadd.f32 v25, v19;
	v20 =	vadd.f32 v57, v20  }
0x34e: {  	v16 =	vld [tilespmem:$0x1ADD0];
	v12 =	vadd.f32 v12, v21;
	v11 =	vadd.f32 v42, v11  }
0x34f: {  	v25 =	vld [tilespmem:$0x1AE50];
	v10 =	vadd.f32 v18, v10;
	v20 =	vadd.f32 v58, v20  }
0x350: {  	v57 =	vld [tilespmem:$0x1FFA0];
	v19 =	vadd.f32 v26, v19;
	v11 =	vadd.f32 v43, v11  }
0x351: {  	v58 =	vld [tilespmem:$0x1AA60];
	v12 =	vadd.f32 v23, v12;
	v20 =	vadd.f32 v59, v20  }
0x352: {  	v10 =	vadd.f32 v55, v10;
	v43 =	vld [tilespmem:$0x1AA70];
	v11 =	vadd.f32 v44, v11  }
0x353: {  	v19 =	vadd.f32 v27, v19;
	v20 =	vadd.f32 v60, v20;
	v60 =	vld [tilespmem:$0x1AAE0]  }
0x354: {  	v12 =	vadd.f32 v14, v12;
	v11 =	vadd.f32 v45, v11;
	v45 =	vld [tilespmem:$0x1AAF0]  }
0x355: {  	v59 =	vld [tilespmem:$0x1FFB0];
	v10 =	vadd.f32 v56, v10;
	v19 =	vadd.f32 v28, v19  }
0x356: {  	v42 =	vld [tilespmem:$0x1FFC0];
	v12 =	vadd.f32 v24, v12  }
0x357: {  	v18 =	vld [tilespmem:$0x1AED0];
	v10 =	vadd.f32 v57, v10;
	v19 =	vadd.f32 v30, v19  }
0x358: {  	v55 =	vld [tilespmem:$0x1AC70];
	v20 =	vadd.f32 v61, v20;
	v51 =	vadd.f32 v60, v58  }
0x359: {  	v44 =	vld [tilespmem:$0x1FFD0];
	v12 =	vadd.f32 v16, v12;
	v53 =	vadd.f32 v45, v43  }
0x35a: {  	v56 =	vld [tilespmem:$0x1ACE0];
	v10 =	vadd.f32 v59, v10;
	v13 =	vadd.f32 v48, v51  }
0x35b: {  	v61 =	vld [tilespmem:$0x1FFF0];
	v19 =	vadd.f32 v42, v19;
	v6 =	vadd.f32 v49, v53  }
0x35c: {  	v57 =	vld [tilespmem:$0x1ACF0];
	v11 =	vadd.f32 v46, v11;
	v13 =	vadd.f32 v50, v13  }
0x35d: {  	v20 =	vadd.f32 v62, v20;
	v58 =	vld [tilespmem:$0x1AD60];
	v6 =	vadd.f32 v52, v6  }
0x35e: {  	v59 =	vld [tilespmem:$0x1AD70];
	v12 =	vadd.f32 v25, v12;
	v13 =	vadd.f32 v54, v13  }
0x35f: {  	v60 =	vld [tilespmem:$0x1ADE0];
	v10 =	vadd.f32 v44, v10;
	v6 =	vadd.f32 v55, v6  }
0x360: {  	v62 =	vld [tilespmem:$0x1ADF0];
	v0 =	vadd.f32 v61, v0;
	v13 =	vadd.f32 v56, v13  }
0x361: {  	v20 =	vadd.f32 v63, v20;
	v63 =	vld [tilespmem:$0x1AE60];
	v6 =	vadd.f32 v57, v6  }
0x362: {  	v46 =	vld [tilespmem:$0x1FFE0];
	v0 =	vadd.f32 v2, v0;
	v21 =	vadd.f32 v58, v13  }
0x363: {  	v24 =	vld [tilespmem:$0x1AEE0];
	v11 =	vadd.f32 v47, v11;
	v6 =	vadd.f32 v59, v6  }
0x364: {  	v26 =	vld [tilespmem:$0x1AF50];
	v0 =	vadd.f32 v7, v0;
	v2 =	vadd.f32 v60, v21  }
0x365: {  	v30 =	vld [tilespmem:$0x1AF60];
	v12 =	vadd.f32 v18, v12;
	v6 =	vadd.f32 v62, v6  }
0x366: {  	v38 =	vld [tilespmem:$0x1AFF0];
	v0 =	vadd.f32 v1, v0;
	v33 =	vadd.f32 v63, v2  }
0x367: {  	v39 =	vld [tilespmem:$0x1B060];
	v19 =	vadd.f32 v46, v19;
	v6 =	vadd.f32 v22, v6  }
0x368: {  	v27 =	vld [tilespmem:$0x1B050];
	v0 =	vadd.f32 v8, v0;
	v1 =	vadd.f32 v24, v33  }
0x369: {  	v40 =	vld [tilespmem:$0x1B070];
	v12 =	vadd.f32 v26, v12;
	v6 =	vadd.f32 v29, v6  }
0x36a: {  	v41 =	vld [tilespmem:$0x1B0E0];
	v0 =	vadd.f32 v32, v0;
	v1 =	vadd.f32 v30, v1  }
0x36b: {  	v28 =	vld [tilespmem:$0x1B150];
	v12 =	vadd.f32 v31, v12;
	v2 =	vadd.f32 v36, v6  }
0x36c: {  	v42 =	vld [tilespmem:$0x1B0F0];
	v0 =	vadd.f32 v5, v0;
	v1 =	vadd.f32 v37, v1  }
0x36d: {  	v43 =	vld [tilespmem:$0x1B160];
	v12 =	vadd.f32 v27, v12;
	v2 =	vadd.f32 v38, v2  }
0x36e: {  	v44 =	vld [tilespmem:$0x1B170];
	v0 =	vadd.f32 v4, v0;
	v1 =	vadd.f32 v39, v1  }
0x36f: {  	(erf) = vrcp.f32 v10;
	v46 =	vld [tilespmem:$0x1B1E0];
	v45 =	vadd.f32 v34, v12;
	v2 =	vadd.f32 v40, v2  }
0x370: {  	v47 =	vld [tilespmem:$0x1B1F0];
	(erf) = vrcp.f32 v19;
	v0 =	vadd.f32 v3, v0;
	v1 =	vadd.f32 v41, v1  }
0x371: {  	(erf) = vrcp.f32 v11;
	v48 =	vadd.f32 v28, v45;
	v2 =	vadd.f32 v42, v2  }
0x372: {  	v0 =	vadd.f32 v9, v0;
	v1 =	vadd.f32 v43, v1  }
0x373: {  	(erf) = vrcp.f32 v20;
	v49 =	vadd.f32 v35, v48;
	v2 =	vadd.f32 v44, v2  }
0x374: {  	(erf) = vrcp.f32 v0;
	v1 =	vadd.f32 v46, v1  }
0x375: {  	(erf) = vrcp.f32 v49;
	v2 =	vadd.f32 v47, v2  }
0x376: {  	(erf) = vrcp.f32 v1  }
0x377: {  	(erf) = vrcp.f32 v2  }
0x378: {  	v50 =	vpop (erf)  }
0x379: {  	vm9 =	vgt.f32 v19, $0.0e+00;
	v51 =	vpop (erf)  }
0x37a: {  	vm10 =	vgt.f32 v11, $0.0e+00;
	v52 =	vpop (erf);
	v53 =	vnsel vm9, $0x0, v51  }
0x37b: {  	vm0 =	vgt.f32 v10, $0.0e+00;
	[tilespmem:$0x1B210] =	vst v53;
	v55 =	vnsel vm10, $0x0, v52  }
0x37c: {  	vm11 =	vgt.f32 v20, $0.0e+00;
	v54 =	vpop (erf);
	v3 =	vnsel vm0, $0x0, v50;
	[tilespmem:$0x1B220] =	vst v55  }
0x37d: {  	v57 =	vnsel vm11, $0x0, v54;
	[tilespmem:$0x1B200] =	vst v3;
	vm12 =	vgt.f32 v0, $0.0e+00;
	v56 =	vpop (erf)  }
0x37e: {  	vm13 =	vgt.f32 v49, $0.0e+00;
	[tilespmem:$0x1B230] =	vst v57;
	v58 =	vpop (erf);
	v59 =	vnsel vm12, $0x0, v56  }
0x37f: {  	vm14 =	vgt.f32 v1, $0.0e+00;
	[tilespmem:$0x1B240] =	vst v59;
	v0 =	vnsel vm13, $0x0, v58;
	v60 =	vpop (erf)  }
0x380: {  	vm15 =	vgt.f32 v2, $0.0e+00;
	[tilespmem:$0x1B250] =	vst v0;
	v61 =	vnsel vm14, $0x0, v60;
	v62 =	vpop (erf)  }
0x381: {  	[tilespmem:$0x1B260] =	vst v61;
	v63 =	vnsel vm15, $0x0, v62  }
0x382: {  	s28 =	rddreg [dreg:$0xc];
	[tilespmem:$0x1B270] =	vst v63  }
0x383: {  	[spmem:s28] =	stream.linear.scatter [tilespmem:s29], [sflag:$0x4], $0x80, $0x200038;
	[tilespmem:$0x1CA40] =	vst v63  }
0x384: {  	_ =	swait.ge [sflag:s22], $0x80  }
0x385: {  	[sflag:s22] =	ssyncset.done $0x0  }
0x386: {  	[sflag:s22] =	ssyncadd.s32 $0xFFFFFF80  }
.LBB2_9:
0x387: {  	_ =	strace $0x9000004A  }
0x388: {  	_ =	strace $0x8000004B  }
0x389: {  	[bflag:$0x0] =	sbarrier.arrive $0xFFFF  }
0x38a: {  	[tilespmem:s29], [sflag:$0x4] =	stream.linear.gather [spmem:s19], $0x400, $0x200038;
	[tilespmem:$0x1CA40] =	vst v63  }
0x38b: {  	_ =	swait.ge [sflag:s22], $0x400  }
0x38c: {  	[sflag:s22] =	ssyncset.done $0x0  }
0x38d: {  	[sflag:s22] =	ssyncadd.s32 $0xFFFFFC00  }
0x38e: {  	_ =	swait.ge [sflag:s30], $0x200  }
0x38f: {  	[sflag:s30] =	ssyncset.done $0x0  }
0x390: {  	[sflag:s30] =	ssyncadd.s32 $0xFFFFFE00  }
0x391: {  	_ =	swait.ge [sflag:s31], $0x10000  }
0x392: {  	[sflag:s31] =	ssyncset.done $0x0  }
0x393: {  	[sflag:s31] =	ssyncadd.s32 $0xFFFF0000  }
0x394: {  	_ =	swait.ge [sflag:s0], $0x8000  }
0x395: {  	[sflag:s0] =	ssyncset.done $0x0  }
0x396: {  	s2 =	simm.s32 $0x0;
	[sflag:s0] =	ssyncadd.s32 $0xFFFF8000  }
0x397: {  	s3 =	sand.u32 $0x70, s2;
	s9 =	sand.u32 $0xC00, s2;
	_ =	strace $0x9000004B  }
0x398: {  	s17 =	sor.u32 s3, s9;
	_ =	strace $0x8000004C  }
0x399: {  	v0 =	vld [tilespmem:s17+$0x19300];
	_ =	sdelay $0x3  }
0x39a: {  	s16 =	simm.s32 $0x1A400  }
0x39b: {  	v8 =	vld [tilespmem:s16+$0x0];
	[tilespmem:$0x1FD90] =	vst v0  }
0x39c: {  	v0 =	vld [tilespmem:s17+$0x19100];
	_ =	sdelay $0x4  }
0x39d: {  	[tilespmem:$0x1FDA0] =	vst v0  }
0x39e: {  	v0 =	vld [tilespmem:s17+$0x19180];
	_ =	sdelay $0x4  }
0x39f: {  	[tilespmem:$0x1FDB0] =	vst v0  }
0x3a0: {  	v0 =	vld [tilespmem:s17+$0x18300];
	_ =	sdelay $0x4  }
0x3a1: {  	[tilespmem:$0x1FDC0] =	vst v0  }
0x3a2: {  	v0 =	vld [tilespmem:s17+$0x18380];
	_ =	sdelay $0x4  }
0x3a3: {  	[tilespmem:$0x1FDD0] =	vst v0  }
0x3a4: {  	v0 =	vld [tilespmem:s17+$0x18100];
	_ =	sdelay $0x4  }
0x3a5: {  	[tilespmem:$0x1FDE0] =	vst v0  }
0x3a6: {  	v0 =	vld [tilespmem:s17+$0x18180];
	_ =	sdelay $0x4  }
0x3a7: {  	[tilespmem:$0x1FDF0] =	vst v0  }
0x3a8: {  	v36 =	vld [tilespmem:s17+$0x17300]  }
0x3a9: {  	v37 =	vld [tilespmem:s17+$0x17380]  }
0x3aa: {  	v42 =	vld [tilespmem:s17+$0x17100]  }
0x3ab: {  	v43 =	vld [tilespmem:s17+$0x17180]  }
0x3ac: {  	v45 =	vld [tilespmem:s17+$0x16300]  }
0x3ad: {  	v47 =	vld [tilespmem:s17+$0x16380]  }
0x3ae: {  	v14 =	vimm.f32 $0.0e+00;
	v49 =	vld [tilespmem:s17+$0x16100]  }
0x3af: {  	v50 =	vld [tilespmem:s17+$0x16180];
	[tilespmem:$0x1FE00] =	vst v14  }
0x3b0: {  	v51 =	vld [tilespmem:s17+$0x15300]  }
0x3b1: {  	v15 =	vadd.s32 $0x5000, v8;
	v52 =	vld [tilespmem:s17+$0x15380]  }
0x3b2: {  	v16 =	vadd.s32 $0x5400, v8;
	v54 =	vld [tilespmem:s17+$0x15100];
	[tilespmem:$0x1FE10] =	vst v15  }
0x3b3: {  	v17 =	vadd.s32 $0x6000, v8;
	[tilespmem:$0x1FE20] =	vst v16  }
0x3b4: {  	v18 =	vadd.s32 $0x6400, v8;
	v55 =	vld [tilespmem:s17+$0x15180];
	[tilespmem:$0x1FE30] =	vst v17  }
0x3b5: {  	v19 =	vadd.s32 $0x7000, v8;
	[tilespmem:$0x1FE40] =	vst v18  }
0x3b6: {  	v20 =	vadd.s32 $0x7400, v8;
	[tilespmem:$0x1FE50] =	vst v19  }
0x3b7: {  	v21 =	vadd.s32 $0x8000, v8;
	v56 =	vld [tilespmem:s17+$0x14300];
	[tilespmem:$0x1FE60] =	vst v20  }
0x3b8: {  	v22 =	vadd.s32 $0x8400, v8;
	[tilespmem:$0x1FE70] =	vst v21  }
0x3b9: {  	v23 =	vadd.s32 $0x9000, v8;
	[tilespmem:$0x1FE80] =	vst v22  }
0x3ba: {  	v24 =	vadd.s32 $0x9400, v8;
	v57 =	vld [tilespmem:s17+$0x14380];
	[tilespmem:$0x1FE90] =	vst v23  }
0x3bb: {  	v25 =	vadd.s32 $0xA000, v8;
	[tilespmem:$0x1FEA0] =	vst v24  }
0x3bc: {  	v26 =	vadd.s32 $0xA400, v8;
	[tilespmem:$0x1FEB0] =	vst v25  }
0x3bd: {  	v27 =	vadd.s32 $0xB000, v8;
	v53 =	vld [tilespmem:s17+$0x14100];
	[tilespmem:$0x1FEC0] =	vst v26  }
0x3be: {  	v28 =	vadd.s32 $0xB400, v8;
	[tilespmem:$0x1FED0] =	vst v27  }
0x3bf: {  	v29 =	vadd.s32 $0xC000, v8;
	[tilespmem:$0x1FEE0] =	vst v28  }
0x3c0: {  	v30 =	vadd.s32 $0xC400, v8;
	v58 =	vld [tilespmem:s17+$0x14180];
	[tilespmem:$0x1FEF0] =	vst v29  }
0x3c1: {  	v31 =	vadd.s32 $0xD000, v8;
	[tilespmem:$0x1FF00] =	vst v30  }
0x3c2: {  	v32 =	vadd.s32 $0xD400, v8;
	[tilespmem:$0x1FF10] =	vst v31  }
0x3c3: {  	v33 =	vadd.s32 $0xE000, v8;
	v59 =	vld [tilespmem:s17+$0x13300];
	[tilespmem:$0x1FF20] =	vst v32  }
0x3c4: {  	v60 =	vadd.s32 $0xE400, v8;
	[tilespmem:$0x1FF30] =	vst v33  }
0x3c5: {  	v63 =	vimm.f32 $0.0e+00;
	v48 =	vadd.s32 $0x400, v8;
	v61 =	vadd.s32 $0xF000, v8;
	[tilespmem:$0x1FF40] =	vst v60  }
0x3c6: {  	v46 =	vadd.s32 $0x1000, v8;
	v44 =	vadd.s32 $0x1400, v8;
	v62 =	vadd.s32 $0xF400, v8;
	v60 =	vld [tilespmem:s17+$0x13380];
	[tilespmem:$0x1FF50] =	vst v61  }
0x3c7: {  	v41 =	vadd.s32 $0x2000, v8;
	v40 =	vadd.s32 $0x2400, v8;
	v39 =	vadd.s32 $0x3000, v8;
	[tilespmem:$0x1FF60] =	vst v62  }
0x3c8: {  	s18 =	simm.s32 $0x10;
	s3 =	simm.s32 $0x0;
	v38 =	vadd.s32 $0x3400, v8;
	v35 =	vadd.s32 $0x4000, v8;
	v34 =	vadd.s32 $0x4400, v8;
	v61 =	vld [tilespmem:s17+$0x13100];
	[tilespmem:$0x1FF70] =	vst v63  }
.LBB2_10:
0x3c9: {  	v4 =	vld [tilespmem:s17+$0x13180];
	v0 =	vadd.s32 $0x3800, v8  }
0x3ca: {  	v5 =	vld [tilespmem:s17+$0x12100];
	v1 =	vadd.s32 $0x800, v8  }
0x3cb: {  	v6 =	vld [tilespmem:s17+$0x12180];
	v7 =	vadd.s32 $0xC00, v8;
	s9 =	sor.u32 s3, s2  }
0x3cc: {  	v9 =	vld [tilespmem:s17+$0x12300];
	v10 =	vadd.s32 $0x1800, v8;
	s9 =	sor.u32 $0x380, s9  }
0x3cd: {  	v12 =	vadd.s32 $0x1C00, v8;
	v11 =	vld [tilespmem:s9+$0x12000]  }
0x3ce: {  	v13 =	vadd.s32 $0x2800, v8;
	v14 =	vld.idx.msk [tilespmem:v0+s4+$0x0], $0xffff  }
0x3cf: {  	v16 =	vadd.s32 $0x2C00, v8;
	v15 =	vld.idx.msk [tilespmem:v1+s4+$0x0], $0xffff  }
0x3d0: {  	v17 =	vadd.s32 $0x3C00, v8;
	v7 =	vld.idx.msk [tilespmem:v7+s4+$0x0], $0xffff  }
0x3d1: {  	v18 =	vadd.s32 $0x4800, v8;
	v10 =	vld.idx.msk [tilespmem:v10+s4+$0x0], $0xffff  }
0x3d2: {  	v25 =	vadd.s32 $0x5C00, v8;
	v12 =	vld.idx.msk [tilespmem:v12+s4+$0x0], $0xffff  }
0x3d3: {  	v30 =	vadd.s32 $0x9C00, v8;
	v13 =	vld.idx.msk [tilespmem:v13+s4+$0x0], $0xffff  }
0x3d4: {  	v3 =	vadd.s32 $0xC800, v8;
	v16 =	vld.idx.msk [tilespmem:v16+s4+$0x0], $0xffff  }
0x3d5: {  	v2 =	vadd.s32 $0xD800, v8;
	v17 =	vld.idx.msk [tilespmem:v17+s4+$0x0], $0xffff  }
0x3d6: {  	v20 =	vadd.s32 $0x4C00, v8;
	v18 =	vld.idx.msk [tilespmem:v18+s4+$0x0], $0xffff  }
0x3d7: {  	v22 =	vadd.s32 $0x5800, v8;
	v25 =	vld.idx.msk [tilespmem:v25+s4+$0x0], $0xffff  }
0x3d8: {  	v28 =	vadd.s32 $0x6800, v8;
	v30 =	vld.idx.msk [tilespmem:v30+s4+$0x0], $0xffff  }
0x3d9: {  	v31 =	vadd.s32 $0x6C00, v8;
	v3 =	vld.idx.msk [tilespmem:v3+s4+$0x0], $0xffff  }
0x3da: {  	v63 =	vadd.s32 $0xF800, v8;
	v62 =	vadd.s32 $0xFC00, v8;
	v32 =	vadd.s32 $0x8800, v8;
	v2 =	vld.idx.msk [tilespmem:v2+s4+$0x0], $0xffff  }
0x3db: {  	v19 =	vadd.s32 $0xDC00, v8;
	v33 =	vadd.s32 $0x8C00, v8;
	v6 =	vsub.f32 v6, v7;
	v7 =	vld.idx.msk [tilespmem:v20+s4+$0x0], $0xffff  }
0x3dc: {  	v26 =	vadd.s32 $0xA800, v8;
	v9 =	vsub.f32 v9, v10;
	v10 =	vsub.f32 v11, v12;
	v11 =	vld.idx.msk [tilespmem:v22+s4+$0x0], $0xffff  }
0x3dd: {  	v21 =	vadd.s32 $0xCC00, v8;
	v27 =	vadd.s32 $0xAC00, v8;
	v4 =	vsub.f32 v4, v16;
	v16 =	vld.idx.msk [tilespmem:v28+s4+$0x0], $0xffff  }
0x3de: {  	v23 =	vadd.s32 $0xB800, v8;
	v5 =	vsub.f32 v5, v15;
	v14 =	vsub.f32 v59, v14;
	v59 =	vld.idx.msk [tilespmem:v31+s4+$0x0], $0xffff  }
0x3df: {  	v29 =	vadd.s32 $0x9800, v8;
	v15 =	vadd.s32 $0x7800, v8;
	v13 =	vsub.f32 v61, v13;
	v61 =	vld.idx.msk [tilespmem:v32+s4+$0x0], $0xffff  }
0x3e0: {  	v12 =	vadd.s32 $0x7C00, v8;
	v28 =	vld.idx.msk [tilespmem:v33+s4+$0x0], $0xffff;
	v5 =	vmul.f32 v5, v5;
	v6 =	vmul.f32 v6, v6  }
0x3e1: {  	v1 =	vadd.s32 $0xE800, v8;
	v31 =	vld.idx.msk [tilespmem:v26+s4+$0x0], $0xffff;
	v9 =	vmul.f32 v9, v9;
	v10 =	vmul.f32 v10, v10  }
0x3e2: {  	v17 =	vsub.f32 v60, v17;
	v60 =	vsub.f32 v53, v18;
	v32 =	vld.idx.msk [tilespmem:v27+s4+$0x0], $0xffff;
	v13 =	vmul.f32 v13, v13  }
0x3e3: {  	v53 =	vld.idx.msk [tilespmem:v19+s4+$0x0], $0xffff;
	v4 =	vmul.f32 v4, v4;
	v5 =	vadd.f32 v9, v5;
	v6 =	vadd.f32 v10, v6  }
0x3e4: {  	v24 =	vadd.s32 $0xBC00, v8;
	v10 =	vmul.f32 v14, v14;
	v9 =	vld.idx.msk [tilespmem:v15+s4+$0x0], $0xffff;
	v7 =	vsub.f32 v58, v7  }
0x3e5: {  	v12 =	vld.idx.msk [tilespmem:v12+s4+$0x0], $0xffff;
	v5 =	vadd.f32 v13, v5;
	v4 =	vadd.f32 v4, v6;
	v6 =	vmul.f32 v17, v17  }
0x3e6: {  	v25 =	vsub.f32 v57, v25;
	v1 =	vld.idx.msk [tilespmem:v1+s4+$0x0], $0xffff;
	v14 =	vmul.f32 v60, v60;
	v11 =	vsub.f32 v56, v11  }
0x3e7: {  	v57 =	vld [tilespmem:$0x1FDC0];
	v5 =	vadd.f32 v10, v5;
	v4 =	vadd.f32 v6, v4;
	v6 =	vmul.f32 v7, v7  }
0x3e8: {  	v7 =	vld.idx.msk [tilespmem:v29+s4+$0x0], $0xffff;
	v10 =	vmul.f32 v11, v11;
	v11 =	vsub.f32 v54, v16;
	v29 =	vsub.f32 v55, v59  }
0x3e9: {  	v22 =	vld [tilespmem:s17+$0x12280];
	v5 =	vadd.f32 v14, v5;
	v4 =	vadd.f32 v6, v4;
	v6 =	vmul.f32 v25, v25  }
0x3ea: {  	v27 =	vld [tilespmem:s17+$0x13080];
	v11 =	vmul.f32 v11, v11;
	v9 =	vsub.f32 v51, v9;
	v12 =	vsub.f32 v52, v12  }
0x3eb: {  	v56 =	vld.idx.msk [tilespmem:v62+s4+$0x0], $0xffff;
	v5 =	vadd.f32 v10, v5;
	v4 =	vadd.f32 v6, v4;
	v6 =	vmul.f32 v29, v29  }
0x3ec: {  	v33 =	vsub.f32 v50, v28;
	v13 =	vsub.f32 v49, v61;
	v49 =	vld.idx.msk [tilespmem:v24+s4+$0x0], $0xffff;
	v9 =	vmul.f32 v9, v9  }
0x3ed: {  	v55 =	vld [tilespmem:$0x1FDF0];
	v5 =	vadd.f32 v11, v5;
	v4 =	vadd.f32 v6, v4;
	v6 =	vmul.f32 v12, v12  }
0x3ee: {  	v50 =	vsub.f32 v47, v30;
	v51 =	vld.idx.msk [tilespmem:v21+s4+$0x0], $0xffff;
	v7 =	vsub.f32 v45, v7;
	v11 =	vmul.f32 v13, v13  }
0x3ef: {  	v10 =	vld.idx.msk [tilespmem:v23+s4+$0x0], $0xffff;
	v5 =	vadd.f32 v9, v5;
	v4 =	vadd.f32 v6, v4;
	v6 =	vmul.f32 v33, v33  }
0x3f0: {  	v58 =	vld [tilespmem:$0x1FDD0];
	v52 =	vsub.f32 v43, v32;
	v7 =	vmul.f32 v7, v7;
	v9 =	vsub.f32 v42, v31  }
0x3f1: {  	v54 =	vld [tilespmem:$0x1FDE0];
	v5 =	vadd.f32 v11, v5;
	v4 =	vadd.f32 v6, v4;
	v6 =	vmul.f32 v50, v50  }
0x3f2: {  	v16 =	vld [tilespmem:$0x1FD90];
	v9 =	vmul.f32 v9, v9;
	v11 =	vsub.f32 v37, v49  }
0x3f3: {  	v5 =	vadd.f32 v7, v5;
	v4 =	vadd.f32 v6, v4;
	v6 =	vmul.f32 v52, v52;
	v7 =	vld.idx.msk [tilespmem:v63+s4+$0x0], $0xffff  }
0x3f4: {  	v62 =	vld.idx.msk [tilespmem:v8+s4+$0x0], $0xffff;
	v12 =	vsub.f32 v55, v51;
	v10 =	vsub.f32 v36, v10  }
0x3f5: {  	v5 =	vadd.f32 v9, v5;
	v4 =	vadd.f32 v6, v4;
	v6 =	vmul.f32 v11, v11;
	v9 =	vld [tilespmem:s17+$0x19380]  }
0x3f6: {  	v0 =	vadd.s32 $0xEC00, v8;
	v14 =	vsub.f32 v58, v53;
	v53 =	vld.idx.msk [tilespmem:v8+s29+$0x0], $0xffff;
	v10 =	vmul.f32 v10, v10  }
0x3f7: {  	v8 =	vld [tilespmem:s17+$0x13000];
	v3 =	vsub.f32 v54, v3;
	v4 =	vadd.f32 v6, v4;
	v6 =	vmul.f32 v12, v12  }
0x3f8: {  	v5 =	vadd.f32 v10, v5;
	v10 =	vld.idx.msk [tilespmem:v44+s4+$0x0], $0xffff;
	v7 =	vsub.f32 v16, v7  }
0x3f9: {  	v2 =	vsub.f32 v57, v2;
	v3 =	vmul.f32 v3, v3;
	v4 =	vadd.f32 v6, v4;
	v6 =	vld [tilespmem:s17+$0x12000]  }
0x3fa: {  	v9 =	vsub.f32 v9, v56;
	v20 =	vmul.f32 v7, v7;
	v7 =	vld.idx.msk [tilespmem:v41+s4+$0x0], $0xffff  }
0x3fb: {  	v28 =	vld [tilespmem:s17+$0x13200];
	v2 =	vmul.f32 v2, v2;
	v3 =	vadd.f32 v3, v5  }
0x3fc: {  	v21 =	vmul.f32 v9, v9;
	v9 =	vld.idx.msk [tilespmem:v39+s4+$0x0], $0xffff  }
0x3fd: {  	v2 =	vadd.f32 v2, v3;
	v3 =	vsub.f32 v22, v10;
	v10 =	vld.idx.msk [tilespmem:v38+s4+$0x0], $0xffff  }
0x3fe: {  	v23 =	vsub.f32 v6, v62;
	v6 =	vld.idx.msk [tilespmem:v40+s4+$0x0], $0xffff  }
0x3ff: {  	v29 =	vsub.f32 v8, v7;
	v7 =	vld [tilespmem:s17+$0x13280]  }
0x400: {  	v0 =	vld.idx.msk [tilespmem:v0+s4+$0x0], $0xffff  }
0x401: {  	v33 =	vld [tilespmem:s17+$0x14080]  }
0x402: {  	v32 =	vsub.f32 v28, v9;
	v9 =	vld [tilespmem:$0x1FE20]  }
0x403: {  	v30 =	vsub.f32 v27, v6;
	v6 =	vld.idx.msk [tilespmem:v34+s4+$0x0], $0xffff  }
0x404: {  	v34 =	vsub.f32 v7, v10;
	v7 =	vld [tilespmem:$0x1FE10]  }
0x405: {  	v19 =	vld [tilespmem:s17+$0x12200]  }
0x406: {  	v60 =	vld [tilespmem:$0x1FDA0]  }
0x407: {  	v61 =	vld [tilespmem:$0x1FDB0]  }
0x408: {  	v37 =	vsub.f32 v33, v6;
	v6 =	vld [tilespmem:$0x1FE40]  }
0x409: {  	v36 =	vld [tilespmem:s17+$0x14280]  }
0x40a: {  	v9 =	vld.idx.msk [tilespmem:v9+s4+$0x0], $0xffff  }
0x40b: {  	v10 =	vld [tilespmem:s17+$0x14200]  }
0x40c: {  	v7 =	vld.idx.msk [tilespmem:v7+s4+$0x0], $0xffff  }
0x40d: {  	v59 =	vld.idx.msk [tilespmem:v46+s4+$0x0], $0xffff  }
0x40e: {  	v38 =	vld [tilespmem:$0x1FE30]  }
0x40f: {  	v40 =	vsub.f32 v36, v9;
	v9 =	vld [tilespmem:$0x1FE60]  }
0x410: {  	v1 =	vsub.f32 v60, v1;
	v6 =	vld.idx.msk [tilespmem:v6+s4+$0x0], $0xffff  }
0x411: {  	v0 =	vsub.f32 v61, v0;
	v63 =	vmul.f32 v14, v14;
	v39 =	vsub.f32 v10, v7;
	v7 =	vld [tilespmem:s17+$0x15080]  }
0x412: {  	v46 =	vld [tilespmem:s17+$0x16080]  }
0x413: {  	v43 =	vld [tilespmem:s17+$0x15280];
	v1 =	vmul.f32 v1, v1;
	v0 =	vmul.f32 v0, v0;
	v18 =	vadd.f32 v63, v4  }
0x414: {  	v31 =	vld.idx.msk [tilespmem:v35+s4+$0x0], $0xffff;
	v4 =	vsub.f32 v19, v59  }
0x415: {  	v1 =	vadd.f32 v1, v2;
	v0 =	vadd.f32 v0, v18;
	v8 =	vld [tilespmem:s17+$0x14000]  }
0x416: {  	v4 =	vmul.f32 v4, v4;
	v44 =	vsub.f32 v7, v6;
	v7 =	vld [tilespmem:$0x1FE80]  }
0x417: {  	v1 =	vadd.f32 v20, v1;
	v0 =	vadd.f32 v21, v0;
	v25 =	vmul.f32 v23, v23;
	v9 =	vld.idx.msk [tilespmem:v9+s4+$0x0], $0xffff  }
0x418: {  	v6 =	vld [tilespmem:$0x1FE70]  }
0x419: {  	v0 =	vadd.f32 v0, v1;
	v1 =	vadd.f32 v4, v25;
	v4 =	vld.idx.msk [tilespmem:v38+s4+$0x0], $0xffff  }
0x41a: {  	v35 =	vsub.f32 v8, v31;
	v8 =	vld [tilespmem:s17+$0x15000]  }
0x41b: {  	v11 =	vld.idx.msk [tilespmem:v48+s4+$0x0], $0xffff  }
0x41c: {  	v47 =	vsub.f32 v43, v9;
	v9 =	vld [tilespmem:$0x1FEA0]  }
0x41d: {  	v41 =	vld [tilespmem:$0x1FE50]  }
0x41e: {  	v7 =	vld.idx.msk [tilespmem:v7+s4+$0x0], $0xffff  }
0x41f: {  	v42 =	vsub.f32 v8, v4;
	v8 =	vld [tilespmem:s17+$0x16000]  }
0x420: {  	v6 =	vld.idx.msk [tilespmem:v6+s4+$0x0], $0xffff  }
0x421: {  	v48 =	vld [tilespmem:$0x1FE90];
	_ =	sdelay $0x1  }
0x422: {  	v50 =	vsub.f32 v46, v7;
	v7 =	vld [tilespmem:$0x1FEC0]  }
0x423: {  	v9 =	vld.idx.msk [tilespmem:v9+s4+$0x0], $0xffff  }
0x424: {  	v49 =	vsub.f32 v8, v6;
	v6 =	vld [tilespmem:s17+$0x16280]  }
0x425: {  	v5 =	vld.idx.msk [tilespmem:v41+s4+$0x0], $0xffff  }
0x426: {  	v10 =	vld [tilespmem:s17+$0x15200]  }
0x427: {  	v54 =	vld [tilespmem:s17+$0x17080]  }
0x428: {  	v4 =	vld.idx.msk [tilespmem:v48+s4+$0x0], $0xffff  }
0x429: {  	v55 =	vsub.f32 v6, v9;
	v6 =	vld [tilespmem:$0x1FED0]  }
0x42a: {  	v7 =	vld.idx.msk [tilespmem:v7+s4+$0x0], $0xffff  }
0x42b: {  	v45 =	vsub.f32 v10, v5;
	v10 =	vld [tilespmem:s17+$0x16200]  }
0x42c: {  	v57 =	vld [tilespmem:s17+$0x17280]  }
0x42d: {  	v15 =	vld [tilespmem:s17+$0x19080]  }
0x42e: {  	v51 =	vld [tilespmem:$0x1FEB0]  }
0x42f: {  	v58 =	vsub.f32 v54, v7;
	v7 =	vld [tilespmem:$0x1FF00]  }
0x430: {  	v52 =	vsub.f32 v10, v4;
	v10 =	vld [tilespmem:s17+$0x17200]  }
0x431: {  	v6 =	vld.idx.msk [tilespmem:v6+s4+$0x0], $0xffff  }
0x432: {  	v9 =	vld [tilespmem:$0x1FEE0]  }
0x433: {  	v17 =	vld [tilespmem:s17+$0x12080]  }
0x434: {  	v59 =	vld [tilespmem:$0x1FEF0]  }
0x435: {  	v62 =	vld [tilespmem:$0x1FF10]  }
0x436: {  	v60 =	vsub.f32 v10, v6;
	v6 =	vld [tilespmem:s17+$0x18080]  }
0x437: {  	v7 =	vld.idx.msk [tilespmem:v7+s4+$0x0], $0xffff  }
0x438: {  	v5 =	vld.idx.msk [tilespmem:v51+s4+$0x0], $0xffff  }
0x439: {  	v8 =	vld [tilespmem:s17+$0x17000]  }
0x43a: {  	v9 =	vld.idx.msk [tilespmem:v9+s4+$0x0], $0xffff  }
0x43b: {  	v24 =	vsub.f32 v17, v11;
	v11 =	vld [tilespmem:$0x1FE00]  }
0x43c: {  	v13 =	vsub.f32 v6, v7;
	v6 =	vld [tilespmem:$0x1FF30]  }
0x43d: {  	v4 =	vld.idx.msk [tilespmem:v59+s4+$0x0], $0xffff  }
0x43e: {  	v56 =	vsub.f32 v8, v5;
	v8 =	vld [tilespmem:s17+$0x18000]  }
0x43f: {  	v61 =	vsub.f32 v57, v9;
	v9 =	vld [tilespmem:$0x1FF20]  }
0x440: {  	v5 =	vld.idx.msk [tilespmem:v62+s4+$0x0], $0xffff  }
0x441: {  	v10 =	vld [tilespmem:s17+$0x18200]  }
0x442: {  	v12 =	vld [tilespmem:s17+$0x18280];
	v0 =	vmul.f32 v0, v53  }
0x443: {  	v63 =	vsub.f32 v8, v4;
	v8 =	vld [tilespmem:s17+$0x19000]  }
0x444: {  	v11 =	vadd.f32 v0, v11;
	v0 =	vmul.f32 v29, v29;
	v6 =	vld.idx.msk [tilespmem:v6+s4+$0x0], $0xffff  }
0x445: {  	v17 =	vld [tilespmem:$0x1FF50];
	v26 =	vmul.f32 v24, v24;
	v3 =	vmul.f32 v3, v3  }
0x446: {  	v0 =	vadd.f32 v0, v1;
	v1 =	vmul.f32 v32, v32;
	v14 =	vsub.f32 v10, v5;
	v10 =	vld [tilespmem:s17+$0x19200]  }
0x447: {  	v2 =	vadd.f32 v3, v26;
	v3 =	vmul.f32 v30, v30;
	v9 =	vld.idx.msk [tilespmem:v9+s4+$0x0], $0xffff  }
0x448: {  	s3 =	sadd.s32 $0x80, s3;
	v0 =	vadd.f32 v1, v0;
	v1 =	vmul.f32 v35, v35;
	v7 =	vld [tilespmem:$0x1FF40]  }
0x449: {  	s28 =	sand.u32 $0x70, s18;
	s16 =	sadd.s32 $0x10, s16;
	s12 =	sand.u32 $0xC00, s3;
	v2 =	vadd.f32 v3, v2;
	v3 =	vmul.f32 v34, v34;
	v18 =	vsub.f32 v8, v6;
	v6 =	vld [tilespmem:s17+$0x19280]  }
0x44a: {  	v0 =	vadd.f32 v1, v0;
	v1 =	vmul.f32 v39, v39;
	v8 =	vld [tilespmem:s16+$0x0];
	s17 =	sor.u32 s28, s12  }
0x44b: {  	v2 =	vadd.f32 v3, v2;
	v3 =	vmul.f32 v37, v37;
	v20 =	vld [tilespmem:s17+$0x19300]  }
0x44c: {  	v0 =	vadd.f32 v1, v0;
	v1 =	vmul.f32 v42, v42;
	v21 =	vld [tilespmem:s17+$0x19100]  }
0x44d: {  	v2 =	vadd.f32 v3, v2;
	v3 =	vmul.f32 v40, v40;
	v22 =	vld [tilespmem:s17+$0x19180]  }
0x44e: {  	v0 =	vadd.f32 v1, v0;
	v1 =	vmul.f32 v45, v45;
	v24 =	vld [tilespmem:s17+$0x18300]  }
0x44f: {  	[tilespmem:$0x1FE00] =	vst v11;
	v2 =	vadd.f32 v3, v2;
	v3 =	vmul.f32 v44, v44;
	v26 =	vld [tilespmem:s17+$0x18380]  }
0x450: {  	v0 =	vadd.f32 v1, v0;
	v1 =	vmul.f32 v49, v49;
	v27 =	vld [tilespmem:s17+$0x18100];
	[tilespmem:$0x1FD90] =	vst v20  }
0x451: {  	v2 =	vadd.f32 v3, v2;
	v3 =	vmul.f32 v47, v47;
	v28 =	vld [tilespmem:s17+$0x18180];
	[tilespmem:$0x1FDA0] =	vst v21  }
0x452: {  	v0 =	vadd.f32 v1, v0;
	v1 =	vmul.f32 v52, v52;
	v16 =	vsub.f32 v12, v9;
	v9 =	vld [tilespmem:$0x1FF60];
	[tilespmem:$0x1FDB0] =	vst v22  }
0x453: {  	v2 =	vadd.f32 v3, v2;
	v3 =	vmul.f32 v50, v50;
	[tilespmem:$0x1FDC0] =	vst v24  }
0x454: {  	v0 =	vadd.f32 v1, v0;
	v1 =	vmul.f32 v56, v56;
	[tilespmem:$0x1FDD0] =	vst v26  }
0x455: {  	v2 =	vadd.f32 v3, v2;
	v3 =	vmul.f32 v55, v55;
	[tilespmem:$0x1FDE0] =	vst v27  }
0x456: {  	v0 =	vadd.f32 v1, v0;
	v1 =	vmul.f32 v60, v60;
	v29 =	vadd.s32 $0x5000, v8;
	[tilespmem:$0x1FDF0] =	vst v28  }
0x457: {  	v2 =	vadd.f32 v3, v2;
	v4 =	vld.idx.msk [tilespmem:v17+s4+$0x0], $0xffff;
	v3 =	vmul.f32 v58, v58;
	v30 =	vadd.s32 $0x5400, v8;
	[tilespmem:$0x1FE10] =	vst v29  }
0x458: {  	v0 =	vadd.f32 v1, v0;
	v1 =	vmul.f32 v63, v63;
	v63 =	vld [tilespmem:$0x1FF70];
	v31 =	vadd.s32 $0x6000, v8;
	[tilespmem:$0x1FE20] =	vst v30  }
0x459: {  	v2 =	vadd.f32 v3, v2;
	v3 =	vmul.f32 v61, v61;
	v7 =	vld.idx.msk [tilespmem:v7+s4+$0x0], $0xffff;
	v32 =	vadd.s32 $0x6400, v8;
	[tilespmem:$0x1FE30] =	vst v31  }
0x45a: {  	v9 =	vld.idx.msk [tilespmem:v9+s4+$0x0], $0xffff;
	v33 =	vadd.s32 $0x7000, v8;
	[tilespmem:$0x1FE40] =	vst v32  }
0x45b: {  	v2 =	vadd.f32 v3, v2;
	v3 =	vmul.f32 v13, v13;
	v36 =	vld [tilespmem:s17+$0x17300];
	v37 =	vadd.s32 $0x7400, v8;
	[tilespmem:$0x1FE50] =	vst v33  }
0x45c: {  	v0 =	vadd.f32 v1, v0;
	v1 =	vmul.f32 v14, v14;
	v42 =	vadd.s32 $0x8000, v8;
	[tilespmem:$0x1FE60] =	vst v37;
	v37 =	vld [tilespmem:s17+$0x17380]  }
0x45d: {  	v2 =	vadd.f32 v3, v2;
	v3 =	vmul.f32 v16, v16;
	v43 =	vadd.s32 $0x8400, v8;
	[tilespmem:$0x1FE70] =	vst v42;
	v42 =	vld [tilespmem:s17+$0x17100]  }
0x45e: {  	v19 =	vsub.f32 v15, v7;
	v45 =	vadd.s32 $0x9000, v8;
	[tilespmem:$0x1FE80] =	vst v43;
	v43 =	vld [tilespmem:s17+$0x17180]  }
0x45f: {  	v0 =	vadd.f32 v1, v0;
	v2 =	vadd.f32 v3, v2;
	v47 =	vadd.s32 $0x9400, v8;
	[tilespmem:$0x1FE90] =	vst v45;
	v45 =	vld [tilespmem:s17+$0x16300]  }
0x460: {  	v1 =	vmul.f32 v18, v18;
	v3 =	vmul.f32 v19, v19;
	v49 =	vadd.s32 $0xA000, v8;
	[tilespmem:$0x1FEA0] =	vst v47;
	v47 =	vld [tilespmem:s17+$0x16380]  }
0x461: {  	v23 =	vsub.f32 v10, v4;
	v25 =	vsub.f32 v6, v9;
	v50 =	vadd.s32 $0xA400, v8;
	[tilespmem:$0x1FEB0] =	vst v49;
	v49 =	vld [tilespmem:s17+$0x16100]  }
0x462: {  	v0 =	vadd.f32 v1, v0;
	v2 =	vadd.f32 v3, v2;
	v51 =	vadd.s32 $0xB000, v8;
	[tilespmem:$0x1FEC0] =	vst v50;
	v50 =	vld [tilespmem:s17+$0x16180]  }
0x463: {  	v1 =	vmul.f32 v23, v23;
	v52 =	vadd.s32 $0xB400, v8;
	[tilespmem:$0x1FED0] =	vst v51;
	v51 =	vld [tilespmem:s17+$0x15300];
	v3 =	vmul.f32 v25, v25  }
0x464: {  	v54 =	vadd.s32 $0xC000, v8;
	[tilespmem:$0x1FEE0] =	vst v52;
	v52 =	vld [tilespmem:s17+$0x15380]  }
0x465: {  	v55 =	vadd.s32 $0xC400, v8;
	[tilespmem:$0x1FEF0] =	vst v54;
	v0 =	vadd.f32 v1, v0;
	v54 =	vld [tilespmem:s17+$0x15100];
	v62 =	vadd.f32 v3, v2  }
0x466: {  	v56 =	vadd.s32 $0xD000, v8;
	[tilespmem:$0x1FF00] =	vst v55;
	v55 =	vld [tilespmem:s17+$0x15180]  }
0x467: {  	v57 =	vadd.s32 $0xD400, v8;
	[tilespmem:$0x1FF10] =	vst v56;
	v56 =	vld [tilespmem:s17+$0x14300];
	v0 =	vadd.f32 v62, v0  }
0x468: {  	p2 =	sne.s32 s18, $0x1F0;
	v58 =	vadd.s32 $0xE000, v8;
	[tilespmem:$0x1FF20] =	vst v57;
	v57 =	vld [tilespmem:s17+$0x14380]  }
.Ltmp4:
0x469: {  	v59 =	vadd.s32 $0xE400, v8;
	[tilespmem:$0x1FF30] =	vst v58;
	v58 =	vld [tilespmem:s17+$0x14180];
	v0 =	vmul.f32 v0, v53;
	(pc) =	sbr.rel @p2 .LBB2_10-.Ltmp4, $4  }
0x46a: {  	v48 =	vadd.s32 $0x400, v8;
	v46 =	vadd.s32 $0x1000, v8;
	v60 =	vadd.s32 $0xF000, v8;
	[tilespmem:$0x1FF40] =	vst v59;
	v59 =	vld [tilespmem:s17+$0x13300]  }
0x46b: {  	v44 =	vadd.s32 $0x1400, v8;
	v61 =	vadd.s32 $0xF400, v8;
	[tilespmem:$0x1FF50] =	vst v60;
	v60 =	vld [tilespmem:s17+$0x13380];
	v1 =	vadd.f32 v0, v63  }
0x46c: {  	v41 =	vadd.s32 $0x2000, v8;
	v40 =	vadd.s32 $0x2400, v8;
	v39 =	vadd.s32 $0x3000, v8;
	[tilespmem:$0x1FF60] =	vst v61;
	v61 =	vld [tilespmem:s17+$0x13100]  }
0x46d: {  	s2 =	smov.u32 s18;
	s18 =	sadd.s32 $0x10, s18;
	v38 =	vadd.s32 $0x3400, v8;
	v35 =	vadd.s32 $0x4000, v8;
	v34 =	vadd.s32 $0x4400, v8;
	v53 =	vld [tilespmem:s17+$0x14100];
	[tilespmem:$0x1FF70] =	vst v1  }
0x46e: {  	v0 =	vadd.s32 $0x3800, v8  }
0x46f: {  	v1 =	vadd.s32 $0x800, v8  }
0x470: {  	v2 =	vadd.s32 $0xC00, v8  }
0x471: {  	v3 =	vadd.s32 $0x1800, v8  }
0x472: {  	v4 =	vadd.s32 $0x1C00, v8  }
0x473: {  	v5 =	vadd.s32 $0x2800, v8;
	v33 =	vld.idx.msk [tilespmem:v0+s4+$0x0], $0xffff  }
0x474: {  	v6 =	vadd.s32 $0x2C00, v8;
	v31 =	vld.idx.msk [tilespmem:v1+s4+$0x0], $0xffff  }
0x475: {  	v7 =	vadd.s32 $0x3C00, v8;
	v2 =	vld.idx.msk [tilespmem:v2+s4+$0x0], $0xffff  }
0x476: {  	v9 =	vadd.s32 $0x4800, v8;
	v3 =	vld.idx.msk [tilespmem:v3+s4+$0x0], $0xffff  }
0x477: {  	v10 =	vadd.s32 $0x4C00, v8;
	v4 =	vld.idx.msk [tilespmem:v4+s4+$0x0], $0xffff  }
0x478: {  	v11 =	vadd.s32 $0x5800, v8;
	v5 =	vld.idx.msk [tilespmem:v5+s4+$0x0], $0xffff  }
0x479: {  	v12 =	vadd.s32 $0x5C00, v8;
	v6 =	vld.idx.msk [tilespmem:v6+s4+$0x0], $0xffff  }
0x47a: {  	v13 =	vadd.s32 $0x6800, v8;
	v7 =	vld.idx.msk [tilespmem:v7+s4+$0x0], $0xffff  }
0x47b: {  	v14 =	vadd.s32 $0x6C00, v8;
	v9 =	vld.idx.msk [tilespmem:v9+s4+$0x0], $0xffff  }
0x47c: {  	v15 =	vadd.s32 $0x7800, v8;
	v10 =	vld.idx.msk [tilespmem:v10+s4+$0x0], $0xffff  }
0x47d: {  	v16 =	vadd.s32 $0x7C00, v8;
	v11 =	vld.idx.msk [tilespmem:v11+s4+$0x0], $0xffff  }
0x47e: {  	v17 =	vadd.s32 $0x8800, v8;
	v12 =	vld.idx.msk [tilespmem:v12+s4+$0x0], $0xffff  }
0x47f: {  	v18 =	vadd.s32 $0x8C00, v8;
	v13 =	vld.idx.msk [tilespmem:v13+s4+$0x0], $0xffff  }
0x480: {  	v19 =	vadd.s32 $0x9800, v8;
	v14 =	vld.idx.msk [tilespmem:v14+s4+$0x0], $0xffff  }
0x481: {  	v20 =	vadd.s32 $0x9C00, v8;
	v15 =	vld.idx.msk [tilespmem:v15+s4+$0x0], $0xffff  }
0x482: {  	v21 =	vadd.s32 $0xA800, v8;
	v16 =	vld.idx.msk [tilespmem:v16+s4+$0x0], $0xffff  }
0x483: {  	v22 =	vadd.s32 $0xAC00, v8;
	v17 =	vld.idx.msk [tilespmem:v17+s4+$0x0], $0xffff  }
0x484: {  	v23 =	vadd.s32 $0xB800, v8;
	v18 =	vld.idx.msk [tilespmem:v18+s4+$0x0], $0xffff  }
0x485: {  	v24 =	vadd.s32 $0xBC00, v8;
	v19 =	vld.idx.msk [tilespmem:v19+s4+$0x0], $0xffff  }
0x486: {  	v26 =	vadd.s32 $0xCC00, v8;
	v20 =	vld.idx.msk [tilespmem:v20+s4+$0x0], $0xffff  }
0x487: {  	v21 =	vld.idx.msk [tilespmem:v21+s4+$0x0], $0xffff;
	v1 =	vadd.s32 $0xF800, v8  }
0x488: {  	v27 =	vadd.s32 $0xD800, v8;
	v22 =	vld.idx.msk [tilespmem:v22+s4+$0x0], $0xffff  }
0x489: {  	v25 =	vadd.s32 $0xC800, v8;
	v23 =	vld.idx.msk [tilespmem:v23+s4+$0x0], $0xffff  }
0x48a: {  	v28 =	vadd.s32 $0xDC00, v8;
	v24 =	vld.idx.msk [tilespmem:v24+s4+$0x0], $0xffff  }
0x48b: {  	v29 =	vadd.s32 $0xE800, v8;
	v62 =	vld.idx.msk [tilespmem:v26+s4+$0x0], $0xffff  }
0x48c: {  	v30 =	vadd.s32 $0xEC00, v8;
	v26 =	vld.idx.msk [tilespmem:v1+s4+$0x0], $0xffff  }
0x48d: {  	v63 =	vld.idx.msk [tilespmem:v27+s4+$0x0], $0xffff;
	v27 =	vadd.s32 $0xFC00, v8  }
0x48e: {  	v25 =	vld.idx.msk [tilespmem:v25+s4+$0x0], $0xffff  }
0x48f: {  	v28 =	vld.idx.msk [tilespmem:v28+s4+$0x0], $0xffff  }
0x490: {  	v29 =	vld.idx.msk [tilespmem:v29+s4+$0x0], $0xffff  }
0x491: {  	v30 =	vld.idx.msk [tilespmem:v30+s4+$0x0], $0xffff;
	[tilespmem:$0x1FD70] =	vst v26  }
0x492: {  	v0 =	vld.idx.msk [tilespmem:v27+s4+$0x0], $0xffff;
	_ =	sdelay $0x3  }
0x493: {  	v9 =	vsub.f32 v53, v9;
	v53 =	vld [tilespmem:$0x1FE40]  }
0x494: {  	v7 =	vsub.f32 v60, v7;
	v60 =	vsub.f32 v56, v11;
	v11 =	vld [tilespmem:$0x1FE60];
	[tilespmem:$0x1FD80] =	vst v0  }
0x495: {  	v48 =	vld.idx.msk [tilespmem:v48+s4+$0x0], $0xffff  }
0x496: {  	v46 =	vld.idx.msk [tilespmem:v46+s4+$0x0], $0xffff  }
0x497: {  	v44 =	vld.idx.msk [tilespmem:v44+s4+$0x0], $0xffff  }
0x498: {  	v41 =	vld.idx.msk [tilespmem:v41+s4+$0x0], $0xffff  }
0x499: {  	v40 =	vld.idx.msk [tilespmem:v40+s4+$0x0], $0xffff  }
0x49a: {  	v26 =	vld [tilespmem:s17+$0x12100]  }
0x49b: {  	s2 =	sor.u32 s3, s2;
	v27 =	vld [tilespmem:s17+$0x12180]  }
0x49c: {  	s2 =	sor.u32 $0x380, s2;
	v32 =	vld [tilespmem:s17+$0x12300]  }
0x49d: {  	v0 =	vld [tilespmem:s2+$0x12000]  }
0x49e: {  	v1 =	vld [tilespmem:s17+$0x13180]  }
0x49f: {  	v39 =	vld.idx.msk [tilespmem:v39+s4+$0x0], $0xffff  }
0x4a0: {  	v38 =	vld.idx.msk [tilespmem:v38+s4+$0x0], $0xffff  }
0x4a1: {  	v56 =	vsub.f32 v50, v18;
	v35 =	vld.idx.msk [tilespmem:v35+s4+$0x0], $0xffff  }
0x4a2: {  	v34 =	vld.idx.msk [tilespmem:v34+s4+$0x0], $0xffff;
	v26 =	vsub.f32 v26, v31;
	v2 =	vsub.f32 v27, v2  }
0x4a3: {  	v18 =	vld [tilespmem:s17+$0x13080];
	v3 =	vsub.f32 v32, v3;
	v0 =	vsub.f32 v0, v4  }
0x4a4: {  	v4 =	vsub.f32 v61, v5;
	v5 =	vsub.f32 v1, v6;
	v32 =	vld [tilespmem:$0x1FE10];
	v6 =	vmul.f32 v26, v26  }
0x4a5: {  	v61 =	vld [tilespmem:$0x1FE20];
	v26 =	vsub.f32 v59, v33;
	v2 =	vmul.f32 v2, v2;
	v59 =	vmul.f32 v0, v0  }
0x4a6: {  	v31 =	vld [tilespmem:$0x1FE30]  }
0x4a7: {  	v33 =	vadd.f32 v59, v2;
	v2 =	vld.idx.msk [tilespmem:v53+s4+$0x0], $0xffff  }
0x4a8: {  	v59 =	vld [tilespmem:$0x1FE50]  }
0x4a9: {  	v10 =	vsub.f32 v58, v10;
	v3 =	vmul.f32 v3, v3;
	v58 =	vmul.f32 v26, v26;
	v26 =	vld.idx.msk [tilespmem:v11+s4+$0x0], $0xffff  }
0x4aa: {  	v5 =	vmul.f32 v5, v5;
	v11 =	vsub.f32 v57, v12;
	v12 =	vld.idx.msk [tilespmem:v8+s4+$0x0], $0xffff  }
0x4ab: {  	v3 =	vadd.f32 v3, v6;
	v6 =	vld [tilespmem:s17+$0x12000]  }
0x4ac: {  	v5 =	vadd.f32 v5, v33;
	v33 =	vsub.f32 v55, v14;
	v14 =	vld [tilespmem:s17+$0x12080]  }
0x4ad: {  	v4 =	vmul.f32 v4, v4;
	v1 =	vld.idx.msk [tilespmem:v32+s4+$0x0], $0xffff  }
0x4ae: {  	v32 =	vld.idx.msk [tilespmem:v61+s4+$0x0], $0xffff  }
0x4af: {  	v7 =	vmul.f32 v7, v7;
	v3 =	vadd.f32 v4, v3;
	v0 =	vld.idx.msk [tilespmem:v31+s4+$0x0], $0xffff  }
0x4b0: {  	v61 =	vmul.f32 v9, v9;
	v9 =	vld [tilespmem:s17+$0x19380]  }
0x4b1: {  	v3 =	vadd.f32 v58, v3;
	v5 =	vadd.f32 v7, v5;
	v7 =	vld [tilespmem:s17+$0x12200]  }
0x4b2: {  	v31 =	vsub.f32 v54, v13;
	v54 =	vsub.f32 v52, v16;
	v16 =	vld [tilespmem:s17+$0x12280]  }
0x4b3: {  	v6 =	vsub.f32 v6, v12;
	v12 =	vld [tilespmem:s17+$0x16000]  }
0x4b4: {  	v3 =	vadd.f32 v61, v3;
	v61 =	vsub.f32 v42, v21;
	v21 =	vld [tilespmem:s17+$0x13280]  }
0x4b5: {  	v10 =	vmul.f32 v10, v10;
	v55 =	vmul.f32 v31, v31;
	v31 =	vsub.f32 v43, v22;
	v22 =	vld [tilespmem:s17+$0x14080]  }
0x4b6: {  	v58 =	vsub.f32 v45, v19;
	v43 =	vsub.f32 v37, v24;
	v24 =	vld [tilespmem:s17+$0x14280]  }
0x4b7: {  	v5 =	vadd.f32 v10, v5;
	v10 =	vsub.f32 v51, v15;
	v51 =	vld [tilespmem:$0x1FDC0]  }
0x4b8: {  	v42 =	vsub.f32 v36, v23;
	v23 =	vld [tilespmem:s17+$0x15080]  }
0x4b9: {  	v13 =	vmul.f32 v33, v33;
	v33 =	vmul.f32 v58, v58;
	v58 =	vld [tilespmem:$0x1FE70]  }
0x4ba: {  	v36 =	vld [tilespmem:s17+$0x16080]  }
0x4bb: {  	v14 =	vsub.f32 v14, v48;
	v48 =	vld [tilespmem:$0x1FEB0]  }
0x4bc: {  	v27 =	vld.idx.msk [tilespmem:v59+s4+$0x0], $0xffff  }
0x4bd: {  	v11 =	vmul.f32 v11, v11;
	v57 =	vmul.f32 v10, v10;
	v10 =	vld [tilespmem:s17+$0x13000]  }
0x4be: {  	v53 =	vmul.f32 v60, v60;
	v59 =	vsub.f32 v47, v20;
	v47 =	vld [tilespmem:$0x1FDE0]  }
0x4bf: {  	v5 =	vadd.f32 v11, v5;
	v11 =	vsub.f32 v49, v17;
	v49 =	vld [tilespmem:$0x1FDF0]  }
0x4c0: {  	v3 =	vadd.f32 v53, v3;
	v53 =	vld [tilespmem:$0x1FDD0]  }
0x4c1: {  	v17 =	vmul.f32 v56, v56;
	v56 =	vld [tilespmem:$0x1FDA0]  }
0x4c2: {  	v45 =	vmul.f32 v61, v61;
	v61 =	vld [tilespmem:$0x1FE80]  }
0x4c3: {  	v7 =	vsub.f32 v7, v46;
	v46 =	vld [tilespmem:s17+$0x16280]  }
0x4c4: {  	v60 =	vmul.f32 v11, v11;
	v11 =	vld [tilespmem:s17+$0x13200]  }
0x4c5: {  	v5 =	vadd.f32 v13, v5;
	v13 =	vld [tilespmem:s17+$0x14000]  }
0x4c6: {  	v15 =	vmul.f32 v54, v54;
	v19 =	vmul.f32 v59, v59;
	v59 =	vld [tilespmem:$0x1FD90]  }
0x4c7: {  	v20 =	vmul.f32 v31, v31;
	v3 =	vadd.f32 v55, v3;
	v31 =	vsub.f32 v51, v63;
	v63 =	vld [tilespmem:$0x1FEA0]  }
0x4c8: {  	v5 =	vadd.f32 v15, v5;
	v15 =	vld [tilespmem:s17+$0x14200]  }
0x4c9: {  	v3 =	vadd.f32 v57, v3;
	v57 =	vld [tilespmem:$0x1FDB0]  }
0x4ca: {  	v28 =	vsub.f32 v53, v28;
	v53 =	vld [tilespmem:s17+$0x17080]  }
0x4cb: {  	v10 =	vsub.f32 v10, v41;
	v41 =	vld [tilespmem:s17+$0x18280]  }
0x4cc: {  	v5 =	vadd.f32 v17, v5;
	v17 =	vld [tilespmem:s17+$0x15000]  }
0x4cd: {  	v4 =	vld.idx.msk [tilespmem:v58+s4+$0x0], $0xffff  }
0x4ce: {  	v3 =	vadd.f32 v60, v3;
	v60 =	vld [tilespmem:$0x1FD70]  }
0x4cf: {  	v58 =	vld [tilespmem:s17+$0x17200]  }
0x4d0: {  	v52 =	vmul.f32 v43, v43;
	v43 =	vmul.f32 v10, v10;
	v10 =	vsub.f32 v11, v39;
	v11 =	vld [tilespmem:s17+$0x16200]  }
0x4d1: {  	v39 =	vld [tilespmem:s17+$0x18200]  }
0x4d2: {  	v3 =	vadd.f32 v33, v3;
	v5 =	vadd.f32 v19, v5;
	v33 =	vld.idx.msk [tilespmem:v61+s4+$0x0], $0xffff  }
0x4d3: {  	v19 =	vsub.f32 v47, v25;
	v25 =	vsub.f32 v49, v62;
	v62 =	vld [tilespmem:$0x1FE90]  }
0x4d4: {  	v47 =	vsub.f32 v13, v35;
	v13 =	vld.idx.msk [tilespmem:v48+s4+$0x0], $0xffff  }
0x4d5: {  	v6 =	vmul.f32 v6, v6;
	v7 =	vmul.f32 v7, v7;
	v49 =	vsub.f32 v22, v34;
	v34 =	vld [tilespmem:s17+$0x18080]  }
0x4d6: {  	v35 =	vld [tilespmem:$0x1FF10]  }
0x4d7: {  	v6 =	vadd.f32 v7, v6;
	v48 =	vld [tilespmem:$0x1FF60]  }
0x4d8: {  	v30 =	vsub.f32 v57, v30;
	v57 =	vld [tilespmem:$0x1FEE0]  }
0x4d9: {  	v16 =	vsub.f32 v16, v44;
	v6 =	vadd.f32 v43, v6;
	v43 =	vld [tilespmem:$0x1FF40]  }
0x4da: {  	v14 =	vmul.f32 v14, v14;
	v54 =	vmul.f32 v19, v19;
	v19 =	vld [tilespmem:s17+$0x15200]  }
0x4db: {  	v16 =	vmul.f32 v16, v16;
	v55 =	vmul.f32 v25, v25;
	v25 =	vsub.f32 v56, v29;
	v29 =	vld [tilespmem:s17+$0x15280]  }
0x4dc: {  	v18 =	vsub.f32 v18, v40;
	v10 =	vmul.f32 v10, v10;
	v7 =	vmul.f32 v47, v47;
	v47 =	vld [tilespmem:$0x1FF50]  }
0x4dd: {  	v14 =	vadd.f32 v16, v14;
	v40 =	vld.idx.msk [tilespmem:v63+s4+$0x0], $0xffff  }
0x4de: {  	v44 =	vmul.f32 v18, v18;
	v3 =	vadd.f32 v45, v3;
	v6 =	vadd.f32 v10, v6;
	v10 =	vld [tilespmem:s17+$0x17000]  }
0x4df: {  	v50 =	vmul.f32 v42, v42;
	v5 =	vadd.f32 v20, v5;
	v20 =	vsub.f32 v59, v60;
	v60 =	vld [tilespmem:s17+$0x17280]  }
0x4e0: {  	v14 =	vadd.f32 v44, v14;
	v1 =	vsub.f32 v15, v1;
	v63 =	vld [tilespmem:$0x1FEF0]  }
0x4e1: {  	v45 =	vsub.f32 v21, v38;
	v3 =	vadd.f32 v50, v3;
	v50 =	vld [tilespmem:$0x1FEC0]  }
0x4e2: {  	v5 =	vadd.f32 v52, v5;
	v52 =	vsub.f32 v24, v32;
	v32 =	vld [tilespmem:s17+$0x18000]  }
0x4e3: {  	v0 =	vsub.f32 v17, v0;
	v18 =	vmul.f32 v45, v45;
	v3 =	vadd.f32 v54, v3;
	v54 =	vld [tilespmem:$0x1FD80]  }
0x4e4: {  	v1 =	vmul.f32 v1, v1;
	v6 =	vadd.f32 v7, v6;
	v5 =	vadd.f32 v55, v5;
	v55 =	vld [tilespmem:$0x1FED0]  }
0x4e5: {  	v0 =	vmul.f32 v0, v0;
	v33 =	vsub.f32 v36, v33;
	v14 =	vadd.f32 v18, v14;
	v37 =	vld.idx.msk [tilespmem:v62+s4+$0x0], $0xffff  }
0x4e6: {  	v56 =	vmul.f32 v52, v52;
	v52 =	vld [tilespmem:s17+$0x19280];
	v1 =	vadd.f32 v1, v6;
	v59 =	vsub.f32 v19, v27  }
0x4e7: {  	v51 =	vmul.f32 v49, v49;
	v61 =	vsub.f32 v29, v26;
	v26 =	vsub.f32 v12, v4;
	v29 =	vld [tilespmem:$0x1FF00]  }
0x4e8: {  	v36 =	vsub.f32 v46, v40;
	v46 =	vld [tilespmem:s17+$0x19080];
	v0 =	vadd.f32 v0, v1;
	v27 =	vmul.f32 v59, v59  }
0x4e9: {  	v2 =	vsub.f32 v23, v2;
	v14 =	vadd.f32 v51, v14;
	v16 =	vld.idx.msk [tilespmem:v57+s4+$0x0], $0xffff  }
0x4ea: {  	v1 =	vmul.f32 v26, v26;
	v6 =	vld.idx.msk [tilespmem:v43+s4+$0x0], $0xffff;
	v0 =	vadd.f32 v27, v0;
	v11 =	vsub.f32 v11, v37  }
0x4eb: {  	v2 =	vmul.f32 v2, v2;
	v22 =	vld.idx.msk [tilespmem:v50+s4+$0x0], $0xffff  }
0x4ec: {  	v14 =	vadd.f32 v56, v14;
	v0 =	vadd.f32 v1, v0;
	v37 =	vld [tilespmem:$0x1FF20];
	v11 =	vmul.f32 v11, v11  }
0x4ed: {  	v38 =	vmul.f32 v28, v28;
	v62 =	vmul.f32 v31, v31;
	v7 =	vld.idx.msk [tilespmem:v55+s4+$0x0], $0xffff  }
0x4ee: {  	v31 =	vmul.f32 v61, v61;
	v2 =	vadd.f32 v2, v14;
	v0 =	vadd.f32 v11, v0;
	v11 =	vld [tilespmem:$0x1FF30]  }
0x4ef: {  	v10 =	vsub.f32 v10, v13;
	v17 =	vld.idx.msk [tilespmem:v47+s4+$0x0], $0xffff  }
0x4f0: {  	v4 =	vmul.f32 v33, v33;
	v5 =	vadd.f32 v38, v5;
	v24 =	vld.idx.msk [tilespmem:v63+s4+$0x0], $0xffff;
	v2 =	vadd.f32 v31, v2  }
0x4f1: {  	v45 =	vmul.f32 v25, v25;
	v3 =	vadd.f32 v62, v3;
	v9 =	vsub.f32 v9, v54;
	v12 =	vld.idx.msk [tilespmem:v29+s4+$0x0], $0xffff  }
0x4f2: {  	v14 =	vld.idx.msk [tilespmem:v35+s4+$0x0], $0xffff;
	v1 =	vmul.f32 v36, v36;
	v2 =	vadd.f32 v4, v2;
	v40 =	vsub.f32 v53, v22  }
0x4f3: {  	v10 =	vmul.f32 v10, v10;
	v3 =	vadd.f32 v45, v3;
	v50 =	vld [tilespmem:s17+$0x19200];
	v42 =	vsub.f32 v58, v7  }
0x4f4: {  	v44 =	vsub.f32 v60, v16;
	v1 =	vadd.f32 v1, v2;
	v4 =	vmul.f32 v40, v40;
	v21 =	vld.idx.msk [tilespmem:v37+s4+$0x0], $0xffff  }
0x4f5: {  	v15 =	vsub.f32 v32, v24;
	v0 =	vadd.f32 v10, v0;
	v10 =	vld [tilespmem:s17+$0x19000];
	v2 =	vmul.f32 v42, v42  }
0x4f6: {  	v7 =	vmul.f32 v44, v44;
	v12 =	vsub.f32 v34, v12;
	v1 =	vadd.f32 v4, v1;
	v11 =	vld.idx.msk [tilespmem:v11+s4+$0x0], $0xffff  }
0x4f7: {  	v13 =	vsub.f32 v39, v14;
	v0 =	vadd.f32 v2, v0;
	v2 =	vld.idx.msk [tilespmem:v48+s4+$0x0], $0xffff  }
0x4f8: {  	v49 =	vmul.f32 v15, v15;
	v12 =	vmul.f32 v12, v12;
	v1 =	vadd.f32 v7, v1  }
0x4f9: {  	v57 =	vmul.f32 v20, v20;
	v4 =	vsub.f32 v46, v6;
	v51 =	vsub.f32 v41, v21  }
0x4fa: {  	v53 =	vmul.f32 v30, v30;
	v0 =	vadd.f32 v49, v0;
	v1 =	vadd.f32 v12, v1  }
0x4fb: {  	v54 =	vmul.f32 v51, v51;
	v10 =	vsub.f32 v10, v11;
	v11 =	vmul.f32 v13, v13  }
0x4fc: {  	v56 =	vsub.f32 v50, v17;
	v4 =	vmul.f32 v4, v4;
	v2 =	vsub.f32 v52, v2  }
0x4fd: {  	v1 =	vadd.f32 v54, v1;
	v0 =	vadd.f32 v11, v0;
	v55 =	vmul.f32 v10, v10  }
0x4fe: {  	v9 =	vmul.f32 v9, v9;
	v5 =	vadd.f32 v53, v5;
	v58 =	vmul.f32 v56, v56  }
0x4ff: {  	v2 =	vmul.f32 v2, v2;
	v1 =	vadd.f32 v4, v1;
	v0 =	vadd.f32 v55, v0  }
0x500: {  	v59 =	vld.idx.msk [tilespmem:v8+s29+$0x0], $0xffff;
	v3 =	vadd.f32 v57, v3;
	v5 =	vadd.f32 v9, v5  }
0x501: {  	v62 =	vld [tilespmem:$0x1FE00];
	v1 =	vadd.f32 v2, v1;
	v0 =	vadd.f32 v58, v0  }
0x502: {  	v63 =	vld [tilespmem:$0x1FF70]  }
0x503: {  	v60 =	vadd.f32 v5, v3;
	v0 =	vadd.f32 v1, v0;
	_ =	sdelay $0x1  }
0x504: {  	v61 =	vmul.f32 v60, v59;
	v0 =	vmul.f32 v0, v59;
	_ =	sdelay $0x1  }
0x505: {  	v1 =	vadd.f32 v61, v62;
	v0 =	vadd.f32 v0, v63;
	_ =	sdelay $0x1  }
0x506: {  	v0 =	vadd.f32 v1, v0;
	_ =	sdelay $0x1  }
0x507: {  	v0 =	vadd.f32 $0.0e+00, v0;
	_ =	sdelay $0x1  }
0x508: {  	_ =	strace $0x9000004C;
	[tilespmem:$0x1A600] =	vst v0  }
0x509: {  	[spmem:s11] =	stream.linear.scatter [tilespmem:s24], [sflag:$0x4], $0x400, $0x38;
	[tilespmem:$0x1CA40] =	vst v63  }
0x50a: {  	_ =	swait.ge [sflag:s22], $0x400  }
0x50b: {  	[sflag:s22] =	ssyncset.done $0x0  }
0x50c: {  	s3 =	simm.s32 @!p1 $0x400;
	[sflag:s22] =	ssyncadd.s32 $0xFFFFFC00  }
0x50d: {  	s9 =	simm.s32 @!p1 $0x1AA00;
	s2 =	simm.s32 @!p1 $0x80;
	[bflag:$0x0] =	sbarrier.arrive $0xFFFF  }
0x50e: {  	[tilespmem:s9], [sflag:$0x4] =	stream.strided.gather @!p1 [spmem:s1], $0x800, s3, s2, $0x38;
	[tilespmem:$0x1CA40] =	vst v63  }
0x50f: {  	s2 =	simm.s32 @!p1 $0x4  }
0x510: {  	_ =	swait.ge @!p1 [sflag:s2], $0x800  }
0x511: {  	[sflag:s2] =	ssyncset.done @!p1 $0x0  }
0x512: {  	[sflag:s2] =	ssyncadd.s32 @!p1 $0xFFFFF800  }
0x513: {  	v0 =	vld @!p1 [tilespmem:$0x1AA00]  }
0x514: {  	v1 =	vld @!p1 [tilespmem:$0x1AA80];
	_ =	sdelay $0x1  }
0x515: {  	v2 =	vld @!p1 [tilespmem:$0x1AB00];
	_ =	sdelay $0x1  }
0x516: {  	v3 =	vld @!p1 [tilespmem:$0x1AB80]  }
0x517: {  	v0 =	vadd.f32 @!p1 v1, v0  }
0x518: {  	v1 =	vld @!p1 [tilespmem:$0x1AC00]  }
0x519: {  	v0 =	vadd.f32 @!p1 v2, v0  }
0x51a: {  	v2 =	vld @!p1 [tilespmem:$0x1AC80]  }
0x51b: {  	v0 =	vadd.f32 @!p1 v3, v0  }
0x51c: {  	v3 =	vld @!p1 [tilespmem:$0x1AD00]  }
0x51d: {  	v0 =	vadd.f32 @!p1 v1, v0  }
0x51e: {  	v1 =	vld @!p1 [tilespmem:$0x1AD80]  }
0x51f: {  	v0 =	vadd.f32 @!p1 v2, v0  }
0x520: {  	v2 =	vld @!p1 [tilespmem:$0x1AE00]  }
0x521: {  	v0 =	vadd.f32 @!p1 v3, v0  }
0x522: {  	v3 =	vld @!p1 [tilespmem:$0x1AE80]  }
0x523: {  	v0 =	vadd.f32 @!p1 v1, v0  }
0x524: {  	v1 =	vld @!p1 [tilespmem:$0x1AF00]  }
0x525: {  	v0 =	vadd.f32 @!p1 v2, v0  }
0x526: {  	v2 =	vld @!p1 [tilespmem:$0x1AF80]  }
0x527: {  	v0 =	vadd.f32 @!p1 v3, v0  }
0x528: {  	v3 =	vld @!p1 [tilespmem:$0x1B000]  }
0x529: {  	v0 =	vadd.f32 @!p1 v1, v0  }
0x52a: {  	v1 =	vld @!p1 [tilespmem:$0x1B080]  }
0x52b: {  	v0 =	vadd.f32 @!p1 v2, v0  }
0x52c: {  	v2 =	vld @!p1 [tilespmem:$0x1B100]  }
0x52d: {  	v0 =	vadd.f32 @!p1 v3, v0  }
0x52e: {  	v3 =	vld @!p1 [tilespmem:$0x1B180]  }
0x52f: {  	v0 =	vadd.f32 @!p1 v1, v0;
	_ =	sdelay $0x1  }
0x530: {  	v0 =	vadd.f32 @!p1 v2, v0;
	_ =	sdelay $0x1  }
0x531: {  	v0 =	vadd.f32 @!p1 v3, v0;
	_ =	sdelay $0x1  }
0x532: {  	s21 =	sadd.s32 $0x1, s21;
	v0 =	vmul.f32 @!p1 $9.536743160e-07, v0  }
0x533: {  	p2 =	sne.s32 s21, s15  }
.Ltmp5:
0x534: {  	s3 =	simm.s32 @!p1 $0x0;
	s9 =	simm.s32 @!p1 $0x1A600;
	[tilespmem:$0x1A600] =	vst @!p1 v0;
	(pc) =	sbr.rel @p2 .LBB2_1-.Ltmp5, $4  }
0x535: {  	[hbm4b:s14+s3] =	stream.linear.scatter @!p1 [tilespmem:s9], [sflag:$0x4], $0x400, $0x38;
	[tilespmem:$0x1CA40] =	vst v63  }
0x536: {  	_ =	swait.ge @!p1 [sflag:s2], $0x400  }
0x537: {  	[sflag:s2] =	ssyncset.done @!p1 $0x0  }
0x538: {  	v9 =	vimm.f32 $1.000000000e+00;
	[sflag:s2] =	ssyncadd.s32 @!p1 $0xFFFFFC00  }
0x539: {  	_ =	sfence.sel $0x180000  }
0x53a: {  	[bflag:$0x0] =	sbarrier.arrive $0xFFFF  }
0x53b: {  	_ =	strace $0x90000047  }
0x53c: {  	[bflag:$0x2] =	sbarrier.arrive $0xFFFF  }
0x53d: {  	s0 =	rddreg [dreg:$0x7]  }
0x53e: {  	s0 =	sadd.s32 @!p1 $0x100000, s0  }
0x53f: {  	[sflag:s0] =	ssyncadd.tile.s32 @!p1 $0x1;
	_ =	shalt  }
.Lfunc_end2:
_tile_overlayer_lowered:
.L_overlay_start_2:
0x540: {  	(tag) =	ssettag $0x2  }
0x541: {  	s0 =	rddreg [dreg:$0x0];
	s2 =	stileid.u32  }
0x542: {  	s1 =	rddreg [dreg:$0x1];
	p0 =	sne.s32 s2, $0x0  }
0x543: {  	s3 =	rddreg [dreg:$0x2];
	[bflag:$0x3] =	sbarrier.arrive $0xFFFF;
	s2 =	simm.s32 @!p0 $0x1C04  }
0x544: {  	[timem:s3], [sflag:s2] =	dma.local @!p0 [hbm:s0], s1  }
0x545: {  	s0 =	simm.s32 @!p0 $0x4  }
0x546: {  	_ =	swait.ge @!p0 [sflag:s0], s1  }
0x547: {  	s1 =	ssub.s32 @!p0 $0x0, s1;
	[sflag:s0] =	ssyncset.done @!p0 $0x0  }
0x548: {  	[sflag:s0] =	ssyncadd.s32 @!p0 s1  }
0x549: {  	[bflag:$0x3] =	sbarrier.arrive $0xFFFF  }
0x54a: {  	_ =	shalt  }

</sc_bundles>
